<compile_context>
chip_gen: v7x
topology: tpu7x:2x2x1
jax: 0.10.2.dev20260603
libtpu: 0.0.44.dev20260713+nightly
codegen_flags: <defaults>
</compile_context>

<pallas_src>
import jax
import jax.numpy as jnp
from jax import lax
from jax.experimental import pallas as pl
from jax.experimental.pallas import tpu as pltpu
from jax.experimental.pallas import tpu_sc as plsc

N_ROWS = 32768
N_CH = 256
N_SEG = 16
N_CORES = 2
N_SUBCORES = 16
LANES = 16

CH_HALF = N_CH // N_CORES
ROWS_PER_TILE = N_ROWS // N_SUBCORES
CHUNK = 128
N_CHUNKS = ROWS_PER_TILE // CHUNK
RING = 4
N_VECS = CH_HALF // LANES


def _rescale_body(feat_hbm, seg2d_hbm, noise_hbm, out_hbm,
                  ring, idx2d, pooled, noise_v, inv_v, acc,
                  in0, in1, in2, in3, ot0, ot1, ot2, ot3):
    in_sems = (in0, in1, in2, in3)
    out_sems = (ot0, ot1, ot2, ot3)
    c = lax.axis_index("c")
    s = lax.axis_index("s")
    ch0 = c * CH_HALF
    row0 = s * ROWS_PER_TILE

    def feat_src(k):
        return feat_hbm.at[pl.ds(row0 + k * CHUNK, CHUNK), pl.ds(ch0, CH_HALF)]

    def out_dst(k):
        return out_hbm.at[pl.ds(row0 + k * CHUNK, CHUNK), pl.ds(ch0, CH_HALF)]

    def slot(j):
        return ring.at[pl.ds(j * CHUNK, CHUNK)]

    def start_in(k, j):
        pltpu.async_copy(feat_src(k), slot(j), in_sems[j])

    def wait_in(j):
        pltpu.make_async_copy(feat_src(0), slot(j), in_sems[j]).wait()

    def start_out(k, j):
        pltpu.async_copy(slot(j), out_dst(k), out_sems[j])

    def wait_out(j):
        pltpu.make_async_copy(slot(j), out_dst(0), out_sems[j]).wait()

    def segvec_of(k, g):
        gi = k * CHUNK + g * LANES
        return idx2d[lax.shift_right_logical(gi, 7),
                     pl.ds(lax.bitwise_and(gi, 127), LANES)]

    start_in(0, 0)
    start_in(1, 1)

    pltpu.sync_copy(
        seg2d_hbm.at[pl.ds(s * (ROWS_PER_TILE // CHUNK), ROWS_PER_TILE // CHUNK)],
        idx2d)

    @pl.when(s == 0)
    def _():
        def zbody(seg, carry):
            for v in range(N_VECS):
                pooled[seg, pl.ds(v * LANES, LANES)] = jnp.zeros(
                    (LANES,), jnp.float32)
            return carry
        lax.fori_loop(0, N_SEG, zbody, 0)
        pltpu.sync_copy(pooled, acc)
    plsc.subcore_barrier()

    def p1body(q, carry):
        for j in range(RING):
            k = q * RING + j
            wait_in(j)
            nj = (j + 2) % RING
            if j < 2:
                start_in(k + 2, nj)
            else:
                @pl.when(q < (N_CHUNKS // RING) - 1)
                def _():
                    start_in(k + 2, nj)
            pltpu.sync_copy(slot(j), acc.at[idx2d.at[k]], add=True)
        return carry
    lax.fori_loop(0, N_CHUNKS // RING, p1body, 0)
    start_in(0, 0)
    start_in(1, 1)
    plsc.subcore_barrier()

    pltpu.sync_copy(acc, pooled)
    pltpu.sync_copy(noise_hbm.at[pl.ds(0, N_SEG), pl.ds(ch0, CH_HALF)], noise_v)

    def p2body(seg, carry):
        for v in range(N_VECS):
            p = pooled[seg, pl.ds(v * LANES, LANES)]
            nz = noise_v[seg, pl.ds(v * LANES, LANES)]
            inv_v[seg, pl.ds(v * LANES, LANES)] = 1.0 / ((0.875 + 0.25 * nz) * p)
        return carry
    lax.fori_loop(0, N_SEG, p2body, 0)

    def compute_chunk(k, j):
        base_j = j * CHUNK

        def gbody(g, gcarry):
            segvec = segvec_of(k, g)
            s0 = segvec[0]
            base = base_j + g * LANES

            def fast():
                ivs = [inv_v[s0, pl.ds(v * LANES, LANES)]
                       for v in range(N_VECS)]

                @plsc.parallel_loop(0, LANES, unroll=2)
                def mbody(r):
                    for v in range(N_VECS):
                        col = v * LANES
                        ring[base + r, pl.ds(col, LANES)] = (
                            ring[base + r, pl.ds(col, LANES)] * ivs[v])

            def slow():
                for i in range(LANES):
                    seg = segvec[i]

                    def vbody(v, vcarry, _i=i, _seg=seg):
                        col = v * LANES
                        ring[base + _i, pl.ds(col, LANES)] = (
                            ring[base + _i, pl.ds(col, LANES)]
                            * inv_v[_seg, pl.ds(col, LANES)])
                        return vcarry
                    lax.fori_loop(0, N_VECS, vbody, 0)

            lax.cond(s0 == segvec[LANES - 1], fast, slow)
            return gcarry
        lax.fori_loop(0, CHUNK // LANES, gbody, 0)

    def p3body(q, carry):
        for j in range(RING):
            k = q * RING + j
            wait_in(j)
            compute_chunk(k, j)
            start_out(k, j)
            nj = (j + 2) % RING
            if j < 2:
                @pl.when(q > 0)
                def _():
                    wait_out(nj)
                start_in(k + 2, nj)
            else:
                @pl.when(q < (N_CHUNKS // RING) - 1)
                def _():
                    wait_out(nj)
                    start_in(k + 2, nj)
        return carry
    lax.fori_loop(0, N_CHUNKS // RING, p3body, 0)
    wait_out(0)
    wait_out(1)
    wait_out(2)
    wait_out(3)


def kernel(features, segment_ids, rand_noise):
    seg2d = segment_ids.astype(jnp.int32).reshape(N_ROWS // CHUNK, CHUNK)
    mesh = plsc.VectorSubcoreMesh(core_axis_name="c", subcore_axis_name="s")
    run = pl.kernel(
        _rescale_body,
        mesh=mesh,
        out_type=jax.ShapeDtypeStruct((N_ROWS, N_CH), jnp.float32),
        scratch_types=[
            pltpu.VMEM((RING * CHUNK, CH_HALF), jnp.float32),
            pltpu.VMEM((ROWS_PER_TILE // CHUNK, CHUNK), jnp.int32),
            pltpu.VMEM((N_SEG, CH_HALF), jnp.float32),
            pltpu.VMEM((N_SEG, CH_HALF), jnp.float32),
            pltpu.VMEM((N_SEG, CH_HALF), jnp.float32),
            pltpu.VMEM_SHARED((N_SEG, CH_HALF), jnp.float32),
        ] + [pltpu.SemaphoreType.DMA] * 8,
    )
    return run(features, seg2d, rand_noise)

# --- scband reference (transcript-rebuilt; emitter-appended) ---
"""Pipeline reference for scband-rescale-78176994722352 (READ-ONLY COPY).

The authoritative reference and input builder live on the scoring server;
editing this copy changes nothing except your own understanding.
"""

import jax, jax.numpy as jnp
import numpy as np

NUM_SEGMENTS = 16
IMAGE_SUM = 1.0
SHIFT_MAX = 0.25


def setup_inputs(seed: int = 0) -> dict:
    key = jax.random.key(seed)
    k1, k2, k3 = jax.random.split(key, 3)
    features = jax.random.uniform(k1, (32768, 256), dtype=jnp.float32)
    segment_ids = jnp.sort(jax.random.randint(k2, (32768,), 0, NUM_SEGMENTS, dtype=jnp.int64))
    rand_noise = jax.random.uniform(k3, (NUM_SEGMENTS, 256), dtype=jnp.float32)
    return {"features": features, "segment_ids": segment_ids, "rand_noise": rand_noise}


def reference(features, segment_ids, rand_noise):
    # SCN AveragePooling over the full spatial size followed by *= n_voxels
    # is exactly a per-batch-sample (per-segment) sum of active-voxel features.
    pooled = jax.ops.segment_sum(features, segment_ids, num_segments=NUM_SEGMENTS)
    # rand_scale = 1 - 0.5*shift_max + shift_max * U[0,1), per segment per channel
    rand_scale = 1.0 - 0.5 * SHIFT_MAX + SHIFT_MAX * rand_noise
    pooled = rand_scale * pooled
    # UnPooling broadcasts the pooled value back to every active voxel of its sample
    unpooled = jnp.take(pooled, segment_ids, axis=0)
    out = IMAGE_SUM * features / unpooled
    return out

if __name__ == "__main__":
    import jax
    _d = setup_inputs()
    print(jax.jit(kernel)(*tuple(_d.values())))

</pallas_src>

<mosaic_0001>
#map = affine_map<(d0, d1) -> (0, 0)>
module attributes {stable_mosaic.version = 14 : i64} {
  func.func @_rescale_body(%arg0: i32, %arg1: i32, %arg2: memref<32768x256xf32, #tpu.memory_space<hbm>>, %arg3: memref<256x128xi32, #tpu.memory_space<hbm>>, %arg4: memref<16x256xf32, #tpu.memory_space<hbm>>, %arg5: memref<32768x256xf32, #tpu.memory_space<hbm>>, %arg6: memref<512x128xf32, #tpu.memory_space<vmem>>, %arg7: memref<16x128xi32, #tpu.memory_space<vmem>>, %arg8: memref<16x128xf32, #tpu.memory_space<vmem>>, %arg9: memref<16x128xf32, #tpu.memory_space<vmem>>, %arg10: memref<16x128xf32, #tpu.memory_space<vmem>>, %arg11: memref<16x128xf32, #tpu.memory_space<vmem_shared>>, %arg12: memref<!tpu.dma_semaphore, #tpu.memory_space<semaphore_mem>>, %arg13: memref<!tpu.dma_semaphore, #tpu.memory_space<semaphore_mem>>, %arg14: memref<!tpu.dma_semaphore, #tpu.memory_space<semaphore_mem>>, %arg15: memref<!tpu.dma_semaphore, #tpu.memory_space<semaphore_mem>>, %arg16: memref<!tpu.dma_semaphore, #tpu.memory_space<semaphore_mem>>, %arg17: memref<!tpu.dma_semaphore, #tpu.memory_space<semaphore_mem>>, %arg18: memref<!tpu.dma_semaphore, #tpu.memory_space<semaphore_mem>>, %arg19: memref<!tpu.dma_semaphore, #tpu.memory_space<semaphore_mem>>) attributes {dimension_semantics = [#tpu.dimension_semantics<core_parallel>, #tpu.dimension_semantics<subcore_parallel>], iteration_bounds = array<i64: 2, 16>, scalar_prefetch = 0 : i64, scratch_operands = 14 : i64, tpu.core_type = #tpu.core_type<sc_vector_subcore>, window_params = [{transform_indices = #map}, {transform_indices = #map}, {transform_indices = #map}, {transform_indices = #map}]} {
    %mul3A = arith.constant 128 : i32
    %mul3A_0 = arith.muli %arg0, %mul3A : i32
    %mul3A_1 = arith.constant 2048 : i32
    %mul3A_2 = arith.muli %arg1, %mul3A_1 : i32
    %add3A = arith.constant 0 : i32
    %add3A_3 = arith.addi %mul3A_2, %add3A : i32
    %dma_start3A = arith.constant 0 : i32
    %dma_start3A_4 = arith.constant 0 : i32
    %dma_start3A_5 = tpu.memref_slice %arg6[%dma_start3A, %dma_start3A_4] : memref<512x128xf32, #tpu.memory_space<vmem>> -> memref<128x128xf32, #tpu.memory_space<vmem>>
    %dma_start3A_6 = tpu.memref_slice %arg2[%add3A_3, %mul3A_0] : memref<32768x256xf32, #tpu.memory_space<hbm>> -> memref<128x128xf32, #tpu.memory_space<hbm>>
    %dma_start3A_7 = arith.constant 0 : i32
    %dma_start3A_8 = arith.constant 0 : i32
    %dma_start3A_9 = tpu.memref_slice %arg6[%dma_start3A_7, %dma_start3A_8] : memref<512x128xf32, #tpu.memory_space<vmem>> -> memref<128x128xf32, #tpu.memory_space<vmem>>
    %dma_start3A_10 = tpu.memref_slice %arg2[%add3A_3, %mul3A_0] : memref<32768x256xf32, #tpu.memory_space<hbm>> -> memref<128x128xf32, #tpu.memory_space<hbm>>
    tpu.enqueue_dma source(%dma_start3A_10 : memref<128x128xf32, #tpu.memory_space<hbm>>) target(%dma_start3A_9 : memref<128x128xf32, #tpu.memory_space<vmem>>) target_semaphore(%arg12 : memref<!tpu.dma_semaphore, #tpu.memory_space<semaphore_mem>>)
    %add3A_11 = arith.constant 128 : i32
    %add3A_12 = arith.addi %mul3A_2, %add3A_11 : i32
    %dma_start3A_13 = arith.constant 128 : i32
    %dma_start3A_14 = arith.constant 0 : i32
    %dma_start3A_15 = tpu.memref_slice %arg6[%dma_start3A_13, %dma_start3A_14] : memref<512x128xf32, #tpu.memory_space<vmem>> -> memref<128x128xf32, #tpu.memory_space<vmem>>
    %dma_start3A_16 = tpu.memref_slice %arg2[%add3A_12, %mul3A_0] : memref<32768x256xf32, #tpu.memory_space<hbm>> -> memref<128x128xf32, #tpu.memory_space<hbm>>
    %dma_start3A_17 = arith.constant 128 : i32
    %dma_start3A_18 = arith.constant 0 : i32
    %dma_start3A_19 = tpu.memref_slice %arg6[%dma_start3A_17, %dma_start3A_18] : memref<512x128xf32, #tpu.memory_space<vmem>> -> memref<128x128xf32, #tpu.memory_space<vmem>>
    %dma_start3A_20 = tpu.memref_slice %arg2[%add3A_12, %mul3A_0] : memref<32768x256xf32, #tpu.memory_space<hbm>> -> memref<128x128xf32, #tpu.memory_space<hbm>>
    tpu.enqueue_dma source(%dma_start3A_20 : memref<128x128xf32, #tpu.memory_space<hbm>>) target(%dma_start3A_19 : memref<128x128xf32, #tpu.memory_space<vmem>>) target_semaphore(%arg13 : memref<!tpu.dma_semaphore, #tpu.memory_space<semaphore_mem>>)
    %mul3A_21 = arith.constant 16 : i32
    %mul3A_22 = arith.muli %arg1, %mul3A_21 : i32
    "tpu.region"() ({
      %run_scoped3A = tpu.sem_alloc : memref<!tpu.dma_semaphore, #tpu.memory_space<semaphore_mem>>
      %dma_start3A_102 = arith.constant 0 : i32
      %dma_start3A_103 = tpu.memref_slice %arg3[%mul3A_22, %dma_start3A_102] : memref<256x128xi32, #tpu.memory_space<hbm>> -> memref<16x128xi32, #tpu.memory_space<hbm>>
      %dma_start3A_104 = arith.constant 0 : i32
      %dma_start3A_105 = tpu.memref_slice %arg3[%mul3A_22, %dma_start3A_104] : memref<256x128xi32, #tpu.memory_space<hbm>> -> memref<16x128xi32, #tpu.memory_space<hbm>>
      tpu.enqueue_dma source(%dma_start3A_105 : memref<16x128xi32, #tpu.memory_space<hbm>>) target(%arg7 : memref<16x128xi32, #tpu.memory_space<vmem>>) target_semaphore(%run_scoped3A : memref<!tpu.dma_semaphore, #tpu.memory_space<semaphore_mem>>)
      %dma_wait3A_106 = arith.constant 0 : i32
      %dma_wait3A_107 = tpu.memref_slice %arg3[%mul3A_22, %dma_wait3A_106] : memref<256x128xi32, #tpu.memory_space<hbm>> -> memref<16x128xi32, #tpu.memory_space<hbm>>
      %dma_wait3A_108 = arith.constant 0 : i32
      %dma_wait3A_109 = tpu.memref_slice %arg3[%mul3A_22, %dma_wait3A_108] : memref<256x128xi32, #tpu.memory_space<hbm>> -> memref<16x128xi32, #tpu.memory_space<hbm>>
      tpu.wait_dma2 semaphore(%run_scoped3A : memref<!tpu.dma_semaphore, #tpu.memory_space<semaphore_mem>>) src(%dma_wait3A_109 : memref<16x128xi32, #tpu.memory_space<hbm>>) dst(%arg7 : memref<16x128xi32, #tpu.memory_space<vmem>>)
      tpu.yield
    }) : () -> ()
    %eq3A = arith.constant 0 : i32
    %eq3A_23 = arith.cmpi eq, %arg1, %eq3A : i32
    %convert_element_type3A = arith.extui %eq3A_23 : i1 to i32
    %cond3A = arith.constant 0 : i32
    %cond3A_24 = arith.cmpi ne, %convert_element_type3A, %cond3A : i32
    scf.if %cond3A_24 {
      %scan3A_102 = arith.constant 0 : i32
      %scan3A_103 = arith.constant 0 : i32
      %scan3A_104 = arith.constant 16 : i32
      %scan3A_105 = arith.addi %scan3A_103, %scan3A_104 : i32
      %scan3A_106 = arith.constant 1 : i32
      scf.for %scan3A_108 = %scan3A_103 to %scan3A_105 step %scan3A_106  : i32 {
        %broadcast_in_dim3A = arith.constant 0.000000e+00 : f32
        %broadcast_in_dim3A_109 = vector.broadcast %broadcast_in_dim3A : f32 to vector<16xf32>
        %swap3A = arith.index_cast %scan3A_108 : i32 to index
        %swap3A_110 = arith.constant 0 : index
        %swap3A_111 = tpu.vector_load %arg8[%swap3A, %swap3A_110] {strides = array<i32>} : memref<16x128xf32, #tpu.memory_space<vmem>>, vector<1x16xf32>,
        %swap3A_112 = vector.shape_cast %swap3A_111 : vector<1x16xf32> to vector<16xf32>
        %swap3A_113 = vector.shape_cast %broadcast_in_dim3A_109 : vector<16xf32> to vector<1x16xf32>
        tpu.vector_store %arg8[%swap3A, %swap3A_110], %swap3A_113 {strides = array<i32>} : memref<16x128xf32, #tpu.memory_space<vmem>>, vector<1x16xf32>,
        %broadcast_in_dim3A_114 = arith.constant 0.000000e+00 : f32
        %broadcast_in_dim3A_115 = vector.broadcast %broadcast_in_dim3A_114 : f32 to vector<16xf32>
        %swap3A_116 = arith.index_cast %scan3A_108 : i32 to index
        %swap3A_117 = arith.constant 16 : index
        %swap3A_118 = tpu.vector_load %arg8[%swap3A_116, %swap3A_117] {strides = array<i32>} : memref<16x128xf32, #tpu.memory_space<vmem>>, vector<1x16xf32>,
        %swap3A_119 = vector.shape_cast %swap3A_118 : vector<1x16xf32> to vector<16xf32>
        %swap3A_120 = vector.shape_cast %broadcast_in_dim3A_115 : vector<16xf32> to vector<1x16xf32>
        tpu.vector_store %arg8[%swap3A_116, %swap3A_117], %swap3A_120 {strides = array<i32>} : memref<16x128xf32, #tpu.memory_space<vmem>>, vector<1x16xf32>,
        %broadcast_in_dim3A_121 = arith.constant 0.000000e+00 : f32
        %broadcast_in_dim3A_122 = vector.broadcast %broadcast_in_dim3A_121 : f32 to vector<16xf32>
        %swap3A_123 = arith.index_cast %scan3A_108 : i32 to index
        %swap3A_124 = arith.constant 32 : index
        %swap3A_125 = tpu.vector_load %arg8[%swap3A_123, %swap3A_124] {strides = array<i32>} : memref<16x128xf32, #tpu.memory_space<vmem>>, vector<1x16xf32>,
        %swap3A_126 = vector.shape_cast %swap3A_125 : vector<1x16xf32> to vector<16xf32>
        %swap3A_127 = vector.shape_cast %broadcast_in_dim3A_122 : vector<16xf32> to vector<1x16xf32>
        tpu.vector_store %arg8[%swap3A_123, %swap3A_124], %swap3A_127 {strides = array<i32>} : memref<16x128xf32, #tpu.memory_space<vmem>>, vector<1x16xf32>,
        %broadcast_in_dim3A_128 = arith.constant 0.000000e+00 : f32
        %broadcast_in_dim3A_129 = vector.broadcast %broadcast_in_dim3A_128 : f32 to vector<16xf32>
        %swap3A_130 = arith.index_cast %scan3A_108 : i32 to index
        %swap3A_131 = arith.constant 48 : index
        %swap3A_132 = tpu.vector_load %arg8[%swap3A_130, %swap3A_131] {strides = array<i32>} : memref<16x128xf32, #tpu.memory_space<vmem>>, vector<1x16xf32>,
        %swap3A_133 = vector.shape_cast %swap3A_132 : vector<1x16xf32> to vector<16xf32>
        %swap3A_134 = vector.shape_cast %broadcast_in_dim3A_129 : vector<16xf32> to vector<1x16xf32>
        tpu.vector_store %arg8[%swap3A_130, %swap3A_131], %swap3A_134 {strides = array<i32>} : memref<16x128xf32, #tpu.memory_space<vmem>>, vector<1x16xf32>,
        %broadcast_in_dim3A_135 = arith.constant 0.000000e+00 : f32
        %broadcast_in_dim3A_136 = vector.broadcast %broadcast_in_dim3A_135 : f32 to vector<16xf32>
        %swap3A_137 = arith.index_cast %scan3A_108 : i32 to index
        %swap3A_138 = arith.constant 64 : index
        %swap3A_139 = tpu.vector_load %arg8[%swap3A_137, %swap3A_138] {strides = array<i32>} : memref<16x128xf32, #tpu.memory_space<vmem>>, vector<1x16xf32>,
        %swap3A_140 = vector.shape_cast %swap3A_139 : vector<1x16xf32> to vector<16xf32>
        %swap3A_141 = vector.shape_cast %broadcast_in_dim3A_136 : vector<16xf32> to vector<1x16xf32>
        tpu.vector_store %arg8[%swap3A_137, %swap3A_138], %swap3A_141 {strides = array<i32>} : memref<16x128xf32, #tpu.memory_space<vmem>>, vector<1x16xf32>,
        %broadcast_in_dim3A_142 = arith.constant 0.000000e+00 : f32
        %broadcast_in_dim3A_143 = vector.broadcast %broadcast_in_dim3A_142 : f32 to vector<16xf32>
        %swap3A_144 = arith.index_cast %scan3A_108 : i32 to index
        %swap3A_145 = arith.constant 80 : index
        %swap3A_146 = tpu.vector_load %arg8[%swap3A_144, %swap3A_145] {strides = array<i32>} : memref<16x128xf32, #tpu.memory_space<vmem>>, vector<1x16xf32>,
        %swap3A_147 = vector.shape_cast %swap3A_146 : vector<1x16xf32> to vector<16xf32>
        %swap3A_148 = vector.shape_cast %broadcast_in_dim3A_143 : vector<16xf32> to vector<1x16xf32>
        tpu.vector_store %arg8[%swap3A_144, %swap3A_145], %swap3A_148 {strides = array<i32>} : memref<16x128xf32, #tpu.memory_space<vmem>>, vector<1x16xf32>,
        %broadcast_in_dim3A_149 = arith.constant 0.000000e+00 : f32
        %broadcast_in_dim3A_150 = vector.broadcast %broadcast_in_dim3A_149 : f32 to vector<16xf32>
        %swap3A_151 = arith.index_cast %scan3A_108 : i32 to index
        %swap3A_152 = arith.constant 96 : index
        %swap3A_153 = tpu.vector_load %arg8[%swap3A_151, %swap3A_152] {strides = array<i32>} : memref<16x128xf32, #tpu.memory_space<vmem>>, vector<1x16xf32>,
        %swap3A_154 = vector.shape_cast %swap3A_153 : vector<1x16xf32> to vector<16xf32>
        %swap3A_155 = vector.shape_cast %broadcast_in_dim3A_150 : vector<16xf32> to vector<1x16xf32>
        tpu.vector_store %arg8[%swap3A_151, %swap3A_152], %swap3A_155 {strides = array<i32>} : memref<16x128xf32, #tpu.memory_space<vmem>>, vector<1x16xf32>,
        %broadcast_in_dim3A_156 = arith.constant 0.000000e+00 : f32
        %broadcast_in_dim3A_157 = vector.broadcast %broadcast_in_dim3A_156 : f32 to vector<16xf32>
        %swap3A_158 = arith.index_cast %scan3A_108 : i32 to index
        %swap3A_159 = arith.constant 112 : index
        %swap3A_160 = tpu.vector_load %arg8[%swap3A_158, %swap3A_159] {strides = array<i32>} : memref<16x128xf32, #tpu.memory_space<vmem>>, vector<1x16xf32>,
        %swap3A_161 = vector.shape_cast %swap3A_160 : vector<1x16xf32> to vector<16xf32>
        %swap3A_162 = vector.shape_cast %broadcast_in_dim3A_157 : vector<16xf32> to vector<1x16xf32>
        tpu.vector_store %arg8[%swap3A_158, %swap3A_159], %swap3A_162 {strides = array<i32>} : memref<16x128xf32, #tpu.memory_space<vmem>>, vector<1x16xf32>,
      }
      %scan3A_107 = arith.constant 16 : i32
      "tpu.region"() ({
        %run_scoped3A = tpu.sem_alloc : memref<!tpu.dma_semaphore, #tpu.memory_space<semaphore_mem>>
        tpu.enqueue_dma source(%arg8 : memref<16x128xf32, #tpu.memory_space<vmem>>) target(%arg11 : memref<16x128xf32, #tpu.memory_space<vmem_shared>>) target_semaphore(%run_scoped3A : memref<!tpu.dma_semaphore, #tpu.memory_space<semaphore_mem>>)
        tpu.wait_dma2 semaphore(%run_scoped3A : memref<!tpu.dma_semaphore, #tpu.memory_space<semaphore_mem>>) src(%arg8 : memref<16x128xf32, #tpu.memory_space<vmem>>) dst(%arg11 : memref<16x128xf32, #tpu.memory_space<vmem_shared>>)
        tpu.yield
      }) : () -> ()
    } else {
    }
    %barrier3A = arith.constant 0 : index
    tpu.barrier barrier_id(%barrier3A)
    %scan3A = arith.constant 0 : i32
    %scan3A_25 = arith.constant 0 : i32
    %scan3A_26 = arith.constant 4 : i32
    %scan3A_27 = arith.addi %scan3A_25, %scan3A_26 : i32
    %scan3A_28 = arith.constant 1 : i32
    scf.for %scan3A_102 = %scan3A_25 to %scan3A_27 step %scan3A_28  : i32 {
      %mul3A_103 = arith.constant 4 : i32
      %mul3A_104 = arith.muli %scan3A_102, %mul3A_103 : i32
      %add3A_105 = arith.constant 0 : i32
      %add3A_106 = arith.addi %mul3A_104, %add3A_105 : i32
      %add3A_107 = arith.constant 0 : i32
      %add3A_108 = arith.addi %mul3A_2, %add3A_107 : i32
      %dma_wait3A_109 = arith.constant 0 : i32
      %dma_wait3A_110 = arith.constant 0 : i32
      %dma_wait3A_111 = tpu.memref_slice %arg6[%dma_wait3A_109, %dma_wait3A_110] : memref<512x128xf32, #tpu.memory_space<vmem>> -> memref<128x128xf32, #tpu.memory_space<vmem>>
      %dma_wait3A_112 = tpu.memref_slice %arg2[%add3A_108, %mul3A_0] : memref<32768x256xf32, #tpu.memory_space<hbm>> -> memref<128x128xf32, #tpu.memory_space<hbm>>
      %dma_wait3A_113 = arith.constant 0 : i32
      %dma_wait3A_114 = arith.constant 0 : i32
      %dma_wait3A_115 = tpu.memref_slice %arg6[%dma_wait3A_113, %dma_wait3A_114] : memref<512x128xf32, #tpu.memory_space<vmem>> -> memref<128x128xf32, #tpu.memory_space<vmem>>
      %dma_wait3A_116 = tpu.memref_slice %arg2[%add3A_108, %mul3A_0] : memref<32768x256xf32, #tpu.memory_space<hbm>> -> memref<128x128xf32, #tpu.memory_space<hbm>>
      tpu.wait_dma2 semaphore(%arg12 : memref<!tpu.dma_semaphore, #tpu.memory_space<semaphore_mem>>) src(%dma_wait3A_116 : memref<128x128xf32, #tpu.memory_space<hbm>>) dst(%dma_wait3A_115 : memref<128x128xf32, #tpu.memory_space<vmem>>)
      %add3A_117 = arith.constant 2 : i32
      %add3A_118 = arith.addi %add3A_106, %add3A_117 : i32
      %mul3A_119 = arith.constant 128 : i32
      %mul3A_120 = arith.muli %add3A_118, %mul3A_119 : i32
      %add3A_121 = arith.addi %mul3A_2, %mul3A_120 : i32
      %dma_start3A_122 = arith.constant 256 : i32
      %dma_start3A_123 = arith.constant 0 : i32
      %dma_start3A_124 = tpu.memref_slice %arg6[%dma_start3A_122, %dma_start3A_123] : memref<512x128xf32, #tpu.memory_space<vmem>> -> memref<128x128xf32, #tpu.memory_space<vmem>>
      %dma_start3A_125 = tpu.memref_slice %arg2[%add3A_121, %mul3A_0] : memref<32768x256xf32, #tpu.memory_space<hbm>> -> memref<128x128xf32, #tpu.memory_space<hbm>>
      %dma_start3A_126 = arith.constant 256 : i32
      %dma_start3A_127 = arith.constant 0 : i32
      %dma_start3A_128 = tpu.memref_slice %arg6[%dma_start3A_126, %dma_start3A_127] : memref<512x128xf32, #tpu.memory_space<vmem>> -> memref<128x128xf32, #tpu.memory_space<vmem>>
      %dma_start3A_129 = tpu.memref_slice %arg2[%add3A_121, %mul3A_0] : memref<32768x256xf32, #tpu.memory_space<hbm>> -> memref<128x128xf32, #tpu.memory_space<hbm>>
      tpu.enqueue_dma source(%dma_start3A_129 : memref<128x128xf32, #tpu.memory_space<hbm>>) target(%dma_start3A_128 : memref<128x128xf32, #tpu.memory_space<vmem>>) target_semaphore(%arg14 : memref<!tpu.dma_semaphore, #tpu.memory_space<semaphore_mem>>)
      "tpu.region"() ({
        %run_scoped3A = tpu.sem_alloc : memref<!tpu.dma_semaphore, #tpu.memory_space<semaphore_mem>>
        %dma_start3A_194 = arith.constant 0 : i32
        %dma_start3A_195 = arith.constant 0 : i32
        %dma_start3A_196 = tpu.memref_slice %arg6[%dma_start3A_194, %dma_start3A_195] : memref<512x128xf32, #tpu.memory_space<vmem>> -> memref<128x128xf32, #tpu.memory_space<vmem>>
        %dma_start3A_197 = arith.constant 0 : i32
        %dma_start3A_198 = tpu.memref_slice %arg7[%add3A_106, %dma_start3A_197] : memref<16x128xi32, #tpu.memory_space<vmem>> -> memref<1x128xi32, #tpu.memory_space<vmem>>
        %dma_start3A_199 = tpu.memref_squeeze %dma_start3A_198 : memref<1x128xi32, #tpu.memory_space<vmem>> -> memref<128xi32, #tpu.memory_space<vmem>>
        %dma_start3A_200 = arith.constant 0 : i32
        %dma_start3A_201 = arith.constant 0 : i32
        %dma_start3A_202 = tpu.memref_slice %arg11[%dma_start3A_200, %dma_start3A_201] : memref<16x128xf32, #tpu.memory_space<vmem_shared>> -> memref<16x128xf32, #tpu.memory_space<vmem_shared>>
        tpu.enqueue_indirect_dma source(%dma_start3A_196 : memref<128x128xf32, #tpu.memory_space<vmem>>) target(%dma_start3A_202 : memref<16x128xf32, #tpu.memory_space<vmem_shared>>) offsets(%dma_start3A_199 : memref<128xi32, #tpu.memory_space<vmem>>) semaphore(%run_scoped3A : memref<!tpu.dma_semaphore, #tpu.memory_space<semaphore_mem>>) {add = true}
        %dma_wait3A_203 = arith.constant 0 : i32
        %dma_wait3A_204 = arith.constant 0 : i32
        %dma_wait3A_205 = tpu.memref_slice %arg6[%dma_wait3A_203, %dma_wait3A_204] : memref<512x128xf32, #tpu.memory_space<vmem>> -> memref<128x128xf32, #tpu.memory_space<vmem>>
        %dma_wait3A_206 = arith.constant 0 : i32
        %dma_wait3A_207 = tpu.memref_slice %arg7[%add3A_106, %dma_wait3A_206] : memref<16x128xi32, #tpu.memory_space<vmem>> -> memref<1x128xi32, #tpu.memory_space<vmem>>
        %dma_wait3A_208 = tpu.memref_squeeze %dma_wait3A_207 : memref<1x128xi32, #tpu.memory_space<vmem>> -> memref<128xi32, #tpu.memory_space<vmem>>
        %dma_wait3A_209 = arith.constant 0 : i32
        %dma_wait3A_210 = arith.constant 0 : i32
        %dma_wait3A_211 = tpu.memref_slice %arg11[%dma_wait3A_209, %dma_wait3A_210] : memref<16x128xf32, #tpu.memory_space<vmem_shared>> -> memref<16x128xf32, #tpu.memory_space<vmem_shared>>
        tpu.wait_indirect_dma semaphore(%run_scoped3A : memref<!tpu.dma_semaphore, #tpu.memory_space<semaphore_mem>>) src(%dma_wait3A_205 : memref<128x128xf32, #tpu.memory_space<vmem>>) dst(%dma_wait3A_211 : memref<16x128xf32, #tpu.memory_space<vmem_shared>>)
        tpu.yield
      }) : () -> ()
      %mul3A_130 = arith.constant 4 : i32
      %mul3A_131 = arith.muli %scan3A_102, %mul3A_130 : i32
      %add3A_132 = arith.constant 1 : i32
      %add3A_133 = arith.addi %mul3A_131, %add3A_132 : i32
      %add3A_134 = arith.constant 0 : i32
      %add3A_135 = arith.addi %mul3A_2, %add3A_134 : i32
      %dma_wait3A_136 = arith.constant 128 : i32
      %dma_wait3A_137 = arith.constant 0 : i32
      %dma_wait3A_138 = tpu.memref_slice %arg6[%dma_wait3A_136, %dma_wait3A_137] : memref<512x128xf32, #tpu.memory_space<vmem>> -> memref<128x128xf32, #tpu.memory_space<vmem>>
      %dma_wait3A_139 = tpu.memref_slice %arg2[%add3A_135, %mul3A_0] : memref<32768x256xf32, #tpu.memory_space<hbm>> -> memref<128x128xf32, #tpu.memory_space<hbm>>
      %dma_wait3A_140 = arith.constant 128 : i32
      %dma_wait3A_141 = arith.constant 0 : i32
      %dma_wait3A_142 = tpu.memref_slice %arg6[%dma_wait3A_140, %dma_wait3A_141] : memref<512x128xf32, #tpu.memory_space<vmem>> -> memref<128x128xf32, #tpu.memory_space<vmem>>
      %dma_wait3A_143 = tpu.memref_slice %arg2[%add3A_135, %mul3A_0] : memref<32768x256xf32, #tpu.memory_space<hbm>> -> memref<128x128xf32, #tpu.memory_space<hbm>>
      tpu.wait_dma2 semaphore(%arg13 : memref<!tpu.dma_semaphore, #tpu.memory_space<semaphore_mem>>) src(%dma_wait3A_143 : memref<128x128xf32, #tpu.memory_space<hbm>>) dst(%dma_wait3A_142 : memref<128x128xf32, #tpu.memory_space<vmem>>)
      %add3A_144 = arith.constant 2 : i32
      %add3A_145 = arith.addi %add3A_133, %add3A_144 : i32
      %mul3A_146 = arith.constant 128 : i32
      %mul3A_147 = arith.muli %add3A_145, %mul3A_146 : i32
      %add3A_148 = arith.addi %mul3A_2, %mul3A_147 : i32
      %dma_start3A_149 = arith.constant 384 : i32
      %dma_start3A_150 = arith.constant 0 : i32
      %dma_start3A_151 = tpu.memref_slice %arg6[%dma_start3A_149, %dma_start3A_150] : memref<512x128xf32, #tpu.memory_space<vmem>> -> memref<128x128xf32, #tpu.memory_space<vmem>>
      %dma_start3A_152 = tpu.memref_slice %arg2[%add3A_148, %mul3A_0] : memref<32768x256xf32, #tpu.memory_space<hbm>> -> memref<128x128xf32, #tpu.memory_space<hbm>>
      %dma_start3A_153 = arith.constant 384 : i32
      %dma_start3A_154 = arith.constant 0 : i32
      %dma_start3A_155 = tpu.memref_slice %arg6[%dma_start3A_153, %dma_start3A_154] : memref<512x128xf32, #tpu.memory_space<vmem>> -> memref<128x128xf32, #tpu.memory_space<vmem>>
      %dma_start3A_156 = tpu.memref_slice %arg2[%add3A_148, %mul3A_0] : memref<32768x256xf32, #tpu.memory_space<hbm>> -> memref<128x128xf32, #tpu.memory_space<hbm>>
      tpu.enqueue_dma source(%dma_start3A_156 : memref<128x128xf32, #tpu.memory_space<hbm>>) target(%dma_start3A_155 : memref<128x128xf32, #tpu.memory_space<vmem>>) target_semaphore(%arg15 : memref<!tpu.dma_semaphore, #tpu.memory_space<semaphore_mem>>)
      "tpu.region"() ({
        %run_scoped3A = tpu.sem_alloc : memref<!tpu.dma_semaphore, #tpu.memory_space<semaphore_mem>>
        %dma_start3A_194 = arith.constant 128 : i32
        %dma_start3A_195 = arith.constant 0 : i32
        %dma_start3A_196 = tpu.memref_slice %arg6[%dma_start3A_194, %dma_start3A_195] : memref<512x128xf32, #tpu.memory_space<vmem>> -> memref<128x128xf32, #tpu.memory_space<vmem>>
        %dma_start3A_197 = arith.constant 0 : i32
        %dma_start3A_198 = tpu.memref_slice %arg7[%add3A_133, %dma_start3A_197] : memref<16x128xi32, #tpu.memory_space<vmem>> -> memref<1x128xi32, #tpu.memory_space<vmem>>
        %dma_start3A_199 = tpu.memref_squeeze %dma_start3A_198 : memref<1x128xi32, #tpu.memory_space<vmem>> -> memref<128xi32, #tpu.memory_space<vmem>>
        %dma_start3A_200 = arith.constant 0 : i32
        %dma_start3A_201 = arith.constant 0 : i32
        %dma_start3A_202 = tpu.memref_slice %arg11[%dma_start3A_200, %dma_start3A_201] : memref<16x128xf32, #tpu.memory_space<vmem_shared>> -> memref<16x128xf32, #tpu.memory_space<vmem_shared>>
        tpu.enqueue_indirect_dma source(%dma_start3A_196 : memref<128x128xf32, #tpu.memory_space<vmem>>) target(%dma_start3A_202 : memref<16x128xf32, #tpu.memory_space<vmem_shared>>) offsets(%dma_start3A_199 : memref<128xi32, #tpu.memory_space<vmem>>) semaphore(%run_scoped3A : memref<!tpu.dma_semaphore, #tpu.memory_space<semaphore_mem>>) {add = true}
        %dma_wait3A_203 = arith.constant 128 : i32
        %dma_wait3A_204 = arith.constant 0 : i32
        %dma_wait3A_205 = tpu.memref_slice %arg6[%dma_wait3A_203, %dma_wait3A_204] : memref<512x128xf32, #tpu.memory_space<vmem>> -> memref<128x128xf32, #tpu.memory_space<vmem>>
        %dma_wait3A_206 = arith.constant 0 : i32
        %dma_wait3A_207 = tpu.memref_slice %arg7[%add3A_133, %dma_wait3A_206] : memref<16x128xi32, #tpu.memory_space<vmem>> -> memref<1x128xi32, #tpu.memory_space<vmem>>
        %dma_wait3A_208 = tpu.memref_squeeze %dma_wait3A_207 : memref<1x128xi32, #tpu.memory_space<vmem>> -> memref<128xi32, #tpu.memory_space<vmem>>
        %dma_wait3A_209 = arith.constant 0 : i32
        %dma_wait3A_210 = arith.constant 0 : i32
        %dma_wait3A_211 = tpu.memref_slice %arg11[%dma_wait3A_209, %dma_wait3A_210] : memref<16x128xf32, #tpu.memory_space<vmem_shared>> -> memref<16x128xf32, #tpu.memory_space<vmem_shared>>
        tpu.wait_indirect_dma semaphore(%run_scoped3A : memref<!tpu.dma_semaphore, #tpu.memory_space<semaphore_mem>>) src(%dma_wait3A_205 : memref<128x128xf32, #tpu.memory_space<vmem>>) dst(%dma_wait3A_211 : memref<16x128xf32, #tpu.memory_space<vmem_shared>>)
        tpu.yield
      }) : () -> ()
      %mul3A_157 = arith.constant 4 : i32
      %mul3A_158 = arith.muli %scan3A_102, %mul3A_157 : i32
      %add3A_159 = arith.constant 2 : i32
      %add3A_160 = arith.addi %mul3A_158, %add3A_159 : i32
      %add3A_161 = arith.constant 0 : i32
      %add3A_162 = arith.addi %mul3A_2, %add3A_161 : i32
      %dma_wait3A_163 = arith.constant 256 : i32
      %dma_wait3A_164 = arith.constant 0 : i32
      %dma_wait3A_165 = tpu.memref_slice %arg6[%dma_wait3A_163, %dma_wait3A_164] : memref<512x128xf32, #tpu.memory_space<vmem>> -> memref<128x128xf32, #tpu.memory_space<vmem>>
      %dma_wait3A_166 = tpu.memref_slice %arg2[%add3A_162, %mul3A_0] : memref<32768x256xf32, #tpu.memory_space<hbm>> -> memref<128x128xf32, #tpu.memory_space<hbm>>
      %dma_wait3A_167 = arith.constant 256 : i32
      %dma_wait3A_168 = arith.constant 0 : i32
      %dma_wait3A_169 = tpu.memref_slice %arg6[%dma_wait3A_167, %dma_wait3A_168] : memref<512x128xf32, #tpu.memory_space<vmem>> -> memref<128x128xf32, #tpu.memory_space<vmem>>
      %dma_wait3A_170 = tpu.memref_slice %arg2[%add3A_162, %mul3A_0] : memref<32768x256xf32, #tpu.memory_space<hbm>> -> memref<128x128xf32, #tpu.memory_space<hbm>>
      tpu.wait_dma2 semaphore(%arg14 : memref<!tpu.dma_semaphore, #tpu.memory_space<semaphore_mem>>) src(%dma_wait3A_170 : memref<128x128xf32, #tpu.memory_space<hbm>>) dst(%dma_wait3A_169 : memref<128x128xf32, #tpu.memory_space<vmem>>)
      %lt3A = arith.constant 3 : i32
      %lt3A_171 = arith.cmpi slt, %scan3A_102, %lt3A : i32
      %convert_element_type3A_172 = arith.extui %lt3A_171 : i1 to i32
      %cond3A_173 = arith.constant 0 : i32
      %cond3A_174 = arith.cmpi ne, %convert_element_type3A_172, %cond3A_173 : i32
      scf.if %cond3A_174 {
        %add3A_194 = arith.constant 2 : i32
        %add3A_195 = arith.addi %add3A_160, %add3A_194 : i32
        %mul3A_196 = arith.constant 128 : i32
        %mul3A_197 = arith.muli %add3A_195, %mul3A_196 : i32
        %add3A_198 = arith.addi %mul3A_2, %mul3A_197 : i32
        %dma_start3A_199 = arith.constant 0 : i32
        %dma_start3A_200 = arith.constant 0 : i32
        %dma_start3A_201 = tpu.memref_slice %arg6[%dma_start3A_199, %dma_start3A_200] : memref<512x128xf32, #tpu.memory_space<vmem>> -> memref<128x128xf32, #tpu.memory_space<vmem>>
        %dma_start3A_202 = tpu.memref_slice %arg2[%add3A_198, %mul3A_0] : memref<32768x256xf32, #tpu.memory_space<hbm>> -> memref<128x128xf32, #tpu.memory_space<hbm>>
        %dma_start3A_203 = arith.constant 0 : i32
        %dma_start3A_204 = arith.constant 0 : i32
        %dma_start3A_205 = tpu.memref_slice %arg6[%dma_start3A_203, %dma_start3A_204] : memref<512x128xf32, #tpu.memory_space<vmem>> -> memref<128x128xf32, #tpu.memory_space<vmem>>
        %dma_start3A_206 = tpu.memref_slice %arg2[%add3A_198, %mul3A_0] : memref<32768x256xf32, #tpu.memory_space<hbm>> -> memref<128x128xf32, #tpu.memory_space<hbm>>
        tpu.enqueue_dma source(%dma_start3A_206 : memref<128x128xf32, #tpu.memory_space<hbm>>) target(%dma_start3A_205 : memref<128x128xf32, #tpu.memory_space<vmem>>) target_semaphore(%arg12 : memref<!tpu.dma_semaphore, #tpu.memory_space<semaphore_mem>>)
      } else {
      }
      "tpu.region"() ({
        %run_scoped3A = tpu.sem_alloc : memref<!tpu.dma_semaphore, #tpu.memory_space<semaphore_mem>>
        %dma_start3A_194 = arith.constant 256 : i32
        %dma_start3A_195 = arith.constant 0 : i32
        %dma_start3A_196 = tpu.memref_slice %arg6[%dma_start3A_194, %dma_start3A_195] : memref<512x128xf32, #tpu.memory_space<vmem>> -> memref<128x128xf32, #tpu.memory_space<vmem>>
        %dma_start3A_197 = arith.constant 0 : i32
        %dma_start3A_198 = tpu.memref_slice %arg7[%add3A_160, %dma_start3A_197] : memref<16x128xi32, #tpu.memory_space<vmem>> -> memref<1x128xi32, #tpu.memory_space<vmem>>
        %dma_start3A_199 = tpu.memref_squeeze %dma_start3A_198 : memref<1x128xi32, #tpu.memory_space<vmem>> -> memref<128xi32, #tpu.memory_space<vmem>>
        %dma_start3A_200 = arith.constant 0 : i32
        %dma_start3A_201 = arith.constant 0 : i32
        %dma_start3A_202 = tpu.memref_slice %arg11[%dma_start3A_200, %dma_start3A_201] : memref<16x128xf32, #tpu.memory_space<vmem_shared>> -> memref<16x128xf32, #tpu.memory_space<vmem_shared>>
        tpu.enqueue_indirect_dma source(%dma_start3A_196 : memref<128x128xf32, #tpu.memory_space<vmem>>) target(%dma_start3A_202 : memref<16x128xf32, #tpu.memory_space<vmem_shared>>) offsets(%dma_start3A_199 : memref<128xi32, #tpu.memory_space<vmem>>) semaphore(%run_scoped3A : memref<!tpu.dma_semaphore, #tpu.memory_space<semaphore_mem>>) {add = true}
        %dma_wait3A_203 = arith.constant 256 : i32
        %dma_wait3A_204 = arith.constant 0 : i32
        %dma_wait3A_205 = tpu.memref_slice %arg6[%dma_wait3A_203, %dma_wait3A_204] : memref<512x128xf32, #tpu.memory_space<vmem>> -> memref<128x128xf32, #tpu.memory_space<vmem>>
        %dma_wait3A_206 = arith.constant 0 : i32
        %dma_wait3A_207 = tpu.memref_slice %arg7[%add3A_160, %dma_wait3A_206] : memref<16x128xi32, #tpu.memory_space<vmem>> -> memref<1x128xi32, #tpu.memory_space<vmem>>
        %dma_wait3A_208 = tpu.memref_squeeze %dma_wait3A_207 : memref<1x128xi32, #tpu.memory_space<vmem>> -> memref<128xi32, #tpu.memory_space<vmem>>
        %dma_wait3A_209 = arith.constant 0 : i32
        %dma_wait3A_210 = arith.constant 0 : i32
        %dma_wait3A_211 = tpu.memref_slice %arg11[%dma_wait3A_209, %dma_wait3A_210] : memref<16x128xf32, #tpu.memory_space<vmem_shared>> -> memref<16x128xf32, #tpu.memory_space<vmem_shared>>
        tpu.wait_indirect_dma semaphore(%run_scoped3A : memref<!tpu.dma_semaphore, #tpu.memory_space<semaphore_mem>>) src(%dma_wait3A_205 : memref<128x128xf32, #tpu.memory_space<vmem>>) dst(%dma_wait3A_211 : memref<16x128xf32, #tpu.memory_space<vmem_shared>>)
        tpu.yield
      }) : () -> ()
      %mul3A_175 = arith.constant 4 : i32
      %mul3A_176 = arith.muli %scan3A_102, %mul3A_175 : i32
      %add3A_177 = arith.constant 3 : i32
      %add3A_178 = arith.addi %mul3A_176, %add3A_177 : i32
      %add3A_179 = arith.constant 0 : i32
      %add3A_180 = arith.addi %mul3A_2, %add3A_179 : i32
      %dma_wait3A_181 = arith.constant 384 : i32
      %dma_wait3A_182 = arith.constant 0 : i32
      %dma_wait3A_183 = tpu.memref_slice %arg6[%dma_wait3A_181, %dma_wait3A_182] : memref<512x128xf32, #tpu.memory_space<vmem>> -> memref<128x128xf32, #tpu.memory_space<vmem>>
      %dma_wait3A_184 = tpu.memref_slice %arg2[%add3A_180, %mul3A_0] : memref<32768x256xf32, #tpu.memory_space<hbm>> -> memref<128x128xf32, #tpu.memory_space<hbm>>
      %dma_wait3A_185 = arith.constant 384 : i32
      %dma_wait3A_186 = arith.constant 0 : i32
      %dma_wait3A_187 = tpu.memref_slice %arg6[%dma_wait3A_185, %dma_wait3A_186] : memref<512x128xf32, #tpu.memory_space<vmem>> -> memref<128x128xf32, #tpu.memory_space<vmem>>
      %dma_wait3A_188 = tpu.memref_slice %arg2[%add3A_180, %mul3A_0] : memref<32768x256xf32, #tpu.memory_space<hbm>> -> memref<128x128xf32, #tpu.memory_space<hbm>>
      tpu.wait_dma2 semaphore(%arg15 : memref<!tpu.dma_semaphore, #tpu.memory_space<semaphore_mem>>) src(%dma_wait3A_188 : memref<128x128xf32, #tpu.memory_space<hbm>>) dst(%dma_wait3A_187 : memref<128x128xf32, #tpu.memory_space<vmem>>)
      %lt3A_189 = arith.constant 3 : i32
      %lt3A_190 = arith.cmpi slt, %scan3A_102, %lt3A_189 : i32
      %convert_element_type3A_191 = arith.extui %lt3A_190 : i1 to i32
      %cond3A_192 = arith.constant 0 : i32
      %cond3A_193 = arith.cmpi ne, %convert_element_type3A_191, %cond3A_192 : i32
      scf.if %cond3A_193 {
        %add3A_194 = arith.constant 2 : i32
        %add3A_195 = arith.addi %add3A_178, %add3A_194 : i32
        %mul3A_196 = arith.constant 128 : i32
        %mul3A_197 = arith.muli %add3A_195, %mul3A_196 : i32
        %add3A_198 = arith.addi %mul3A_2, %mul3A_197 : i32
        %dma_start3A_199 = arith.constant 128 : i32
        %dma_start3A_200 = arith.constant 0 : i32
        %dma_start3A_201 = tpu.memref_slice %arg6[%dma_start3A_199, %dma_start3A_200] : memref<512x128xf32, #tpu.memory_space<vmem>> -> memref<128x128xf32, #tpu.memory_space<vmem>>
        %dma_start3A_202 = tpu.memref_slice %arg2[%add3A_198, %mul3A_0] : memref<32768x256xf32, #tpu.memory_space<hbm>> -> memref<128x128xf32, #tpu.memory_space<hbm>>
        %dma_start3A_203 = arith.constant 128 : i32
        %dma_start3A_204 = arith.constant 0 : i32
        %dma_start3A_205 = tpu.memref_slice %arg6[%dma_start3A_203, %dma_start3A_204] : memref<512x128xf32, #tpu.memory_space<vmem>> -> memref<128x128xf32, #tpu.memory_space<vmem>>
        %dma_start3A_206 = tpu.memref_slice %arg2[%add3A_198, %mul3A_0] : memref<32768x256xf32, #tpu.memory_space<hbm>> -> memref<128x128xf32, #tpu.memory_space<hbm>>
        tpu.enqueue_dma source(%dma_start3A_206 : memref<128x128xf32, #tpu.memory_space<hbm>>) target(%dma_start3A_205 : memref<128x128xf32, #tpu.memory_space<vmem>>) target_semaphore(%arg13 : memref<!tpu.dma_semaphore, #tpu.memory_space<semaphore_mem>>)
      } else {
      }
      "tpu.region"() ({
        %run_scoped3A = tpu.sem_alloc : memref<!tpu.dma_semaphore, #tpu.memory_space<semaphore_mem>>
        %dma_start3A_194 = arith.constant 384 : i32
        %dma_start3A_195 = arith.constant 0 : i32
        %dma_start3A_196 = tpu.memref_slice %arg6[%dma_start3A_194, %dma_start3A_195] : memref<512x128xf32, #tpu.memory_space<vmem>> -> memref<128x128xf32, #tpu.memory_space<vmem>>
        %dma_start3A_197 = arith.constant 0 : i32
        %dma_start3A_198 = tpu.memref_slice %arg7[%add3A_178, %dma_start3A_197] : memref<16x128xi32, #tpu.memory_space<vmem>> -> memref<1x128xi32, #tpu.memory_space<vmem>>
        %dma_start3A_199 = tpu.memref_squeeze %dma_start3A_198 : memref<1x128xi32, #tpu.memory_space<vmem>> -> memref<128xi32, #tpu.memory_space<vmem>>
        %dma_start3A_200 = arith.constant 0 : i32
        %dma_start3A_201 = arith.constant 0 : i32
        %dma_start3A_202 = tpu.memref_slice %arg11[%dma_start3A_200, %dma_start3A_201] : memref<16x128xf32, #tpu.memory_space<vmem_shared>> -> memref<16x128xf32, #tpu.memory_space<vmem_shared>>
        tpu.enqueue_indirect_dma source(%dma_start3A_196 : memref<128x128xf32, #tpu.memory_space<vmem>>) target(%dma_start3A_202 : memref<16x128xf32, #tpu.memory_space<vmem_shared>>) offsets(%dma_start3A_199 : memref<128xi32, #tpu.memory_space<vmem>>) semaphore(%run_scoped3A : memref<!tpu.dma_semaphore, #tpu.memory_space<semaphore_mem>>) {add = true}
        %dma_wait3A_203 = arith.constant 384 : i32
        %dma_wait3A_204 = arith.constant 0 : i32
        %dma_wait3A_205 = tpu.memref_slice %arg6[%dma_wait3A_203, %dma_wait3A_204] : memref<512x128xf32, #tpu.memory_space<vmem>> -> memref<128x128xf32, #tpu.memory_space<vmem>>
        %dma_wait3A_206 = arith.constant 0 : i32
        %dma_wait3A_207 = tpu.memref_slice %arg7[%add3A_178, %dma_wait3A_206] : memref<16x128xi32, #tpu.memory_space<vmem>> -> memref<1x128xi32, #tpu.memory_space<vmem>>
        %dma_wait3A_208 = tpu.memref_squeeze %dma_wait3A_207 : memref<1x128xi32, #tpu.memory_space<vmem>> -> memref<128xi32, #tpu.memory_space<vmem>>
        %dma_wait3A_209 = arith.constant 0 : i32
        %dma_wait3A_210 = arith.constant 0 : i32
        %dma_wait3A_211 = tpu.memref_slice %arg11[%dma_wait3A_209, %dma_wait3A_210] : memref<16x128xf32, #tpu.memory_space<vmem_shared>> -> memref<16x128xf32, #tpu.memory_space<vmem_shared>>
        tpu.wait_indirect_dma semaphore(%run_scoped3A : memref<!tpu.dma_semaphore, #tpu.memory_space<semaphore_mem>>) src(%dma_wait3A_205 : memref<128x128xf32, #tpu.memory_space<vmem>>) dst(%dma_wait3A_211 : memref<16x128xf32, #tpu.memory_space<vmem_shared>>)
        tpu.yield
      }) : () -> ()
    }
    %scan3A_29 = arith.constant 4 : i32
    %add3A_30 = arith.constant 0 : i32
    %add3A_31 = arith.addi %mul3A_2, %add3A_30 : i32
    %dma_start3A_32 = arith.constant 0 : i32
    %dma_start3A_33 = arith.constant 0 : i32
    %dma_start3A_34 = tpu.memref_slice %arg6[%dma_start3A_32, %dma_start3A_33] : memref<512x128xf32, #tpu.memory_space<vmem>> -> memref<128x128xf32, #tpu.memory_space<vmem>>
    %dma_start3A_35 = tpu.memref_slice %arg2[%add3A_31, %mul3A_0] : memref<32768x256xf32, #tpu.memory_space<hbm>> -> memref<128x128xf32, #tpu.memory_space<hbm>>
    %dma_start3A_36 = arith.constant 0 : i32
    %dma_start3A_37 = arith.constant 0 : i32
    %dma_start3A_38 = tpu.memref_slice %arg6[%dma_start3A_36, %dma_start3A_37] : memref<512x128xf32, #tpu.memory_space<vmem>> -> memref<128x128xf32, #tpu.memory_space<vmem>>
    %dma_start3A_39 = tpu.memref_slice %arg2[%add3A_31, %mul3A_0] : memref<32768x256xf32, #tpu.memory_space<hbm>> -> memref<128x128xf32, #tpu.memory_space<hbm>>
    tpu.enqueue_dma source(%dma_start3A_39 : memref<128x128xf32, #tpu.memory_space<hbm>>) target(%dma_start3A_38 : memref<128x128xf32, #tpu.memory_space<vmem>>) target_semaphore(%arg12 : memref<!tpu.dma_semaphore, #tpu.memory_space<semaphore_mem>>)
    %add3A_40 = arith.constant 128 : i32
    %add3A_41 = arith.addi %mul3A_2, %add3A_40 : i32
    %dma_start3A_42 = arith.constant 128 : i32
    %dma_start3A_43 = arith.constant 0 : i32
    %dma_start3A_44 = tpu.memref_slice %arg6[%dma_start3A_42, %dma_start3A_43] : memref<512x128xf32, #tpu.memory_space<vmem>> -> memref<128x128xf32, #tpu.memory_space<vmem>>
    %dma_start3A_45 = tpu.memref_slice %arg2[%add3A_41, %mul3A_0] : memref<32768x256xf32, #tpu.memory_space<hbm>> -> memref<128x128xf32, #tpu.memory_space<hbm>>
    %dma_start3A_46 = arith.constant 128 : i32
    %dma_start3A_47 = arith.constant 0 : i32
    %dma_start3A_48 = tpu.memref_slice %arg6[%dma_start3A_46, %dma_start3A_47] : memref<512x128xf32, #tpu.memory_space<vmem>> -> memref<128x128xf32, #tpu.memory_space<vmem>>
    %dma_start3A_49 = tpu.memref_slice %arg2[%add3A_41, %mul3A_0] : memref<32768x256xf32, #tpu.memory_space<hbm>> -> memref<128x128xf32, #tpu.memory_space<hbm>>
    tpu.enqueue_dma source(%dma_start3A_49 : memref<128x128xf32, #tpu.memory_space<hbm>>) target(%dma_start3A_48 : memref<128x128xf32, #tpu.memory_space<vmem>>) target_semaphore(%arg13 : memref<!tpu.dma_semaphore, #tpu.memory_space<semaphore_mem>>)
    %barrier3A_50 = arith.constant 0 : index
    tpu.barrier barrier_id(%barrier3A_50)
    "tpu.region"() ({
      %run_scoped3A = tpu.sem_alloc : memref<!tpu.dma_semaphore, #tpu.memory_space<semaphore_mem>>
      tpu.enqueue_dma source(%arg11 : memref<16x128xf32, #tpu.memory_space<vmem_shared>>) target(%arg8 : memref<16x128xf32, #tpu.memory_space<vmem>>) target_semaphore(%run_scoped3A : memref<!tpu.dma_semaphore, #tpu.memory_space<semaphore_mem>>)
      tpu.wait_dma2 semaphore(%run_scoped3A : memref<!tpu.dma_semaphore, #tpu.memory_space<semaphore_mem>>) src(%arg11 : memref<16x128xf32, #tpu.memory_space<vmem_shared>>) dst(%arg8 : memref<16x128xf32, #tpu.memory_space<vmem>>)
      tpu.yield
    }) : () -> ()
    "tpu.region"() ({
      %run_scoped3A = tpu.sem_alloc : memref<!tpu.dma_semaphore, #tpu.memory_space<semaphore_mem>>
      %dma_start3A_102 = arith.constant 0 : i32
      %dma_start3A_103 = tpu.memref_slice %arg4[%dma_start3A_102, %mul3A_0] : memref<16x256xf32, #tpu.memory_space<hbm>> -> memref<16x128xf32, #tpu.memory_space<hbm>>
      %dma_start3A_104 = arith.constant 0 : i32
      %dma_start3A_105 = tpu.memref_slice %arg4[%dma_start3A_104, %mul3A_0] : memref<16x256xf32, #tpu.memory_space<hbm>> -> memref<16x128xf32, #tpu.memory_space<hbm>>
      tpu.enqueue_dma source(%dma_start3A_105 : memref<16x128xf32, #tpu.memory_space<hbm>>) target(%arg9 : memref<16x128xf32, #tpu.memory_space<vmem>>) target_semaphore(%run_scoped3A : memref<!tpu.dma_semaphore, #tpu.memory_space<semaphore_mem>>)
      %dma_wait3A_106 = arith.constant 0 : i32
      %dma_wait3A_107 = tpu.memref_slice %arg4[%dma_wait3A_106, %mul3A_0] : memref<16x256xf32, #tpu.memory_space<hbm>> -> memref<16x128xf32, #tpu.memory_space<hbm>>
      %dma_wait3A_108 = arith.constant 0 : i32
      %dma_wait3A_109 = tpu.memref_slice %arg4[%dma_wait3A_108, %mul3A_0] : memref<16x256xf32, #tpu.memory_space<hbm>> -> memref<16x128xf32, #tpu.memory_space<hbm>>
      tpu.wait_dma2 semaphore(%run_scoped3A : memref<!tpu.dma_semaphore, #tpu.memory_space<semaphore_mem>>) src(%dma_wait3A_109 : memref<16x128xf32, #tpu.memory_space<hbm>>) dst(%arg9 : memref<16x128xf32, #tpu.memory_space<vmem>>)
      tpu.yield
    }) : () -> ()
    %scan3A_51 = arith.constant 0 : i32
    %scan3A_52 = arith.constant 0 : i32
    %scan3A_53 = arith.constant 16 : i32
    %scan3A_54 = arith.addi %scan3A_52, %scan3A_53 : i32
    %scan3A_55 = arith.constant 1 : i32
    scf.for %scan3A_102 = %scan3A_52 to %scan3A_54 step %scan3A_55  : i32 {
      %get3A = arith.index_cast %scan3A_102 : i32 to index
      %get3A_103 = arith.constant 0 : index
      %get3A_104 = tpu.vector_load %arg8[%get3A, %get3A_103] {strides = array<i32>} : memref<16x128xf32, #tpu.memory_space<vmem>>, vector<1x16xf32>,
      %get3A_105 = vector.shape_cast %get3A_104 : vector<1x16xf32> to vector<16xf32>
      %get3A_106 = arith.index_cast %scan3A_102 : i32 to index
      %get3A_107 = arith.constant 0 : index
      %get3A_108 = tpu.vector_load %arg9[%get3A_106, %get3A_107] {strides = array<i32>} : memref<16x128xf32, #tpu.memory_space<vmem>>, vector<1x16xf32>,
      %get3A_109 = vector.shape_cast %get3A_108 : vector<1x16xf32> to vector<16xf32>
      %mul3A_110 = arith.constant 2.500000e-01 : f32
      %mul3A_111 = vector.broadcast %mul3A_110 : f32 to vector<16xf32>
      %mul3A_112 = arith.mulf %mul3A_111, %get3A_109 : vector<16xf32>
      %add3A_113 = arith.constant 8.750000e-01 : f32
      %add3A_114 = vector.broadcast %add3A_113 : f32 to vector<16xf32>
      %add3A_115 = arith.addf %add3A_114, %mul3A_112 : vector<16xf32>
      %mul3A_116 = arith.mulf %add3A_115, %get3A_105 : vector<16xf32>
      %div3A = arith.constant 1.000000e+00 : f32
      %div3A_117 = vector.broadcast %div3A : f32 to vector<16xf32>
      %div3A_118 = arith.divf %div3A_117, %mul3A_116 : vector<16xf32>
      %swap3A = arith.index_cast %scan3A_102 : i32 to index
      %swap3A_119 = arith.constant 0 : index
      %swap3A_120 = tpu.vector_load %arg10[%swap3A, %swap3A_119] {strides = array<i32>} : memref<16x128xf32, #tpu.memory_space<vmem>>, vector<1x16xf32>,
      %swap3A_121 = vector.shape_cast %swap3A_120 : vector<1x16xf32> to vector<16xf32>
      %swap3A_122 = vector.shape_cast %div3A_118 : vector<16xf32> to vector<1x16xf32>
      tpu.vector_store %arg10[%swap3A, %swap3A_119], %swap3A_122 {strides = array<i32>} : memref<16x128xf32, #tpu.memory_space<vmem>>, vector<1x16xf32>,
      %get3A_123 = arith.index_cast %scan3A_102 : i32 to index
      %get3A_124 = arith.constant 16 : index
      %get3A_125 = tpu.vector_load %arg8[%get3A_123, %get3A_124] {strides = array<i32>} : memref<16x128xf32, #tpu.memory_space<vmem>>, vector<1x16xf32>,
      %get3A_126 = vector.shape_cast %get3A_125 : vector<1x16xf32> to vector<16xf32>
      %get3A_127 = arith.index_cast %scan3A_102 : i32 to index
      %get3A_128 = arith.constant 16 : index
      %get3A_129 = tpu.vector_load %arg9[%get3A_127, %get3A_128] {strides = array<i32>} : memref<16x128xf32, #tpu.memory_space<vmem>>, vector<1x16xf32>,
      %get3A_130 = vector.shape_cast %get3A_129 : vector<1x16xf32> to vector<16xf32>
      %mul3A_131 = arith.constant 2.500000e-01 : f32
      %mul3A_132 = vector.broadcast %mul3A_131 : f32 to vector<16xf32>
      %mul3A_133 = arith.mulf %mul3A_132, %get3A_130 : vector<16xf32>
      %add3A_134 = arith.constant 8.750000e-01 : f32
      %add3A_135 = vector.broadcast %add3A_134 : f32 to vector<16xf32>
      %add3A_136 = arith.addf %add3A_135, %mul3A_133 : vector<16xf32>
      %mul3A_137 = arith.mulf %add3A_136, %get3A_126 : vector<16xf32>
      %div3A_138 = arith.constant 1.000000e+00 : f32
      %div3A_139 = vector.broadcast %div3A_138 : f32 to vector<16xf32>
      %div3A_140 = arith.divf %div3A_139, %mul3A_137 : vector<16xf32>
      %swap3A_141 = arith.index_cast %scan3A_102 : i32 to index
      %swap3A_142 = arith.constant 16 : index
      %swap3A_143 = tpu.vector_load %arg10[%swap3A_141, %swap3A_142] {strides = array<i32>} : memref<16x128xf32, #tpu.memory_space<vmem>>, vector<1x16xf32>,
      %swap3A_144 = vector.shape_cast %swap3A_143 : vector<1x16xf32> to vector<16xf32>
      %swap3A_145 = vector.shape_cast %div3A_140 : vector<16xf32> to vector<1x16xf32>
      tpu.vector_store %arg10[%swap3A_141, %swap3A_142], %swap3A_145 {strides = array<i32>} : memref<16x128xf32, #tpu.memory_space<vmem>>, vector<1x16xf32>,
      %get3A_146 = arith.index_cast %scan3A_102 : i32 to index
      %get3A_147 = arith.constant 32 : index
      %get3A_148 = tpu.vector_load %arg8[%get3A_146, %get3A_147] {strides = array<i32>} : memref<16x128xf32, #tpu.memory_space<vmem>>, vector<1x16xf32>,
      %get3A_149 = vector.shape_cast %get3A_148 : vector<1x16xf32> to vector<16xf32>
      %get3A_150 = arith.index_cast %scan3A_102 : i32 to index
      %get3A_151 = arith.constant 32 : index
      %get3A_152 = tpu.vector_load %arg9[%get3A_150, %get3A_151] {strides = array<i32>} : memref<16x128xf32, #tpu.memory_space<vmem>>, vector<1x16xf32>,
      %get3A_153 = vector.shape_cast %get3A_152 : vector<1x16xf32> to vector<16xf32>
      %mul3A_154 = arith.constant 2.500000e-01 : f32
      %mul3A_155 = vector.broadcast %mul3A_154 : f32 to vector<16xf32>
      %mul3A_156 = arith.mulf %mul3A_155, %get3A_153 : vector<16xf32>
      %add3A_157 = arith.constant 8.750000e-01 : f32
      %add3A_158 = vector.broadcast %add3A_157 : f32 to vector<16xf32>
      %add3A_159 = arith.addf %add3A_158, %mul3A_156 : vector<16xf32>
      %mul3A_160 = arith.mulf %add3A_159, %get3A_149 : vector<16xf32>
      %div3A_161 = arith.constant 1.000000e+00 : f32
      %div3A_162 = vector.broadcast %div3A_161 : f32 to vector<16xf32>
      %div3A_163 = arith.divf %div3A_162, %mul3A_160 : vector<16xf32>
      %swap3A_164 = arith.index_cast %scan3A_102 : i32 to index
      %swap3A_165 = arith.constant 32 : index
      %swap3A_166 = tpu.vector_load %arg10[%swap3A_164, %swap3A_165] {strides = array<i32>} : memref<16x128xf32, #tpu.memory_space<vmem>>, vector<1x16xf32>,
      %swap3A_167 = vector.shape_cast %swap3A_166 : vector<1x16xf32> to vector<16xf32>
      %swap3A_168 = vector.shape_cast %div3A_163 : vector<16xf32> to vector<1x16xf32>
      tpu.vector_store %arg10[%swap3A_164, %swap3A_165], %swap3A_168 {strides = array<i32>} : memref<16x128xf32, #tpu.memory_space<vmem>>, vector<1x16xf32>,
      %get3A_169 = arith.index_cast %scan3A_102 : i32 to index
      %get3A_170 = arith.constant 48 : index
      %get3A_171 = tpu.vector_load %arg8[%get3A_169, %get3A_170] {strides = array<i32>} : memref<16x128xf32, #tpu.memory_space<vmem>>, vector<1x16xf32>,
      %get3A_172 = vector.shape_cast %get3A_171 : vector<1x16xf32> to vector<16xf32>
      %get3A_173 = arith.index_cast %scan3A_102 : i32 to index
      %get3A_174 = arith.constant 48 : index
      %get3A_175 = tpu.vector_load %arg9[%get3A_173, %get3A_174] {strides = array<i32>} : memref<16x128xf32, #tpu.memory_space<vmem>>, vector<1x16xf32>,
      %get3A_176 = vector.shape_cast %get3A_175 : vector<1x16xf32> to vector<16xf32>
      %mul3A_177 = arith.constant 2.500000e-01 : f32
      %mul3A_178 = vector.broadcast %mul3A_177 : f32 to vector<16xf32>
      %mul3A_179 = arith.mulf %mul3A_178, %get3A_176 : vector<16xf32>
      %add3A_180 = arith.constant 8.750000e-01 : f32
      %add3A_181 = vector.broadcast %add3A_180 : f32 to vector<16xf32>
      %add3A_182 = arith.addf %add3A_181, %mul3A_179 : vector<16xf32>
      %mul3A_183 = arith.mulf %add3A_182, %get3A_172 : vector<16xf32>
      %div3A_184 = arith.constant 1.000000e+00 : f32
      %div3A_185 = vector.broadcast %div3A_184 : f32 to vector<16xf32>
      %div3A_186 = arith.divf %div3A_185, %mul3A_183 : vector<16xf32>
      %swap3A_187 = arith.index_cast %scan3A_102 : i32 to index
      %swap3A_188 = arith.constant 48 : index
      %swap3A_189 = tpu.vector_load %arg10[%swap3A_187, %swap3A_188] {strides = array<i32>} : memref<16x128xf32, #tpu.memory_space<vmem>>, vector<1x16xf32>,
      %swap3A_190 = vector.shape_cast %swap3A_189 : vector<1x16xf32> to vector<16xf32>
      %swap3A_191 = vector.shape_cast %div3A_186 : vector<16xf32> to vector<1x16xf32>
      tpu.vector_store %arg10[%swap3A_187, %swap3A_188], %swap3A_191 {strides = array<i32>} : memref<16x128xf32, #tpu.memory_space<vmem>>, vector<1x16xf32>,
      %get3A_192 = arith.index_cast %scan3A_102 : i32 to index
      %get3A_193 = arith.constant 64 : index
      %get3A_194 = tpu.vector_load %arg8[%get3A_192, %get3A_193] {strides = array<i32>} : memref<16x128xf32, #tpu.memory_space<vmem>>, vector<1x16xf32>,
      %get3A_195 = vector.shape_cast %get3A_194 : vector<1x16xf32> to vector<16xf32>
      %get3A_196 = arith.index_cast %scan3A_102 : i32 to index
      %get3A_197 = arith.constant 64 : index
      %get3A_198 = tpu.vector_load %arg9[%get3A_196, %get3A_197] {strides = array<i32>} : memref<16x128xf32, #tpu.memory_space<vmem>>, vector<1x16xf32>,
      %get3A_199 = vector.shape_cast %get3A_198 : vector<1x16xf32> to vector<16xf32>
      %mul3A_200 = arith.constant 2.500000e-01 : f32
      %mul3A_201 = vector.broadcast %mul3A_200 : f32 to vector<16xf32>
      %mul3A_202 = arith.mulf %mul3A_201, %get3A_199 : vector<16xf32>
      %add3A_203 = arith.constant 8.750000e-01 : f32
      %add3A_204 = vector.broadcast %add3A_203 : f32 to vector<16xf32>
      %add3A_205 = arith.addf %add3A_204, %mul3A_202 : vector<16xf32>
      %mul3A_206 = arith.mulf %add3A_205, %get3A_195 : vector<16xf32>
      %div3A_207 = arith.constant 1.000000e+00 : f32
      %div3A_208 = vector.broadcast %div3A_207 : f32 to vector<16xf32>
      %div3A_209 = arith.divf %div3A_208, %mul3A_206 : vector<16xf32>
      %swap3A_210 = arith.index_cast %scan3A_102 : i32 to index
      %swap3A_211 = arith.constant 64 : index
      %swap3A_212 = tpu.vector_load %arg10[%swap3A_210, %swap3A_211] {strides = array<i32>} : memref<16x128xf32, #tpu.memory_space<vmem>>, vector<1x16xf32>,
      %swap3A_213 = vector.shape_cast %swap3A_212 : vector<1x16xf32> to vector<16xf32>
      %swap3A_214 = vector.shape_cast %div3A_209 : vector<16xf32> to vector<1x16xf32>
      tpu.vector_store %arg10[%swap3A_210, %swap3A_211], %swap3A_214 {strides = array<i32>} : memref<16x128xf32, #tpu.memory_space<vmem>>, vector<1x16xf32>,
      %get3A_215 = arith.index_cast %scan3A_102 : i32 to index
      %get3A_216 = arith.constant 80 : index
      %get3A_217 = tpu.vector_load %arg8[%get3A_215, %get3A_216] {strides = array<i32>} : memref<16x128xf32, #tpu.memory_space<vmem>>, vector<1x16xf32>,
      %get3A_218 = vector.shape_cast %get3A_217 : vector<1x16xf32> to vector<16xf32>
      %get3A_219 = arith.index_cast %scan3A_102 : i32 to index
      %get3A_220 = arith.constant 80 : index
      %get3A_221 = tpu.vector_load %arg9[%get3A_219, %get3A_220] {strides = array<i32>} : memref<16x128xf32, #tpu.memory_space<vmem>>, vector<1x16xf32>,
      %get3A_222 = vector.shape_cast %get3A_221 : vector<1x16xf32> to vector<16xf32>
      %mul3A_223 = arith.constant 2.500000e-01 : f32
      %mul3A_224 = vector.broadcast %mul3A_223 : f32 to vector<16xf32>
      %mul3A_225 = arith.mulf %mul3A_224, %get3A_222 : vector<16xf32>
      %add3A_226 = arith.constant 8.750000e-01 : f32
      %add3A_227 = vector.broadcast %add3A_226 : f32 to vector<16xf32>
      %add3A_228 = arith.addf %add3A_227, %mul3A_225 : vector<16xf32>
      %mul3A_229 = arith.mulf %add3A_228, %get3A_218 : vector<16xf32>
      %div3A_230 = arith.constant 1.000000e+00 : f32
      %div3A_231 = vector.broadcast %div3A_230 : f32 to vector<16xf32>
      %div3A_232 = arith.divf %div3A_231, %mul3A_229 : vector<16xf32>
      %swap3A_233 = arith.index_cast %scan3A_102 : i32 to index
      %swap3A_234 = arith.constant 80 : index
      %swap3A_235 = tpu.vector_load %arg10[%swap3A_233, %swap3A_234] {strides = array<i32>} : memref<16x128xf32, #tpu.memory_space<vmem>>, vector<1x16xf32>,
      %swap3A_236 = vector.shape_cast %swap3A_235 : vector<1x16xf32> to vector<16xf32>
      %swap3A_237 = vector.shape_cast %div3A_232 : vector<16xf32> to vector<1x16xf32>
      tpu.vector_store %arg10[%swap3A_233, %swap3A_234], %swap3A_237 {strides = array<i32>} : memref<16x128xf32, #tpu.memory_space<vmem>>, vector<1x16xf32>,
      %get3A_238 = arith.index_cast %scan3A_102 : i32 to index
      %get3A_239 = arith.constant 96 : index
      %get3A_240 = tpu.vector_load %arg8[%get3A_238, %get3A_239] {strides = array<i32>} : memref<16x128xf32, #tpu.memory_space<vmem>>, vector<1x16xf32>,
      %get3A_241 = vector.shape_cast %get3A_240 : vector<1x16xf32> to vector<16xf32>
      %get3A_242 = arith.index_cast %scan3A_102 : i32 to index
      %get3A_243 = arith.constant 96 : index
      %get3A_244 = tpu.vector_load %arg9[%get3A_242, %get3A_243] {strides = array<i32>} : memref<16x128xf32, #tpu.memory_space<vmem>>, vector<1x16xf32>,
      %get3A_245 = vector.shape_cast %get3A_244 : vector<1x16xf32> to vector<16xf32>
      %mul3A_246 = arith.constant 2.500000e-01 : f32
      %mul3A_247 = vector.broadcast %mul3A_246 : f32 to vector<16xf32>
      %mul3A_248 = arith.mulf %mul3A_247, %get3A_245 : vector<16xf32>
      %add3A_249 = arith.constant 8.750000e-01 : f32
      %add3A_250 = vector.broadcast %add3A_249 : f32 to vector<16xf32>
      %add3A_251 = arith.addf %add3A_250, %mul3A_248 : vector<16xf32>
      %mul3A_252 = arith.mulf %add3A_251, %get3A_241 : vector<16xf32>
      %div3A_253 = arith.constant 1.000000e+00 : f32
      %div3A_254 = vector.broadcast %div3A_253 : f32 to vector<16xf32>
      %div3A_255 = arith.divf %div3A_254, %mul3A_252 : vector<16xf32>
      %swap3A_256 = arith.index_cast %scan3A_102 : i32 to index
      %swap3A_257 = arith.constant 96 : index
      %swap3A_258 = tpu.vector_load %arg10[%swap3A_256, %swap3A_257] {strides = array<i32>} : memref<16x128xf32, #tpu.memory_space<vmem>>, vector<1x16xf32>,
      %swap3A_259 = vector.shape_cast %swap3A_258 : vector<1x16xf32> to vector<16xf32>
      %swap3A_260 = vector.shape_cast %div3A_255 : vector<16xf32> to vector<1x16xf32>
      tpu.vector_store %arg10[%swap3A_256, %swap3A_257], %swap3A_260 {strides = array<i32>} : memref<16x128xf32, #tpu.memory_space<vmem>>, vector<1x16xf32>,
      %get3A_261 = arith.index_cast %scan3A_102 : i32 to index
      %get3A_262 = arith.constant 112 : index
      %get3A_263 = tpu.vector_load %arg8[%get3A_261, %get3A_262] {strides = array<i32>} : memref<16x128xf32, #tpu.memory_space<vmem>>, vector<1x16xf32>,
      %get3A_264 = vector.shape_cast %get3A_263 : vector<1x16xf32> to vector<16xf32>
      %get3A_265 = arith.index_cast %scan3A_102 : i32 to index
      %get3A_266 = arith.constant 112 : index
      %get3A_267 = tpu.vector_load %arg9[%get3A_265, %get3A_266] {strides = array<i32>} : memref<16x128xf32, #tpu.memory_space<vmem>>, vector<1x16xf32>,
      %get3A_268 = vector.shape_cast %get3A_267 : vector<1x16xf32> to vector<16xf32>
      %mul3A_269 = arith.constant 2.500000e-01 : f32
      %mul3A_270 = vector.broadcast %mul3A_269 : f32 to vector<16xf32>
      %mul3A_271 = arith.mulf %mul3A_270, %get3A_268 : vector<16xf32>
      %add3A_272 = arith.constant 8.750000e-01 : f32
      %add3A_273 = vector.broadcast %add3A_272 : f32 to vector<16xf32>
      %add3A_274 = arith.addf %add3A_273, %mul3A_271 : vector<16xf32>
      %mul3A_275 = arith.mulf %add3A_274, %get3A_264 : vector<16xf32>
      %div3A_276 = arith.constant 1.000000e+00 : f32
      %div3A_277 = vector.broadcast %div3A_276 : f32 to vector<16xf32>
      %div3A_278 = arith.divf %div3A_277, %mul3A_275 : vector<16xf32>
      %swap3A_279 = arith.index_cast %scan3A_102 : i32 to index
      %swap3A_280 = arith.constant 112 : index
      %swap3A_281 = tpu.vector_load %arg10[%swap3A_279, %swap3A_280] {strides = array<i32>} : memref<16x128xf32, #tpu.memory_space<vmem>>, vector<1x16xf32>,
      %swap3A_282 = vector.shape_cast %swap3A_281 : vector<1x16xf32> to vector<16xf32>
      %swap3A_283 = vector.shape_cast %div3A_278 : vector<16xf32> to vector<1x16xf32>
      tpu.vector_store %arg10[%swap3A_279, %swap3A_280], %swap3A_283 {strides = array<i32>} : memref<16x128xf32, #tpu.memory_space<vmem>>, vector<1x16xf32>,
    }
    %scan3A_56 = arith.constant 16 : i32
    %scan3A_57 = arith.constant 0 : i32
    %scan3A_58 = arith.constant 0 : i32
    %scan3A_59 = arith.constant 4 : i32
    %scan3A_60 = arith.addi %scan3A_58, %scan3A_59 : i32
    %scan3A_61 = arith.constant 1 : i32
    scf.for %scan3A_102 = %scan3A_58 to %scan3A_60 step %scan3A_61  : i32 {
      %mul3A_103 = arith.constant 4 : i32
      %mul3A_104 = arith.muli %scan3A_102, %mul3A_103 : i32
      %add3A_105 = arith.constant 0 : i32
      %add3A_106 = arith.addi %mul3A_104, %add3A_105 : i32
      %add3A_107 = arith.constant 0 : i32
      %add3A_108 = arith.addi %mul3A_2, %add3A_107 : i32
      %dma_wait3A_109 = arith.constant 0 : i32
      %dma_wait3A_110 = arith.constant 0 : i32
      %dma_wait3A_111 = tpu.memref_slice %arg6[%dma_wait3A_109, %dma_wait3A_110] : memref<512x128xf32, #tpu.memory_space<vmem>> -> memref<128x128xf32, #tpu.memory_space<vmem>>
      %dma_wait3A_112 = tpu.memref_slice %arg2[%add3A_108, %mul3A_0] : memref<32768x256xf32, #tpu.memory_space<hbm>> -> memref<128x128xf32, #tpu.memory_space<hbm>>
      %dma_wait3A_113 = arith.constant 0 : i32
      %dma_wait3A_114 = arith.constant 0 : i32
      %dma_wait3A_115 = tpu.memref_slice %arg6[%dma_wait3A_113, %dma_wait3A_114] : memref<512x128xf32, #tpu.memory_space<vmem>> -> memref<128x128xf32, #tpu.memory_space<vmem>>
      %dma_wait3A_116 = tpu.memref_slice %arg2[%add3A_108, %mul3A_0] : memref<32768x256xf32, #tpu.memory_space<hbm>> -> memref<128x128xf32, #tpu.memory_space<hbm>>
      tpu.wait_dma2 semaphore(%arg12 : memref<!tpu.dma_semaphore, #tpu.memory_space<semaphore_mem>>) src(%dma_wait3A_116 : memref<128x128xf32, #tpu.memory_space<hbm>>) dst(%dma_wait3A_115 : memref<128x128xf32, #tpu.memory_space<vmem>>)
      %scan3A_117 = arith.constant 0 : i32
      %scan3A_118 = arith.constant 0 : i32
      %scan3A_119 = arith.constant 8 : i32
      %scan3A_120 = arith.addi %scan3A_118, %scan3A_119 : i32
      %scan3A_121 = arith.constant 1 : i32
      scf.for %scan3A_271 = %scan3A_118 to %scan3A_120 step %scan3A_121  : i32 {
        %mul3A_272 = arith.constant 128 : i32
        %mul3A_273 = arith.muli %add3A_106, %mul3A_272 : i32
        %mul3A_274 = arith.constant 16 : i32
        %mul3A_275 = arith.muli %scan3A_271, %mul3A_274 : i32
        %add3A_276 = arith.addi %mul3A_273, %mul3A_275 : i32
        %shift_right_logical3A = arith.constant 7 : i32
        %shift_right_logical3A_277 = arith.shrui %add3A_276, %shift_right_logical3A : i32
        %and3A = arith.constant 127 : i32
        %and3A_278 = arith.andi %add3A_276, %and3A : i32
        %get3A = arith.index_cast %shift_right_logical3A_277 : i32 to index
        %get3A_279 = arith.index_cast %and3A_278 : i32 to index
        %get3A_280 = tpu.vector_load %arg7[%get3A, %get3A_279] {strides = array<i32>} : memref<16x128xi32, #tpu.memory_space<vmem>>, vector<1x16xi32>,
        %get3A_281 = vector.shape_cast %get3A_280 : vector<1x16xi32> to vector<16xi32>
        %slice3A = vector.extract_strided_slice %get3A_281 {offsets = [0], sizes = [1], strides = [1]} : vector<16xi32> to vector<1xi32>
        %squeeze3A = vector.extract %slice3A[0] : i32 from vector<1xi32>
        %mul3A_282 = arith.constant 16 : i32
        %mul3A_283 = arith.muli %scan3A_271, %mul3A_282 : i32
        %add3A_284 = arith.constant 0 : i32
        %add3A_285 = arith.addi %add3A_284, %mul3A_283 : i32
        %slice3A_286 = vector.extract_strided_slice %get3A_281 {offsets = [15], sizes = [1], strides = [1]} : vector<16xi32> to vector<1xi32>
        %squeeze3A_287 = vector.extract %slice3A_286[0] : i32 from vector<1xi32>
        %eq3A_288 = arith.cmpi eq, %squeeze3A, %squeeze3A_287 : i32
        %convert_element_type3A_289 = arith.extui %eq3A_288 : i1 to i32
        %cond3A_290 = arith.constant 0 : i32
        %cond3A_291 = arith.cmpi ne, %convert_element_type3A_289, %cond3A_290 : i32
        scf.if %cond3A_291 {
          %get3A_292 = arith.index_cast %squeeze3A : i32 to index
          %get3A_293 = arith.constant 0 : index
          %get3A_294 = tpu.vector_load %arg10[%get3A_292, %get3A_293] {strides = array<i32>} : memref<16x128xf32, #tpu.memory_space<vmem>>, vector<1x16xf32>,
          %get3A_295 = vector.shape_cast %get3A_294 : vector<1x16xf32> to vector<16xf32>
          %get3A_296 = arith.index_cast %squeeze3A : i32 to index
          %get3A_297 = arith.constant 16 : index
          %get3A_298 = tpu.vector_load %arg10[%get3A_296, %get3A_297] {strides = array<i32>} : memref<16x128xf32, #tpu.memory_space<vmem>>, vector<1x16xf32>,
          %get3A_299 = vector.shape_cast %get3A_298 : vector<1x16xf32> to vector<16xf32>
          %get3A_300 = arith.index_cast %squeeze3A : i32 to index
          %get3A_301 = arith.constant 32 : index
          %get3A_302 = tpu.vector_load %arg10[%get3A_300, %get3A_301] {strides = array<i32>} : memref<16x128xf32, #tpu.memory_space<vmem>>, vector<1x16xf32>,
          %get3A_303 = vector.shape_cast %get3A_302 : vector<1x16xf32> to vector<16xf32>
          %get3A_304 = arith.index_cast %squeeze3A : i32 to index
          %get3A_305 = arith.constant 48 : index
          %get3A_306 = tpu.vector_load %arg10[%get3A_304, %get3A_305] {strides = array<i32>} : memref<16x128xf32, #tpu.memory_space<vmem>>, vector<1x16xf32>,
          %get3A_307 = vector.shape_cast %get3A_306 : vector<1x16xf32> to vector<16xf32>
          %get3A_308 = arith.index_cast %squeeze3A : i32 to index
          %get3A_309 = arith.constant 64 : index
          %get3A_310 = tpu.vector_load %arg10[%get3A_308, %get3A_309] {strides = array<i32>} : memref<16x128xf32, #tpu.memory_space<vmem>>, vector<1x16xf32>,
          %get3A_311 = vector.shape_cast %get3A_310 : vector<1x16xf32> to vector<16xf32>
          %get3A_312 = arith.index_cast %squeeze3A : i32 to index
          %get3A_313 = arith.constant 80 : index
          %get3A_314 = tpu.vector_load %arg10[%get3A_312, %get3A_313] {strides = array<i32>} : memref<16x128xf32, #tpu.memory_space<vmem>>, vector<1x16xf32>,
          %get3A_315 = vector.shape_cast %get3A_314 : vector<1x16xf32> to vector<16xf32>
          %get3A_316 = arith.index_cast %squeeze3A : i32 to index
          %get3A_317 = arith.constant 96 : index
          %get3A_318 = tpu.vector_load %arg10[%get3A_316, %get3A_317] {strides = array<i32>} : memref<16x128xf32, #tpu.memory_space<vmem>>, vector<1x16xf32>,
          %get3A_319 = vector.shape_cast %get3A_318 : vector<1x16xf32> to vector<16xf32>
          %get3A_320 = arith.index_cast %squeeze3A : i32 to index
          %get3A_321 = arith.constant 112 : index
          %get3A_322 = tpu.vector_load %arg10[%get3A_320, %get3A_321] {strides = array<i32>} : memref<16x128xf32, #tpu.memory_space<vmem>>, vector<1x16xf32>,
          %get3A_323 = vector.shape_cast %get3A_322 : vector<1x16xf32> to vector<16xf32>
          %parallel_loop3A = arith.constant 0 : i32
          %parallel_loop3A_324 = arith.constant 16 : i32
          %parallel_loop3A_325 = arith.constant 1 : i32
          scf.for %parallel_loop3A_326 = %parallel_loop3A to %parallel_loop3A_324 step %parallel_loop3A_325  : i32 {
            %parallel_loop3A_327 = arith.addi %add3A_285, %parallel_loop3A_326 : i32
            %parallel_loop3A_328 = arith.index_cast %parallel_loop3A_327 : i32 to index
            %parallel_loop3A_329 = arith.constant 0 : index
            %parallel_loop3A_330 = tpu.vector_load %arg6[%parallel_loop3A_328, %parallel_loop3A_329] {strides = array<i32>} : memref<512x128xf32, #tpu.memory_space<vmem>>, vector<1x16xf32>,
            %parallel_loop3A_331 = vector.shape_cast %parallel_loop3A_330 : vector<1x16xf32> to vector<16xf32>
            %parallel_loop3A_332 = arith.mulf %parallel_loop3A_331, %get3A_295 : vector<16xf32>
            %parallel_loop3A_333 = arith.addi %add3A_285, %parallel_loop3A_326 : i32
            %parallel_loop3A_334 = arith.index_cast %parallel_loop3A_333 : i32 to index
            %parallel_loop3A_335 = arith.constant 0 : index
            %parallel_loop3A_336 = tpu.vector_load %arg6[%parallel_loop3A_334, %parallel_loop3A_335] {strides = array<i32>} : memref<512x128xf32, #tpu.memory_space<vmem>>, vector<1x16xf32>,
            %parallel_loop3A_337 = vector.shape_cast %parallel_loop3A_336 : vector<1x16xf32> to vector<16xf32>
            %parallel_loop3A_338 = vector.shape_cast %parallel_loop3A_332 : vector<16xf32> to vector<1x16xf32>
            tpu.vector_store %arg6[%parallel_loop3A_334, %parallel_loop3A_335], %parallel_loop3A_338 {strides = array<i32>} : memref<512x128xf32, #tpu.memory_space<vmem>>, vector<1x16xf32>,
            %parallel_loop3A_339 = arith.addi %add3A_285, %parallel_loop3A_326 : i32
            %parallel_loop3A_340 = arith.index_cast %parallel_loop3A_339 : i32 to index
            %parallel_loop3A_341 = arith.constant 16 : index
            %parallel_loop3A_342 = tpu.vector_load %arg6[%parallel_loop3A_340, %parallel_loop3A_341] {strides = array<i32>} : memref<512x128xf32, #tpu.memory_space<vmem>>, vector<1x16xf32>,
            %parallel_loop3A_343 = vector.shape_cast %parallel_loop3A_342 : vector<1x16xf32> to vector<16xf32>
            %parallel_loop3A_344 = arith.mulf %parallel_loop3A_343, %get3A_299 : vector<16xf32>
            %parallel_loop3A_345 = arith.addi %add3A_285, %parallel_loop3A_326 : i32
            %parallel_loop3A_346 = arith.index_cast %parallel_loop3A_345 : i32 to index
            %parallel_loop3A_347 = arith.constant 16 : index
            %parallel_loop3A_348 = tpu.vector_load %arg6[%parallel_loop3A_346, %parallel_loop3A_347] {strides = array<i32>} : memref<512x128xf32, #tpu.memory_space<vmem>>, vector<1x16xf32>,
            %parallel_loop3A_349 = vector.shape_cast %parallel_loop3A_348 : vector<1x16xf32> to vector<16xf32>
            %parallel_loop3A_350 = vector.shape_cast %parallel_loop3A_344 : vector<16xf32> to vector<1x16xf32>
            tpu.vector_store %arg6[%parallel_loop3A_346, %parallel_loop3A_347], %parallel_loop3A_350 {strides = array<i32>} : memref<512x128xf32, #tpu.memory_space<vmem>>, vector<1x16xf32>,
            %parallel_loop3A_351 = arith.addi %add3A_285, %parallel_loop3A_326 : i32
            %parallel_loop3A_352 = arith.index_cast %parallel_loop3A_351 : i32 to index
            %parallel_loop3A_353 = arith.constant 32 : index
            %parallel_loop3A_354 = tpu.vector_load %arg6[%parallel_loop3A_352, %parallel_loop3A_353] {strides = array<i32>} : memref<512x128xf32, #tpu.memory_space<vmem>>, vector<1x16xf32>,
            %parallel_loop3A_355 = vector.shape_cast %parallel_loop3A_354 : vector<1x16xf32> to vector<16xf32>
            %parallel_loop3A_356 = arith.mulf %parallel_loop3A_355, %get3A_303 : vector<16xf32>
            %parallel_loop3A_357 = arith.addi %add3A_285, %parallel_loop3A_326 : i32
            %parallel_loop3A_358 = arith.index_cast %parallel_loop3A_357 : i32 to index
            %parallel_loop3A_359 = arith.constant 32 : index
            %parallel_loop3A_360 = tpu.vector_load %arg6[%parallel_loop3A_358, %parallel_loop3A_359] {strides = array<i32>} : memref<512x128xf32, #tpu.memory_space<vmem>>, vector<1x16xf32>,
            %parallel_loop3A_361 = vector.shape_cast %parallel_loop3A_360 : vector<1x16xf32> to vector<16xf32>
            %parallel_loop3A_362 = vector.shape_cast %parallel_loop3A_356 : vector<16xf32> to vector<1x16xf32>
            tpu.vector_store %arg6[%parallel_loop3A_358, %parallel_loop3A_359], %parallel_loop3A_362 {strides = array<i32>} : memref<512x128xf32, #tpu.memory_space<vmem>>, vector<1x16xf32>,
            %parallel_loop3A_363 = arith.addi %add3A_285, %parallel_loop3A_326 : i32
            %parallel_loop3A_364 = arith.index_cast %parallel_loop3A_363 : i32 to index
            %parallel_loop3A_365 = arith.constant 48 : index
            %parallel_loop3A_366 = tpu.vector_load %arg6[%parallel_loop3A_364, %parallel_loop3A_365] {strides = array<i32>} : memref<512x128xf32, #tpu.memory_space<vmem>>, vector<1x16xf32>,
            %parallel_loop3A_367 = vector.shape_cast %parallel_loop3A_366 : vector<1x16xf32> to vector<16xf32>
            %parallel_loop3A_368 = arith.mulf %parallel_loop3A_367, %get3A_307 : vector<16xf32>
            %parallel_loop3A_369 = arith.addi %add3A_285, %parallel_loop3A_326 : i32
            %parallel_loop3A_370 = arith.index_cast %parallel_loop3A_369 : i32 to index
            %parallel_loop3A_371 = arith.constant 48 : index
            %parallel_loop3A_372 = tpu.vector_load %arg6[%parallel_loop3A_370, %parallel_loop3A_371] {strides = array<i32>} : memref<512x128xf32, #tpu.memory_space<vmem>>, vector<1x16xf32>,
            %parallel_loop3A_373 = vector.shape_cast %parallel_loop3A_372 : vector<1x16xf32> to vector<16xf32>
            %parallel_loop3A_374 = vector.shape_cast %parallel_loop3A_368 : vector<16xf32> to vector<1x16xf32>
            tpu.vector_store %arg6[%parallel_loop3A_370, %parallel_loop3A_371], %parallel_loop3A_374 {strides = array<i32>} : memref<512x128xf32, #tpu.memory_space<vmem>>, vector<1x16xf32>,
            %parallel_loop3A_375 = arith.addi %add3A_285, %parallel_loop3A_326 : i32
            %parallel_loop3A_376 = arith.index_cast %parallel_loop3A_375 : i32 to index
            %parallel_loop3A_377 = arith.constant 64 : index
            %parallel_loop3A_378 = tpu.vector_load %arg6[%parallel_loop3A_376, %parallel_loop3A_377] {strides = array<i32>} : memref<512x128xf32, #tpu.memory_space<vmem>>, vector<1x16xf32>,
            %parallel_loop3A_379 = vector.shape_cast %parallel_loop3A_378 : vector<1x16xf32> to vector<16xf32>
            %parallel_loop3A_380 = arith.mulf %parallel_loop3A_379, %get3A_311 : vector<16xf32>
            %parallel_loop3A_381 = arith.addi %add3A_285, %parallel_loop3A_326 : i32
            %parallel_loop3A_382 = arith.index_cast %parallel_loop3A_381 : i32 to index
            %parallel_loop3A_383 = arith.constant 64 : index
            %parallel_loop3A_384 = tpu.vector_load %arg6[%parallel_loop3A_382, %parallel_loop3A_383] {strides = array<i32>} : memref<512x128xf32, #tpu.memory_space<vmem>>, vector<1x16xf32>,
            %parallel_loop3A_385 = vector.shape_cast %parallel_loop3A_384 : vector<1x16xf32> to vector<16xf32>
            %parallel_loop3A_386 = vector.shape_cast %parallel_loop3A_380 : vector<16xf32> to vector<1x16xf32>
            tpu.vector_store %arg6[%parallel_loop3A_382, %parallel_loop3A_383], %parallel_loop3A_386 {strides = array<i32>} : memref<512x128xf32, #tpu.memory_space<vmem>>, vector<1x16xf32>,
            %parallel_loop3A_387 = arith.addi %add3A_285, %parallel_loop3A_326 : i32
            %parallel_loop3A_388 = arith.index_cast %parallel_loop3A_387 : i32 to index
            %parallel_loop3A_389 = arith.constant 80 : index
            %parallel_loop3A_390 = tpu.vector_load %arg6[%parallel_loop3A_388, %parallel_loop3A_389] {strides = array<i32>} : memref<512x128xf32, #tpu.memory_space<vmem>>, vector<1x16xf32>,
            %parallel_loop3A_391 = vector.shape_cast %parallel_loop3A_390 : vector<1x16xf32> to vector<16xf32>
            %parallel_loop3A_392 = arith.mulf %parallel_loop3A_391, %get3A_315 : vector<16xf32>
            %parallel_loop3A_393 = arith.addi %add3A_285, %parallel_loop3A_326 : i32
            %parallel_loop3A_394 = arith.index_cast %parallel_loop3A_393 : i32 to index
            %parallel_loop3A_395 = arith.constant 80 : index
            %parallel_loop3A_396 = tpu.vector_load %arg6[%parallel_loop3A_394, %parallel_loop3A_395] {strides = array<i32>} : memref<512x128xf32, #tpu.memory_space<vmem>>, vector<1x16xf32>,
            %parallel_loop3A_397 = vector.shape_cast %parallel_loop3A_396 : vector<1x16xf32> to vector<16xf32>
            %parallel_loop3A_398 = vector.shape_cast %parallel_loop3A_392 : vector<16xf32> to vector<1x16xf32>
            tpu.vector_store %arg6[%parallel_loop3A_394, %parallel_loop3A_395], %parallel_loop3A_398 {strides = array<i32>} : memref<512x128xf32, #tpu.memory_space<vmem>>, vector<1x16xf32>,
            %parallel_loop3A_399 = arith.addi %add3A_285, %parallel_loop3A_326 : i32
            %parallel_loop3A_400 = arith.index_cast %parallel_loop3A_399 : i32 to index
            %parallel_loop3A_401 = arith.constant 96 : index
            %parallel_loop3A_402 = tpu.vector_load %arg6[%parallel_loop3A_400, %parallel_loop3A_401] {strides = array<i32>} : memref<512x128xf32, #tpu.memory_space<vmem>>, vector<1x16xf32>,
            %parallel_loop3A_403 = vector.shape_cast %parallel_loop3A_402 : vector<1x16xf32> to vector<16xf32>
            %parallel_loop3A_404 = arith.mulf %parallel_loop3A_403, %get3A_319 : vector<16xf32>
            %parallel_loop3A_405 = arith.addi %add3A_285, %parallel_loop3A_326 : i32
            %parallel_loop3A_406 = arith.index_cast %parallel_loop3A_405 : i32 to index
            %parallel_loop3A_407 = arith.constant 96 : index
            %parallel_loop3A_408 = tpu.vector_load %arg6[%parallel_loop3A_406, %parallel_loop3A_407] {strides = array<i32>} : memref<512x128xf32, #tpu.memory_space<vmem>>, vector<1x16xf32>,
            %parallel_loop3A_409 = vector.shape_cast %parallel_loop3A_408 : vector<1x16xf32> to vector<16xf32>
            %parallel_loop3A_410 = vector.shape_cast %parallel_loop3A_404 : vector<16xf32> to vector<1x16xf32>
            tpu.vector_store %arg6[%parallel_loop3A_406, %parallel_loop3A_407], %parallel_loop3A_410 {strides = array<i32>} : memref<512x128xf32, #tpu.memory_space<vmem>>, vector<1x16xf32>,
            %parallel_loop3A_411 = arith.addi %add3A_285, %parallel_loop3A_326 : i32
            %parallel_loop3A_412 = arith.index_cast %parallel_loop3A_411 : i32 to index
            %parallel_loop3A_413 = arith.constant 112 : index
            %parallel_loop3A_414 = tpu.vector_load %arg6[%parallel_loop3A_412, %parallel_loop3A_413] {strides = array<i32>} : memref<512x128xf32, #tpu.memory_space<vmem>>, vector<1x16xf32>,
            %parallel_loop3A_415 = vector.shape_cast %parallel_loop3A_414 : vector<1x16xf32> to vector<16xf32>
            %parallel_loop3A_416 = arith.mulf %parallel_loop3A_415, %get3A_323 : vector<16xf32>
            %parallel_loop3A_417 = arith.addi %add3A_285, %parallel_loop3A_326 : i32
            %parallel_loop3A_418 = arith.index_cast %parallel_loop3A_417 : i32 to index
            %parallel_loop3A_419 = arith.constant 112 : index
            %parallel_loop3A_420 = tpu.vector_load %arg6[%parallel_loop3A_418, %parallel_loop3A_419] {strides = array<i32>} : memref<512x128xf32, #tpu.memory_space<vmem>>, vector<1x16xf32>,
            %parallel_loop3A_421 = vector.shape_cast %parallel_loop3A_420 : vector<1x16xf32> to vector<16xf32>
            %parallel_loop3A_422 = vector.shape_cast %parallel_loop3A_416 : vector<16xf32> to vector<1x16xf32>
            tpu.vector_store %arg6[%parallel_loop3A_418, %parallel_loop3A_419], %parallel_loop3A_422 {strides = array<i32>} : memref<512x128xf32, #tpu.memory_space<vmem>>, vector<1x16xf32>,
          } {sc.loop_unroll_factor = 2 : i64, sc.parallel_access}
        } else {
          %slice3A_292 = vector.extract_strided_slice %get3A_281 {offsets = [0], sizes = [1], strides = [1]} : vector<16xi32> to vector<1xi32>
          %squeeze3A_293 = vector.extract %slice3A_292[0] : i32 from vector<1xi32>
          %scan3A_294 = arith.constant 0 : i32
          %scan3A_295 = arith.constant 0 : i32
          %scan3A_296 = arith.constant 8 : i32
          %scan3A_297 = arith.addi %scan3A_295, %scan3A_296 : i32
          %scan3A_298 = arith.constant 1 : i32
          scf.for %scan3A_420 = %scan3A_295 to %scan3A_297 step %scan3A_298  : i32 {
            %mul3A_421 = arith.constant 16 : i32
            %mul3A_422 = arith.muli %scan3A_420, %mul3A_421 : i32
            %add3A_423 = arith.constant 0 : i32
            %add3A_424 = arith.addi %add3A_285, %add3A_423 : i32
            %get3A_425 = arith.index_cast %add3A_424 : i32 to index
            %get3A_426 = arith.index_cast %mul3A_422 : i32 to index
            %get3A_427 = tpu.vector_load %arg6[%get3A_425, %get3A_426] {strides = array<i32>} : memref<512x128xf32, #tpu.memory_space<vmem>>, vector<1x16xf32>,
            %get3A_428 = vector.shape_cast %get3A_427 : vector<1x16xf32> to vector<16xf32>
            %get3A_429 = arith.index_cast %squeeze3A_293 : i32 to index
            %get3A_430 = arith.index_cast %mul3A_422 : i32 to index
            %get3A_431 = tpu.vector_load %arg10[%get3A_429, %get3A_430] {strides = array<i32>} : memref<16x128xf32, #tpu.memory_space<vmem>>, vector<1x16xf32>,
            %get3A_432 = vector.shape_cast %get3A_431 : vector<1x16xf32> to vector<16xf32>
            %mul3A_433 = arith.mulf %get3A_428, %get3A_432 : vector<16xf32>
            %add3A_434 = arith.constant 0 : i32
            %add3A_435 = arith.addi %add3A_285, %add3A_434 : i32
            %swap3A = arith.index_cast %add3A_435 : i32 to index
            %swap3A_436 = arith.index_cast %mul3A_422 : i32 to index
            %swap3A_437 = tpu.vector_load %arg6[%swap3A, %swap3A_436] {strides = array<i32>} : memref<512x128xf32, #tpu.memory_space<vmem>>, vector<1x16xf32>,
            %swap3A_438 = vector.shape_cast %swap3A_437 : vector<1x16xf32> to vector<16xf32>
            %swap3A_439 = vector.shape_cast %mul3A_433 : vector<16xf32> to vector<1x16xf32>
            tpu.vector_store %arg6[%swap3A, %swap3A_436], %swap3A_439 {strides = array<i32>} : memref<512x128xf32, #tpu.memory_space<vmem>>, vector<1x16xf32>,
          }
          %scan3A_299 = arith.constant 8 : i32
          %slice3A_300 = vector.extract_strided_slice %get3A_281 {offsets = [1], sizes = [1], strides = [1]} : vector<16xi32> to vector<1xi32>
          %squeeze3A_301 = vector.extract %slice3A_300[0] : i32 from vector<1xi32>
          %scan3A_302 = arith.constant 0 : i32
          %scan3A_303 = arith.constant 0 : i32
          %scan3A_304 = arith.constant 8 : i32
          %scan3A_305 = arith.addi %scan3A_303, %scan3A_304 : i32
          %scan3A_306 = arith.constant 1 : i32
          scf.for %scan3A_420 = %scan3A_303 to %scan3A_305 step %scan3A_306  : i32 {
            %mul3A_421 = arith.constant 16 : i32
            %mul3A_422 = arith.muli %scan3A_420, %mul3A_421 : i32
            %add3A_423 = arith.constant 1 : i32
            %add3A_424 = arith.addi %add3A_285, %add3A_423 : i32
            %get3A_425 = arith.index_cast %add3A_424 : i32 to index
            %get3A_426 = arith.index_cast %mul3A_422 : i32 to index
            %get3A_427 = tpu.vector_load %arg6[%get3A_425, %get3A_426] {strides = array<i32>} : memref<512x128xf32, #tpu.memory_space<vmem>>, vector<1x16xf32>,
            %get3A_428 = vector.shape_cast %get3A_427 : vector<1x16xf32> to vector<16xf32>
            %get3A_429 = arith.index_cast %squeeze3A_301 : i32 to index
            %get3A_430 = arith.index_cast %mul3A_422 : i32 to index
            %get3A_431 = tpu.vector_load %arg10[%get3A_429, %get3A_430] {strides = array<i32>} : memref<16x128xf32, #tpu.memory_space<vmem>>, vector<1x16xf32>,
            %get3A_432 = vector.shape_cast %get3A_431 : vector<1x16xf32> to vector<16xf32>
            %mul3A_433 = arith.mulf %get3A_428, %get3A_432 : vector<16xf32>
            %add3A_434 = arith.constant 1 : i32
            %add3A_435 = arith.addi %add3A_285, %add3A_434 : i32
            %swap3A = arith.index_cast %add3A_435 : i32 to index
            %swap3A_436 = arith.index_cast %mul3A_422 : i32 to index
            %swap3A_437 = tpu.vector_load %arg6[%swap3A, %swap3A_436] {strides = array<i32>} : memref<512x128xf32, #tpu.memory_space<vmem>>, vector<1x16xf32>,
            %swap3A_438 = vector.shape_cast %swap3A_437 : vector<1x16xf32> to vector<16xf32>
            %swap3A_439 = vector.shape_cast %mul3A_433 : vector<16xf32> to vector<1x16xf32>
            tpu.vector_store %arg6[%swap3A, %swap3A_436], %swap3A_439 {strides = array<i32>} : memref<512x128xf32, #tpu.memory_space<vmem>>, vector<1x16xf32>,
          }
          %scan3A_307 = arith.constant 8 : i32
          %slice3A_308 = vector.extract_strided_slice %get3A_281 {offsets = [2], sizes = [1], strides = [1]} : vector<16xi32> to vector<1xi32>
          %squeeze3A_309 = vector.extract %slice3A_308[0] : i32 from vector<1xi32>
          %scan3A_310 = arith.constant 0 : i32
          %scan3A_311 = arith.constant 0 : i32
          %scan3A_312 = arith.constant 8 : i32
          %scan3A_313 = arith.addi %scan3A_311, %scan3A_312 : i32
          %scan3A_314 = arith.constant 1 : i32
          scf.for %scan3A_420 = %scan3A_311 to %scan3A_313 step %scan3A_314  : i32 {
            %mul3A_421 = arith.constant 16 : i32
            %mul3A_422 = arith.muli %scan3A_420, %mul3A_421 : i32
            %add3A_423 = arith.constant 2 : i32
            %add3A_424 = arith.addi %add3A_285, %add3A_423 : i32
            %get3A_425 = arith.index_cast %add3A_424 : i32 to index
            %get3A_426 = arith.index_cast %mul3A_422 : i32 to index
            %get3A_427 = tpu.vector_load %arg6[%get3A_425, %get3A_426] {strides = array<i32>} : memref<512x128xf32, #tpu.memory_space<vmem>>, vector<1x16xf32>,
            %get3A_428 = vector.shape_cast %get3A_427 : vector<1x16xf32> to vector<16xf32>
            %get3A_429 = arith.index_cast %squeeze3A_309 : i32 to index
            %get3A_430 = arith.index_cast %mul3A_422 : i32 to index
            %get3A_431 = tpu.vector_load %arg10[%get3A_429, %get3A_430] {strides = array<i32>} : memref<16x128xf32, #tpu.memory_space<vmem>>, vector<1x16xf32>,
            %get3A_432 = vector.shape_cast %get3A_431 : vector<1x16xf32> to vector<16xf32>
            %mul3A_433 = arith.mulf %get3A_428, %get3A_432 : vector<16xf32>
            %add3A_434 = arith.constant 2 : i32
            %add3A_435 = arith.addi %add3A_285, %add3A_434 : i32
            %swap3A = arith.index_cast %add3A_435 : i32 to index
            %swap3A_436 = arith.index_cast %mul3A_422 : i32 to index
            %swap3A_437 = tpu.vector_load %arg6[%swap3A, %swap3A_436] {strides = array<i32>} : memref<512x128xf32, #tpu.memory_space<vmem>>, vector<1x16xf32>,
            %swap3A_438 = vector.shape_cast %swap3A_437 : vector<1x16xf32> to vector<16xf32>
            %swap3A_439 = vector.shape_cast %mul3A_433 : vector<16xf32> to vector<1x16xf32>
            tpu.vector_store %arg6[%swap3A, %swap3A_436], %swap3A_439 {strides = array<i32>} : memref<512x128xf32, #tpu.memory_space<vmem>>, vector<1x16xf32>,
          }
          %scan3A_315 = arith.constant 8 : i32
          %slice3A_316 = vector.extract_strided_slice %get3A_281 {offsets = [3], sizes = [1], strides = [1]} : vector<16xi32> to vector<1xi32>
          %squeeze3A_317 = vector.extract %slice3A_316[0] : i32 from vector<1xi32>
          %scan3A_318 = arith.constant 0 : i32
          %scan3A_319 = arith.constant 0 : i32
          %scan3A_320 = arith.constant 8 : i32
          %scan3A_321 = arith.addi %scan3A_319, %scan3A_320 : i32
          %scan3A_322 = arith.constant 1 : i32
          scf.for %scan3A_420 = %scan3A_319 to %scan3A_321 step %scan3A_322  : i32 {
            %mul3A_421 = arith.constant 16 : i32
            %mul3A_422 = arith.muli %scan3A_420, %mul3A_421 : i32
            %add3A_423 = arith.constant 3 : i32
            %add3A_424 = arith.addi %add3A_285, %add3A_423 : i32
            %get3A_425 = arith.index_cast %add3A_424 : i32 to index
            %get3A_426 = arith.index_cast %mul3A_422 : i32 to index
            %get3A_427 = tpu.vector_load %arg6[%get3A_425, %get3A_426] {strides = array<i32>} : memref<512x128xf32, #tpu.memory_space<vmem>>, vector<1x16xf32>,
            %get3A_428 = vector.shape_cast %get3A_427 : vector<1x16xf32> to vector<16xf32>
            %get3A_429 = arith.index_cast %squeeze3A_317 : i32 to index
            %get3A_430 = arith.index_cast %mul3A_422 : i32 to index
            %get3A_431 = tpu.vector_load %arg10[%get3A_429, %get3A_430] {strides = array<i32>} : memref<16x128xf32, #tpu.memory_space<vmem>>, vector<1x16xf32>,
            %get3A_432 = vector.shape_cast %get3A_431 : vector<1x16xf32> to vector<16xf32>
            %mul3A_433 = arith.mulf %get3A_428, %get3A_432 : vector<16xf32>
            %add3A_434 = arith.constant 3 : i32
            %add3A_435 = arith.addi %add3A_285, %add3A_434 : i32
            %swap3A = arith.index_cast %add3A_435 : i32 to index
            %swap3A_436 = arith.index_cast %mul3A_422 : i32 to index
            %swap3A_437 = tpu.vector_load %arg6[%swap3A, %swap3A_436] {strides = array<i32>} : memref<512x128xf32, #tpu.memory_space<vmem>>, vector<1x16xf32>,
            %swap3A_438 = vector.shape_cast %swap3A_437 : vector<1x16xf32> to vector<16xf32>
            %swap3A_439 = vector.shape_cast %mul3A_433 : vector<16xf32> to vector<1x16xf32>
            tpu.vector_store %arg6[%swap3A, %swap3A_436], %swap3A_439 {strides = array<i32>} : memref<512x128xf32, #tpu.memory_space<vmem>>, vector<1x16xf32>,
          }
          %scan3A_323 = arith.constant 8 : i32
          %slice3A_324 = vector.extract_strided_slice %get3A_281 {offsets = [4], sizes = [1], strides = [1]} : vector<16xi32> to vector<1xi32>
          %squeeze3A_325 = vector.extract %slice3A_324[0] : i32 from vector<1xi32>
          %scan3A_326 = arith.constant 0 : i32
          %scan3A_327 = arith.constant 0 : i32
          %scan3A_328 = arith.constant 8 : i32
          %scan3A_329 = arith.addi %scan3A_327, %scan3A_328 : i32
          %scan3A_330 = arith.constant 1 : i32
          scf.for %scan3A_420 = %scan3A_327 to %scan3A_329 step %scan3A_330  : i32 {
            %mul3A_421 = arith.constant 16 : i32
            %mul3A_422 = arith.muli %scan3A_420, %mul3A_421 : i32
            %add3A_423 = arith.constant 4 : i32
            %add3A_424 = arith.addi %add3A_285, %add3A_423 : i32
            %get3A_425 = arith.index_cast %add3A_424 : i32 to index
            %get3A_426 = arith.index_cast %mul3A_422 : i32 to index
            %get3A_427 = tpu.vector_load %arg6[%get3A_425, %get3A_426] {strides = array<i32>} : memref<512x128xf32, #tpu.memory_space<vmem>>, vector<1x16xf32>,
            %get3A_428 = vector.shape_cast %get3A_427 : vector<1x16xf32> to vector<16xf32>
            %get3A_429 = arith.index_cast %squeeze3A_325 : i32 to index
            %get3A_430 = arith.index_cast %mul3A_422 : i32 to index
            %get3A_431 = tpu.vector_load %arg10[%get3A_429, %get3A_430] {strides = array<i32>} : memref<16x128xf32, #tpu.memory_space<vmem>>, vector<1x16xf32>,
            %get3A_432 = vector.shape_cast %get3A_431 : vector<1x16xf32> to vector<16xf32>
            %mul3A_433 = arith.mulf %get3A_428, %get3A_432 : vector<16xf32>
            %add3A_434 = arith.constant 4 : i32
            %add3A_435 = arith.addi %add3A_285, %add3A_434 : i32
            %swap3A = arith.index_cast %add3A_435 : i32 to index
            %swap3A_436 = arith.index_cast %mul3A_422 : i32 to index
            %swap3A_437 = tpu.vector_load %arg6[%swap3A, %swap3A_436] {strides = array<i32>} : memref<512x128xf32, #tpu.memory_space<vmem>>, vector<1x16xf32>,
            %swap3A_438 = vector.shape_cast %swap3A_437 : vector<1x16xf32> to vector<16xf32>
            %swap3A_439 = vector.shape_cast %mul3A_433 : vector<16xf32> to vector<1x16xf32>
            tpu.vector_store %arg6[%swap3A, %swap3A_436], %swap3A_439 {strides = array<i32>} : memref<512x128xf32, #tpu.memory_space<vmem>>, vector<1x16xf32>,
          }
          %scan3A_331 = arith.constant 8 : i32
          %slice3A_332 = vector.extract_strided_slice %get3A_281 {offsets = [5], sizes = [1], strides = [1]} : vector<16xi32> to vector<1xi32>
          %squeeze3A_333 = vector.extract %slice3A_332[0] : i32 from vector<1xi32>
          %scan3A_334 = arith.constant 0 : i32
          %scan3A_335 = arith.constant 0 : i32
          %scan3A_336 = arith.constant 8 : i32
          %scan3A_337 = arith.addi %scan3A_335, %scan3A_336 : i32
          %scan3A_338 = arith.constant 1 : i32
          scf.for %scan3A_420 = %scan3A_335 to %scan3A_337 step %scan3A_338  : i32 {
            %mul3A_421 = arith.constant 16 : i32
            %mul3A_422 = arith.muli %scan3A_420, %mul3A_421 : i32
            %add3A_423 = arith.constant 5 : i32
            %add3A_424 = arith.addi %add3A_285, %add3A_423 : i32
            %get3A_425 = arith.index_cast %add3A_424 : i32 to index
            %get3A_426 = arith.index_cast %mul3A_422 : i32 to index
            %get3A_427 = tpu.vector_load %arg6[%get3A_425, %get3A_426] {strides = array<i32>} : memref<512x128xf32, #tpu.memory_space<vmem>>, vector<1x16xf32>,
            %get3A_428 = vector.shape_cast %get3A_427 : vector<1x16xf32> to vector<16xf32>
            %get3A_429 = arith.index_cast %squeeze3A_333 : i32 to index
            %get3A_430 = arith.index_cast %mul3A_422 : i32 to index
            %get3A_431 = tpu.vector_load %arg10[%get3A_429, %get3A_430] {strides = array<i32>} : memref<16x128xf32, #tpu.memory_space<vmem>>, vector<1x16xf32>,
            %get3A_432 = vector.shape_cast %get3A_431 : vector<1x16xf32> to vector<16xf32>
            %mul3A_433 = arith.mulf %get3A_428, %get3A_432 : vector<16xf32>
            %add3A_434 = arith.constant 5 : i32
            %add3A_435 = arith.addi %add3A_285, %add3A_434 : i32
            %swap3A = arith.index_cast %add3A_435 : i32 to index
            %swap3A_436 = arith.index_cast %mul3A_422 : i32 to index
            %swap3A_437 = tpu.vector_load %arg6[%swap3A, %swap3A_436] {strides = array<i32>} : memref<512x128xf32, #tpu.memory_space<vmem>>, vector<1x16xf32>,
            %swap3A_438 = vector.shape_cast %swap3A_437 : vector<1x16xf32> to vector<16xf32>
            %swap3A_439 = vector.shape_cast %mul3A_433 : vector<16xf32> to vector<1x16xf32>
            tpu.vector_store %arg6[%swap3A, %swap3A_436], %swap3A_439 {strides = array<i32>} : memref<512x128xf32, #tpu.memory_space<vmem>>, vector<1x16xf32>,
          }
          %scan3A_339 = arith.constant 8 : i32
          %slice3A_340 = vector.extract_strided_slice %get3A_281 {offsets = [6], sizes = [1], strides = [1]} : vector<16xi32> to vector<1xi32>
          %squeeze3A_341 = vector.extract %slice3A_340[0] : i32 from vector<1xi32>
          %scan3A_342 = arith.constant 0 : i32
          %scan3A_343 = arith.constant 0 : i32
          %scan3A_344 = arith.constant 8 : i32
          %scan3A_345 = arith.addi %scan3A_343, %scan3A_344 : i32
          %scan3A_346 = arith.constant 1 : i32
          scf.for %scan3A_420 = %scan3A_343 to %scan3A_345 step %scan3A_346  : i32 {
            %mul3A_421 = arith.constant 16 : i32
            %mul3A_422 = arith.muli %scan3A_420, %mul3A_421 : i32
            %add3A_423 = arith.constant 6 : i32
            %add3A_424 = arith.addi %add3A_285, %add3A_423 : i32
            %get3A_425 = arith.index_cast %add3A_424 : i32 to index
            %get3A_426 = arith.index_cast %mul3A_422 : i32 to index
            %get3A_427 = tpu.vector_load %arg6[%get3A_425, %get3A_426] {strides = array<i32>} : memref<512x128xf32, #tpu.memory_space<vmem>>, vector<1x16xf32>,
            %get3A_428 = vector.shape_cast %get3A_427 : vector<1x16xf32> to vector<16xf32>
            %get3A_429 = arith.index_cast %squeeze3A_341 : i32 to index
            %get3A_430 = arith.index_cast %mul3A_422 : i32 to index
            %get3A_431 = tpu.vector_load %arg10[%get3A_429, %get3A_430] {strides = array<i32>} : memref<16x128xf32, #tpu.memory_space<vmem>>, vector<1x16xf32>,
            %get3A_432 = vector.shape_cast %get3A_431 : vector<1x16xf32> to vector<16xf32>
            %mul3A_433 = arith.mulf %get3A_428, %get3A_432 : vector<16xf32>
            %add3A_434 = arith.constant 6 : i32
            %add3A_435 = arith.addi %add3A_285, %add3A_434 : i32
            %swap3A = arith.index_cast %add3A_435 : i32 to index
            %swap3A_436 = arith.index_cast %mul3A_422 : i32 to index
            %swap3A_437 = tpu.vector_load %arg6[%swap3A, %swap3A_436] {strides = array<i32>} : memref<512x128xf32, #tpu.memory_space<vmem>>, vector<1x16xf32>,
            %swap3A_438 = vector.shape_cast %swap3A_437 : vector<1x16xf32> to vector<16xf32>
            %swap3A_439 = vector.shape_cast %mul3A_433 : vector<16xf32> to vector<1x16xf32>
            tpu.vector_store %arg6[%swap3A, %swap3A_436], %swap3A_439 {strides = array<i32>} : memref<512x128xf32, #tpu.memory_space<vmem>>, vector<1x16xf32>,
          }
          %scan3A_347 = arith.constant 8 : i32
          %slice3A_348 = vector.extract_strided_slice %get3A_281 {offsets = [7], sizes = [1], strides = [1]} : vector<16xi32> to vector<1xi32>
          %squeeze3A_349 = vector.extract %slice3A_348[0] : i32 from vector<1xi32>
          %scan3A_350 = arith.constant 0 : i32
          %scan3A_351 = arith.constant 0 : i32
          %scan3A_352 = arith.constant 8 : i32
          %scan3A_353 = arith.addi %scan3A_351, %scan3A_352 : i32
          %scan3A_354 = arith.constant 1 : i32
          scf.for %scan3A_420 = %scan3A_351 to %scan3A_353 step %scan3A_354  : i32 {
            %mul3A_421 = arith.constant 16 : i32
            %mul3A_422 = arith.muli %scan3A_420, %mul3A_421 : i32
            %add3A_423 = arith.constant 7 : i32
            %add3A_424 = arith.addi %add3A_285, %add3A_423 : i32
            %get3A_425 = arith.index_cast %add3A_424 : i32 to index
            %get3A_426 = arith.index_cast %mul3A_422 : i32 to index
            %get3A_427 = tpu.vector_load %arg6[%get3A_425, %get3A_426] {strides = array<i32>} : memref<512x128xf32, #tpu.memory_space<vmem>>, vector<1x16xf32>,
            %get3A_428 = vector.shape_cast %get3A_427 : vector<1x16xf32> to vector<16xf32>
            %get3A_429 = arith.index_cast %squeeze3A_349 : i32 to index
            %get3A_430 = arith.index_cast %mul3A_422 : i32 to index
            %get3A_431 = tpu.vector_load %arg10[%get3A_429, %get3A_430] {strides = array<i32>} : memref<16x128xf32, #tpu.memory_space<vmem>>, vector<1x16xf32>,
            %get3A_432 = vector.shape_cast %get3A_431 : vector<1x16xf32> to vector<16xf32>
            %mul3A_433 = arith.mulf %get3A_428, %get3A_432 : vector<16xf32>
            %add3A_434 = arith.constant 7 : i32
            %add3A_435 = arith.addi %add3A_285, %add3A_434 : i32
            %swap3A = arith.index_cast %add3A_435 : i32 to index
            %swap3A_436 = arith.index_cast %mul3A_422 : i32 to index
            %swap3A_437 = tpu.vector_load %arg6[%swap3A, %swap3A_436] {strides = array<i32>} : memref<512x128xf32, #tpu.memory_space<vmem>>, vector<1x16xf32>,
            %swap3A_438 = vector.shape_cast %swap3A_437 : vector<1x16xf32> to vector<16xf32>
            %swap3A_439 = vector.shape_cast %mul3A_433 : vector<16xf32> to vector<1x16xf32>
            tpu.vector_store %arg6[%swap3A, %swap3A_436], %swap3A_439 {strides = array<i32>} : memref<512x128xf32, #tpu.memory_space<vmem>>, vector<1x16xf32>,
          }
          %scan3A_355 = arith.constant 8 : i32
          %slice3A_356 = vector.extract_strided_slice %get3A_281 {offsets = [8], sizes = [1], strides = [1]} : vector<16xi32> to vector<1xi32>
          %squeeze3A_357 = vector.extract %slice3A_356[0] : i32 from vector<1xi32>
          %scan3A_358 = arith.constant 0 : i32
          %scan3A_359 = arith.constant 0 : i32
          %scan3A_360 = arith.constant 8 : i32
          %scan3A_361 = arith.addi %scan3A_359, %scan3A_360 : i32
          %scan3A_362 = arith.constant 1 : i32
          scf.for %scan3A_420 = %scan3A_359 to %scan3A_361 step %scan3A_362  : i32 {
            %mul3A_421 = arith.constant 16 : i32
            %mul3A_422 = arith.muli %scan3A_420, %mul3A_421 : i32
            %add3A_423 = arith.constant 8 : i32
            %add3A_424 = arith.addi %add3A_285, %add3A_423 : i32
            %get3A_425 = arith.index_cast %add3A_424 : i32 to index
            %get3A_426 = arith.index_cast %mul3A_422 : i32 to index
            %get3A_427 = tpu.vector_load %arg6[%get3A_425, %get3A_426] {strides = array<i32>} : memref<512x128xf32, #tpu.memory_space<vmem>>, vector<1x16xf32>,
            %get3A_428 = vector.shape_cast %get3A_427 : vector<1x16xf32> to vector<16xf32>
            %get3A_429 = arith.index_cast %squeeze3A_357 : i32 to index
            %get3A_430 = arith.index_cast %mul3A_422 : i32 to index
            %get3A_431 = tpu.vector_load %arg10[%get3A_429, %get3A_430] {strides = array<i32>} : memref<16x128xf32, #tpu.memory_space<vmem>>, vector<1x16xf32>,
            %get3A_432 = vector.shape_cast %get3A_431 : vector<1x16xf32> to vector<16xf32>
            %mul3A_433 = arith.mulf %get3A_428, %get3A_432 : vector<16xf32>
            %add3A_434 = arith.constant 8 : i32
            %add3A_435 = arith.addi %add3A_285, %add3A_434 : i32
            %swap3A = arith.index_cast %add3A_435 : i32 to index
            %swap3A_436 = arith.index_cast %mul3A_422 : i32 to index
            %swap3A_437 = tpu.vector_load %arg6[%swap3A, %swap3A_436] {strides = array<i32>} : memref<512x128xf32, #tpu.memory_space<vmem>>, vector<1x16xf32>,
            %swap3A_438 = vector.shape_cast %swap3A_437 : vector<1x16xf32> to vector<16xf32>
            %swap3A_439 = vector.shape_cast %mul3A_433 : vector<16xf32> to vector<1x16xf32>
            tpu.vector_store %arg6[%swap3A, %swap3A_436], %swap3A_439 {strides = array<i32>} : memref<512x128xf32, #tpu.memory_space<vmem>>, vector<1x16xf32>,
          }
          %scan3A_363 = arith.constant 8 : i32
          %slice3A_364 = vector.extract_strided_slice %get3A_281 {offsets = [9], sizes = [1], strides = [1]} : vector<16xi32> to vector<1xi32>
          %squeeze3A_365 = vector.extract %slice3A_364[0] : i32 from vector<1xi32>
          %scan3A_366 = arith.constant 0 : i32
          %scan3A_367 = arith.constant 0 : i32
          %scan3A_368 = arith.constant 8 : i32
          %scan3A_369 = arith.addi %scan3A_367, %scan3A_368 : i32
          %scan3A_370 = arith.constant 1 : i32
          scf.for %scan3A_420 = %scan3A_367 to %scan3A_369 step %scan3A_370  : i32 {
            %mul3A_421 = arith.constant 16 : i32
            %mul3A_422 = arith.muli %scan3A_420, %mul3A_421 : i32
            %add3A_423 = arith.constant 9 : i32
            %add3A_424 = arith.addi %add3A_285, %add3A_423 : i32
            %get3A_425 = arith.index_cast %add3A_424 : i32 to index
            %get3A_426 = arith.index_cast %mul3A_422 : i32 to index
            %get3A_427 = tpu.vector_load %arg6[%get3A_425, %get3A_426] {strides = array<i32>} : memref<512x128xf32, #tpu.memory_space<vmem>>, vector<1x16xf32>,
            %get3A_428 = vector.shape_cast %get3A_427 : vector<1x16xf32> to vector<16xf32>
            %get3A_429 = arith.index_cast %squeeze3A_365 : i32 to index
            %get3A_430 = arith.index_cast %mul3A_422 : i32 to index
            %get3A_431 = tpu.vector_load %arg10[%get3A_429, %get3A_430] {strides = array<i32>} : memref<16x128xf32, #tpu.memory_space<vmem>>, vector<1x16xf32>,
            %get3A_432 = vector.shape_cast %get3A_431 : vector<1x16xf32> to vector<16xf32>
            %mul3A_433 = arith.mulf %get3A_428, %get3A_432 : vector<16xf32>
            %add3A_434 = arith.constant 9 : i32
            %add3A_435 = arith.addi %add3A_285, %add3A_434 : i32
            %swap3A = arith.index_cast %add3A_435 : i32 to index
            %swap3A_436 = arith.index_cast %mul3A_422 : i32 to index
            %swap3A_437 = tpu.vector_load %arg6[%swap3A, %swap3A_436] {strides = array<i32>} : memref<512x128xf32, #tpu.memory_space<vmem>>, vector<1x16xf32>,
            %swap3A_438 = vector.shape_cast %swap3A_437 : vector<1x16xf32> to vector<16xf32>
            %swap3A_439 = vector.shape_cast %mul3A_433 : vector<16xf32> to vector<1x16xf32>
            tpu.vector_store %arg6[%swap3A, %swap3A_436], %swap3A_439 {strides = array<i32>} : memref<512x128xf32, #tpu.memory_space<vmem>>, vector<1x16xf32>,
          }
          %scan3A_371 = arith.constant 8 : i32
          %slice3A_372 = vector.extract_strided_slice %get3A_281 {offsets = [10], sizes = [1], strides = [1]} : vector<16xi32> to vector<1xi32>
          %squeeze3A_373 = vector.extract %slice3A_372[0] : i32 from vector<1xi32>
          %scan3A_374 = arith.constant 0 : i32
          %scan3A_375 = arith.constant 0 : i32
          %scan3A_376 = arith.constant 8 : i32
          %scan3A_377 = arith.addi %scan3A_375, %scan3A_376 : i32
          %scan3A_378 = arith.constant 1 : i32
          scf.for %scan3A_420 = %scan3A_375 to %scan3A_377 step %scan3A_378  : i32 {
            %mul3A_421 = arith.constant 16 : i32
            %mul3A_422 = arith.muli %scan3A_420, %mul3A_421 : i32
            %add3A_423 = arith.constant 10 : i32
            %add3A_424 = arith.addi %add3A_285, %add3A_423 : i32
            %get3A_425 = arith.index_cast %add3A_424 : i32 to index
            %get3A_426 = arith.index_cast %mul3A_422 : i32 to index
            %get3A_427 = tpu.vector_load %arg6[%get3A_425, %get3A_426] {strides = array<i32>} : memref<512x128xf32, #tpu.memory_space<vmem>>, vector<1x16xf32>,
            %get3A_428 = vector.shape_cast %get3A_427 : vector<1x16xf32> to vector<16xf32>
            %get3A_429 = arith.index_cast %squeeze3A_373 : i32 to index
            %get3A_430 = arith.index_cast %mul3A_422 : i32 to index
            %get3A_431 = tpu.vector_load %arg10[%get3A_429, %get3A_430] {strides = array<i32>} : memref<16x128xf32, #tpu.memory_space<vmem>>, vector<1x16xf32>,
            %get3A_432 = vector.shape_cast %get3A_431 : vector<1x16xf32> to vector<16xf32>
            %mul3A_433 = arith.mulf %get3A_428, %get3A_432 : vector<16xf32>
            %add3A_434 = arith.constant 10 : i32
            %add3A_435 = arith.addi %add3A_285, %add3A_434 : i32
            %swap3A = arith.index_cast %add3A_435 : i32 to index
            %swap3A_436 = arith.index_cast %mul3A_422 : i32 to index
            %swap3A_437 = tpu.vector_load %arg6[%swap3A, %swap3A_436] {strides = array<i32>} : memref<512x128xf32, #tpu.memory_space<vmem>>, vector<1x16xf32>,
            %swap3A_438 = vector.shape_cast %swap3A_437 : vector<1x16xf32> to vector<16xf32>
            %swap3A_439 = vector.shape_cast %mul3A_433 : vector<16xf32> to vector<1x16xf32>
            tpu.vector_store %arg6[%swap3A, %swap3A_436], %swap3A_439 {strides = array<i32>} : memref<512x128xf32, #tpu.memory_space<vmem>>, vector<1x16xf32>,
          }
          %scan3A_379 = arith.constant 8 : i32
          %slice3A_380 = vector.extract_strided_slice %get3A_281 {offsets = [11], sizes = [1], strides = [1]} : vector<16xi32> to vector<1xi32>
          %squeeze3A_381 = vector.extract %slice3A_380[0] : i32 from vector<1xi32>
          %scan3A_382 = arith.constant 0 : i32
          %scan3A_383 = arith.constant 0 : i32
          %scan3A_384 = arith.constant 8 : i32
          %scan3A_385 = arith.addi %scan3A_383, %scan3A_384 : i32
          %scan3A_386 = arith.constant 1 : i32
          scf.for %scan3A_420 = %scan3A_383 to %scan3A_385 step %scan3A_386  : i32 {
            %mul3A_421 = arith.constant 16 : i32
            %mul3A_422 = arith.muli %scan3A_420, %mul3A_421 : i32
            %add3A_423 = arith.constant 11 : i32
            %add3A_424 = arith.addi %add3A_285, %add3A_423 : i32
            %get3A_425 = arith.index_cast %add3A_424 : i32 to index
            %get3A_426 = arith.index_cast %mul3A_422 : i32 to index
            %get3A_427 = tpu.vector_load %arg6[%get3A_425, %get3A_426] {strides = array<i32>} : memref<512x128xf32, #tpu.memory_space<vmem>>, vector<1x16xf32>,
            %get3A_428 = vector.shape_cast %get3A_427 : vector<1x16xf32> to vector<16xf32>
            %get3A_429 = arith.index_cast %squeeze3A_381 : i32 to index
            %get3A_430 = arith.index_cast %mul3A_422 : i32 to index
            %get3A_431 = tpu.vector_load %arg10[%get3A_429, %get3A_430] {strides = array<i32>} : memref<16x128xf32, #tpu.memory_space<vmem>>, vector<1x16xf32>,
            %get3A_432 = vector.shape_cast %get3A_431 : vector<1x16xf32> to vector<16xf32>
            %mul3A_433 = arith.mulf %get3A_428, %get3A_432 : vector<16xf32>
            %add3A_434 = arith.constant 11 : i32
            %add3A_435 = arith.addi %add3A_285, %add3A_434 : i32
            %swap3A = arith.index_cast %add3A_435 : i32 to index
            %swap3A_436 = arith.index_cast %mul3A_422 : i32 to index
            %swap3A_437 = tpu.vector_load %arg6[%swap3A, %swap3A_436] {strides = array<i32>} : memref<512x128xf32, #tpu.memory_space<vmem>>, vector<1x16xf32>,
            %swap3A_438 = vector.shape_cast %swap3A_437 : vector<1x16xf32> to vector<16xf32>
            %swap3A_439 = vector.shape_cast %mul3A_433 : vector<16xf32> to vector<1x16xf32>
            tpu.vector_store %arg6[%swap3A, %swap3A_436], %swap3A_439 {strides = array<i32>} : memref<512x128xf32, #tpu.memory_space<vmem>>, vector<1x16xf32>,
          }
          %scan3A_387 = arith.constant 8 : i32
          %slice3A_388 = vector.extract_strided_slice %get3A_281 {offsets = [12], sizes = [1], strides = [1]} : vector<16xi32> to vector<1xi32>
          %squeeze3A_389 = vector.extract %slice3A_388[0] : i32 from vector<1xi32>
          %scan3A_390 = arith.constant 0 : i32
          %scan3A_391 = arith.constant 0 : i32
          %scan3A_392 = arith.constant 8 : i32
          %scan3A_393 = arith.addi %scan3A_391, %scan3A_392 : i32
          %scan3A_394 = arith.constant 1 : i32
          scf.for %scan3A_420 = %scan3A_391 to %scan3A_393 step %scan3A_394  : i32 {
            %mul3A_421 = arith.constant 16 : i32
            %mul3A_422 = arith.muli %scan3A_420, %mul3A_421 : i32
            %add3A_423 = arith.constant 12 : i32
            %add3A_424 = arith.addi %add3A_285, %add3A_423 : i32
            %get3A_425 = arith.index_cast %add3A_424 : i32 to index
            %get3A_426 = arith.index_cast %mul3A_422 : i32 to index
            %get3A_427 = tpu.vector_load %arg6[%get3A_425, %get3A_426] {strides = array<i32>} : memref<512x128xf32, #tpu.memory_space<vmem>>, vector<1x16xf32>,
            %get3A_428 = vector.shape_cast %get3A_427 : vector<1x16xf32> to vector<16xf32>
            %get3A_429 = arith.index_cast %squeeze3A_389 : i32 to index
            %get3A_430 = arith.index_cast %mul3A_422 : i32 to index
            %get3A_431 = tpu.vector_load %arg10[%get3A_429, %get3A_430] {strides = array<i32>} : memref<16x128xf32, #tpu.memory_space<vmem>>, vector<1x16xf32>,
            %get3A_432 = vector.shape_cast %get3A_431 : vector<1x16xf32> to vector<16xf32>
            %mul3A_433 = arith.mulf %get3A_428, %get3A_432 : vector<16xf32>
            %add3A_434 = arith.constant 12 : i32
            %add3A_435 = arith.addi %add3A_285, %add3A_434 : i32
            %swap3A = arith.index_cast %add3A_435 : i32 to index
            %swap3A_436 = arith.index_cast %mul3A_422 : i32 to index
            %swap3A_437 = tpu.vector_load %arg6[%swap3A, %swap3A_436] {strides = array<i32>} : memref<512x128xf32, #tpu.memory_space<vmem>>, vector<1x16xf32>,
            %swap3A_438 = vector.shape_cast %swap3A_437 : vector<1x16xf32> to vector<16xf32>
            %swap3A_439 = vector.shape_cast %mul3A_433 : vector<16xf32> to vector<1x16xf32>
            tpu.vector_store %arg6[%swap3A, %swap3A_436], %swap3A_439 {strides = array<i32>} : memref<512x128xf32, #tpu.memory_space<vmem>>, vector<1x16xf32>,
          }
          %scan3A_395 = arith.constant 8 : i32
          %slice3A_396 = vector.extract_strided_slice %get3A_281 {offsets = [13], sizes = [1], strides = [1]} : vector<16xi32> to vector<1xi32>
          %squeeze3A_397 = vector.extract %slice3A_396[0] : i32 from vector<1xi32>
          %scan3A_398 = arith.constant 0 : i32
          %scan3A_399 = arith.constant 0 : i32
          %scan3A_400 = arith.constant 8 : i32
          %scan3A_401 = arith.addi %scan3A_399, %scan3A_400 : i32
          %scan3A_402 = arith.constant 1 : i32
          scf.for %scan3A_420 = %scan3A_399 to %scan3A_401 step %scan3A_402  : i32 {
            %mul3A_421 = arith.constant 16 : i32
            %mul3A_422 = arith.muli %scan3A_420, %mul3A_421 : i32
            %add3A_423 = arith.constant 13 : i32
            %add3A_424 = arith.addi %add3A_285, %add3A_423 : i32
            %get3A_425 = arith.index_cast %add3A_424 : i32 to index
            %get3A_426 = arith.index_cast %mul3A_422 : i32 to index
            %get3A_427 = tpu.vector_load %arg6[%get3A_425, %get3A_426] {strides = array<i32>} : memref<512x128xf32, #tpu.memory_space<vmem>>, vector<1x16xf32>,
            %get3A_428 = vector.shape_cast %get3A_427 : vector<1x16xf32> to vector<16xf32>
            %get3A_429 = arith.index_cast %squeeze3A_397 : i32 to index
            %get3A_430 = arith.index_cast %mul3A_422 : i32 to index
            %get3A_431 = tpu.vector_load %arg10[%get3A_429, %get3A_430] {strides = array<i32>} : memref<16x128xf32, #tpu.memory_space<vmem>>, vector<1x16xf32>,
            %get3A_432 = vector.shape_cast %get3A_431 : vector<1x16xf32> to vector<16xf32>
            %mul3A_433 = arith.mulf %get3A_428, %get3A_432 : vector<16xf32>
            %add3A_434 = arith.constant 13 : i32
            %add3A_435 = arith.addi %add3A_285, %add3A_434 : i32
            %swap3A = arith.index_cast %add3A_435 : i32 to index
            %swap3A_436 = arith.index_cast %mul3A_422 : i32 to index
            %swap3A_437 = tpu.vector_load %arg6[%swap3A, %swap3A_436] {strides = array<i32>} : memref<512x128xf32, #tpu.memory_space<vmem>>, vector<1x16xf32>,
            %swap3A_438 = vector.shape_cast %swap3A_437 : vector<1x16xf32> to vector<16xf32>
            %swap3A_439 = vector.shape_cast %mul3A_433 : vector<16xf32> to vector<1x16xf32>
            tpu.vector_store %arg6[%swap3A, %swap3A_436], %swap3A_439 {strides = array<i32>} : memref<512x128xf32, #tpu.memory_space<vmem>>, vector<1x16xf32>,
          }
          %scan3A_403 = arith.constant 8 : i32
          %slice3A_404 = vector.extract_strided_slice %get3A_281 {offsets = [14], sizes = [1], strides = [1]} : vector<16xi32> to vector<1xi32>
          %squeeze3A_405 = vector.extract %slice3A_404[0] : i32 from vector<1xi32>
          %scan3A_406 = arith.constant 0 : i32
          %scan3A_407 = arith.constant 0 : i32
          %scan3A_408 = arith.constant 8 : i32
          %scan3A_409 = arith.addi %scan3A_407, %scan3A_408 : i32
          %scan3A_410 = arith.constant 1 : i32
          scf.for %scan3A_420 = %scan3A_407 to %scan3A_409 step %scan3A_410  : i32 {
            %mul3A_421 = arith.constant 16 : i32
            %mul3A_422 = arith.muli %scan3A_420, %mul3A_421 : i32
            %add3A_423 = arith.constant 14 : i32
            %add3A_424 = arith.addi %add3A_285, %add3A_423 : i32
            %get3A_425 = arith.index_cast %add3A_424 : i32 to index
            %get3A_426 = arith.index_cast %mul3A_422 : i32 to index
            %get3A_427 = tpu.vector_load %arg6[%get3A_425, %get3A_426] {strides = array<i32>} : memref<512x128xf32, #tpu.memory_space<vmem>>, vector<1x16xf32>,
            %get3A_428 = vector.shape_cast %get3A_427 : vector<1x16xf32> to vector<16xf32>
            %get3A_429 = arith.index_cast %squeeze3A_405 : i32 to index
            %get3A_430 = arith.index_cast %mul3A_422 : i32 to index
            %get3A_431 = tpu.vector_load %arg10[%get3A_429, %get3A_430] {strides = array<i32>} : memref<16x128xf32, #tpu.memory_space<vmem>>, vector<1x16xf32>,
            %get3A_432 = vector.shape_cast %get3A_431 : vector<1x16xf32> to vector<16xf32>
            %mul3A_433 = arith.mulf %get3A_428, %get3A_432 : vector<16xf32>
            %add3A_434 = arith.constant 14 : i32
            %add3A_435 = arith.addi %add3A_285, %add3A_434 : i32
            %swap3A = arith.index_cast %add3A_435 : i32 to index
            %swap3A_436 = arith.index_cast %mul3A_422 : i32 to index
            %swap3A_437 = tpu.vector_load %arg6[%swap3A, %swap3A_436] {strides = array<i32>} : memref<512x128xf32, #tpu.memory_space<vmem>>, vector<1x16xf32>,
            %swap3A_438 = vector.shape_cast %swap3A_437 : vector<1x16xf32> to vector<16xf32>
            %swap3A_439 = vector.shape_cast %mul3A_433 : vector<16xf32> to vector<1x16xf32>
            tpu.vector_store %arg6[%swap3A, %swap3A_436], %swap3A_439 {strides = array<i32>} : memref<512x128xf32, #tpu.memory_space<vmem>>, vector<1x16xf32>,
          }
          %scan3A_411 = arith.constant 8 : i32
          %slice3A_412 = vector.extract_strided_slice %get3A_281 {offsets = [15], sizes = [1], strides = [1]} : vector<16xi32> to vector<1xi32>
          %squeeze3A_413 = vector.extract %slice3A_412[0] : i32 from vector<1xi32>
          %scan3A_414 = arith.constant 0 : i32
          %scan3A_415 = arith.constant 0 : i32
          %scan3A_416 = arith.constant 8 : i32
          %scan3A_417 = arith.addi %scan3A_415, %scan3A_416 : i32
          %scan3A_418 = arith.constant 1 : i32
          scf.for %scan3A_420 = %scan3A_415 to %scan3A_417 step %scan3A_418  : i32 {
            %mul3A_421 = arith.constant 16 : i32
            %mul3A_422 = arith.muli %scan3A_420, %mul3A_421 : i32
            %add3A_423 = arith.constant 15 : i32
            %add3A_424 = arith.addi %add3A_285, %add3A_423 : i32
            %get3A_425 = arith.index_cast %add3A_424 : i32 to index
            %get3A_426 = arith.index_cast %mul3A_422 : i32 to index
            %get3A_427 = tpu.vector_load %arg6[%get3A_425, %get3A_426] {strides = array<i32>} : memref<512x128xf32, #tpu.memory_space<vmem>>, vector<1x16xf32>,
            %get3A_428 = vector.shape_cast %get3A_427 : vector<1x16xf32> to vector<16xf32>
            %get3A_429 = arith.index_cast %squeeze3A_413 : i32 to index
            %get3A_430 = arith.index_cast %mul3A_422 : i32 to index
            %get3A_431 = tpu.vector_load %arg10[%get3A_429, %get3A_430] {strides = array<i32>} : memref<16x128xf32, #tpu.memory_space<vmem>>, vector<1x16xf32>,
            %get3A_432 = vector.shape_cast %get3A_431 : vector<1x16xf32> to vector<16xf32>
            %mul3A_433 = arith.mulf %get3A_428, %get3A_432 : vector<16xf32>
            %add3A_434 = arith.constant 15 : i32
            %add3A_435 = arith.addi %add3A_285, %add3A_434 : i32
            %swap3A = arith.index_cast %add3A_435 : i32 to index
            %swap3A_436 = arith.index_cast %mul3A_422 : i32 to index
            %swap3A_437 = tpu.vector_load %arg6[%swap3A, %swap3A_436] {strides = array<i32>} : memref<512x128xf32, #tpu.memory_space<vmem>>, vector<1x16xf32>,
            %swap3A_438 = vector.shape_cast %swap3A_437 : vector<1x16xf32> to vector<16xf32>
            %swap3A_439 = vector.shape_cast %mul3A_433 : vector<16xf32> to vector<1x16xf32>
            tpu.vector_store %arg6[%swap3A, %swap3A_436], %swap3A_439 {strides = array<i32>} : memref<512x128xf32, #tpu.memory_space<vmem>>, vector<1x16xf32>,
          }
          %scan3A_419 = arith.constant 8 : i32
        }
      }
      %scan3A_122 = arith.constant 8 : i32
      %mul3A_123 = arith.constant 128 : i32
      %mul3A_124 = arith.muli %add3A_106, %mul3A_123 : i32
      %add3A_125 = arith.addi %mul3A_2, %mul3A_124 : i32
      %dma_start3A_126 = arith.constant 0 : i32
      %dma_start3A_127 = arith.constant 0 : i32
      %dma_start3A_128 = tpu.memref_slice %arg6[%dma_start3A_126, %dma_start3A_127] : memref<512x128xf32, #tpu.memory_space<vmem>> -> memref<128x128xf32, #tpu.memory_space<vmem>>
      %dma_start3A_129 = tpu.memref_slice %arg5[%add3A_125, %mul3A_0] : memref<32768x256xf32, #tpu.memory_space<hbm>> -> memref<128x128xf32, #tpu.memory_space<hbm>>
      %dma_start3A_130 = tpu.memref_slice %arg5[%add3A_125, %mul3A_0] : memref<32768x256xf32, #tpu.memory_space<hbm>> -> memref<128x128xf32, #tpu.memory_space<hbm>>
      %dma_start3A_131 = arith.constant 0 : i32
      %dma_start3A_132 = arith.constant 0 : i32
      %dma_start3A_133 = tpu.memref_slice %arg6[%dma_start3A_131, %dma_start3A_132] : memref<512x128xf32, #tpu.memory_space<vmem>> -> memref<128x128xf32, #tpu.memory_space<vmem>>
      tpu.enqueue_dma source(%dma_start3A_133 : memref<128x128xf32, #tpu.memory_space<vmem>>) target(%dma_start3A_130 : memref<128x128xf32, #tpu.memory_space<hbm>>) target_semaphore(%arg16 : memref<!tpu.dma_semaphore, #tpu.memory_space<semaphore_mem>>)
      %gt3A = arith.constant 0 : i32
      %gt3A_134 = arith.cmpi sgt, %scan3A_102, %gt3A : i32
      %convert_element_type3A_135 = arith.extui %gt3A_134 : i1 to i32
      %cond3A_136 = arith.constant 0 : i32
      %cond3A_137 = arith.cmpi ne, %convert_element_type3A_135, %cond3A_136 : i32
      scf.if %cond3A_137 {
        %add3A_271 = arith.constant 0 : i32
        %add3A_272 = arith.addi %mul3A_2, %add3A_271 : i32
        %dma_wait3A_273 = arith.constant 256 : i32
        %dma_wait3A_274 = arith.constant 0 : i32
        %dma_wait3A_275 = tpu.memref_slice %arg6[%dma_wait3A_273, %dma_wait3A_274] : memref<512x128xf32, #tpu.memory_space<vmem>> -> memref<128x128xf32, #tpu.memory_space<vmem>>
        %dma_wait3A_276 = tpu.memref_slice %arg5[%add3A_272, %mul3A_0] : memref<32768x256xf32, #tpu.memory_space<hbm>> -> memref<128x128xf32, #tpu.memory_space<hbm>>
        %dma_wait3A_277 = tpu.memref_slice %arg5[%add3A_272, %mul3A_0] : memref<32768x256xf32, #tpu.memory_space<hbm>> -> memref<128x128xf32, #tpu.memory_space<hbm>>
        %dma_wait3A_278 = arith.constant 256 : i32
        %dma_wait3A_279 = arith.constant 0 : i32
        %dma_wait3A_280 = tpu.memref_slice %arg6[%dma_wait3A_278, %dma_wait3A_279] : memref<512x128xf32, #tpu.memory_space<vmem>> -> memref<128x128xf32, #tpu.memory_space<vmem>>
        tpu.wait_dma2 semaphore(%arg18 : memref<!tpu.dma_semaphore, #tpu.memory_space<semaphore_mem>>) src(%dma_wait3A_280 : memref<128x128xf32, #tpu.memory_space<vmem>>) dst(%dma_wait3A_277 : memref<128x128xf32, #tpu.memory_space<hbm>>)
      } else {
      }
      %add3A_138 = arith.constant 2 : i32
      %add3A_139 = arith.addi %add3A_106, %add3A_138 : i32
      %mul3A_140 = arith.constant 128 : i32
      %mul3A_141 = arith.muli %add3A_139, %mul3A_140 : i32
      %add3A_142 = arith.addi %mul3A_2, %mul3A_141 : i32
      %dma_start3A_143 = arith.constant 256 : i32
      %dma_start3A_144 = arith.constant 0 : i32
      %dma_start3A_145 = tpu.memref_slice %arg6[%dma_start3A_143, %dma_start3A_144] : memref<512x128xf32, #tpu.memory_space<vmem>> -> memref<128x128xf32, #tpu.memory_space<vmem>>
      %dma_start3A_146 = tpu.memref_slice %arg2[%add3A_142, %mul3A_0] : memref<32768x256xf32, #tpu.memory_space<hbm>> -> memref<128x128xf32, #tpu.memory_space<hbm>>
      %dma_start3A_147 = arith.constant 256 : i32
      %dma_start3A_148 = arith.constant 0 : i32
      %dma_start3A_149 = tpu.memref_slice %arg6[%dma_start3A_147, %dma_start3A_148] : memref<512x128xf32, #tpu.memory_space<vmem>> -> memref<128x128xf32, #tpu.memory_space<vmem>>
      %dma_start3A_150 = tpu.memref_slice %arg2[%add3A_142, %mul3A_0] : memref<32768x256xf32, #tpu.memory_space<hbm>> -> memref<128x128xf32, #tpu.memory_space<hbm>>
      tpu.enqueue_dma source(%dma_start3A_150 : memref<128x128xf32, #tpu.memory_space<hbm>>) target(%dma_start3A_149 : memref<128x128xf32, #tpu.memory_space<vmem>>) target_semaphore(%arg14 : memref<!tpu.dma_semaphore, #tpu.memory_space<semaphore_mem>>)
      %mul3A_151 = arith.constant 4 : i32
      %mul3A_152 = arith.muli %scan3A_102, %mul3A_151 : i32
      %add3A_153 = arith.constant 1 : i32
      %add3A_154 = arith.addi %mul3A_152, %add3A_153 : i32
      %add3A_155 = arith.constant 0 : i32
      %add3A_156 = arith.addi %mul3A_2, %add3A_155 : i32
      %dma_wait3A_157 = arith.constant 128 : i32
      %dma_wait3A_158 = arith.constant 0 : i32
      %dma_wait3A_159 = tpu.memref_slice %arg6[%dma_wait3A_157, %dma_wait3A_158] : memref<512x128xf32, #tpu.memory_space<vmem>> -> memref<128x128xf32, #tpu.memory_space<vmem>>
      %dma_wait3A_160 = tpu.memref_slice %arg2[%add3A_156, %mul3A_0] : memref<32768x256xf32, #tpu.memory_space<hbm>> -> memref<128x128xf32, #tpu.memory_space<hbm>>
      %dma_wait3A_161 = arith.constant 128 : i32
      %dma_wait3A_162 = arith.constant 0 : i32
      %dma_wait3A_163 = tpu.memref_slice %arg6[%dma_wait3A_161, %dma_wait3A_162] : memref<512x128xf32, #tpu.memory_space<vmem>> -> memref<128x128xf32, #tpu.memory_space<vmem>>
      %dma_wait3A_164 = tpu.memref_slice %arg2[%add3A_156, %mul3A_0] : memref<32768x256xf32, #tpu.memory_space<hbm>> -> memref<128x128xf32, #tpu.memory_space<hbm>>
      tpu.wait_dma2 semaphore(%arg13 : memref<!tpu.dma_semaphore, #tpu.memory_space<semaphore_mem>>) src(%dma_wait3A_164 : memref<128x128xf32, #tpu.memory_space<hbm>>) dst(%dma_wait3A_163 : memref<128x128xf32, #tpu.memory_space<vmem>>)
      %scan3A_165 = arith.constant 0 : i32
      %scan3A_166 = arith.constant 0 : i32
      %scan3A_167 = arith.constant 8 : i32
      %scan3A_168 = arith.addi %scan3A_166, %scan3A_167 : i32
      %scan3A_169 = arith.constant 1 : i32
      scf.for %scan3A_271 = %scan3A_166 to %scan3A_168 step %scan3A_169  : i32 {
        %mul3A_272 = arith.constant 128 : i32
        %mul3A_273 = arith.muli %add3A_154, %mul3A_272 : i32
        %mul3A_274 = arith.constant 16 : i32
        %mul3A_275 = arith.muli %scan3A_271, %mul3A_274 : i32
        %add3A_276 = arith.addi %mul3A_273, %mul3A_275 : i32
        %shift_right_logical3A = arith.constant 7 : i32
        %shift_right_logical3A_277 = arith.shrui %add3A_276, %shift_right_logical3A : i32
        %and3A = arith.constant 127 : i32
        %and3A_278 = arith.andi %add3A_276, %and3A : i32
        %get3A = arith.index_cast %shift_right_logical3A_277 : i32 to index
        %get3A_279 = arith.index_cast %and3A_278 : i32 to index
        %get3A_280 = tpu.vector_load %arg7[%get3A, %get3A_279] {strides = array<i32>} : memref<16x128xi32, #tpu.memory_space<vmem>>, vector<1x16xi32>,
        %get3A_281 = vector.shape_cast %get3A_280 : vector<1x16xi32> to vector<16xi32>
        %slice3A = vector.extract_strided_slice %get3A_281 {offsets = [0], sizes = [1], strides = [1]} : vector<16xi32> to vector<1xi32>
        %squeeze3A = vector.extract %slice3A[0] : i32 from vector<1xi32>
        %mul3A_282 = arith.constant 16 : i32
        %mul3A_283 = arith.muli %scan3A_271, %mul3A_282 : i32
        %add3A_284 = arith.constant 128 : i32
        %add3A_285 = arith.addi %add3A_284, %mul3A_283 : i32
        %slice3A_286 = vector.extract_strided_slice %get3A_281 {offsets = [15], sizes = [1], strides = [1]} : vector<16xi32> to vector<1xi32>
        %squeeze3A_287 = vector.extract %slice3A_286[0] : i32 from vector<1xi32>
        %eq3A_288 = arith.cmpi eq, %squeeze3A, %squeeze3A_287 : i32
        %convert_element_type3A_289 = arith.extui %eq3A_288 : i1 to i32
        %cond3A_290 = arith.constant 0 : i32
        %cond3A_291 = arith.cmpi ne, %convert_element_type3A_289, %cond3A_290 : i32
        scf.if %cond3A_291 {
          %get3A_292 = arith.index_cast %squeeze3A : i32 to index
          %get3A_293 = arith.constant 0 : index
          %get3A_294 = tpu.vector_load %arg10[%get3A_292, %get3A_293] {strides = array<i32>} : memref<16x128xf32, #tpu.memory_space<vmem>>, vector<1x16xf32>,
          %get3A_295 = vector.shape_cast %get3A_294 : vector<1x16xf32> to vector<16xf32>
          %get3A_296 = arith.index_cast %squeeze3A : i32 to index
          %get3A_297 = arith.constant 16 : index
          %get3A_298 = tpu.vector_load %arg10[%get3A_296, %get3A_297] {strides = array<i32>} : memref<16x128xf32, #tpu.memory_space<vmem>>, vector<1x16xf32>,
          %get3A_299 = vector.shape_cast %get3A_298 : vector<1x16xf32> to vector<16xf32>
          %get3A_300 = arith.index_cast %squeeze3A : i32 to index
          %get3A_301 = arith.constant 32 : index
          %get3A_302 = tpu.vector_load %arg10[%get3A_300, %get3A_301] {strides = array<i32>} : memref<16x128xf32, #tpu.memory_space<vmem>>, vector<1x16xf32>,
          %get3A_303 = vector.shape_cast %get3A_302 : vector<1x16xf32> to vector<16xf32>
          %get3A_304 = arith.index_cast %squeeze3A : i32 to index
          %get3A_305 = arith.constant 48 : index
          %get3A_306 = tpu.vector_load %arg10[%get3A_304, %get3A_305] {strides = array<i32>} : memref<16x128xf32, #tpu.memory_space<vmem>>, vector<1x16xf32>,
          %get3A_307 = vector.shape_cast %get3A_306 : vector<1x16xf32> to vector<16xf32>
          %get3A_308 = arith.index_cast %squeeze3A : i32 to index
          %get3A_309 = arith.constant 64 : index
          %get3A_310 = tpu.vector_load %arg10[%get3A_308, %get3A_309] {strides = array<i32>} : memref<16x128xf32, #tpu.memory_space<vmem>>, vector<1x16xf32>,
          %get3A_311 = vector.shape_cast %get3A_310 : vector<1x16xf32> to vector<16xf32>
          %get3A_312 = arith.index_cast %squeeze3A : i32 to index
          %get3A_313 = arith.constant 80 : index
          %get3A_314 = tpu.vector_load %arg10[%get3A_312, %get3A_313] {strides = array<i32>} : memref<16x128xf32, #tpu.memory_space<vmem>>, vector<1x16xf32>,
          %get3A_315 = vector.shape_cast %get3A_314 : vector<1x16xf32> to vector<16xf32>
          %get3A_316 = arith.index_cast %squeeze3A : i32 to index
          %get3A_317 = arith.constant 96 : index
          %get3A_318 = tpu.vector_load %arg10[%get3A_316, %get3A_317] {strides = array<i32>} : memref<16x128xf32, #tpu.memory_space<vmem>>, vector<1x16xf32>,
          %get3A_319 = vector.shape_cast %get3A_318 : vector<1x16xf32> to vector<16xf32>
          %get3A_320 = arith.index_cast %squeeze3A : i32 to index
          %get3A_321 = arith.constant 112 : index
          %get3A_322 = tpu.vector_load %arg10[%get3A_320, %get3A_321] {strides = array<i32>} : memref<16x128xf32, #tpu.memory_space<vmem>>, vector<1x16xf32>,
          %get3A_323 = vector.shape_cast %get3A_322 : vector<1x16xf32> to vector<16xf32>
          %parallel_loop3A = arith.constant 0 : i32
          %parallel_loop3A_324 = arith.constant 16 : i32
          %parallel_loop3A_325 = arith.constant 1 : i32
          scf.for %parallel_loop3A_326 = %parallel_loop3A to %parallel_loop3A_324 step %parallel_loop3A_325  : i32 {
            %parallel_loop3A_327 = arith.addi %add3A_285, %parallel_loop3A_326 : i32
            %parallel_loop3A_328 = arith.index_cast %parallel_loop3A_327 : i32 to index
            %parallel_loop3A_329 = arith.constant 0 : index
            %parallel_loop3A_330 = tpu.vector_load %arg6[%parallel_loop3A_328, %parallel_loop3A_329] {strides = array<i32>} : memref<512x128xf32, #tpu.memory_space<vmem>>, vector<1x16xf32>,
            %parallel_loop3A_331 = vector.shape_cast %parallel_loop3A_330 : vector<1x16xf32> to vector<16xf32>
            %parallel_loop3A_332 = arith.mulf %parallel_loop3A_331, %get3A_295 : vector<16xf32>
            %parallel_loop3A_333 = arith.addi %add3A_285, %parallel_loop3A_326 : i32
            %parallel_loop3A_334 = arith.index_cast %parallel_loop3A_333 : i32 to index
            %parallel_loop3A_335 = arith.constant 0 : index
            %parallel_loop3A_336 = tpu.vector_load %arg6[%parallel_loop3A_334, %parallel_loop3A_335] {strides = array<i32>} : memref<512x128xf32, #tpu.memory_space<vmem>>, vector<1x16xf32>,
            %parallel_loop3A_337 = vector.shape_cast %parallel_loop3A_336 : vector<1x16xf32> to vector<16xf32>
            %parallel_loop3A_338 = vector.shape_cast %parallel_loop3A_332 : vector<16xf32> to vector<1x16xf32>
            tpu.vector_store %arg6[%parallel_loop3A_334, %parallel_loop3A_335], %parallel_loop3A_338 {strides = array<i32>} : memref<512x128xf32, #tpu.memory_space<vmem>>, vector<1x16xf32>,
            %parallel_loop3A_339 = arith.addi %add3A_285, %parallel_loop3A_326 : i32
            %parallel_loop3A_340 = arith.index_cast %parallel_loop3A_339 : i32 to index
            %parallel_loop3A_341 = arith.constant 16 : index
            %parallel_loop3A_342 = tpu.vector_load %arg6[%parallel_loop3A_340, %parallel_loop3A_341] {strides = array<i32>} : memref<512x128xf32, #tpu.memory_space<vmem>>, vector<1x16xf32>,
            %parallel_loop3A_343 = vector.shape_cast %parallel_loop3A_342 : vector<1x16xf32> to vector<16xf32>
            %parallel_loop3A_344 = arith.mulf %parallel_loop3A_343, %get3A_299 : vector<16xf32>
            %parallel_loop3A_345 = arith.addi %add3A_285, %parallel_loop3A_326 : i32
            %parallel_loop3A_346 = arith.index_cast %parallel_loop3A_345 : i32 to index
            %parallel_loop3A_347 = arith.constant 16 : index
            %parallel_loop3A_348 = tpu.vector_load %arg6[%parallel_loop3A_346, %parallel_loop3A_347] {strides = array<i32>} : memref<512x128xf32, #tpu.memory_space<vmem>>, vector<1x16xf32>,
            %parallel_loop3A_349 = vector.shape_cast %parallel_loop3A_348 : vector<1x16xf32> to vector<16xf32>
            %parallel_loop3A_350 = vector.shape_cast %parallel_loop3A_344 : vector<16xf32> to vector<1x16xf32>
            tpu.vector_store %arg6[%parallel_loop3A_346, %parallel_loop3A_347], %parallel_loop3A_350 {strides = array<i32>} : memref<512x128xf32, #tpu.memory_space<vmem>>, vector<1x16xf32>,
            %parallel_loop3A_351 = arith.addi %add3A_285, %parallel_loop3A_326 : i32
            %parallel_loop3A_352 = arith.index_cast %parallel_loop3A_351 : i32 to index
            %parallel_loop3A_353 = arith.constant 32 : index
            %parallel_loop3A_354 = tpu.vector_load %arg6[%parallel_loop3A_352, %parallel_loop3A_353] {strides = array<i32>} : memref<512x128xf32, #tpu.memory_space<vmem>>, vector<1x16xf32>,
            %parallel_loop3A_355 = vector.shape_cast %parallel_loop3A_354 : vector<1x16xf32> to vector<16xf32>
            %parallel_loop3A_356 = arith.mulf %parallel_loop3A_355, %get3A_303 : vector<16xf32>
            %parallel_loop3A_357 = arith.addi %add3A_285, %parallel_loop3A_326 : i32
            %parallel_loop3A_358 = arith.index_cast %parallel_loop3A_357 : i32 to index
            %parallel_loop3A_359 = arith.constant 32 : index
            %parallel_loop3A_360 = tpu.vector_load %arg6[%parallel_loop3A_358, %parallel_loop3A_359] {strides = array<i32>} : memref<512x128xf32, #tpu.memory_space<vmem>>, vector<1x16xf32>,
            %parallel_loop3A_361 = vector.shape_cast %parallel_loop3A_360 : vector<1x16xf32> to vector<16xf32>
            %parallel_loop3A_362 = vector.shape_cast %parallel_loop3A_356 : vector<16xf32> to vector<1x16xf32>
            tpu.vector_store %arg6[%parallel_loop3A_358, %parallel_loop3A_359], %parallel_loop3A_362 {strides = array<i32>} : memref<512x128xf32, #tpu.memory_space<vmem>>, vector<1x16xf32>,
            %parallel_loop3A_363 = arith.addi %add3A_285, %parallel_loop3A_326 : i32
            %parallel_loop3A_364 = arith.index_cast %parallel_loop3A_363 : i32 to index
            %parallel_loop3A_365 = arith.constant 48 : index
            %parallel_loop3A_366 = tpu.vector_load %arg6[%parallel_loop3A_364, %parallel_loop3A_365] {strides = array<i32>} : memref<512x128xf32, #tpu.memory_space<vmem>>, vector<1x16xf32>,
            %parallel_loop3A_367 = vector.shape_cast %parallel_loop3A_366 : vector<1x16xf32> to vector<16xf32>
            %parallel_loop3A_368 = arith.mulf %parallel_loop3A_367, %get3A_307 : vector<16xf32>
            %parallel_loop3A_369 = arith.addi %add3A_285, %parallel_loop3A_326 : i32
            %parallel_loop3A_370 = arith.index_cast %parallel_loop3A_369 : i32 to index
            %parallel_loop3A_371 = arith.constant 48 : index
            %parallel_loop3A_372 = tpu.vector_load %arg6[%parallel_loop3A_370, %parallel_loop3A_371] {strides = array<i32>} : memref<512x128xf32, #tpu.memory_space<vmem>>, vector<1x16xf32>,
            %parallel_loop3A_373 = vector.shape_cast %parallel_loop3A_372 : vector<1x16xf32> to vector<16xf32>
            %parallel_loop3A_374 = vector.shape_cast %parallel_loop3A_368 : vector<16xf32> to vector<1x16xf32>
            tpu.vector_store %arg6[%parallel_loop3A_370, %parallel_loop3A_371], %parallel_loop3A_374 {strides = array<i32>} : memref<512x128xf32, #tpu.memory_space<vmem>>, vector<1x16xf32>,
            %parallel_loop3A_375 = arith.addi %add3A_285, %parallel_loop3A_326 : i32
            %parallel_loop3A_376 = arith.index_cast %parallel_loop3A_375 : i32 to index
            %parallel_loop3A_377 = arith.constant 64 : index
            %parallel_loop3A_378 = tpu.vector_load %arg6[%parallel_loop3A_376, %parallel_loop3A_377] {strides = array<i32>} : memref<512x128xf32, #tpu.memory_space<vmem>>, vector<1x16xf32>,
            %parallel_loop3A_379 = vector.shape_cast %parallel_loop3A_378 : vector<1x16xf32> to vector<16xf32>
            %parallel_loop3A_380 = arith.mulf %parallel_loop3A_379, %get3A_311 : vector<16xf32>
            %parallel_loop3A_381 = arith.addi %add3A_285, %parallel_loop3A_326 : i32
            %parallel_loop3A_382 = arith.index_cast %parallel_loop3A_381 : i32 to index
            %parallel_loop3A_383 = arith.constant 64 : index
            %parallel_loop3A_384 = tpu.vector_load %arg6[%parallel_loop3A_382, %parallel_loop3A_383] {strides = array<i32>} : memref<512x128xf32, #tpu.memory_space<vmem>>, vector<1x16xf32>,
            %parallel_loop3A_385 = vector.shape_cast %parallel_loop3A_384 : vector<1x16xf32> to vector<16xf32>
            %parallel_loop3A_386 = vector.shape_cast %parallel_loop3A_380 : vector<16xf32> to vector<1x16xf32>
            tpu.vector_store %arg6[%parallel_loop3A_382, %parallel_loop3A_383], %parallel_loop3A_386 {strides = array<i32>} : memref<512x128xf32, #tpu.memory_space<vmem>>, vector<1x16xf32>,
            %parallel_loop3A_387 = arith.addi %add3A_285, %parallel_loop3A_326 : i32
            %parallel_loop3A_388 = arith.index_cast %parallel_loop3A_387 : i32 to index
            %parallel_loop3A_389 = arith.constant 80 : index
            %parallel_loop3A_390 = tpu.vector_load %arg6[%parallel_loop3A_388, %parallel_loop3A_389] {strides = array<i32>} : memref<512x128xf32, #tpu.memory_space<vmem>>, vector<1x16xf32>,
            %parallel_loop3A_391 = vector.shape_cast %parallel_loop3A_390 : vector<1x16xf32> to vector<16xf32>
            %parallel_loop3A_392 = arith.mulf %parallel_loop3A_391, %get3A_315 : vector<16xf32>
            %parallel_loop3A_393 = arith.addi %add3A_285, %parallel_loop3A_326 : i32
            %parallel_loop3A_394 = arith.index_cast %parallel_loop3A_393 : i32 to index
            %parallel_loop3A_395 = arith.constant 80 : index
            %parallel_loop3A_396 = tpu.vector_load %arg6[%parallel_loop3A_394, %parallel_loop3A_395] {strides = array<i32>} : memref<512x128xf32, #tpu.memory_space<vmem>>, vector<1x16xf32>,
            %parallel_loop3A_397 = vector.shape_cast %parallel_loop3A_396 : vector<1x16xf32> to vector<16xf32>
            %parallel_loop3A_398 = vector.shape_cast %parallel_loop3A_392 : vector<16xf32> to vector<1x16xf32>
            tpu.vector_store %arg6[%parallel_loop3A_394, %parallel_loop3A_395], %parallel_loop3A_398 {strides = array<i32>} : memref<512x128xf32, #tpu.memory_space<vmem>>, vector<1x16xf32>,
            %parallel_loop3A_399 = arith.addi %add3A_285, %parallel_loop3A_326 : i32
            %parallel_loop3A_400 = arith.index_cast %parallel_loop3A_399 : i32 to index
            %parallel_loop3A_401 = arith.constant 96 : index
            %parallel_loop3A_402 = tpu.vector_load %arg6[%parallel_loop3A_400, %parallel_loop3A_401] {strides = array<i32>} : memref<512x128xf32, #tpu.memory_space<vmem>>, vector<1x16xf32>,
            %parallel_loop3A_403 = vector.shape_cast %parallel_loop3A_402 : vector<1x16xf32> to vector<16xf32>
            %parallel_loop3A_404 = arith.mulf %parallel_loop3A_403, %get3A_319 : vector<16xf32>
            %parallel_loop3A_405 = arith.addi %add3A_285, %parallel_loop3A_326 : i32
            %parallel_loop3A_406 = arith.index_cast %parallel_loop3A_405 : i32 to index
            %parallel_loop3A_407 = arith.constant 96 : index
            %parallel_loop3A_408 = tpu.vector_load %arg6[%parallel_loop3A_406, %parallel_loop3A_407] {strides = array<i32>} : memref<512x128xf32, #tpu.memory_space<vmem>>, vector<1x16xf32>,
            %parallel_loop3A_409 = vector.shape_cast %parallel_loop3A_408 : vector<1x16xf32> to vector<16xf32>
            %parallel_loop3A_410 = vector.shape_cast %parallel_loop3A_404 : vector<16xf32> to vector<1x16xf32>
            tpu.vector_store %arg6[%parallel_loop3A_406, %parallel_loop3A_407], %parallel_loop3A_410 {strides = array<i32>} : memref<512x128xf32, #tpu.memory_space<vmem>>, vector<1x16xf32>,
            %parallel_loop3A_411 = arith.addi %add3A_285, %parallel_loop3A_326 : i32
            %parallel_loop3A_412 = arith.index_cast %parallel_loop3A_411 : i32 to index
            %parallel_loop3A_413 = arith.constant 112 : index
            %parallel_loop3A_414 = tpu.vector_load %arg6[%parallel_loop3A_412, %parallel_loop3A_413] {strides = array<i32>} : memref<512x128xf32, #tpu.memory_space<vmem>>, vector<1x16xf32>,
            %parallel_loop3A_415 = vector.shape_cast %parallel_loop3A_414 : vector<1x16xf32> to vector<16xf32>
            %parallel_loop3A_416 = arith.mulf %parallel_loop3A_415, %get3A_323 : vector<16xf32>
            %parallel_loop3A_417 = arith.addi %add3A_285, %parallel_loop3A_326 : i32
            %parallel_loop3A_418 = arith.index_cast %parallel_loop3A_417 : i32 to index
            %parallel_loop3A_419 = arith.constant 112 : index
            %parallel_loop3A_420 = tpu.vector_load %arg6[%parallel_loop3A_418, %parallel_loop3A_419] {strides = array<i32>} : memref<512x128xf32, #tpu.memory_space<vmem>>, vector<1x16xf32>,
            %parallel_loop3A_421 = vector.shape_cast %parallel_loop3A_420 : vector<1x16xf32> to vector<16xf32>
            %parallel_loop3A_422 = vector.shape_cast %parallel_loop3A_416 : vector<16xf32> to vector<1x16xf32>
            tpu.vector_store %arg6[%parallel_loop3A_418, %parallel_loop3A_419], %parallel_loop3A_422 {strides = array<i32>} : memref<512x128xf32, #tpu.memory_space<vmem>>, vector<1x16xf32>,
          } {sc.loop_unroll_factor = 2 : i64, sc.parallel_access}
        } else {
          %slice3A_292 = vector.extract_strided_slice %get3A_281 {offsets = [0], sizes = [1], strides = [1]} : vector<16xi32> to vector<1xi32>
          %squeeze3A_293 = vector.extract %slice3A_292[0] : i32 from vector<1xi32>
          %scan3A_294 = arith.constant 0 : i32
          %scan3A_295 = arith.constant 0 : i32
          %scan3A_296 = arith.constant 8 : i32
          %scan3A_297 = arith.addi %scan3A_295, %scan3A_296 : i32
          %scan3A_298 = arith.constant 1 : i32
          scf.for %scan3A_420 = %scan3A_295 to %scan3A_297 step %scan3A_298  : i32 {
            %mul3A_421 = arith.constant 16 : i32
            %mul3A_422 = arith.muli %scan3A_420, %mul3A_421 : i32
            %add3A_423 = arith.constant 0 : i32
            %add3A_424 = arith.addi %add3A_285, %add3A_423 : i32
            %get3A_425 = arith.index_cast %add3A_424 : i32 to index
            %get3A_426 = arith.index_cast %mul3A_422 : i32 to index
            %get3A_427 = tpu.vector_load %arg6[%get3A_425, %get3A_426] {strides = array<i32>} : memref<512x128xf32, #tpu.memory_space<vmem>>, vector<1x16xf32>,
            %get3A_428 = vector.shape_cast %get3A_427 : vector<1x16xf32> to vector<16xf32>
            %get3A_429 = arith.index_cast %squeeze3A_293 : i32 to index
            %get3A_430 = arith.index_cast %mul3A_422 : i32 to index
            %get3A_431 = tpu.vector_load %arg10[%get3A_429, %get3A_430] {strides = array<i32>} : memref<16x128xf32, #tpu.memory_space<vmem>>, vector<1x16xf32>,
            %get3A_432 = vector.shape_cast %get3A_431 : vector<1x16xf32> to vector<16xf32>
            %mul3A_433 = arith.mulf %get3A_428, %get3A_432 : vector<16xf32>
            %add3A_434 = arith.constant 0 : i32
            %add3A_435 = arith.addi %add3A_285, %add3A_434 : i32
            %swap3A = arith.index_cast %add3A_435 : i32 to index
            %swap3A_436 = arith.index_cast %mul3A_422 : i32 to index
            %swap3A_437 = tpu.vector_load %arg6[%swap3A, %swap3A_436] {strides = array<i32>} : memref<512x128xf32, #tpu.memory_space<vmem>>, vector<1x16xf32>,
            %swap3A_438 = vector.shape_cast %swap3A_437 : vector<1x16xf32> to vector<16xf32>
            %swap3A_439 = vector.shape_cast %mul3A_433 : vector<16xf32> to vector<1x16xf32>
            tpu.vector_store %arg6[%swap3A, %swap3A_436], %swap3A_439 {strides = array<i32>} : memref<512x128xf32, #tpu.memory_space<vmem>>, vector<1x16xf32>,
          }
          %scan3A_299 = arith.constant 8 : i32
          %slice3A_300 = vector.extract_strided_slice %get3A_281 {offsets = [1], sizes = [1], strides = [1]} : vector<16xi32> to vector<1xi32>
          %squeeze3A_301 = vector.extract %slice3A_300[0] : i32 from vector<1xi32>
          %scan3A_302 = arith.constant 0 : i32
          %scan3A_303 = arith.constant 0 : i32
          %scan3A_304 = arith.constant 8 : i32
          %scan3A_305 = arith.addi %scan3A_303, %scan3A_304 : i32
          %scan3A_306 = arith.constant 1 : i32
          scf.for %scan3A_420 = %scan3A_303 to %scan3A_305 step %scan3A_306  : i32 {
            %mul3A_421 = arith.constant 16 : i32
            %mul3A_422 = arith.muli %scan3A_420, %mul3A_421 : i32
            %add3A_423 = arith.constant 1 : i32
            %add3A_424 = arith.addi %add3A_285, %add3A_423 : i32
            %get3A_425 = arith.index_cast %add3A_424 : i32 to index
            %get3A_426 = arith.index_cast %mul3A_422 : i32 to index
            %get3A_427 = tpu.vector_load %arg6[%get3A_425, %get3A_426] {strides = array<i32>} : memref<512x128xf32, #tpu.memory_space<vmem>>, vector<1x16xf32>,
            %get3A_428 = vector.shape_cast %get3A_427 : vector<1x16xf32> to vector<16xf32>
            %get3A_429 = arith.index_cast %squeeze3A_301 : i32 to index
            %get3A_430 = arith.index_cast %mul3A_422 : i32 to index
            %get3A_431 = tpu.vector_load %arg10[%get3A_429, %get3A_430] {strides = array<i32>} : memref<16x128xf32, #tpu.memory_space<vmem>>, vector<1x16xf32>,
            %get3A_432 = vector.shape_cast %get3A_431 : vector<1x16xf32> to vector<16xf32>
            %mul3A_433 = arith.mulf %get3A_428, %get3A_432 : vector<16xf32>
            %add3A_434 = arith.constant 1 : i32
            %add3A_435 = arith.addi %add3A_285, %add3A_434 : i32
            %swap3A = arith.index_cast %add3A_435 : i32 to index
            %swap3A_436 = arith.index_cast %mul3A_422 : i32 to index
            %swap3A_437 = tpu.vector_load %arg6[%swap3A, %swap3A_436] {strides = array<i32>} : memref<512x128xf32, #tpu.memory_space<vmem>>, vector<1x16xf32>,
            %swap3A_438 = vector.shape_cast %swap3A_437 : vector<1x16xf32> to vector<16xf32>
            %swap3A_439 = vector.shape_cast %mul3A_433 : vector<16xf32> to vector<1x16xf32>
            tpu.vector_store %arg6[%swap3A, %swap3A_436], %swap3A_439 {strides = array<i32>} : memref<512x128xf32, #tpu.memory_space<vmem>>, vector<1x16xf32>,
          }
          %scan3A_307 = arith.constant 8 : i32
          %slice3A_308 = vector.extract_strided_slice %get3A_281 {offsets = [2], sizes = [1], strides = [1]} : vector<16xi32> to vector<1xi32>
          %squeeze3A_309 = vector.extract %slice3A_308[0] : i32 from vector<1xi32>
          %scan3A_310 = arith.constant 0 : i32
          %scan3A_311 = arith.constant 0 : i32
          %scan3A_312 = arith.constant 8 : i32
          %scan3A_313 = arith.addi %scan3A_311, %scan3A_312 : i32
          %scan3A_314 = arith.constant 1 : i32
          scf.for %scan3A_420 = %scan3A_311 to %scan3A_313 step %scan3A_314  : i32 {
            %mul3A_421 = arith.constant 16 : i32
            %mul3A_422 = arith.muli %scan3A_420, %mul3A_421 : i32
            %add3A_423 = arith.constant 2 : i32
            %add3A_424 = arith.addi %add3A_285, %add3A_423 : i32
            %get3A_425 = arith.index_cast %add3A_424 : i32 to index
            %get3A_426 = arith.index_cast %mul3A_422 : i32 to index
            %get3A_427 = tpu.vector_load %arg6[%get3A_425, %get3A_426] {strides = array<i32>} : memref<512x128xf32, #tpu.memory_space<vmem>>, vector<1x16xf32>,
            %get3A_428 = vector.shape_cast %get3A_427 : vector<1x16xf32> to vector<16xf32>
            %get3A_429 = arith.index_cast %squeeze3A_309 : i32 to index
            %get3A_430 = arith.index_cast %mul3A_422 : i32 to index
            %get3A_431 = tpu.vector_load %arg10[%get3A_429, %get3A_430] {strides = array<i32>} : memref<16x128xf32, #tpu.memory_space<vmem>>, vector<1x16xf32>,
            %get3A_432 = vector.shape_cast %get3A_431 : vector<1x16xf32> to vector<16xf32>
            %mul3A_433 = arith.mulf %get3A_428, %get3A_432 : vector<16xf32>
            %add3A_434 = arith.constant 2 : i32
            %add3A_435 = arith.addi %add3A_285, %add3A_434 : i32
            %swap3A = arith.index_cast %add3A_435 : i32 to index
            %swap3A_436 = arith.index_cast %mul3A_422 : i32 to index
            %swap3A_437 = tpu.vector_load %arg6[%swap3A, %swap3A_436] {strides = array<i32>} : memref<512x128xf32, #tpu.memory_space<vmem>>, vector<1x16xf32>,
            %swap3A_438 = vector.shape_cast %swap3A_437 : vector<1x16xf32> to vector<16xf32>
            %swap3A_439 = vector.shape_cast %mul3A_433 : vector<16xf32> to vector<1x16xf32>
            tpu.vector_store %arg6[%swap3A, %swap3A_436], %swap3A_439 {strides = array<i32>} : memref<512x128xf32, #tpu.memory_space<vmem>>, vector<1x16xf32>,
          }
          %scan3A_315 = arith.constant 8 : i32
          %slice3A_316 = vector.extract_strided_slice %get3A_281 {offsets = [3], sizes = [1], strides = [1]} : vector<16xi32> to vector<1xi32>
          %squeeze3A_317 = vector.extract %slice3A_316[0] : i32 from vector<1xi32>
          %scan3A_318 = arith.constant 0 : i32
          %scan3A_319 = arith.constant 0 : i32
          %scan3A_320 = arith.constant 8 : i32
          %scan3A_321 = arith.addi %scan3A_319, %scan3A_320 : i32
          %scan3A_322 = arith.constant 1 : i32
          scf.for %scan3A_420 = %scan3A_319 to %scan3A_321 step %scan3A_322  : i32 {
            %mul3A_421 = arith.constant 16 : i32
            %mul3A_422 = arith.muli %scan3A_420, %mul3A_421 : i32
            %add3A_423 = arith.constant 3 : i32
            %add3A_424 = arith.addi %add3A_285, %add3A_423 : i32
            %get3A_425 = arith.index_cast %add3A_424 : i32 to index
            %get3A_426 = arith.index_cast %mul3A_422 : i32 to index
            %get3A_427 = tpu.vector_load %arg6[%get3A_425, %get3A_426] {strides = array<i32>} : memref<512x128xf32, #tpu.memory_space<vmem>>, vector<1x16xf32>,
            %get3A_428 = vector.shape_cast %get3A_427 : vector<1x16xf32> to vector<16xf32>
            %get3A_429 = arith.index_cast %squeeze3A_317 : i32 to index
            %get3A_430 = arith.index_cast %mul3A_422 : i32 to index
            %get3A_431 = tpu.vector_load %arg10[%get3A_429, %get3A_430] {strides = array<i32>} : memref<16x128xf32, #tpu.memory_space<vmem>>, vector<1x16xf32>,
            %get3A_432 = vector.shape_cast %get3A_431 : vector<1x16xf32> to vector<16xf32>
            %mul3A_433 = arith.mulf %get3A_428, %get3A_432 : vector<16xf32>
            %add3A_434 = arith.constant 3 : i32
            %add3A_435 = arith.addi %add3A_285, %add3A_434 : i32
            %swap3A = arith.index_cast %add3A_435 : i32 to index
            %swap3A_436 = arith.index_cast %mul3A_422 : i32 to index
            %swap3A_437 = tpu.vector_load %arg6[%swap3A, %swap3A_436] {strides = array<i32>} : memref<512x128xf32, #tpu.memory_space<vmem>>, vector<1x16xf32>,
            %swap3A_438 = vector.shape_cast %swap3A_437 : vector<1x16xf32> to vector<16xf32>
            %swap3A_439 = vector.shape_cast %mul3A_433 : vector<16xf32> to vector<1x16xf32>
            tpu.vector_store %arg6[%swap3A, %swap3A_436], %swap3A_439 {strides = array<i32>} : memref<512x128xf32, #tpu.memory_space<vmem>>, vector<1x16xf32>,
          }
          %scan3A_323 = arith.constant 8 : i32
          %slice3A_324 = vector.extract_strided_slice %get3A_281 {offsets = [4], sizes = [1], strides = [1]} : vector<16xi32> to vector<1xi32>
          %squeeze3A_325 = vector.extract %slice3A_324[0] : i32 from vector<1xi32>
          %scan3A_326 = arith.constant 0 : i32
          %scan3A_327 = arith.constant 0 : i32
          %scan3A_328 = arith.constant 8 : i32
          %scan3A_329 = arith.addi %scan3A_327, %scan3A_328 : i32
          %scan3A_330 = arith.constant 1 : i32
          scf.for %scan3A_420 = %scan3A_327 to %scan3A_329 step %scan3A_330  : i32 {
            %mul3A_421 = arith.constant 16 : i32
            %mul3A_422 = arith.muli %scan3A_420, %mul3A_421 : i32
            %add3A_423 = arith.constant 4 : i32
            %add3A_424 = arith.addi %add3A_285, %add3A_423 : i32
            %get3A_425 = arith.index_cast %add3A_424 : i32 to index
            %get3A_426 = arith.index_cast %mul3A_422 : i32 to index
            %get3A_427 = tpu.vector_load %arg6[%get3A_425, %get3A_426] {strides = array<i32>} : memref<512x128xf32, #tpu.memory_space<vmem>>, vector<1x16xf32>,
            %get3A_428 = vector.shape_cast %get3A_427 : vector<1x16xf32> to vector<16xf32>
            %get3A_429 = arith.index_cast %squeeze3A_325 : i32 to index
            %get3A_430 = arith.index_cast %mul3A_422 : i32 to index
            %get3A_431 = tpu.vector_load %arg10[%get3A_429, %get3A_430] {strides = array<i32>} : memref<16x128xf32, #tpu.memory_space<vmem>>, vector<1x16xf32>,
            %get3A_432 = vector.shape_cast %get3A_431 : vector<1x16xf32> to vector<16xf32>
            %mul3A_433 = arith.mulf %get3A_428, %get3A_432 : vector<16xf32>
            %add3A_434 = arith.constant 4 : i32
            %add3A_435 = arith.addi %add3A_285, %add3A_434 : i32
            %swap3A = arith.index_cast %add3A_435 : i32 to index
            %swap3A_436 = arith.index_cast %mul3A_422 : i32 to index
            %swap3A_437 = tpu.vector_load %arg6[%swap3A, %swap3A_436] {strides = array<i32>} : memref<512x128xf32, #tpu.memory_space<vmem>>, vector<1x16xf32>,
            %swap3A_438 = vector.shape_cast %swap3A_437 : vector<1x16xf32> to vector<16xf32>
            %swap3A_439 = vector.shape_cast %mul3A_433 : vector<16xf32> to vector<1x16xf32>
            tpu.vector_store %arg6[%swap3A, %swap3A_436], %swap3A_439 {strides = array<i32>} : memref<512x128xf32, #tpu.memory_space<vmem>>, vector<1x16xf32>,
          }
          %scan3A_331 = arith.constant 8 : i32
          %slice3A_332 = vector.extract_strided_slice %get3A_281 {offsets = [5], sizes = [1], strides = [1]} : vector<16xi32> to vector<1xi32>
          %squeeze3A_333 = vector.extract %slice3A_332[0] : i32 from vector<1xi32>
          %scan3A_334 = arith.constant 0 : i32
          %scan3A_335 = arith.constant 0 : i32
          %scan3A_336 = arith.constant 8 : i32
          %scan3A_337 = arith.addi %scan3A_335, %scan3A_336 : i32
          %scan3A_338 = arith.constant 1 : i32
          scf.for %scan3A_420 = %scan3A_335 to %scan3A_337 step %scan3A_338  : i32 {
            %mul3A_421 = arith.constant 16 : i32
            %mul3A_422 = arith.muli %scan3A_420, %mul3A_421 : i32
            %add3A_423 = arith.constant 5 : i32
            %add3A_424 = arith.addi %add3A_285, %add3A_423 : i32
            %get3A_425 = arith.index_cast %add3A_424 : i32 to index
            %get3A_426 = arith.index_cast %mul3A_422 : i32 to index
            %get3A_427 = tpu.vector_load %arg6[%get3A_425, %get3A_426] {strides = array<i32>} : memref<512x128xf32, #tpu.memory_space<vmem>>, vector<1x16xf32>,
            %get3A_428 = vector.shape_cast %get3A_427 : vector<1x16xf32> to vector<16xf32>
            %get3A_429 = arith.index_cast %squeeze3A_333 : i32 to index
            %get3A_430 = arith.index_cast %mul3A_422 : i32 to index
            %get3A_431 = tpu.vector_load %arg10[%get3A_429, %get3A_430] {strides = array<i32>} : memref<16x128xf32, #tpu.memory_space<vmem>>, vector<1x16xf32>,
            %get3A_432 = vector.shape_cast %get3A_431 : vector<1x16xf32> to vector<16xf32>
            %mul3A_433 = arith.mulf %get3A_428, %get3A_432 : vector<16xf32>
            %add3A_434 = arith.constant 5 : i32
            %add3A_435 = arith.addi %add3A_285, %add3A_434 : i32
            %swap3A = arith.index_cast %add3A_435 : i32 to index
            %swap3A_436 = arith.index_cast %mul3A_422 : i32 to index
            %swap3A_437 = tpu.vector_load %arg6[%swap3A, %swap3A_436] {strides = array<i32>} : memref<512x128xf32, #tpu.memory_space<vmem>>, vector<1x16xf32>,
            %swap3A_438 = vector.shape_cast %swap3A_437 : vector<1x16xf32> to vector<16xf32>
            %swap3A_439 = vector.shape_cast %mul3A_433 : vector<16xf32> to vector<1x16xf32>
            tpu.vector_store %arg6[%swap3A, %swap3A_436], %swap3A_439 {strides = array<i32>} : memref<512x128xf32, #tpu.memory_space<vmem>>, vector<1x16xf32>,
          }
          %scan3A_339 = arith.constant 8 : i32
          %slice3A_340 = vector.extract_strided_slice %get3A_281 {offsets = [6], sizes = [1], strides = [1]} : vector<16xi32> to vector<1xi32>
          %squeeze3A_341 = vector.extract %slice3A_340[0] : i32 from vector<1xi32>
          %scan3A_342 = arith.constant 0 : i32
          %scan3A_343 = arith.constant 0 : i32
          %scan3A_344 = arith.constant 8 : i32
          %scan3A_345 = arith.addi %scan3A_343, %scan3A_344 : i32
          %scan3A_346 = arith.constant 1 : i32
          scf.for %scan3A_420 = %scan3A_343 to %scan3A_345 step %scan3A_346  : i32 {
            %mul3A_421 = arith.constant 16 : i32
            %mul3A_422 = arith.muli %scan3A_420, %mul3A_421 : i32
            %add3A_423 = arith.constant 6 : i32
            %add3A_424 = arith.addi %add3A_285, %add3A_423 : i32
            %get3A_425 = arith.index_cast %add3A_424 : i32 to index
            %get3A_426 = arith.index_cast %mul3A_422 : i32 to index
            %get3A_427 = tpu.vector_load %arg6[%get3A_425, %get3A_426] {strides = array<i32>} : memref<512x128xf32, #tpu.memory_space<vmem>>, vector<1x16xf32>,
            %get3A_428 = vector.shape_cast %get3A_427 : vector<1x16xf32> to vector<16xf32>
            %get3A_429 = arith.index_cast %squeeze3A_341 : i32 to index
            %get3A_430 = arith.index_cast %mul3A_422 : i32 to index
            %get3A_431 = tpu.vector_load %arg10[%get3A_429, %get3A_430] {strides = array<i32>} : memref<16x128xf32, #tpu.memory_space<vmem>>, vector<1x16xf32>,
            %get3A_432 = vector.shape_cast %get3A_431 : vector<1x16xf32> to vector<16xf32>
            %mul3A_433 = arith.mulf %get3A_428, %get3A_432 : vector<16xf32>
            %add3A_434 = arith.constant 6 : i32
            %add3A_435 = arith.addi %add3A_285, %add3A_434 : i32
            %swap3A = arith.index_cast %add3A_435 : i32 to index
            %swap3A_436 = arith.index_cast %mul3A_422 : i32 to index
            %swap3A_437 = tpu.vector_load %arg6[%swap3A, %swap3A_436] {strides = array<i32>} : memref<512x128xf32, #tpu.memory_space<vmem>>, vector<1x16xf32>,
            %swap3A_438 = vector.shape_cast %swap3A_437 : vector<1x16xf32> to vector<16xf32>
            %swap3A_439 = vector.shape_cast %mul3A_433 : vector<16xf32> to vector<1x16xf32>
            tpu.vector_store %arg6[%swap3A, %swap3A_436], %swap3A_439 {strides = array<i32>} : memref<512x128xf32, #tpu.memory_space<vmem>>, vector<1x16xf32>,
          }
          %scan3A_347 = arith.constant 8 : i32
          %slice3A_348 = vector.extract_strided_slice %get3A_281 {offsets = [7], sizes = [1], strides = [1]} : vector<16xi32> to vector<1xi32>
          %squeeze3A_349 = vector.extract %slice3A_348[0] : i32 from vector<1xi32>
          %scan3A_350 = arith.constant 0 : i32
          %scan3A_351 = arith.constant 0 : i32
          %scan3A_352 = arith.constant 8 : i32
          %scan3A_353 = arith.addi %scan3A_351, %scan3A_352 : i32
          %scan3A_354 = arith.constant 1 : i32
          scf.for %scan3A_420 = %scan3A_351 to %scan3A_353 step %scan3A_354  : i32 {
            %mul3A_421 = arith.constant 16 : i32
            %mul3A_422 = arith.muli %scan3A_420, %mul3A_421 : i32
            %add3A_423 = arith.constant 7 : i32
            %add3A_424 = arith.addi %add3A_285, %add3A_423 : i32
            %get3A_425 = arith.index_cast %add3A_424 : i32 to index
            %get3A_426 = arith.index_cast %mul3A_422 : i32 to index
            %get3A_427 = tpu.vector_load %arg6[%get3A_425, %get3A_426] {strides = array<i32>} : memref<512x128xf32, #tpu.memory_space<vmem>>, vector<1x16xf32>,
            %get3A_428 = vector.shape_cast %get3A_427 : vector<1x16xf32> to vector<16xf32>
            %get3A_429 = arith.index_cast %squeeze3A_349 : i32 to index
            %get3A_430 = arith.index_cast %mul3A_422 : i32 to index
            %get3A_431 = tpu.vector_load %arg10[%get3A_429, %get3A_430] {strides = array<i32>} : memref<16x128xf32, #tpu.memory_space<vmem>>, vector<1x16xf32>,
            %get3A_432 = vector.shape_cast %get3A_431 : vector<1x16xf32> to vector<16xf32>
            %mul3A_433 = arith.mulf %get3A_428, %get3A_432 : vector<16xf32>
            %add3A_434 = arith.constant 7 : i32
            %add3A_435 = arith.addi %add3A_285, %add3A_434 : i32
            %swap3A = arith.index_cast %add3A_435 : i32 to index
            %swap3A_436 = arith.index_cast %mul3A_422 : i32 to index
            %swap3A_437 = tpu.vector_load %arg6[%swap3A, %swap3A_436] {strides = array<i32>} : memref<512x128xf32, #tpu.memory_space<vmem>>, vector<1x16xf32>,
            %swap3A_438 = vector.shape_cast %swap3A_437 : vector<1x16xf32> to vector<16xf32>
            %swap3A_439 = vector.shape_cast %mul3A_433 : vector<16xf32> to vector<1x16xf32>
            tpu.vector_store %arg6[%swap3A, %swap3A_436], %swap3A_439 {strides = array<i32>} : memref<512x128xf32, #tpu.memory_space<vmem>>, vector<1x16xf32>,
          }
          %scan3A_355 = arith.constant 8 : i32
          %slice3A_356 = vector.extract_strided_slice %get3A_281 {offsets = [8], sizes = [1], strides = [1]} : vector<16xi32> to vector<1xi32>
          %squeeze3A_357 = vector.extract %slice3A_356[0] : i32 from vector<1xi32>
          %scan3A_358 = arith.constant 0 : i32
          %scan3A_359 = arith.constant 0 : i32
          %scan3A_360 = arith.constant 8 : i32
          %scan3A_361 = arith.addi %scan3A_359, %scan3A_360 : i32
          %scan3A_362 = arith.constant 1 : i32
          scf.for %scan3A_420 = %scan3A_359 to %scan3A_361 step %scan3A_362  : i32 {
            %mul3A_421 = arith.constant 16 : i32
            %mul3A_422 = arith.muli %scan3A_420, %mul3A_421 : i32
            %add3A_423 = arith.constant 8 : i32
            %add3A_424 = arith.addi %add3A_285, %add3A_423 : i32
            %get3A_425 = arith.index_cast %add3A_424 : i32 to index
            %get3A_426 = arith.index_cast %mul3A_422 : i32 to index
            %get3A_427 = tpu.vector_load %arg6[%get3A_425, %get3A_426] {strides = array<i32>} : memref<512x128xf32, #tpu.memory_space<vmem>>, vector<1x16xf32>,
            %get3A_428 = vector.shape_cast %get3A_427 : vector<1x16xf32> to vector<16xf32>
            %get3A_429 = arith.index_cast %squeeze3A_357 : i32 to index
            %get3A_430 = arith.index_cast %mul3A_422 : i32 to index
            %get3A_431 = tpu.vector_load %arg10[%get3A_429, %get3A_430] {strides = array<i32>} : memref<16x128xf32, #tpu.memory_space<vmem>>, vector<1x16xf32>,
            %get3A_432 = vector.shape_cast %get3A_431 : vector<1x16xf32> to vector<16xf32>
            %mul3A_433 = arith.mulf %get3A_428, %get3A_432 : vector<16xf32>
            %add3A_434 = arith.constant 8 : i32
            %add3A_435 = arith.addi %add3A_285, %add3A_434 : i32
            %swap3A = arith.index_cast %add3A_435 : i32 to index
            %swap3A_436 = arith.index_cast %mul3A_422 : i32 to index
            %swap3A_437 = tpu.vector_load %arg6[%swap3A, %swap3A_436] {strides = array<i32>} : memref<512x128xf32, #tpu.memory_space<vmem>>, vector<1x16xf32>,
            %swap3A_438 = vector.shape_cast %swap3A_437 : vector<1x16xf32> to vector<16xf32>
            %swap3A_439 = vector.shape_cast %mul3A_433 : vector<16xf32> to vector<1x16xf32>
            tpu.vector_store %arg6[%swap3A, %swap3A_436], %swap3A_439 {strides = array<i32>} : memref<512x128xf32, #tpu.memory_space<vmem>>, vector<1x16xf32>,
          }
          %scan3A_363 = arith.constant 8 : i32
          %slice3A_364 = vector.extract_strided_slice %get3A_281 {offsets = [9], sizes = [1], strides = [1]} : vector<16xi32> to vector<1xi32>
          %squeeze3A_365 = vector.extract %slice3A_364[0] : i32 from vector<1xi32>
          %scan3A_366 = arith.constant 0 : i32
          %scan3A_367 = arith.constant 0 : i32
          %scan3A_368 = arith.constant 8 : i32
          %scan3A_369 = arith.addi %scan3A_367, %scan3A_368 : i32
          %scan3A_370 = arith.constant 1 : i32
          scf.for %scan3A_420 = %scan3A_367 to %scan3A_369 step %scan3A_370  : i32 {
            %mul3A_421 = arith.constant 16 : i32
            %mul3A_422 = arith.muli %scan3A_420, %mul3A_421 : i32
            %add3A_423 = arith.constant 9 : i32
            %add3A_424 = arith.addi %add3A_285, %add3A_423 : i32
            %get3A_425 = arith.index_cast %add3A_424 : i32 to index
            %get3A_426 = arith.index_cast %mul3A_422 : i32 to index
            %get3A_427 = tpu.vector_load %arg6[%get3A_425, %get3A_426] {strides = array<i32>} : memref<512x128xf32, #tpu.memory_space<vmem>>, vector<1x16xf32>,
            %get3A_428 = vector.shape_cast %get3A_427 : vector<1x16xf32> to vector<16xf32>
            %get3A_429 = arith.index_cast %squeeze3A_365 : i32 to index
            %get3A_430 = arith.index_cast %mul3A_422 : i32 to index
            %get3A_431 = tpu.vector_load %arg10[%get3A_429, %get3A_430] {strides = array<i32>} : memref<16x128xf32, #tpu.memory_space<vmem>>, vector<1x16xf32>,
            %get3A_432 = vector.shape_cast %get3A_431 : vector<1x16xf32> to vector<16xf32>
            %mul3A_433 = arith.mulf %get3A_428, %get3A_432 : vector<16xf32>
            %add3A_434 = arith.constant 9 : i32
            %add3A_435 = arith.addi %add3A_285, %add3A_434 : i32
            %swap3A = arith.index_cast %add3A_435 : i32 to index
            %swap3A_436 = arith.index_cast %mul3A_422 : i32 to index
            %swap3A_437 = tpu.vector_load %arg6[%swap3A, %swap3A_436] {strides = array<i32>} : memref<512x128xf32, #tpu.memory_space<vmem>>, vector<1x16xf32>,
            %swap3A_438 = vector.shape_cast %swap3A_437 : vector<1x16xf32> to vector<16xf32>
            %swap3A_439 = vector.shape_cast %mul3A_433 : vector<16xf32> to vector<1x16xf32>
            tpu.vector_store %arg6[%swap3A, %swap3A_436], %swap3A_439 {strides = array<i32>} : memref<512x128xf32, #tpu.memory_space<vmem>>, vector<1x16xf32>,
          }
          %scan3A_371 = arith.constant 8 : i32
          %slice3A_372 = vector.extract_strided_slice %get3A_281 {offsets = [10], sizes = [1], strides = [1]} : vector<16xi32> to vector<1xi32>
          %squeeze3A_373 = vector.extract %slice3A_372[0] : i32 from vector<1xi32>
          %scan3A_374 = arith.constant 0 : i32
          %scan3A_375 = arith.constant 0 : i32
          %scan3A_376 = arith.constant 8 : i32
          %scan3A_377 = arith.addi %scan3A_375, %scan3A_376 : i32
          %scan3A_378 = arith.constant 1 : i32
          scf.for %scan3A_420 = %scan3A_375 to %scan3A_377 step %scan3A_378  : i32 {
            %mul3A_421 = arith.constant 16 : i32
            %mul3A_422 = arith.muli %scan3A_420, %mul3A_421 : i32
            %add3A_423 = arith.constant 10 : i32
            %add3A_424 = arith.addi %add3A_285, %add3A_423 : i32
            %get3A_425 = arith.index_cast %add3A_424 : i32 to index
            %get3A_426 = arith.index_cast %mul3A_422 : i32 to index
            %get3A_427 = tpu.vector_load %arg6[%get3A_425, %get3A_426] {strides = array<i32>} : memref<512x128xf32, #tpu.memory_space<vmem>>, vector<1x16xf32>,
            %get3A_428 = vector.shape_cast %get3A_427 : vector<1x16xf32> to vector<16xf32>
            %get3A_429 = arith.index_cast %squeeze3A_373 : i32 to index
            %get3A_430 = arith.index_cast %mul3A_422 : i32 to index
            %get3A_431 = tpu.vector_load %arg10[%get3A_429, %get3A_430] {strides = array<i32>} : memref<16x128xf32, #tpu.memory_space<vmem>>, vector<1x16xf32>,
            %get3A_432 = vector.shape_cast %get3A_431 : vector<1x16xf32> to vector<16xf32>
            %mul3A_433 = arith.mulf %get3A_428, %get3A_432 : vector<16xf32>
            %add3A_434 = arith.constant 10 : i32
            %add3A_435 = arith.addi %add3A_285, %add3A_434 : i32
            %swap3A = arith.index_cast %add3A_435 : i32 to index
            %swap3A_436 = arith.index_cast %mul3A_422 : i32 to index
            %swap3A_437 = tpu.vector_load %arg6[%swap3A, %swap3A_436] {strides = array<i32>} : memref<512x128xf32, #tpu.memory_space<vmem>>, vector<1x16xf32>,
            %swap3A_438 = vector.shape_cast %swap3A_437 : vector<1x16xf32> to vector<16xf32>
            %swap3A_439 = vector.shape_cast %mul3A_433 : vector<16xf32> to vector<1x16xf32>
            tpu.vector_store %arg6[%swap3A, %swap3A_436], %swap3A_439 {strides = array<i32>} : memref<512x128xf32, #tpu.memory_space<vmem>>, vector<1x16xf32>,
          }
          %scan3A_379 = arith.constant 8 : i32
          %slice3A_380 = vector.extract_strided_slice %get3A_281 {offsets = [11], sizes = [1], strides = [1]} : vector<16xi32> to vector<1xi32>
          %squeeze3A_381 = vector.extract %slice3A_380[0] : i32 from vector<1xi32>
          %scan3A_382 = arith.constant 0 : i32
          %scan3A_383 = arith.constant 0 : i32
          %scan3A_384 = arith.constant 8 : i32
          %scan3A_385 = arith.addi %scan3A_383, %scan3A_384 : i32
          %scan3A_386 = arith.constant 1 : i32
          scf.for %scan3A_420 = %scan3A_383 to %scan3A_385 step %scan3A_386  : i32 {
            %mul3A_421 = arith.constant 16 : i32
            %mul3A_422 = arith.muli %scan3A_420, %mul3A_421 : i32
            %add3A_423 = arith.constant 11 : i32
            %add3A_424 = arith.addi %add3A_285, %add3A_423 : i32
            %get3A_425 = arith.index_cast %add3A_424 : i32 to index
            %get3A_426 = arith.index_cast %mul3A_422 : i32 to index
            %get3A_427 = tpu.vector_load %arg6[%get3A_425, %get3A_426] {strides = array<i32>} : memref<512x128xf32, #tpu.memory_space<vmem>>, vector<1x16xf32>,
            %get3A_428 = vector.shape_cast %get3A_427 : vector<1x16xf32> to vector<16xf32>
            %get3A_429 = arith.index_cast %squeeze3A_381 : i32 to index
            %get3A_430 = arith.index_cast %mul3A_422 : i32 to index
            %get3A_431 = tpu.vector_load %arg10[%get3A_429, %get3A_430] {strides = array<i32>} : memref<16x128xf32, #tpu.memory_space<vmem>>, vector<1x16xf32>,
            %get3A_432 = vector.shape_cast %get3A_431 : vector<1x16xf32> to vector<16xf32>
            %mul3A_433 = arith.mulf %get3A_428, %get3A_432 : vector<16xf32>
            %add3A_434 = arith.constant 11 : i32
            %add3A_435 = arith.addi %add3A_285, %add3A_434 : i32
            %swap3A = arith.index_cast %add3A_435 : i32 to index
            %swap3A_436 = arith.index_cast %mul3A_422 : i32 to index
            %swap3A_437 = tpu.vector_load %arg6[%swap3A, %swap3A_436] {strides = array<i32>} : memref<512x128xf32, #tpu.memory_space<vmem>>, vector<1x16xf32>,
            %swap3A_438 = vector.shape_cast %swap3A_437 : vector<1x16xf32> to vector<16xf32>
            %swap3A_439 = vector.shape_cast %mul3A_433 : vector<16xf32> to vector<1x16xf32>
            tpu.vector_store %arg6[%swap3A, %swap3A_436], %swap3A_439 {strides = array<i32>} : memref<512x128xf32, #tpu.memory_space<vmem>>, vector<1x16xf32>,
          }
          %scan3A_387 = arith.constant 8 : i32
          %slice3A_388 = vector.extract_strided_slice %get3A_281 {offsets = [12], sizes = [1], strides = [1]} : vector<16xi32> to vector<1xi32>
          %squeeze3A_389 = vector.extract %slice3A_388[0] : i32 from vector<1xi32>
          %scan3A_390 = arith.constant 0 : i32
          %scan3A_391 = arith.constant 0 : i32
          %scan3A_392 = arith.constant 8 : i32
          %scan3A_393 = arith.addi %scan3A_391, %scan3A_392 : i32
          %scan3A_394 = arith.constant 1 : i32
          scf.for %scan3A_420 = %scan3A_391 to %scan3A_393 step %scan3A_394  : i32 {
            %mul3A_421 = arith.constant 16 : i32
            %mul3A_422 = arith.muli %scan3A_420, %mul3A_421 : i32
            %add3A_423 = arith.constant 12 : i32
            %add3A_424 = arith.addi %add3A_285, %add3A_423 : i32
            %get3A_425 = arith.index_cast %add3A_424 : i32 to index
            %get3A_426 = arith.index_cast %mul3A_422 : i32 to index
            %get3A_427 = tpu.vector_load %arg6[%get3A_425, %get3A_426] {strides = array<i32>} : memref<512x128xf32, #tpu.memory_space<vmem>>, vector<1x16xf32>,
            %get3A_428 = vector.shape_cast %get3A_427 : vector<1x16xf32> to vector<16xf32>
            %get3A_429 = arith.index_cast %squeeze3A_389 : i32 to index
            %get3A_430 = arith.index_cast %mul3A_422 : i32 to index
            %get3A_431 = tpu.vector_load %arg10[%get3A_429, %get3A_430] {strides = array<i32>} : memref<16x128xf32, #tpu.memory_space<vmem>>, vector<1x16xf32>,
            %get3A_432 = vector.shape_cast %get3A_431 : vector<1x16xf32> to vector<16xf32>
            %mul3A_433 = arith.mulf %get3A_428, %get3A_432 : vector<16xf32>
            %add3A_434 = arith.constant 12 : i32
            %add3A_435 = arith.addi %add3A_285, %add3A_434 : i32
            %swap3A = arith.index_cast %add3A_435 : i32 to index
            %swap3A_436 = arith.index_cast %mul3A_422 : i32 to index
            %swap3A_437 = tpu.vector_load %arg6[%swap3A, %swap3A_436] {strides = array<i32>} : memref<512x128xf32, #tpu.memory_space<vmem>>, vector<1x16xf32>,
            %swap3A_438 = vector.shape_cast %swap3A_437 : vector<1x16xf32> to vector<16xf32>
            %swap3A_439 = vector.shape_cast %mul3A_433 : vector<16xf32> to vector<1x16xf32>
            tpu.vector_store %arg6[%swap3A, %swap3A_436], %swap3A_439 {strides = array<i32>} : memref<512x128xf32, #tpu.memory_space<vmem>>, vector<1x16xf32>,
          }
          %scan3A_395 = arith.constant 8 : i32
          %slice3A_396 = vector.extract_strided_slice %get3A_281 {offsets = [13], sizes = [1], strides = [1]} : vector<16xi32> to vector<1xi32>
          %squeeze3A_397 = vector.extract %slice3A_396[0] : i32 from vector<1xi32>
          %scan3A_398 = arith.constant 0 : i32
          %scan3A_399 = arith.constant 0 : i32
          %scan3A_400 = arith.constant 8 : i32
          %scan3A_401 = arith.addi %scan3A_399, %scan3A_400 : i32
          %scan3A_402 = arith.constant 1 : i32
          scf.for %scan3A_420 = %scan3A_399 to %scan3A_401 step %scan3A_402  : i32 {
            %mul3A_421 = arith.constant 16 : i32
            %mul3A_422 = arith.muli %scan3A_420, %mul3A_421 : i32
            %add3A_423 = arith.constant 13 : i32
            %add3A_424 = arith.addi %add3A_285, %add3A_423 : i32
            %get3A_425 = arith.index_cast %add3A_424 : i32 to index
            %get3A_426 = arith.index_cast %mul3A_422 : i32 to index
            %get3A_427 = tpu.vector_load %arg6[%get3A_425, %get3A_426] {strides = array<i32>} : memref<512x128xf32, #tpu.memory_space<vmem>>, vector<1x16xf32>,
            %get3A_428 = vector.shape_cast %get3A_427 : vector<1x16xf32> to vector<16xf32>
            %get3A_429 = arith.index_cast %squeeze3A_397 : i32 to index
            %get3A_430 = arith.index_cast %mul3A_422 : i32 to index
            %get3A_431 = tpu.vector_load %arg10[%get3A_429, %get3A_430] {strides = array<i32>} : memref<16x128xf32, #tpu.memory_space<vmem>>, vector<1x16xf32>,
            %get3A_432 = vector.shape_cast %get3A_431 : vector<1x16xf32> to vector<16xf32>
            %mul3A_433 = arith.mulf %get3A_428, %get3A_432 : vector<16xf32>
            %add3A_434 = arith.constant 13 : i32
            %add3A_435 = arith.addi %add3A_285, %add3A_434 : i32
            %swap3A = arith.index_cast %add3A_435 : i32 to index
            %swap3A_436 = arith.index_cast %mul3A_422 : i32 to index
            %swap3A_437 = tpu.vector_load %arg6[%swap3A, %swap3A_436] {strides = array<i32>} : memref<512x128xf32, #tpu.memory_space<vmem>>, vector<1x16xf32>,
            %swap3A_438 = vector.shape_cast %swap3A_437 : vector<1x16xf32> to vector<16xf32>
            %swap3A_439 = vector.shape_cast %mul3A_433 : vector<16xf32> to vector<1x16xf32>
            tpu.vector_store %arg6[%swap3A, %swap3A_436], %swap3A_439 {strides = array<i32>} : memref<512x128xf32, #tpu.memory_space<vmem>>, vector<1x16xf32>,
          }
          %scan3A_403 = arith.constant 8 : i32
          %slice3A_404 = vector.extract_strided_slice %get3A_281 {offsets = [14], sizes = [1], strides = [1]} : vector<16xi32> to vector<1xi32>
          %squeeze3A_405 = vector.extract %slice3A_404[0] : i32 from vector<1xi32>
          %scan3A_406 = arith.constant 0 : i32
          %scan3A_407 = arith.constant 0 : i32
          %scan3A_408 = arith.constant 8 : i32
          %scan3A_409 = arith.addi %scan3A_407, %scan3A_408 : i32
          %scan3A_410 = arith.constant 1 : i32
          scf.for %scan3A_420 = %scan3A_407 to %scan3A_409 step %scan3A_410  : i32 {
            %mul3A_421 = arith.constant 16 : i32
            %mul3A_422 = arith.muli %scan3A_420, %mul3A_421 : i32
            %add3A_423 = arith.constant 14 : i32
            %add3A_424 = arith.addi %add3A_285, %add3A_423 : i32
            %get3A_425 = arith.index_cast %add3A_424 : i32 to index
            %get3A_426 = arith.index_cast %mul3A_422 : i32 to index
            %get3A_427 = tpu.vector_load %arg6[%get3A_425, %get3A_426] {strides = array<i32>} : memref<512x128xf32, #tpu.memory_space<vmem>>, vector<1x16xf32>,
            %get3A_428 = vector.shape_cast %get3A_427 : vector<1x16xf32> to vector<16xf32>
            %get3A_429 = arith.index_cast %squeeze3A_405 : i32 to index
            %get3A_430 = arith.index_cast %mul3A_422 : i32 to index
            %get3A_431 = tpu.vector_load %arg10[%get3A_429, %get3A_430] {strides = array<i32>} : memref<16x128xf32, #tpu.memory_space<vmem>>, vector<1x16xf32>,
            %get3A_432 = vector.shape_cast %get3A_431 : vector<1x16xf32> to vector<16xf32>
            %mul3A_433 = arith.mulf %get3A_428, %get3A_432 : vector<16xf32>
            %add3A_434 = arith.constant 14 : i32
            %add3A_435 = arith.addi %add3A_285, %add3A_434 : i32
            %swap3A = arith.index_cast %add3A_435 : i32 to index
            %swap3A_436 = arith.index_cast %mul3A_422 : i32 to index
            %swap3A_437 = tpu.vector_load %arg6[%swap3A, %swap3A_436] {strides = array<i32>} : memref<512x128xf32, #tpu.memory_space<vmem>>, vector<1x16xf32>,
            %swap3A_438 = vector.shape_cast %swap3A_437 : vector<1x16xf32> to vector<16xf32>
            %swap3A_439 = vector.shape_cast %mul3A_433 : vector<16xf32> to vector<1x16xf32>
            tpu.vector_store %arg6[%swap3A, %swap3A_436], %swap3A_439 {strides = array<i32>} : memref<512x128xf32, #tpu.memory_space<vmem>>, vector<1x16xf32>,
          }
          %scan3A_411 = arith.constant 8 : i32
          %slice3A_412 = vector.extract_strided_slice %get3A_281 {offsets = [15], sizes = [1], strides = [1]} : vector<16xi32> to vector<1xi32>
          %squeeze3A_413 = vector.extract %slice3A_412[0] : i32 from vector<1xi32>
          %scan3A_414 = arith.constant 0 : i32
          %scan3A_415 = arith.constant 0 : i32
          %scan3A_416 = arith.constant 8 : i32
          %scan3A_417 = arith.addi %scan3A_415, %scan3A_416 : i32
          %scan3A_418 = arith.constant 1 : i32
          scf.for %scan3A_420 = %scan3A_415 to %scan3A_417 step %scan3A_418  : i32 {
            %mul3A_421 = arith.constant 16 : i32
            %mul3A_422 = arith.muli %scan3A_420, %mul3A_421 : i32
            %add3A_423 = arith.constant 15 : i32
            %add3A_424 = arith.addi %add3A_285, %add3A_423 : i32
            %get3A_425 = arith.index_cast %add3A_424 : i32 to index
            %get3A_426 = arith.index_cast %mul3A_422 : i32 to index
            %get3A_427 = tpu.vector_load %arg6[%get3A_425, %get3A_426] {strides = array<i32>} : memref<512x128xf32, #tpu.memory_space<vmem>>, vector<1x16xf32>,
            %get3A_428 = vector.shape_cast %get3A_427 : vector<1x16xf32> to vector<16xf32>
            %get3A_429 = arith.index_cast %squeeze3A_413 : i32 to index
            %get3A_430 = arith.index_cast %mul3A_422 : i32 to index
            %get3A_431 = tpu.vector_load %arg10[%get3A_429, %get3A_430] {strides = array<i32>} : memref<16x128xf32, #tpu.memory_space<vmem>>, vector<1x16xf32>,
            %get3A_432 = vector.shape_cast %get3A_431 : vector<1x16xf32> to vector<16xf32>
            %mul3A_433 = arith.mulf %get3A_428, %get3A_432 : vector<16xf32>
            %add3A_434 = arith.constant 15 : i32
            %add3A_435 = arith.addi %add3A_285, %add3A_434 : i32
            %swap3A = arith.index_cast %add3A_435 : i32 to index
            %swap3A_436 = arith.index_cast %mul3A_422 : i32 to index
            %swap3A_437 = tpu.vector_load %arg6[%swap3A, %swap3A_436] {strides = array<i32>} : memref<512x128xf32, #tpu.memory_space<vmem>>, vector<1x16xf32>,
            %swap3A_438 = vector.shape_cast %swap3A_437 : vector<1x16xf32> to vector<16xf32>
            %swap3A_439 = vector.shape_cast %mul3A_433 : vector<16xf32> to vector<1x16xf32>
            tpu.vector_store %arg6[%swap3A, %swap3A_436], %swap3A_439 {strides = array<i32>} : memref<512x128xf32, #tpu.memory_space<vmem>>, vector<1x16xf32>,
          }
          %scan3A_419 = arith.constant 8 : i32
        }
      }
      %scan3A_170 = arith.constant 8 : i32
      %mul3A_171 = arith.constant 128 : i32
      %mul3A_172 = arith.muli %add3A_154, %mul3A_171 : i32
      %add3A_173 = arith.addi %mul3A_2, %mul3A_172 : i32
      %dma_start3A_174 = arith.constant 128 : i32
      %dma_start3A_175 = arith.constant 0 : i32
      %dma_start3A_176 = tpu.memref_slice %arg6[%dma_start3A_174, %dma_start3A_175] : memref<512x128xf32, #tpu.memory_space<vmem>> -> memref<128x128xf32, #tpu.memory_space<vmem>>
      %dma_start3A_177 = tpu.memref_slice %arg5[%add3A_173, %mul3A_0] : memref<32768x256xf32, #tpu.memory_space<hbm>> -> memref<128x128xf32, #tpu.memory_space<hbm>>
      %dma_start3A_178 = tpu.memref_slice %arg5[%add3A_173, %mul3A_0] : memref<32768x256xf32, #tpu.memory_space<hbm>> -> memref<128x128xf32, #tpu.memory_space<hbm>>
      %dma_start3A_179 = arith.constant 128 : i32
      %dma_start3A_180 = arith.constant 0 : i32
      %dma_start3A_181 = tpu.memref_slice %arg6[%dma_start3A_179, %dma_start3A_180] : memref<512x128xf32, #tpu.memory_space<vmem>> -> memref<128x128xf32, #tpu.memory_space<vmem>>
      tpu.enqueue_dma source(%dma_start3A_181 : memref<128x128xf32, #tpu.memory_space<vmem>>) target(%dma_start3A_178 : memref<128x128xf32, #tpu.memory_space<hbm>>) target_semaphore(%arg17 : memref<!tpu.dma_semaphore, #tpu.memory_space<semaphore_mem>>)
      %gt3A_182 = arith.constant 0 : i32
      %gt3A_183 = arith.cmpi sgt, %scan3A_102, %gt3A_182 : i32
      %convert_element_type3A_184 = arith.extui %gt3A_183 : i1 to i32
      %cond3A_185 = arith.constant 0 : i32
      %cond3A_186 = arith.cmpi ne, %convert_element_type3A_184, %cond3A_185 : i32
      scf.if %cond3A_186 {
        %add3A_271 = arith.constant 0 : i32
        %add3A_272 = arith.addi %mul3A_2, %add3A_271 : i32
        %dma_wait3A_273 = arith.constant 384 : i32
        %dma_wait3A_274 = arith.constant 0 : i32
        %dma_wait3A_275 = tpu.memref_slice %arg6[%dma_wait3A_273, %dma_wait3A_274] : memref<512x128xf32, #tpu.memory_space<vmem>> -> memref<128x128xf32, #tpu.memory_space<vmem>>
        %dma_wait3A_276 = tpu.memref_slice %arg5[%add3A_272, %mul3A_0] : memref<32768x256xf32, #tpu.memory_space<hbm>> -> memref<128x128xf32, #tpu.memory_space<hbm>>
        %dma_wait3A_277 = tpu.memref_slice %arg5[%add3A_272, %mul3A_0] : memref<32768x256xf32, #tpu.memory_space<hbm>> -> memref<128x128xf32, #tpu.memory_space<hbm>>
        %dma_wait3A_278 = arith.constant 384 : i32
        %dma_wait3A_279 = arith.constant 0 : i32
        %dma_wait3A_280 = tpu.memref_slice %arg6[%dma_wait3A_278, %dma_wait3A_279] : memref<512x128xf32, #tpu.memory_space<vmem>> -> memref<128x128xf32, #tpu.memory_space<vmem>>
        tpu.wait_dma2 semaphore(%arg19 : memref<!tpu.dma_semaphore, #tpu.memory_space<semaphore_mem>>) src(%dma_wait3A_280 : memref<128x128xf32, #tpu.memory_space<vmem>>) dst(%dma_wait3A_277 : memref<128x128xf32, #tpu.memory_space<hbm>>)
      } else {
      }
      %add3A_187 = arith.constant 2 : i32
      %add3A_188 = arith.addi %add3A_154, %add3A_187 : i32
      %mul3A_189 = arith.constant 128 : i32
      %mul3A_190 = arith.muli %add3A_188, %mul3A_189 : i32
      %add3A_191 = arith.addi %mul3A_2, %mul3A_190 : i32
      %dma_start3A_192 = arith.constant 384 : i32
      %dma_start3A_193 = arith.constant 0 : i32
      %dma_start3A_194 = tpu.memref_slice %arg6[%dma_start3A_192, %dma_start3A_193] : memref<512x128xf32, #tpu.memory_space<vmem>> -> memref<128x128xf32, #tpu.memory_space<vmem>>
      %dma_start3A_195 = tpu.memref_slice %arg2[%add3A_191, %mul3A_0] : memref<32768x256xf32, #tpu.memory_space<hbm>> -> memref<128x128xf32, #tpu.memory_space<hbm>>
      %dma_start3A_196 = arith.constant 384 : i32
      %dma_start3A_197 = arith.constant 0 : i32
      %dma_start3A_198 = tpu.memref_slice %arg6[%dma_start3A_196, %dma_start3A_197] : memref<512x128xf32, #tpu.memory_space<vmem>> -> memref<128x128xf32, #tpu.memory_space<vmem>>
      %dma_start3A_199 = tpu.memref_slice %arg2[%add3A_191, %mul3A_0] : memref<32768x256xf32, #tpu.memory_space<hbm>> -> memref<128x128xf32, #tpu.memory_space<hbm>>
      tpu.enqueue_dma source(%dma_start3A_199 : memref<128x128xf32, #tpu.memory_space<hbm>>) target(%dma_start3A_198 : memref<128x128xf32, #tpu.memory_space<vmem>>) target_semaphore(%arg15 : memref<!tpu.dma_semaphore, #tpu.memory_space<semaphore_mem>>)
      %mul3A_200 = arith.constant 4 : i32
      %mul3A_201 = arith.muli %scan3A_102, %mul3A_200 : i32
      %add3A_202 = arith.constant 2 : i32
      %add3A_203 = arith.addi %mul3A_201, %add3A_202 : i32
      %add3A_204 = arith.constant 0 : i32
      %add3A_205 = arith.addi %mul3A_2, %add3A_204 : i32
      %dma_wait3A_206 = arith.constant 256 : i32
      %dma_wait3A_207 = arith.constant 0 : i32
      %dma_wait3A_208 = tpu.memref_slice %arg6[%dma_wait3A_206, %dma_wait3A_207] : memref<512x128xf32, #tpu.memory_space<vmem>> -> memref<128x128xf32, #tpu.memory_space<vmem>>
      %dma_wait3A_209 = tpu.memref_slice %arg2[%add3A_205, %mul3A_0] : memref<32768x256xf32, #tpu.memory_space<hbm>> -> memref<128x128xf32, #tpu.memory_space<hbm>>
      %dma_wait3A_210 = arith.constant 256 : i32
      %dma_wait3A_211 = arith.constant 0 : i32
      %dma_wait3A_212 = tpu.memref_slice %arg6[%dma_wait3A_210, %dma_wait3A_211] : memref<512x128xf32, #tpu.memory_space<vmem>> -> memref<128x128xf32, #tpu.memory_space<vmem>>
      %dma_wait3A_213 = tpu.memref_slice %arg2[%add3A_205, %mul3A_0] : memref<32768x256xf32, #tpu.memory_space<hbm>> -> memref<128x128xf32, #tpu.memory_space<hbm>>
      tpu.wait_dma2 semaphore(%arg14 : memref<!tpu.dma_semaphore, #tpu.memory_space<semaphore_mem>>) src(%dma_wait3A_213 : memref<128x128xf32, #tpu.memory_space<hbm>>) dst(%dma_wait3A_212 : memref<128x128xf32, #tpu.memory_space<vmem>>)
      %scan3A_214 = arith.constant 0 : i32
      %scan3A_215 = arith.constant 0 : i32
      %scan3A_216 = arith.constant 8 : i32
      %scan3A_217 = arith.addi %scan3A_215, %scan3A_216 : i32
      %scan3A_218 = arith.constant 1 : i32
      scf.for %scan3A_271 = %scan3A_215 to %scan3A_217 step %scan3A_218  : i32 {
        %mul3A_272 = arith.constant 128 : i32
        %mul3A_273 = arith.muli %add3A_203, %mul3A_272 : i32
        %mul3A_274 = arith.constant 16 : i32
        %mul3A_275 = arith.muli %scan3A_271, %mul3A_274 : i32
        %add3A_276 = arith.addi %mul3A_273, %mul3A_275 : i32
        %shift_right_logical3A = arith.constant 7 : i32
        %shift_right_logical3A_277 = arith.shrui %add3A_276, %shift_right_logical3A : i32
        %and3A = arith.constant 127 : i32
        %and3A_278 = arith.andi %add3A_276, %and3A : i32
        %get3A = arith.index_cast %shift_right_logical3A_277 : i32 to index
        %get3A_279 = arith.index_cast %and3A_278 : i32 to index
        %get3A_280 = tpu.vector_load %arg7[%get3A, %get3A_279] {strides = array<i32>} : memref<16x128xi32, #tpu.memory_space<vmem>>, vector<1x16xi32>,
        %get3A_281 = vector.shape_cast %get3A_280 : vector<1x16xi32> to vector<16xi32>
        %slice3A = vector.extract_strided_slice %get3A_281 {offsets = [0], sizes = [1], strides = [1]} : vector<16xi32> to vector<1xi32>
        %squeeze3A = vector.extract %slice3A[0] : i32 from vector<1xi32>
        %mul3A_282 = arith.constant 16 : i32
        %mul3A_283 = arith.muli %scan3A_271, %mul3A_282 : i32
        %add3A_284 = arith.constant 256 : i32
        %add3A_285 = arith.addi %add3A_284, %mul3A_283 : i32
        %slice3A_286 = vector.extract_strided_slice %get3A_281 {offsets = [15], sizes = [1], strides = [1]} : vector<16xi32> to vector<1xi32>
        %squeeze3A_287 = vector.extract %slice3A_286[0] : i32 from vector<1xi32>
        %eq3A_288 = arith.cmpi eq, %squeeze3A, %squeeze3A_287 : i32
        %convert_element_type3A_289 = arith.extui %eq3A_288 : i1 to i32
        %cond3A_290 = arith.constant 0 : i32
        %cond3A_291 = arith.cmpi ne, %convert_element_type3A_289, %cond3A_290 : i32
        scf.if %cond3A_291 {
          %get3A_292 = arith.index_cast %squeeze3A : i32 to index
          %get3A_293 = arith.constant 0 : index
          %get3A_294 = tpu.vector_load %arg10[%get3A_292, %get3A_293] {strides = array<i32>} : memref<16x128xf32, #tpu.memory_space<vmem>>, vector<1x16xf32>,
          %get3A_295 = vector.shape_cast %get3A_294 : vector<1x16xf32> to vector<16xf32>
          %get3A_296 = arith.index_cast %squeeze3A : i32 to index
          %get3A_297 = arith.constant 16 : index
          %get3A_298 = tpu.vector_load %arg10[%get3A_296, %get3A_297] {strides = array<i32>} : memref<16x128xf32, #tpu.memory_space<vmem>>, vector<1x16xf32>,
          %get3A_299 = vector.shape_cast %get3A_298 : vector<1x16xf32> to vector<16xf32>
          %get3A_300 = arith.index_cast %squeeze3A : i32 to index
          %get3A_301 = arith.constant 32 : index
          %get3A_302 = tpu.vector_load %arg10[%get3A_300, %get3A_301] {strides = array<i32>} : memref<16x128xf32, #tpu.memory_space<vmem>>, vector<1x16xf32>,
          %get3A_303 = vector.shape_cast %get3A_302 : vector<1x16xf32> to vector<16xf32>
          %get3A_304 = arith.index_cast %squeeze3A : i32 to index
          %get3A_305 = arith.constant 48 : index
          %get3A_306 = tpu.vector_load %arg10[%get3A_304, %get3A_305] {strides = array<i32>} : memref<16x128xf32, #tpu.memory_space<vmem>>, vector<1x16xf32>,
          %get3A_307 = vector.shape_cast %get3A_306 : vector<1x16xf32> to vector<16xf32>
          %get3A_308 = arith.index_cast %squeeze3A : i32 to index
          %get3A_309 = arith.constant 64 : index
          %get3A_310 = tpu.vector_load %arg10[%get3A_308, %get3A_309] {strides = array<i32>} : memref<16x128xf32, #tpu.memory_space<vmem>>, vector<1x16xf32>,
          %get3A_311 = vector.shape_cast %get3A_310 : vector<1x16xf32> to vector<16xf32>
          %get3A_312 = arith.index_cast %squeeze3A : i32 to index
          %get3A_313 = arith.constant 80 : index
          %get3A_314 = tpu.vector_load %arg10[%get3A_312, %get3A_313] {strides = array<i32>} : memref<16x128xf32, #tpu.memory_space<vmem>>, vector<1x16xf32>,
          %get3A_315 = vector.shape_cast %get3A_314 : vector<1x16xf32> to vector<16xf32>
          %get3A_316 = arith.index_cast %squeeze3A : i32 to index
          %get3A_317 = arith.constant 96 : index
          %get3A_318 = tpu.vector_load %arg10[%get3A_316, %get3A_317] {strides = array<i32>} : memref<16x128xf32, #tpu.memory_space<vmem>>, vector<1x16xf32>,
          %get3A_319 = vector.shape_cast %get3A_318 : vector<1x16xf32> to vector<16xf32>
          %get3A_320 = arith.index_cast %squeeze3A : i32 to index
          %get3A_321 = arith.constant 112 : index
          %get3A_322 = tpu.vector_load %arg10[%get3A_320, %get3A_321] {strides = array<i32>} : memref<16x128xf32, #tpu.memory_space<vmem>>, vector<1x16xf32>,
          %get3A_323 = vector.shape_cast %get3A_322 : vector<1x16xf32> to vector<16xf32>
          %parallel_loop3A = arith.constant 0 : i32
          %parallel_loop3A_324 = arith.constant 16 : i32
          %parallel_loop3A_325 = arith.constant 1 : i32
          scf.for %parallel_loop3A_326 = %parallel_loop3A to %parallel_loop3A_324 step %parallel_loop3A_325  : i32 {
            %parallel_loop3A_327 = arith.addi %add3A_285, %parallel_loop3A_326 : i32
            %parallel_loop3A_328 = arith.index_cast %parallel_loop3A_327 : i32 to index
            %parallel_loop3A_329 = arith.constant 0 : index
            %parallel_loop3A_330 = tpu.vector_load %arg6[%parallel_loop3A_328, %parallel_loop3A_329] {strides = array<i32>} : memref<512x128xf32, #tpu.memory_space<vmem>>, vector<1x16xf32>,
            %parallel_loop3A_331 = vector.shape_cast %parallel_loop3A_330 : vector<1x16xf32> to vector<16xf32>
            %parallel_loop3A_332 = arith.mulf %parallel_loop3A_331, %get3A_295 : vector<16xf32>
            %parallel_loop3A_333 = arith.addi %add3A_285, %parallel_loop3A_326 : i32
            %parallel_loop3A_334 = arith.index_cast %parallel_loop3A_333 : i32 to index
            %parallel_loop3A_335 = arith.constant 0 : index
            %parallel_loop3A_336 = tpu.vector_load %arg6[%parallel_loop3A_334, %parallel_loop3A_335] {strides = array<i32>} : memref<512x128xf32, #tpu.memory_space<vmem>>, vector<1x16xf32>,
            %parallel_loop3A_337 = vector.shape_cast %parallel_loop3A_336 : vector<1x16xf32> to vector<16xf32>
            %parallel_loop3A_338 = vector.shape_cast %parallel_loop3A_332 : vector<16xf32> to vector<1x16xf32>
            tpu.vector_store %arg6[%parallel_loop3A_334, %parallel_loop3A_335], %parallel_loop3A_338 {strides = array<i32>} : memref<512x128xf32, #tpu.memory_space<vmem>>, vector<1x16xf32>,
            %parallel_loop3A_339 = arith.addi %add3A_285, %parallel_loop3A_326 : i32
            %parallel_loop3A_340 = arith.index_cast %parallel_loop3A_339 : i32 to index
            %parallel_loop3A_341 = arith.constant 16 : index
            %parallel_loop3A_342 = tpu.vector_load %arg6[%parallel_loop3A_340, %parallel_loop3A_341] {strides = array<i32>} : memref<512x128xf32, #tpu.memory_space<vmem>>, vector<1x16xf32>,
            %parallel_loop3A_343 = vector.shape_cast %parallel_loop3A_342 : vector<1x16xf32> to vector<16xf32>
            %parallel_loop3A_344 = arith.mulf %parallel_loop3A_343, %get3A_299 : vector<16xf32>
            %parallel_loop3A_345 = arith.addi %add3A_285, %parallel_loop3A_326 : i32
            %parallel_loop3A_346 = arith.index_cast %parallel_loop3A_345 : i32 to index
            %parallel_loop3A_347 = arith.constant 16 : index
            %parallel_loop3A_348 = tpu.vector_load %arg6[%parallel_loop3A_346, %parallel_loop3A_347] {strides = array<i32>} : memref<512x128xf32, #tpu.memory_space<vmem>>, vector<1x16xf32>,
            %parallel_loop3A_349 = vector.shape_cast %parallel_loop3A_348 : vector<1x16xf32> to vector<16xf32>
            %parallel_loop3A_350 = vector.shape_cast %parallel_loop3A_344 : vector<16xf32> to vector<1x16xf32>
            tpu.vector_store %arg6[%parallel_loop3A_346, %parallel_loop3A_347], %parallel_loop3A_350 {strides = array<i32>} : memref<512x128xf32, #tpu.memory_space<vmem>>, vector<1x16xf32>,
            %parallel_loop3A_351 = arith.addi %add3A_285, %parallel_loop3A_326 : i32
            %parallel_loop3A_352 = arith.index_cast %parallel_loop3A_351 : i32 to index
            %parallel_loop3A_353 = arith.constant 32 : index
            %parallel_loop3A_354 = tpu.vector_load %arg6[%parallel_loop3A_352, %parallel_loop3A_353] {strides = array<i32>} : memref<512x128xf32, #tpu.memory_space<vmem>>, vector<1x16xf32>,
            %parallel_loop3A_355 = vector.shape_cast %parallel_loop3A_354 : vector<1x16xf32> to vector<16xf32>
            %parallel_loop3A_356 = arith.mulf %parallel_loop3A_355, %get3A_303 : vector<16xf32>
            %parallel_loop3A_357 = arith.addi %add3A_285, %parallel_loop3A_326 : i32
            %parallel_loop3A_358 = arith.index_cast %parallel_loop3A_357 : i32 to index
            %parallel_loop3A_359 = arith.constant 32 : index
            %parallel_loop3A_360 = tpu.vector_load %arg6[%parallel_loop3A_358, %parallel_loop3A_359] {strides = array<i32>} : memref<512x128xf32, #tpu.memory_space<vmem>>, vector<1x16xf32>,
            %parallel_loop3A_361 = vector.shape_cast %parallel_loop3A_360 : vector<1x16xf32> to vector<16xf32>
            %parallel_loop3A_362 = vector.shape_cast %parallel_loop3A_356 : vector<16xf32> to vector<1x16xf32>
            tpu.vector_store %arg6[%parallel_loop3A_358, %parallel_loop3A_359], %parallel_loop3A_362 {strides = array<i32>} : memref<512x128xf32, #tpu.memory_space<vmem>>, vector<1x16xf32>,
            %parallel_loop3A_363 = arith.addi %add3A_285, %parallel_loop3A_326 : i32
            %parallel_loop3A_364 = arith.index_cast %parallel_loop3A_363 : i32 to index
            %parallel_loop3A_365 = arith.constant 48 : index
            %parallel_loop3A_366 = tpu.vector_load %arg6[%parallel_loop3A_364, %parallel_loop3A_365] {strides = array<i32>} : memref<512x128xf32, #tpu.memory_space<vmem>>, vector<1x16xf32>,
            %parallel_loop3A_367 = vector.shape_cast %parallel_loop3A_366 : vector<1x16xf32> to vector<16xf32>
            %parallel_loop3A_368 = arith.mulf %parallel_loop3A_367, %get3A_307 : vector<16xf32>
            %parallel_loop3A_369 = arith.addi %add3A_285, %parallel_loop3A_326 : i32
            %parallel_loop3A_370 = arith.index_cast %parallel_loop3A_369 : i32 to index
            %parallel_loop3A_371 = arith.constant 48 : index
            %parallel_loop3A_372 = tpu.vector_load %arg6[%parallel_loop3A_370, %parallel_loop3A_371] {strides = array<i32>} : memref<512x128xf32, #tpu.memory_space<vmem>>, vector<1x16xf32>,
            %parallel_loop3A_373 = vector.shape_cast %parallel_loop3A_372 : vector<1x16xf32> to vector<16xf32>
            %parallel_loop3A_374 = vector.shape_cast %parallel_loop3A_368 : vector<16xf32> to vector<1x16xf32>
            tpu.vector_store %arg6[%parallel_loop3A_370, %parallel_loop3A_371], %parallel_loop3A_374 {strides = array<i32>} : memref<512x128xf32, #tpu.memory_space<vmem>>, vector<1x16xf32>,
            %parallel_loop3A_375 = arith.addi %add3A_285, %parallel_loop3A_326 : i32
            %parallel_loop3A_376 = arith.index_cast %parallel_loop3A_375 : i32 to index
            %parallel_loop3A_377 = arith.constant 64 : index
            %parallel_loop3A_378 = tpu.vector_load %arg6[%parallel_loop3A_376, %parallel_loop3A_377] {strides = array<i32>} : memref<512x128xf32, #tpu.memory_space<vmem>>, vector<1x16xf32>,
            %parallel_loop3A_379 = vector.shape_cast %parallel_loop3A_378 : vector<1x16xf32> to vector<16xf32>
            %parallel_loop3A_380 = arith.mulf %parallel_loop3A_379, %get3A_311 : vector<16xf32>
            %parallel_loop3A_381 = arith.addi %add3A_285, %parallel_loop3A_326 : i32
            %parallel_loop3A_382 = arith.index_cast %parallel_loop3A_381 : i32 to index
            %parallel_loop3A_383 = arith.constant 64 : index
            %parallel_loop3A_384 = tpu.vector_load %arg6[%parallel_loop3A_382, %parallel_loop3A_383] {strides = array<i32>} : memref<512x128xf32, #tpu.memory_space<vmem>>, vector<1x16xf32>,
            %parallel_loop3A_385 = vector.shape_cast %parallel_loop3A_384 : vector<1x16xf32> to vector<16xf32>
            %parallel_loop3A_386 = vector.shape_cast %parallel_loop3A_380 : vector<16xf32> to vector<1x16xf32>
            tpu.vector_store %arg6[%parallel_loop3A_382, %parallel_loop3A_383], %parallel_loop3A_386 {strides = array<i32>} : memref<512x128xf32, #tpu.memory_space<vmem>>, vector<1x16xf32>,
            %parallel_loop3A_387 = arith.addi %add3A_285, %parallel_loop3A_326 : i32
            %parallel_loop3A_388 = arith.index_cast %parallel_loop3A_387 : i32 to index
            %parallel_loop3A_389 = arith.constant 80 : index
            %parallel_loop3A_390 = tpu.vector_load %arg6[%parallel_loop3A_388, %parallel_loop3A_389] {strides = array<i32>} : memref<512x128xf32, #tpu.memory_space<vmem>>, vector<1x16xf32>,
            %parallel_loop3A_391 = vector.shape_cast %parallel_loop3A_390 : vector<1x16xf32> to vector<16xf32>
            %parallel_loop3A_392 = arith.mulf %parallel_loop3A_391, %get3A_315 : vector<16xf32>
            %parallel_loop3A_393 = arith.addi %add3A_285, %parallel_loop3A_326 : i32
            %parallel_loop3A_394 = arith.index_cast %parallel_loop3A_393 : i32 to index
            %parallel_loop3A_395 = arith.constant 80 : index
            %parallel_loop3A_396 = tpu.vector_load %arg6[%parallel_loop3A_394, %parallel_loop3A_395] {strides = array<i32>} : memref<512x128xf32, #tpu.memory_space<vmem>>, vector<1x16xf32>,
            %parallel_loop3A_397 = vector.shape_cast %parallel_loop3A_396 : vector<1x16xf32> to vector<16xf32>
            %parallel_loop3A_398 = vector.shape_cast %parallel_loop3A_392 : vector<16xf32> to vector<1x16xf32>
            tpu.vector_store %arg6[%parallel_loop3A_394, %parallel_loop3A_395], %parallel_loop3A_398 {strides = array<i32>} : memref<512x128xf32, #tpu.memory_space<vmem>>, vector<1x16xf32>,
            %parallel_loop3A_399 = arith.addi %add3A_285, %parallel_loop3A_326 : i32
            %parallel_loop3A_400 = arith.index_cast %parallel_loop3A_399 : i32 to index
            %parallel_loop3A_401 = arith.constant 96 : index
            %parallel_loop3A_402 = tpu.vector_load %arg6[%parallel_loop3A_400, %parallel_loop3A_401] {strides = array<i32>} : memref<512x128xf32, #tpu.memory_space<vmem>>, vector<1x16xf32>,
            %parallel_loop3A_403 = vector.shape_cast %parallel_loop3A_402 : vector<1x16xf32> to vector<16xf32>
            %parallel_loop3A_404 = arith.mulf %parallel_loop3A_403, %get3A_319 : vector<16xf32>
            %parallel_loop3A_405 = arith.addi %add3A_285, %parallel_loop3A_326 : i32
            %parallel_loop3A_406 = arith.index_cast %parallel_loop3A_405 : i32 to index
            %parallel_loop3A_407 = arith.constant 96 : index
            %parallel_loop3A_408 = tpu.vector_load %arg6[%parallel_loop3A_406, %parallel_loop3A_407] {strides = array<i32>} : memref<512x128xf32, #tpu.memory_space<vmem>>, vector<1x16xf32>,
            %parallel_loop3A_409 = vector.shape_cast %parallel_loop3A_408 : vector<1x16xf32> to vector<16xf32>
            %parallel_loop3A_410 = vector.shape_cast %parallel_loop3A_404 : vector<16xf32> to vector<1x16xf32>
            tpu.vector_store %arg6[%parallel_loop3A_406, %parallel_loop3A_407], %parallel_loop3A_410 {strides = array<i32>} : memref<512x128xf32, #tpu.memory_space<vmem>>, vector<1x16xf32>,
            %parallel_loop3A_411 = arith.addi %add3A_285, %parallel_loop3A_326 : i32
            %parallel_loop3A_412 = arith.index_cast %parallel_loop3A_411 : i32 to index
            %parallel_loop3A_413 = arith.constant 112 : index
            %parallel_loop3A_414 = tpu.vector_load %arg6[%parallel_loop3A_412, %parallel_loop3A_413] {strides = array<i32>} : memref<512x128xf32, #tpu.memory_space<vmem>>, vector<1x16xf32>,
            %parallel_loop3A_415 = vector.shape_cast %parallel_loop3A_414 : vector<1x16xf32> to vector<16xf32>
            %parallel_loop3A_416 = arith.mulf %parallel_loop3A_415, %get3A_323 : vector<16xf32>
            %parallel_loop3A_417 = arith.addi %add3A_285, %parallel_loop3A_326 : i32
            %parallel_loop3A_418 = arith.index_cast %parallel_loop3A_417 : i32 to index
            %parallel_loop3A_419 = arith.constant 112 : index
            %parallel_loop3A_420 = tpu.vector_load %arg6[%parallel_loop3A_418, %parallel_loop3A_419] {strides = array<i32>} : memref<512x128xf32, #tpu.memory_space<vmem>>, vector<1x16xf32>,
            %parallel_loop3A_421 = vector.shape_cast %parallel_loop3A_420 : vector<1x16xf32> to vector<16xf32>
            %parallel_loop3A_422 = vector.shape_cast %parallel_loop3A_416 : vector<16xf32> to vector<1x16xf32>
            tpu.vector_store %arg6[%parallel_loop3A_418, %parallel_loop3A_419], %parallel_loop3A_422 {strides = array<i32>} : memref<512x128xf32, #tpu.memory_space<vmem>>, vector<1x16xf32>,
          } {sc.loop_unroll_factor = 2 : i64, sc.parallel_access}
        } else {
          %slice3A_292 = vector.extract_strided_slice %get3A_281 {offsets = [0], sizes = [1], strides = [1]} : vector<16xi32> to vector<1xi32>
          %squeeze3A_293 = vector.extract %slice3A_292[0] : i32 from vector<1xi32>
          %scan3A_294 = arith.constant 0 : i32
          %scan3A_295 = arith.constant 0 : i32
          %scan3A_296 = arith.constant 8 : i32
          %scan3A_297 = arith.addi %scan3A_295, %scan3A_296 : i32
          %scan3A_298 = arith.constant 1 : i32
          scf.for %scan3A_420 = %scan3A_295 to %scan3A_297 step %scan3A_298  : i32 {
            %mul3A_421 = arith.constant 16 : i32
            %mul3A_422 = arith.muli %scan3A_420, %mul3A_421 : i32
            %add3A_423 = arith.constant 0 : i32
            %add3A_424 = arith.addi %add3A_285, %add3A_423 : i32
            %get3A_425 = arith.index_cast %add3A_424 : i32 to index
            %get3A_426 = arith.index_cast %mul3A_422 : i32 to index
            %get3A_427 = tpu.vector_load %arg6[%get3A_425, %get3A_426] {strides = array<i32>} : memref<512x128xf32, #tpu.memory_space<vmem>>, vector<1x16xf32>,
            %get3A_428 = vector.shape_cast %get3A_427 : vector<1x16xf32> to vector<16xf32>
            %get3A_429 = arith.index_cast %squeeze3A_293 : i32 to index
            %get3A_430 = arith.index_cast %mul3A_422 : i32 to index
            %get3A_431 = tpu.vector_load %arg10[%get3A_429, %get3A_430] {strides = array<i32>} : memref<16x128xf32, #tpu.memory_space<vmem>>, vector<1x16xf32>,
            %get3A_432 = vector.shape_cast %get3A_431 : vector<1x16xf32> to vector<16xf32>
            %mul3A_433 = arith.mulf %get3A_428, %get3A_432 : vector<16xf32>
            %add3A_434 = arith.constant 0 : i32
            %add3A_435 = arith.addi %add3A_285, %add3A_434 : i32
            %swap3A = arith.index_cast %add3A_435 : i32 to index
            %swap3A_436 = arith.index_cast %mul3A_422 : i32 to index
            %swap3A_437 = tpu.vector_load %arg6[%swap3A, %swap3A_436] {strides = array<i32>} : memref<512x128xf32, #tpu.memory_space<vmem>>, vector<1x16xf32>,
            %swap3A_438 = vector.shape_cast %swap3A_437 : vector<1x16xf32> to vector<16xf32>
            %swap3A_439 = vector.shape_cast %mul3A_433 : vector<16xf32> to vector<1x16xf32>
            tpu.vector_store %arg6[%swap3A, %swap3A_436], %swap3A_439 {strides = array<i32>} : memref<512x128xf32, #tpu.memory_space<vmem>>, vector<1x16xf32>,
          }
          %scan3A_299 = arith.constant 8 : i32
          %slice3A_300 = vector.extract_strided_slice %get3A_281 {offsets = [1], sizes = [1], strides = [1]} : vector<16xi32> to vector<1xi32>
          %squeeze3A_301 = vector.extract %slice3A_300[0] : i32 from vector<1xi32>
          %scan3A_302 = arith.constant 0 : i32
          %scan3A_303 = arith.constant 0 : i32
          %scan3A_304 = arith.constant 8 : i32
          %scan3A_305 = arith.addi %scan3A_303, %scan3A_304 : i32
          %scan3A_306 = arith.constant 1 : i32
          scf.for %scan3A_420 = %scan3A_303 to %scan3A_305 step %scan3A_306  : i32 {
            %mul3A_421 = arith.constant 16 : i32
            %mul3A_422 = arith.muli %scan3A_420, %mul3A_421 : i32
            %add3A_423 = arith.constant 1 : i32
            %add3A_424 = arith.addi %add3A_285, %add3A_423 : i32
            %get3A_425 = arith.index_cast %add3A_424 : i32 to index
            %get3A_426 = arith.index_cast %mul3A_422 : i32 to index
            %get3A_427 = tpu.vector_load %arg6[%get3A_425, %get3A_426] {strides = array<i32>} : memref<512x128xf32, #tpu.memory_space<vmem>>, vector<1x16xf32>,
            %get3A_428 = vector.shape_cast %get3A_427 : vector<1x16xf32> to vector<16xf32>
            %get3A_429 = arith.index_cast %squeeze3A_301 : i32 to index
            %get3A_430 = arith.index_cast %mul3A_422 : i32 to index
            %get3A_431 = tpu.vector_load %arg10[%get3A_429, %get3A_430] {strides = array<i32>} : memref<16x128xf32, #tpu.memory_space<vmem>>, vector<1x16xf32>,
            %get3A_432 = vector.shape_cast %get3A_431 : vector<1x16xf32> to vector<16xf32>
            %mul3A_433 = arith.mulf %get3A_428, %get3A_432 : vector<16xf32>
            %add3A_434 = arith.constant 1 : i32
            %add3A_435 = arith.addi %add3A_285, %add3A_434 : i32
            %swap3A = arith.index_cast %add3A_435 : i32 to index
            %swap3A_436 = arith.index_cast %mul3A_422 : i32 to index
            %swap3A_437 = tpu.vector_load %arg6[%swap3A, %swap3A_436] {strides = array<i32>} : memref<512x128xf32, #tpu.memory_space<vmem>>, vector<1x16xf32>,
            %swap3A_438 = vector.shape_cast %swap3A_437 : vector<1x16xf32> to vector<16xf32>
            %swap3A_439 = vector.shape_cast %mul3A_433 : vector<16xf32> to vector<1x16xf32>
            tpu.vector_store %arg6[%swap3A, %swap3A_436], %swap3A_439 {strides = array<i32>} : memref<512x128xf32, #tpu.memory_space<vmem>>, vector<1x16xf32>,
          }
          %scan3A_307 = arith.constant 8 : i32
          %slice3A_308 = vector.extract_strided_slice %get3A_281 {offsets = [2], sizes = [1], strides = [1]} : vector<16xi32> to vector<1xi32>
          %squeeze3A_309 = vector.extract %slice3A_308[0] : i32 from vector<1xi32>
          %scan3A_310 = arith.constant 0 : i32
          %scan3A_311 = arith.constant 0 : i32
          %scan3A_312 = arith.constant 8 : i32
          %scan3A_313 = arith.addi %scan3A_311, %scan3A_312 : i32
          %scan3A_314 = arith.constant 1 : i32
          scf.for %scan3A_420 = %scan3A_311 to %scan3A_313 step %scan3A_314  : i32 {
            %mul3A_421 = arith.constant 16 : i32
            %mul3A_422 = arith.muli %scan3A_420, %mul3A_421 : i32
            %add3A_423 = arith.constant 2 : i32
            %add3A_424 = arith.addi %add3A_285, %add3A_423 : i32
            %get3A_425 = arith.index_cast %add3A_424 : i32 to index
            %get3A_426 = arith.index_cast %mul3A_422 : i32 to index
            %get3A_427 = tpu.vector_load %arg6[%get3A_425, %get3A_426] {strides = array<i32>} : memref<512x128xf32, #tpu.memory_space<vmem>>, vector<1x16xf32>,
            %get3A_428 = vector.shape_cast %get3A_427 : vector<1x16xf32> to vector<16xf32>
            %get3A_429 = arith.index_cast %squeeze3A_309 : i32 to index
            %get3A_430 = arith.index_cast %mul3A_422 : i32 to index
            %get3A_431 = tpu.vector_load %arg10[%get3A_429, %get3A_430] {strides = array<i32>} : memref<16x128xf32, #tpu.memory_space<vmem>>, vector<1x16xf32>,
            %get3A_432 = vector.shape_cast %get3A_431 : vector<1x16xf32> to vector<16xf32>
            %mul3A_433 = arith.mulf %get3A_428, %get3A_432 : vector<16xf32>
            %add3A_434 = arith.constant 2 : i32
            %add3A_435 = arith.addi %add3A_285, %add3A_434 : i32
            %swap3A = arith.index_cast %add3A_435 : i32 to index
            %swap3A_436 = arith.index_cast %mul3A_422 : i32 to index
            %swap3A_437 = tpu.vector_load %arg6[%swap3A, %swap3A_436] {strides = array<i32>} : memref<512x128xf32, #tpu.memory_space<vmem>>, vector<1x16xf32>,
            %swap3A_438 = vector.shape_cast %swap3A_437 : vector<1x16xf32> to vector<16xf32>
            %swap3A_439 = vector.shape_cast %mul3A_433 : vector<16xf32> to vector<1x16xf32>
            tpu.vector_store %arg6[%swap3A, %swap3A_436], %swap3A_439 {strides = array<i32>} : memref<512x128xf32, #tpu.memory_space<vmem>>, vector<1x16xf32>,
          }
          %scan3A_315 = arith.constant 8 : i32
          %slice3A_316 = vector.extract_strided_slice %get3A_281 {offsets = [3], sizes = [1], strides = [1]} : vector<16xi32> to vector<1xi32>
          %squeeze3A_317 = vector.extract %slice3A_316[0] : i32 from vector<1xi32>
          %scan3A_318 = arith.constant 0 : i32
          %scan3A_319 = arith.constant 0 : i32
          %scan3A_320 = arith.constant 8 : i32
          %scan3A_321 = arith.addi %scan3A_319, %scan3A_320 : i32
          %scan3A_322 = arith.constant 1 : i32
          scf.for %scan3A_420 = %scan3A_319 to %scan3A_321 step %scan3A_322  : i32 {
            %mul3A_421 = arith.constant 16 : i32
            %mul3A_422 = arith.muli %scan3A_420, %mul3A_421 : i32
            %add3A_423 = arith.constant 3 : i32
            %add3A_424 = arith.addi %add3A_285, %add3A_423 : i32
            %get3A_425 = arith.index_cast %add3A_424 : i32 to index
            %get3A_426 = arith.index_cast %mul3A_422 : i32 to index
            %get3A_427 = tpu.vector_load %arg6[%get3A_425, %get3A_426] {strides = array<i32>} : memref<512x128xf32, #tpu.memory_space<vmem>>, vector<1x16xf32>,
            %get3A_428 = vector.shape_cast %get3A_427 : vector<1x16xf32> to vector<16xf32>
            %get3A_429 = arith.index_cast %squeeze3A_317 : i32 to index
            %get3A_430 = arith.index_cast %mul3A_422 : i32 to index
            %get3A_431 = tpu.vector_load %arg10[%get3A_429, %get3A_430] {strides = array<i32>} : memref<16x128xf32, #tpu.memory_space<vmem>>, vector<1x16xf32>,
            %get3A_432 = vector.shape_cast %get3A_431 : vector<1x16xf32> to vector<16xf32>
            %mul3A_433 = arith.mulf %get3A_428, %get3A_432 : vector<16xf32>
            %add3A_434 = arith.constant 3 : i32
            %add3A_435 = arith.addi %add3A_285, %add3A_434 : i32
            %swap3A = arith.index_cast %add3A_435 : i32 to index
            %swap3A_436 = arith.index_cast %mul3A_422 : i32 to index
            %swap3A_437 = tpu.vector_load %arg6[%swap3A, %swap3A_436] {strides = array<i32>} : memref<512x128xf32, #tpu.memory_space<vmem>>, vector<1x16xf32>,
            %swap3A_438 = vector.shape_cast %swap3A_437 : vector<1x16xf32> to vector<16xf32>
            %swap3A_439 = vector.shape_cast %mul3A_433 : vector<16xf32> to vector<1x16xf32>
            tpu.vector_store %arg6[%swap3A, %swap3A_436], %swap3A_439 {strides = array<i32>} : memref<512x128xf32, #tpu.memory_space<vmem>>, vector<1x16xf32>,
          }
          %scan3A_323 = arith.constant 8 : i32
          %slice3A_324 = vector.extract_strided_slice %get3A_281 {offsets = [4], sizes = [1], strides = [1]} : vector<16xi32> to vector<1xi32>
          %squeeze3A_325 = vector.extract %slice3A_324[0] : i32 from vector<1xi32>
          %scan3A_326 = arith.constant 0 : i32
          %scan3A_327 = arith.constant 0 : i32
          %scan3A_328 = arith.constant 8 : i32
          %scan3A_329 = arith.addi %scan3A_327, %scan3A_328 : i32
          %scan3A_330 = arith.constant 1 : i32
          scf.for %scan3A_420 = %scan3A_327 to %scan3A_329 step %scan3A_330  : i32 {
            %mul3A_421 = arith.constant 16 : i32
            %mul3A_422 = arith.muli %scan3A_420, %mul3A_421 : i32
            %add3A_423 = arith.constant 4 : i32
            %add3A_424 = arith.addi %add3A_285, %add3A_423 : i32
            %get3A_425 = arith.index_cast %add3A_424 : i32 to index
            %get3A_426 = arith.index_cast %mul3A_422 : i32 to index
            %get3A_427 = tpu.vector_load %arg6[%get3A_425, %get3A_426] {strides = array<i32>} : memref<512x128xf32, #tpu.memory_space<vmem>>, vector<1x16xf32>,
            %get3A_428 = vector.shape_cast %get3A_427 : vector<1x16xf32> to vector<16xf32>
            %get3A_429 = arith.index_cast %squeeze3A_325 : i32 to index
            %get3A_430 = arith.index_cast %mul3A_422 : i32 to index
            %get3A_431 = tpu.vector_load %arg10[%get3A_429, %get3A_430] {strides = array<i32>} : memref<16x128xf32, #tpu.memory_space<vmem>>, vector<1x16xf32>,
            %get3A_432 = vector.shape_cast %get3A_431 : vector<1x16xf32> to vector<16xf32>
            %mul3A_433 = arith.mulf %get3A_428, %get3A_432 : vector<16xf32>
            %add3A_434 = arith.constant 4 : i32
            %add3A_435 = arith.addi %add3A_285, %add3A_434 : i32
            %swap3A = arith.index_cast %add3A_435 : i32 to index
            %swap3A_436 = arith.index_cast %mul3A_422 : i32 to index
            %swap3A_437 = tpu.vector_load %arg6[%swap3A, %swap3A_436] {strides = array<i32>} : memref<512x128xf32, #tpu.memory_space<vmem>>, vector<1x16xf32>,
            %swap3A_438 = vector.shape_cast %swap3A_437 : vector<1x16xf32> to vector<16xf32>
            %swap3A_439 = vector.shape_cast %mul3A_433 : vector<16xf32> to vector<1x16xf32>
            tpu.vector_store %arg6[%swap3A, %swap3A_436], %swap3A_439 {strides = array<i32>} : memref<512x128xf32, #tpu.memory_space<vmem>>, vector<1x16xf32>,
          }
          %scan3A_331 = arith.constant 8 : i32
          %slice3A_332 = vector.extract_strided_slice %get3A_281 {offsets = [5], sizes = [1], strides = [1]} : vector<16xi32> to vector<1xi32>
          %squeeze3A_333 = vector.extract %slice3A_332[0] : i32 from vector<1xi32>
          %scan3A_334 = arith.constant 0 : i32
          %scan3A_335 = arith.constant 0 : i32
          %scan3A_336 = arith.constant 8 : i32
          %scan3A_337 = arith.addi %scan3A_335, %scan3A_336 : i32
          %scan3A_338 = arith.constant 1 : i32
          scf.for %scan3A_420 = %scan3A_335 to %scan3A_337 step %scan3A_338  : i32 {
            %mul3A_421 = arith.constant 16 : i32
            %mul3A_422 = arith.muli %scan3A_420, %mul3A_421 : i32
            %add3A_423 = arith.constant 5 : i32
            %add3A_424 = arith.addi %add3A_285, %add3A_423 : i32
            %get3A_425 = arith.index_cast %add3A_424 : i32 to index
            %get3A_426 = arith.index_cast %mul3A_422 : i32 to index
            %get3A_427 = tpu.vector_load %arg6[%get3A_425, %get3A_426] {strides = array<i32>} : memref<512x128xf32, #tpu.memory_space<vmem>>, vector<1x16xf32>,
            %get3A_428 = vector.shape_cast %get3A_427 : vector<1x16xf32> to vector<16xf32>
            %get3A_429 = arith.index_cast %squeeze3A_333 : i32 to index
            %get3A_430 = arith.index_cast %mul3A_422 : i32 to index
            %get3A_431 = tpu.vector_load %arg10[%get3A_429, %get3A_430] {strides = array<i32>} : memref<16x128xf32, #tpu.memory_space<vmem>>, vector<1x16xf32>,
            %get3A_432 = vector.shape_cast %get3A_431 : vector<1x16xf32> to vector<16xf32>
            %mul3A_433 = arith.mulf %get3A_428, %get3A_432 : vector<16xf32>
            %add3A_434 = arith.constant 5 : i32
            %add3A_435 = arith.addi %add3A_285, %add3A_434 : i32
            %swap3A = arith.index_cast %add3A_435 : i32 to index
            %swap3A_436 = arith.index_cast %mul3A_422 : i32 to index
            %swap3A_437 = tpu.vector_load %arg6[%swap3A, %swap3A_436] {strides = array<i32>} : memref<512x128xf32, #tpu.memory_space<vmem>>, vector<1x16xf32>,
            %swap3A_438 = vector.shape_cast %swap3A_437 : vector<1x16xf32> to vector<16xf32>
            %swap3A_439 = vector.shape_cast %mul3A_433 : vector<16xf32> to vector<1x16xf32>
            tpu.vector_store %arg6[%swap3A, %swap3A_436], %swap3A_439 {strides = array<i32>} : memref<512x128xf32, #tpu.memory_space<vmem>>, vector<1x16xf32>,
          }
          %scan3A_339 = arith.constant 8 : i32
          %slice3A_340 = vector.extract_strided_slice %get3A_281 {offsets = [6], sizes = [1], strides = [1]} : vector<16xi32> to vector<1xi32>
          %squeeze3A_341 = vector.extract %slice3A_340[0] : i32 from vector<1xi32>
          %scan3A_342 = arith.constant 0 : i32
          %scan3A_343 = arith.constant 0 : i32
          %scan3A_344 = arith.constant 8 : i32
          %scan3A_345 = arith.addi %scan3A_343, %scan3A_344 : i32
          %scan3A_346 = arith.constant 1 : i32
          scf.for %scan3A_420 = %scan3A_343 to %scan3A_345 step %scan3A_346  : i32 {
            %mul3A_421 = arith.constant 16 : i32
            %mul3A_422 = arith.muli %scan3A_420, %mul3A_421 : i32
            %add3A_423 = arith.constant 6 : i32
            %add3A_424 = arith.addi %add3A_285, %add3A_423 : i32
            %get3A_425 = arith.index_cast %add3A_424 : i32 to index
            %get3A_426 = arith.index_cast %mul3A_422 : i32 to index
            %get3A_427 = tpu.vector_load %arg6[%get3A_425, %get3A_426] {strides = array<i32>} : memref<512x128xf32, #tpu.memory_space<vmem>>, vector<1x16xf32>,
            %get3A_428 = vector.shape_cast %get3A_427 : vector<1x16xf32> to vector<16xf32>
            %get3A_429 = arith.index_cast %squeeze3A_341 : i32 to index
            %get3A_430 = arith.index_cast %mul3A_422 : i32 to index
            %get3A_431 = tpu.vector_load %arg10[%get3A_429, %get3A_430] {strides = array<i32>} : memref<16x128xf32, #tpu.memory_space<vmem>>, vector<1x16xf32>,
            %get3A_432 = vector.shape_cast %get3A_431 : vector<1x16xf32> to vector<16xf32>
            %mul3A_433 = arith.mulf %get3A_428, %get3A_432 : vector<16xf32>
            %add3A_434 = arith.constant 6 : i32
            %add3A_435 = arith.addi %add3A_285, %add3A_434 : i32
            %swap3A = arith.index_cast %add3A_435 : i32 to index
            %swap3A_436 = arith.index_cast %mul3A_422 : i32 to index
            %swap3A_437 = tpu.vector_load %arg6[%swap3A, %swap3A_436] {strides = array<i32>} : memref<512x128xf32, #tpu.memory_space<vmem>>, vector<1x16xf32>,
            %swap3A_438 = vector.shape_cast %swap3A_437 : vector<1x16xf32> to vector<16xf32>
            %swap3A_439 = vector.shape_cast %mul3A_433 : vector<16xf32> to vector<1x16xf32>
            tpu.vector_store %arg6[%swap3A, %swap3A_436], %swap3A_439 {strides = array<i32>} : memref<512x128xf32, #tpu.memory_space<vmem>>, vector<1x16xf32>,
          }
          %scan3A_347 = arith.constant 8 : i32
          %slice3A_348 = vector.extract_strided_slice %get3A_281 {offsets = [7], sizes = [1], strides = [1]} : vector<16xi32> to vector<1xi32>
          %squeeze3A_349 = vector.extract %slice3A_348[0] : i32 from vector<1xi32>
          %scan3A_350 = arith.constant 0 : i32
          %scan3A_351 = arith.constant 0 : i32
          %scan3A_352 = arith.constant 8 : i32
          %scan3A_353 = arith.addi %scan3A_351, %scan3A_352 : i32
          %scan3A_354 = arith.constant 1 : i32
          scf.for %scan3A_420 = %scan3A_351 to %scan3A_353 step %scan3A_354  : i32 {
            %mul3A_421 = arith.constant 16 : i32
            %mul3A_422 = arith.muli %scan3A_420, %mul3A_421 : i32
            %add3A_423 = arith.constant 7 : i32
            %add3A_424 = arith.addi %add3A_285, %add3A_423 : i32
            %get3A_425 = arith.index_cast %add3A_424 : i32 to index
            %get3A_426 = arith.index_cast %mul3A_422 : i32 to index
            %get3A_427 = tpu.vector_load %arg6[%get3A_425, %get3A_426] {strides = array<i32>} : memref<512x128xf32, #tpu.memory_space<vmem>>, vector<1x16xf32>,
            %get3A_428 = vector.shape_cast %get3A_427 : vector<1x16xf32> to vector<16xf32>
            %get3A_429 = arith.index_cast %squeeze3A_349 : i32 to index
            %get3A_430 = arith.index_cast %mul3A_422 : i32 to index
            %get3A_431 = tpu.vector_load %arg10[%get3A_429, %get3A_430] {strides = array<i32>} : memref<16x128xf32, #tpu.memory_space<vmem>>, vector<1x16xf32>,
            %get3A_432 = vector.shape_cast %get3A_431 : vector<1x16xf32> to vector<16xf32>
            %mul3A_433 = arith.mulf %get3A_428, %get3A_432 : vector<16xf32>
            %add3A_434 = arith.constant 7 : i32
            %add3A_435 = arith.addi %add3A_285, %add3A_434 : i32
            %swap3A = arith.index_cast %add3A_435 : i32 to index
            %swap3A_436 = arith.index_cast %mul3A_422 : i32 to index
            %swap3A_437 = tpu.vector_load %arg6[%swap3A, %swap3A_436] {strides = array<i32>} : memref<512x128xf32, #tpu.memory_space<vmem>>, vector<1x16xf32>,
            %swap3A_438 = vector.shape_cast %swap3A_437 : vector<1x16xf32> to vector<16xf32>
            %swap3A_439 = vector.shape_cast %mul3A_433 : vector<16xf32> to vector<1x16xf32>
            tpu.vector_store %arg6[%swap3A, %swap3A_436], %swap3A_439 {strides = array<i32>} : memref<512x128xf32, #tpu.memory_space<vmem>>, vector<1x16xf32>,
          }
          %scan3A_355 = arith.constant 8 : i32
          %slice3A_356 = vector.extract_strided_slice %get3A_281 {offsets = [8], sizes = [1], strides = [1]} : vector<16xi32> to vector<1xi32>
          %squeeze3A_357 = vector.extract %slice3A_356[0] : i32 from vector<1xi32>
          %scan3A_358 = arith.constant 0 : i32
          %scan3A_359 = arith.constant 0 : i32
          %scan3A_360 = arith.constant 8 : i32
          %scan3A_361 = arith.addi %scan3A_359, %scan3A_360 : i32
          %scan3A_362 = arith.constant 1 : i32
          scf.for %scan3A_420 = %scan3A_359 to %scan3A_361 step %scan3A_362  : i32 {
            %mul3A_421 = arith.constant 16 : i32
            %mul3A_422 = arith.muli %scan3A_420, %mul3A_421 : i32
            %add3A_423 = arith.constant 8 : i32
            %add3A_424 = arith.addi %add3A_285, %add3A_423 : i32
            %get3A_425 = arith.index_cast %add3A_424 : i32 to index
            %get3A_426 = arith.index_cast %mul3A_422 : i32 to index
            %get3A_427 = tpu.vector_load %arg6[%get3A_425, %get3A_426] {strides = array<i32>} : memref<512x128xf32, #tpu.memory_space<vmem>>, vector<1x16xf32>,
            %get3A_428 = vector.shape_cast %get3A_427 : vector<1x16xf32> to vector<16xf32>
            %get3A_429 = arith.index_cast %squeeze3A_357 : i32 to index
            %get3A_430 = arith.index_cast %mul3A_422 : i32 to index
            %get3A_431 = tpu.vector_load %arg10[%get3A_429, %get3A_430] {strides = array<i32>} : memref<16x128xf32, #tpu.memory_space<vmem>>, vector<1x16xf32>,
            %get3A_432 = vector.shape_cast %get3A_431 : vector<1x16xf32> to vector<16xf32>
            %mul3A_433 = arith.mulf %get3A_428, %get3A_432 : vector<16xf32>
            %add3A_434 = arith.constant 8 : i32
            %add3A_435 = arith.addi %add3A_285, %add3A_434 : i32
            %swap3A = arith.index_cast %add3A_435 : i32 to index
            %swap3A_436 = arith.index_cast %mul3A_422 : i32 to index
            %swap3A_437 = tpu.vector_load %arg6[%swap3A, %swap3A_436] {strides = array<i32>} : memref<512x128xf32, #tpu.memory_space<vmem>>, vector<1x16xf32>,
            %swap3A_438 = vector.shape_cast %swap3A_437 : vector<1x16xf32> to vector<16xf32>
            %swap3A_439 = vector.shape_cast %mul3A_433 : vector<16xf32> to vector<1x16xf32>
            tpu.vector_store %arg6[%swap3A, %swap3A_436], %swap3A_439 {strides = array<i32>} : memref<512x128xf32, #tpu.memory_space<vmem>>, vector<1x16xf32>,
          }
          %scan3A_363 = arith.constant 8 : i32
          %slice3A_364 = vector.extract_strided_slice %get3A_281 {offsets = [9], sizes = [1], strides = [1]} : vector<16xi32> to vector<1xi32>
          %squeeze3A_365 = vector.extract %slice3A_364[0] : i32 from vector<1xi32>
          %scan3A_366 = arith.constant 0 : i32
          %scan3A_367 = arith.constant 0 : i32
          %scan3A_368 = arith.constant 8 : i32
          %scan3A_369 = arith.addi %scan3A_367, %scan3A_368 : i32
          %scan3A_370 = arith.constant 1 : i32
          scf.for %scan3A_420 = %scan3A_367 to %scan3A_369 step %scan3A_370  : i32 {
            %mul3A_421 = arith.constant 16 : i32
            %mul3A_422 = arith.muli %scan3A_420, %mul3A_421 : i32
            %add3A_423 = arith.constant 9 : i32
            %add3A_424 = arith.addi %add3A_285, %add3A_423 : i32
            %get3A_425 = arith.index_cast %add3A_424 : i32 to index
            %get3A_426 = arith.index_cast %mul3A_422 : i32 to index
            %get3A_427 = tpu.vector_load %arg6[%get3A_425, %get3A_426] {strides = array<i32>} : memref<512x128xf32, #tpu.memory_space<vmem>>, vector<1x16xf32>,
            %get3A_428 = vector.shape_cast %get3A_427 : vector<1x16xf32> to vector<16xf32>
            %get3A_429 = arith.index_cast %squeeze3A_365 : i32 to index
            %get3A_430 = arith.index_cast %mul3A_422 : i32 to index
            %get3A_431 = tpu.vector_load %arg10[%get3A_429, %get3A_430] {strides = array<i32>} : memref<16x128xf32, #tpu.memory_space<vmem>>, vector<1x16xf32>,
            %get3A_432 = vector.shape_cast %get3A_431 : vector<1x16xf32> to vector<16xf32>
            %mul3A_433 = arith.mulf %get3A_428, %get3A_432 : vector<16xf32>
            %add3A_434 = arith.constant 9 : i32
            %add3A_435 = arith.addi %add3A_285, %add3A_434 : i32
            %swap3A = arith.index_cast %add3A_435 : i32 to index
            %swap3A_436 = arith.index_cast %mul3A_422 : i32 to index
            %swap3A_437 = tpu.vector_load %arg6[%swap3A, %swap3A_436] {strides = array<i32>} : memref<512x128xf32, #tpu.memory_space<vmem>>, vector<1x16xf32>,
            %swap3A_438 = vector.shape_cast %swap3A_437 : vector<1x16xf32> to vector<16xf32>
            %swap3A_439 = vector.shape_cast %mul3A_433 : vector<16xf32> to vector<1x16xf32>
            tpu.vector_store %arg6[%swap3A, %swap3A_436], %swap3A_439 {strides = array<i32>} : memref<512x128xf32, #tpu.memory_space<vmem>>, vector<1x16xf32>,
          }
          %scan3A_371 = arith.constant 8 : i32
          %slice3A_372 = vector.extract_strided_slice %get3A_281 {offsets = [10], sizes = [1], strides = [1]} : vector<16xi32> to vector<1xi32>
          %squeeze3A_373 = vector.extract %slice3A_372[0] : i32 from vector<1xi32>
          %scan3A_374 = arith.constant 0 : i32
          %scan3A_375 = arith.constant 0 : i32
          %scan3A_376 = arith.constant 8 : i32
          %scan3A_377 = arith.addi %scan3A_375, %scan3A_376 : i32
          %scan3A_378 = arith.constant 1 : i32
          scf.for %scan3A_420 = %scan3A_375 to %scan3A_377 step %scan3A_378  : i32 {
            %mul3A_421 = arith.constant 16 : i32
            %mul3A_422 = arith.muli %scan3A_420, %mul3A_421 : i32
            %add3A_423 = arith.constant 10 : i32
            %add3A_424 = arith.addi %add3A_285, %add3A_423 : i32
            %get3A_425 = arith.index_cast %add3A_424 : i32 to index
            %get3A_426 = arith.index_cast %mul3A_422 : i32 to index
            %get3A_427 = tpu.vector_load %arg6[%get3A_425, %get3A_426] {strides = array<i32>} : memref<512x128xf32, #tpu.memory_space<vmem>>, vector<1x16xf32>,
            %get3A_428 = vector.shape_cast %get3A_427 : vector<1x16xf32> to vector<16xf32>
            %get3A_429 = arith.index_cast %squeeze3A_373 : i32 to index
            %get3A_430 = arith.index_cast %mul3A_422 : i32 to index
            %get3A_431 = tpu.vector_load %arg10[%get3A_429, %get3A_430] {strides = array<i32>} : memref<16x128xf32, #tpu.memory_space<vmem>>, vector<1x16xf32>,
            %get3A_432 = vector.shape_cast %get3A_431 : vector<1x16xf32> to vector<16xf32>
            %mul3A_433 = arith.mulf %get3A_428, %get3A_432 : vector<16xf32>
            %add3A_434 = arith.constant 10 : i32
            %add3A_435 = arith.addi %add3A_285, %add3A_434 : i32
            %swap3A = arith.index_cast %add3A_435 : i32 to index
            %swap3A_436 = arith.index_cast %mul3A_422 : i32 to index
            %swap3A_437 = tpu.vector_load %arg6[%swap3A, %swap3A_436] {strides = array<i32>} : memref<512x128xf32, #tpu.memory_space<vmem>>, vector<1x16xf32>,
            %swap3A_438 = vector.shape_cast %swap3A_437 : vector<1x16xf32> to vector<16xf32>
            %swap3A_439 = vector.shape_cast %mul3A_433 : vector<16xf32> to vector<1x16xf32>
            tpu.vector_store %arg6[%swap3A, %swap3A_436], %swap3A_439 {strides = array<i32>} : memref<512x128xf32, #tpu.memory_space<vmem>>, vector<1x16xf32>,
          }
          %scan3A_379 = arith.constant 8 : i32
          %slice3A_380 = vector.extract_strided_slice %get3A_281 {offsets = [11], sizes = [1], strides = [1]} : vector<16xi32> to vector<1xi32>
          %squeeze3A_381 = vector.extract %slice3A_380[0] : i32 from vector<1xi32>
          %scan3A_382 = arith.constant 0 : i32
          %scan3A_383 = arith.constant 0 : i32
          %scan3A_384 = arith.constant 8 : i32
          %scan3A_385 = arith.addi %scan3A_383, %scan3A_384 : i32
          %scan3A_386 = arith.constant 1 : i32
          scf.for %scan3A_420 = %scan3A_383 to %scan3A_385 step %scan3A_386  : i32 {
            %mul3A_421 = arith.constant 16 : i32
            %mul3A_422 = arith.muli %scan3A_420, %mul3A_421 : i32
            %add3A_423 = arith.constant 11 : i32
            %add3A_424 = arith.addi %add3A_285, %add3A_423 : i32
            %get3A_425 = arith.index_cast %add3A_424 : i32 to index
            %get3A_426 = arith.index_cast %mul3A_422 : i32 to index
            %get3A_427 = tpu.vector_load %arg6[%get3A_425, %get3A_426] {strides = array<i32>} : memref<512x128xf32, #tpu.memory_space<vmem>>, vector<1x16xf32>,
            %get3A_428 = vector.shape_cast %get3A_427 : vector<1x16xf32> to vector<16xf32>
            %get3A_429 = arith.index_cast %squeeze3A_381 : i32 to index
            %get3A_430 = arith.index_cast %mul3A_422 : i32 to index
            %get3A_431 = tpu.vector_load %arg10[%get3A_429, %get3A_430] {strides = array<i32>} : memref<16x128xf32, #tpu.memory_space<vmem>>, vector<1x16xf32>,
            %get3A_432 = vector.shape_cast %get3A_431 : vector<1x16xf32> to vector<16xf32>
            %mul3A_433 = arith.mulf %get3A_428, %get3A_432 : vector<16xf32>
            %add3A_434 = arith.constant 11 : i32
            %add3A_435 = arith.addi %add3A_285, %add3A_434 : i32
            %swap3A = arith.index_cast %add3A_435 : i32 to index
            %swap3A_436 = arith.index_cast %mul3A_422 : i32 to index
            %swap3A_437 = tpu.vector_load %arg6[%swap3A, %swap3A_436] {strides = array<i32>} : memref<512x128xf32, #tpu.memory_space<vmem>>, vector<1x16xf32>,
            %swap3A_438 = vector.shape_cast %swap3A_437 : vector<1x16xf32> to vector<16xf32>
            %swap3A_439 = vector.shape_cast %mul3A_433 : vector<16xf32> to vector<1x16xf32>
            tpu.vector_store %arg6[%swap3A, %swap3A_436], %swap3A_439 {strides = array<i32>} : memref<512x128xf32, #tpu.memory_space<vmem>>, vector<1x16xf32>,
          }
          %scan3A_387 = arith.constant 8 : i32
          %slice3A_388 = vector.extract_strided_slice %get3A_281 {offsets = [12], sizes = [1], strides = [1]} : vector<16xi32> to vector<1xi32>
          %squeeze3A_389 = vector.extract %slice3A_388[0] : i32 from vector<1xi32>
          %scan3A_390 = arith.constant 0 : i32
          %scan3A_391 = arith.constant 0 : i32
          %scan3A_392 = arith.constant 8 : i32
          %scan3A_393 = arith.addi %scan3A_391, %scan3A_392 : i32
          %scan3A_394 = arith.constant 1 : i32
          scf.for %scan3A_420 = %scan3A_391 to %scan3A_393 step %scan3A_394  : i32 {
            %mul3A_421 = arith.constant 16 : i32
            %mul3A_422 = arith.muli %scan3A_420, %mul3A_421 : i32
            %add3A_423 = arith.constant 12 : i32
            %add3A_424 = arith.addi %add3A_285, %add3A_423 : i32
            %get3A_425 = arith.index_cast %add3A_424 : i32 to index
            %get3A_426 = arith.index_cast %mul3A_422 : i32 to index
            %get3A_427 = tpu.vector_load %arg6[%get3A_425, %get3A_426] {strides = array<i32>} : memref<512x128xf32, #tpu.memory_space<vmem>>, vector<1x16xf32>,
            %get3A_428 = vector.shape_cast %get3A_427 : vector<1x16xf32> to vector<16xf32>
            %get3A_429 = arith.index_cast %squeeze3A_389 : i32 to index
            %get3A_430 = arith.index_cast %mul3A_422 : i32 to index
            %get3A_431 = tpu.vector_load %arg10[%get3A_429, %get3A_430] {strides = array<i32>} : memref<16x128xf32, #tpu.memory_space<vmem>>, vector<1x16xf32>,
            %get3A_432 = vector.shape_cast %get3A_431 : vector<1x16xf32> to vector<16xf32>
            %mul3A_433 = arith.mulf %get3A_428, %get3A_432 : vector<16xf32>
            %add3A_434 = arith.constant 12 : i32
            %add3A_435 = arith.addi %add3A_285, %add3A_434 : i32
            %swap3A = arith.index_cast %add3A_435 : i32 to index
            %swap3A_436 = arith.index_cast %mul3A_422 : i32 to index
            %swap3A_437 = tpu.vector_load %arg6[%swap3A, %swap3A_436] {strides = array<i32>} : memref<512x128xf32, #tpu.memory_space<vmem>>, vector<1x16xf32>,
            %swap3A_438 = vector.shape_cast %swap3A_437 : vector<1x16xf32> to vector<16xf32>
            %swap3A_439 = vector.shape_cast %mul3A_433 : vector<16xf32> to vector<1x16xf32>
            tpu.vector_store %arg6[%swap3A, %swap3A_436], %swap3A_439 {strides = array<i32>} : memref<512x128xf32, #tpu.memory_space<vmem>>, vector<1x16xf32>,
          }
          %scan3A_395 = arith.constant 8 : i32
          %slice3A_396 = vector.extract_strided_slice %get3A_281 {offsets = [13], sizes = [1], strides = [1]} : vector<16xi32> to vector<1xi32>
          %squeeze3A_397 = vector.extract %slice3A_396[0] : i32 from vector<1xi32>
          %scan3A_398 = arith.constant 0 : i32
          %scan3A_399 = arith.constant 0 : i32
          %scan3A_400 = arith.constant 8 : i32
          %scan3A_401 = arith.addi %scan3A_399, %scan3A_400 : i32
          %scan3A_402 = arith.constant 1 : i32
          scf.for %scan3A_420 = %scan3A_399 to %scan3A_401 step %scan3A_402  : i32 {
            %mul3A_421 = arith.constant 16 : i32
            %mul3A_422 = arith.muli %scan3A_420, %mul3A_421 : i32
            %add3A_423 = arith.constant 13 : i32
            %add3A_424 = arith.addi %add3A_285, %add3A_423 : i32
            %get3A_425 = arith.index_cast %add3A_424 : i32 to index
            %get3A_426 = arith.index_cast %mul3A_422 : i32 to index
            %get3A_427 = tpu.vector_load %arg6[%get3A_425, %get3A_426] {strides = array<i32>} : memref<512x128xf32, #tpu.memory_space<vmem>>, vector<1x16xf32>,
            %get3A_428 = vector.shape_cast %get3A_427 : vector<1x16xf32> to vector<16xf32>
            %get3A_429 = arith.index_cast %squeeze3A_397 : i32 to index
            %get3A_430 = arith.index_cast %mul3A_422 : i32 to index
            %get3A_431 = tpu.vector_load %arg10[%get3A_429, %get3A_430] {strides = array<i32>} : memref<16x128xf32, #tpu.memory_space<vmem>>, vector<1x16xf32>,
            %get3A_432 = vector.shape_cast %get3A_431 : vector<1x16xf32> to vector<16xf32>
            %mul3A_433 = arith.mulf %get3A_428, %get3A_432 : vector<16xf32>
            %add3A_434 = arith.constant 13 : i32
            %add3A_435 = arith.addi %add3A_285, %add3A_434 : i32
            %swap3A = arith.index_cast %add3A_435 : i32 to index
            %swap3A_436 = arith.index_cast %mul3A_422 : i32 to index
            %swap3A_437 = tpu.vector_load %arg6[%swap3A, %swap3A_436] {strides = array<i32>} : memref<512x128xf32, #tpu.memory_space<vmem>>, vector<1x16xf32>,
            %swap3A_438 = vector.shape_cast %swap3A_437 : vector<1x16xf32> to vector<16xf32>
            %swap3A_439 = vector.shape_cast %mul3A_433 : vector<16xf32> to vector<1x16xf32>
            tpu.vector_store %arg6[%swap3A, %swap3A_436], %swap3A_439 {strides = array<i32>} : memref<512x128xf32, #tpu.memory_space<vmem>>, vector<1x16xf32>,
          }
          %scan3A_403 = arith.constant 8 : i32
          %slice3A_404 = vector.extract_strided_slice %get3A_281 {offsets = [14], sizes = [1], strides = [1]} : vector<16xi32> to vector<1xi32>
          %squeeze3A_405 = vector.extract %slice3A_404[0] : i32 from vector<1xi32>
          %scan3A_406 = arith.constant 0 : i32
          %scan3A_407 = arith.constant 0 : i32
          %scan3A_408 = arith.constant 8 : i32
          %scan3A_409 = arith.addi %scan3A_407, %scan3A_408 : i32
          %scan3A_410 = arith.constant 1 : i32
          scf.for %scan3A_420 = %scan3A_407 to %scan3A_409 step %scan3A_410  : i32 {
            %mul3A_421 = arith.constant 16 : i32
            %mul3A_422 = arith.muli %scan3A_420, %mul3A_421 : i32
            %add3A_423 = arith.constant 14 : i32
            %add3A_424 = arith.addi %add3A_285, %add3A_423 : i32
            %get3A_425 = arith.index_cast %add3A_424 : i32 to index
            %get3A_426 = arith.index_cast %mul3A_422 : i32 to index
            %get3A_427 = tpu.vector_load %arg6[%get3A_425, %get3A_426] {strides = array<i32>} : memref<512x128xf32, #tpu.memory_space<vmem>>, vector<1x16xf32>,
            %get3A_428 = vector.shape_cast %get3A_427 : vector<1x16xf32> to vector<16xf32>
            %get3A_429 = arith.index_cast %squeeze3A_405 : i32 to index
            %get3A_430 = arith.index_cast %mul3A_422 : i32 to index
            %get3A_431 = tpu.vector_load %arg10[%get3A_429, %get3A_430] {strides = array<i32>} : memref<16x128xf32, #tpu.memory_space<vmem>>, vector<1x16xf32>,
            %get3A_432 = vector.shape_cast %get3A_431 : vector<1x16xf32> to vector<16xf32>
            %mul3A_433 = arith.mulf %get3A_428, %get3A_432 : vector<16xf32>
            %add3A_434 = arith.constant 14 : i32
            %add3A_435 = arith.addi %add3A_285, %add3A_434 : i32
            %swap3A = arith.index_cast %add3A_435 : i32 to index
            %swap3A_436 = arith.index_cast %mul3A_422 : i32 to index
            %swap3A_437 = tpu.vector_load %arg6[%swap3A, %swap3A_436] {strides = array<i32>} : memref<512x128xf32, #tpu.memory_space<vmem>>, vector<1x16xf32>,
            %swap3A_438 = vector.shape_cast %swap3A_437 : vector<1x16xf32> to vector<16xf32>
            %swap3A_439 = vector.shape_cast %mul3A_433 : vector<16xf32> to vector<1x16xf32>
            tpu.vector_store %arg6[%swap3A, %swap3A_436], %swap3A_439 {strides = array<i32>} : memref<512x128xf32, #tpu.memory_space<vmem>>, vector<1x16xf32>,
          }
          %scan3A_411 = arith.constant 8 : i32
          %slice3A_412 = vector.extract_strided_slice %get3A_281 {offsets = [15], sizes = [1], strides = [1]} : vector<16xi32> to vector<1xi32>
          %squeeze3A_413 = vector.extract %slice3A_412[0] : i32 from vector<1xi32>
          %scan3A_414 = arith.constant 0 : i32
          %scan3A_415 = arith.constant 0 : i32
          %scan3A_416 = arith.constant 8 : i32
          %scan3A_417 = arith.addi %scan3A_415, %scan3A_416 : i32
          %scan3A_418 = arith.constant 1 : i32
          scf.for %scan3A_420 = %scan3A_415 to %scan3A_417 step %scan3A_418  : i32 {
            %mul3A_421 = arith.constant 16 : i32
            %mul3A_422 = arith.muli %scan3A_420, %mul3A_421 : i32
            %add3A_423 = arith.constant 15 : i32
            %add3A_424 = arith.addi %add3A_285, %add3A_423 : i32
            %get3A_425 = arith.index_cast %add3A_424 : i32 to index
            %get3A_426 = arith.index_cast %mul3A_422 : i32 to index
            %get3A_427 = tpu.vector_load %arg6[%get3A_425, %get3A_426] {strides = array<i32>} : memref<512x128xf32, #tpu.memory_space<vmem>>, vector<1x16xf32>,
            %get3A_428 = vector.shape_cast %get3A_427 : vector<1x16xf32> to vector<16xf32>
            %get3A_429 = arith.index_cast %squeeze3A_413 : i32 to index
            %get3A_430 = arith.index_cast %mul3A_422 : i32 to index
            %get3A_431 = tpu.vector_load %arg10[%get3A_429, %get3A_430] {strides = array<i32>} : memref<16x128xf32, #tpu.memory_space<vmem>>, vector<1x16xf32>,
            %get3A_432 = vector.shape_cast %get3A_431 : vector<1x16xf32> to vector<16xf32>
            %mul3A_433 = arith.mulf %get3A_428, %get3A_432 : vector<16xf32>
            %add3A_434 = arith.constant 15 : i32
            %add3A_435 = arith.addi %add3A_285, %add3A_434 : i32
            %swap3A = arith.index_cast %add3A_435 : i32 to index
            %swap3A_436 = arith.index_cast %mul3A_422 : i32 to index
            %swap3A_437 = tpu.vector_load %arg6[%swap3A, %swap3A_436] {strides = array<i32>} : memref<512x128xf32, #tpu.memory_space<vmem>>, vector<1x16xf32>,
            %swap3A_438 = vector.shape_cast %swap3A_437 : vector<1x16xf32> to vector<16xf32>
            %swap3A_439 = vector.shape_cast %mul3A_433 : vector<16xf32> to vector<1x16xf32>
            tpu.vector_store %arg6[%swap3A, %swap3A_436], %swap3A_439 {strides = array<i32>} : memref<512x128xf32, #tpu.memory_space<vmem>>, vector<1x16xf32>,
          }
          %scan3A_419 = arith.constant 8 : i32
        }
      }
      %scan3A_219 = arith.constant 8 : i32
      %mul3A_220 = arith.constant 128 : i32
      %mul3A_221 = arith.muli %add3A_203, %mul3A_220 : i32
      %add3A_222 = arith.addi %mul3A_2, %mul3A_221 : i32
      %dma_start3A_223 = arith.constant 256 : i32
      %dma_start3A_224 = arith.constant 0 : i32
      %dma_start3A_225 = tpu.memref_slice %arg6[%dma_start3A_223, %dma_start3A_224] : memref<512x128xf32, #tpu.memory_space<vmem>> -> memref<128x128xf32, #tpu.memory_space<vmem>>
      %dma_start3A_226 = tpu.memref_slice %arg5[%add3A_222, %mul3A_0] : memref<32768x256xf32, #tpu.memory_space<hbm>> -> memref<128x128xf32, #tpu.memory_space<hbm>>
      %dma_start3A_227 = tpu.memref_slice %arg5[%add3A_222, %mul3A_0] : memref<32768x256xf32, #tpu.memory_space<hbm>> -> memref<128x128xf32, #tpu.memory_space<hbm>>
      %dma_start3A_228 = arith.constant 256 : i32
      %dma_start3A_229 = arith.constant 0 : i32
      %dma_start3A_230 = tpu.memref_slice %arg6[%dma_start3A_228, %dma_start3A_229] : memref<512x128xf32, #tpu.memory_space<vmem>> -> memref<128x128xf32, #tpu.memory_space<vmem>>
      tpu.enqueue_dma source(%dma_start3A_230 : memref<128x128xf32, #tpu.memory_space<vmem>>) target(%dma_start3A_227 : memref<128x128xf32, #tpu.memory_space<hbm>>) target_semaphore(%arg18 : memref<!tpu.dma_semaphore, #tpu.memory_space<semaphore_mem>>)
      %lt3A = arith.constant 3 : i32
      %lt3A_231 = arith.cmpi slt, %scan3A_102, %lt3A : i32
      %convert_element_type3A_232 = arith.extui %lt3A_231 : i1 to i32
      %cond3A_233 = arith.constant 0 : i32
      %cond3A_234 = arith.cmpi ne, %convert_element_type3A_232, %cond3A_233 : i32
      scf.if %cond3A_234 {
        %add3A_271 = arith.constant 0 : i32
        %add3A_272 = arith.addi %mul3A_2, %add3A_271 : i32
        %dma_wait3A_273 = arith.constant 0 : i32
        %dma_wait3A_274 = arith.constant 0 : i32
        %dma_wait3A_275 = tpu.memref_slice %arg6[%dma_wait3A_273, %dma_wait3A_274] : memref<512x128xf32, #tpu.memory_space<vmem>> -> memref<128x128xf32, #tpu.memory_space<vmem>>
        %dma_wait3A_276 = tpu.memref_slice %arg5[%add3A_272, %mul3A_0] : memref<32768x256xf32, #tpu.memory_space<hbm>> -> memref<128x128xf32, #tpu.memory_space<hbm>>
        %dma_wait3A_277 = tpu.memref_slice %arg5[%add3A_272, %mul3A_0] : memref<32768x256xf32, #tpu.memory_space<hbm>> -> memref<128x128xf32, #tpu.memory_space<hbm>>
        %dma_wait3A_278 = arith.constant 0 : i32
        %dma_wait3A_279 = arith.constant 0 : i32
        %dma_wait3A_280 = tpu.memref_slice %arg6[%dma_wait3A_278, %dma_wait3A_279] : memref<512x128xf32, #tpu.memory_space<vmem>> -> memref<128x128xf32, #tpu.memory_space<vmem>>
        tpu.wait_dma2 semaphore(%arg16 : memref<!tpu.dma_semaphore, #tpu.memory_space<semaphore_mem>>) src(%dma_wait3A_280 : memref<128x128xf32, #tpu.memory_space<vmem>>) dst(%dma_wait3A_277 : memref<128x128xf32, #tpu.memory_space<hbm>>)
        %add3A_281 = arith.constant 2 : i32
        %add3A_282 = arith.addi %add3A_203, %add3A_281 : i32
        %mul3A_283 = arith.constant 128 : i32
        %mul3A_284 = arith.muli %add3A_282, %mul3A_283 : i32
        %add3A_285 = arith.addi %mul3A_2, %mul3A_284 : i32
        %dma_start3A_286 = arith.constant 0 : i32
        %dma_start3A_287 = arith.constant 0 : i32
        %dma_start3A_288 = tpu.memref_slice %arg6[%dma_start3A_286, %dma_start3A_287] : memref<512x128xf32, #tpu.memory_space<vmem>> -> memref<128x128xf32, #tpu.memory_space<vmem>>
        %dma_start3A_289 = tpu.memref_slice %arg2[%add3A_285, %mul3A_0] : memref<32768x256xf32, #tpu.memory_space<hbm>> -> memref<128x128xf32, #tpu.memory_space<hbm>>
        %dma_start3A_290 = arith.constant 0 : i32
        %dma_start3A_291 = arith.constant 0 : i32
        %dma_start3A_292 = tpu.memref_slice %arg6[%dma_start3A_290, %dma_start3A_291] : memref<512x128xf32, #tpu.memory_space<vmem>> -> memref<128x128xf32, #tpu.memory_space<vmem>>
        %dma_start3A_293 = tpu.memref_slice %arg2[%add3A_285, %mul3A_0] : memref<32768x256xf32, #tpu.memory_space<hbm>> -> memref<128x128xf32, #tpu.memory_space<hbm>>
        tpu.enqueue_dma source(%dma_start3A_293 : memref<128x128xf32, #tpu.memory_space<hbm>>) target(%dma_start3A_292 : memref<128x128xf32, #tpu.memory_space<vmem>>) target_semaphore(%arg12 : memref<!tpu.dma_semaphore, #tpu.memory_space<semaphore_mem>>)
      } else {
      }
      %mul3A_235 = arith.constant 4 : i32
      %mul3A_236 = arith.muli %scan3A_102, %mul3A_235 : i32
      %add3A_237 = arith.constant 3 : i32
      %add3A_238 = arith.addi %mul3A_236, %add3A_237 : i32
      %add3A_239 = arith.constant 0 : i32
      %add3A_240 = arith.addi %mul3A_2, %add3A_239 : i32
      %dma_wait3A_241 = arith.constant 384 : i32
      %dma_wait3A_242 = arith.constant 0 : i32
      %dma_wait3A_243 = tpu.memref_slice %arg6[%dma_wait3A_241, %dma_wait3A_242] : memref<512x128xf32, #tpu.memory_space<vmem>> -> memref<128x128xf32, #tpu.memory_space<vmem>>
      %dma_wait3A_244 = tpu.memref_slice %arg2[%add3A_240, %mul3A_0] : memref<32768x256xf32, #tpu.memory_space<hbm>> -> memref<128x128xf32, #tpu.memory_space<hbm>>
      %dma_wait3A_245 = arith.constant 384 : i32
      %dma_wait3A_246 = arith.constant 0 : i32
      %dma_wait3A_247 = tpu.memref_slice %arg6[%dma_wait3A_245, %dma_wait3A_246] : memref<512x128xf32, #tpu.memory_space<vmem>> -> memref<128x128xf32, #tpu.memory_space<vmem>>
      %dma_wait3A_248 = tpu.memref_slice %arg2[%add3A_240, %mul3A_0] : memref<32768x256xf32, #tpu.memory_space<hbm>> -> memref<128x128xf32, #tpu.memory_space<hbm>>
      tpu.wait_dma2 semaphore(%arg15 : memref<!tpu.dma_semaphore, #tpu.memory_space<semaphore_mem>>) src(%dma_wait3A_248 : memref<128x128xf32, #tpu.memory_space<hbm>>) dst(%dma_wait3A_247 : memref<128x128xf32, #tpu.memory_space<vmem>>)
      %scan3A_249 = arith.constant 0 : i32
      %scan3A_250 = arith.constant 0 : i32
      %scan3A_251 = arith.constant 8 : i32
      %scan3A_252 = arith.addi %scan3A_250, %scan3A_251 : i32
      %scan3A_253 = arith.constant 1 : i32
      scf.for %scan3A_271 = %scan3A_250 to %scan3A_252 step %scan3A_253  : i32 {
        %mul3A_272 = arith.constant 128 : i32
        %mul3A_273 = arith.muli %add3A_238, %mul3A_272 : i32
        %mul3A_274 = arith.constant 16 : i32
        %mul3A_275 = arith.muli %scan3A_271, %mul3A_274 : i32
        %add3A_276 = arith.addi %mul3A_273, %mul3A_275 : i32
        %shift_right_logical3A = arith.constant 7 : i32
        %shift_right_logical3A_277 = arith.shrui %add3A_276, %shift_right_logical3A : i32
        %and3A = arith.constant 127 : i32
        %and3A_278 = arith.andi %add3A_276, %and3A : i32
        %get3A = arith.index_cast %shift_right_logical3A_277 : i32 to index
        %get3A_279 = arith.index_cast %and3A_278 : i32 to index
        %get3A_280 = tpu.vector_load %arg7[%get3A, %get3A_279] {strides = array<i32>} : memref<16x128xi32, #tpu.memory_space<vmem>>, vector<1x16xi32>,
        %get3A_281 = vector.shape_cast %get3A_280 : vector<1x16xi32> to vector<16xi32>
        %slice3A = vector.extract_strided_slice %get3A_281 {offsets = [0], sizes = [1], strides = [1]} : vector<16xi32> to vector<1xi32>
        %squeeze3A = vector.extract %slice3A[0] : i32 from vector<1xi32>
        %mul3A_282 = arith.constant 16 : i32
        %mul3A_283 = arith.muli %scan3A_271, %mul3A_282 : i32
        %add3A_284 = arith.constant 384 : i32
        %add3A_285 = arith.addi %add3A_284, %mul3A_283 : i32
        %slice3A_286 = vector.extract_strided_slice %get3A_281 {offsets = [15], sizes = [1], strides = [1]} : vector<16xi32> to vector<1xi32>
        %squeeze3A_287 = vector.extract %slice3A_286[0] : i32 from vector<1xi32>
        %eq3A_288 = arith.cmpi eq, %squeeze3A, %squeeze3A_287 : i32
        %convert_element_type3A_289 = arith.extui %eq3A_288 : i1 to i32
        %cond3A_290 = arith.constant 0 : i32
        %cond3A_291 = arith.cmpi ne, %convert_element_type3A_289, %cond3A_290 : i32
        scf.if %cond3A_291 {
          %get3A_292 = arith.index_cast %squeeze3A : i32 to index
          %get3A_293 = arith.constant 0 : index
          %get3A_294 = tpu.vector_load %arg10[%get3A_292, %get3A_293] {strides = array<i32>} : memref<16x128xf32, #tpu.memory_space<vmem>>, vector<1x16xf32>,
          %get3A_295 = vector.shape_cast %get3A_294 : vector<1x16xf32> to vector<16xf32>
          %get3A_296 = arith.index_cast %squeeze3A : i32 to index
          %get3A_297 = arith.constant 16 : index
          %get3A_298 = tpu.vector_load %arg10[%get3A_296, %get3A_297] {strides = array<i32>} : memref<16x128xf32, #tpu.memory_space<vmem>>, vector<1x16xf32>,
          %get3A_299 = vector.shape_cast %get3A_298 : vector<1x16xf32> to vector<16xf32>
          %get3A_300 = arith.index_cast %squeeze3A : i32 to index
          %get3A_301 = arith.constant 32 : index
          %get3A_302 = tpu.vector_load %arg10[%get3A_300, %get3A_301] {strides = array<i32>} : memref<16x128xf32, #tpu.memory_space<vmem>>, vector<1x16xf32>,
          %get3A_303 = vector.shape_cast %get3A_302 : vector<1x16xf32> to vector<16xf32>
          %get3A_304 = arith.index_cast %squeeze3A : i32 to index
          %get3A_305 = arith.constant 48 : index
          %get3A_306 = tpu.vector_load %arg10[%get3A_304, %get3A_305] {strides = array<i32>} : memref<16x128xf32, #tpu.memory_space<vmem>>, vector<1x16xf32>,
          %get3A_307 = vector.shape_cast %get3A_306 : vector<1x16xf32> to vector<16xf32>
          %get3A_308 = arith.index_cast %squeeze3A : i32 to index
          %get3A_309 = arith.constant 64 : index
          %get3A_310 = tpu.vector_load %arg10[%get3A_308, %get3A_309] {strides = array<i32>} : memref<16x128xf32, #tpu.memory_space<vmem>>, vector<1x16xf32>,
          %get3A_311 = vector.shape_cast %get3A_310 : vector<1x16xf32> to vector<16xf32>
          %get3A_312 = arith.index_cast %squeeze3A : i32 to index
          %get3A_313 = arith.constant 80 : index
          %get3A_314 = tpu.vector_load %arg10[%get3A_312, %get3A_313] {strides = array<i32>} : memref<16x128xf32, #tpu.memory_space<vmem>>, vector<1x16xf32>,
          %get3A_315 = vector.shape_cast %get3A_314 : vector<1x16xf32> to vector<16xf32>
          %get3A_316 = arith.index_cast %squeeze3A : i32 to index
          %get3A_317 = arith.constant 96 : index
          %get3A_318 = tpu.vector_load %arg10[%get3A_316, %get3A_317] {strides = array<i32>} : memref<16x128xf32, #tpu.memory_space<vmem>>, vector<1x16xf32>,
          %get3A_319 = vector.shape_cast %get3A_318 : vector<1x16xf32> to vector<16xf32>
          %get3A_320 = arith.index_cast %squeeze3A : i32 to index
          %get3A_321 = arith.constant 112 : index
          %get3A_322 = tpu.vector_load %arg10[%get3A_320, %get3A_321] {strides = array<i32>} : memref<16x128xf32, #tpu.memory_space<vmem>>, vector<1x16xf32>,
          %get3A_323 = vector.shape_cast %get3A_322 : vector<1x16xf32> to vector<16xf32>
          %parallel_loop3A = arith.constant 0 : i32
          %parallel_loop3A_324 = arith.constant 16 : i32
          %parallel_loop3A_325 = arith.constant 1 : i32
          scf.for %parallel_loop3A_326 = %parallel_loop3A to %parallel_loop3A_324 step %parallel_loop3A_325  : i32 {
            %parallel_loop3A_327 = arith.addi %add3A_285, %parallel_loop3A_326 : i32
            %parallel_loop3A_328 = arith.index_cast %parallel_loop3A_327 : i32 to index
            %parallel_loop3A_329 = arith.constant 0 : index
            %parallel_loop3A_330 = tpu.vector_load %arg6[%parallel_loop3A_328, %parallel_loop3A_329] {strides = array<i32>} : memref<512x128xf32, #tpu.memory_space<vmem>>, vector<1x16xf32>,
            %parallel_loop3A_331 = vector.shape_cast %parallel_loop3A_330 : vector<1x16xf32> to vector<16xf32>
            %parallel_loop3A_332 = arith.mulf %parallel_loop3A_331, %get3A_295 : vector<16xf32>
            %parallel_loop3A_333 = arith.addi %add3A_285, %parallel_loop3A_326 : i32
            %parallel_loop3A_334 = arith.index_cast %parallel_loop3A_333 : i32 to index
            %parallel_loop3A_335 = arith.constant 0 : index
            %parallel_loop3A_336 = tpu.vector_load %arg6[%parallel_loop3A_334, %parallel_loop3A_335] {strides = array<i32>} : memref<512x128xf32, #tpu.memory_space<vmem>>, vector<1x16xf32>,
            %parallel_loop3A_337 = vector.shape_cast %parallel_loop3A_336 : vector<1x16xf32> to vector<16xf32>
            %parallel_loop3A_338 = vector.shape_cast %parallel_loop3A_332 : vector<16xf32> to vector<1x16xf32>
            tpu.vector_store %arg6[%parallel_loop3A_334, %parallel_loop3A_335], %parallel_loop3A_338 {strides = array<i32>} : memref<512x128xf32, #tpu.memory_space<vmem>>, vector<1x16xf32>,
            %parallel_loop3A_339 = arith.addi %add3A_285, %parallel_loop3A_326 : i32
            %parallel_loop3A_340 = arith.index_cast %parallel_loop3A_339 : i32 to index
            %parallel_loop3A_341 = arith.constant 16 : index
            %parallel_loop3A_342 = tpu.vector_load %arg6[%parallel_loop3A_340, %parallel_loop3A_341] {strides = array<i32>} : memref<512x128xf32, #tpu.memory_space<vmem>>, vector<1x16xf32>,
            %parallel_loop3A_343 = vector.shape_cast %parallel_loop3A_342 : vector<1x16xf32> to vector<16xf32>
            %parallel_loop3A_344 = arith.mulf %parallel_loop3A_343, %get3A_299 : vector<16xf32>
            %parallel_loop3A_345 = arith.addi %add3A_285, %parallel_loop3A_326 : i32
            %parallel_loop3A_346 = arith.index_cast %parallel_loop3A_345 : i32 to index
            %parallel_loop3A_347 = arith.constant 16 : index
            %parallel_loop3A_348 = tpu.vector_load %arg6[%parallel_loop3A_346, %parallel_loop3A_347] {strides = array<i32>} : memref<512x128xf32, #tpu.memory_space<vmem>>, vector<1x16xf32>,
            %parallel_loop3A_349 = vector.shape_cast %parallel_loop3A_348 : vector<1x16xf32> to vector<16xf32>
            %parallel_loop3A_350 = vector.shape_cast %parallel_loop3A_344 : vector<16xf32> to vector<1x16xf32>
            tpu.vector_store %arg6[%parallel_loop3A_346, %parallel_loop3A_347], %parallel_loop3A_350 {strides = array<i32>} : memref<512x128xf32, #tpu.memory_space<vmem>>, vector<1x16xf32>,
            %parallel_loop3A_351 = arith.addi %add3A_285, %parallel_loop3A_326 : i32
            %parallel_loop3A_352 = arith.index_cast %parallel_loop3A_351 : i32 to index
            %parallel_loop3A_353 = arith.constant 32 : index
            %parallel_loop3A_354 = tpu.vector_load %arg6[%parallel_loop3A_352, %parallel_loop3A_353] {strides = array<i32>} : memref<512x128xf32, #tpu.memory_space<vmem>>, vector<1x16xf32>,
            %parallel_loop3A_355 = vector.shape_cast %parallel_loop3A_354 : vector<1x16xf32> to vector<16xf32>
            %parallel_loop3A_356 = arith.mulf %parallel_loop3A_355, %get3A_303 : vector<16xf32>
            %parallel_loop3A_357 = arith.addi %add3A_285, %parallel_loop3A_326 : i32
            %parallel_loop3A_358 = arith.index_cast %parallel_loop3A_357 : i32 to index
            %parallel_loop3A_359 = arith.constant 32 : index
            %parallel_loop3A_360 = tpu.vector_load %arg6[%parallel_loop3A_358, %parallel_loop3A_359] {strides = array<i32>} : memref<512x128xf32, #tpu.memory_space<vmem>>, vector<1x16xf32>,
            %parallel_loop3A_361 = vector.shape_cast %parallel_loop3A_360 : vector<1x16xf32> to vector<16xf32>
            %parallel_loop3A_362 = vector.shape_cast %parallel_loop3A_356 : vector<16xf32> to vector<1x16xf32>
            tpu.vector_store %arg6[%parallel_loop3A_358, %parallel_loop3A_359], %parallel_loop3A_362 {strides = array<i32>} : memref<512x128xf32, #tpu.memory_space<vmem>>, vector<1x16xf32>,
            %parallel_loop3A_363 = arith.addi %add3A_285, %parallel_loop3A_326 : i32
            %parallel_loop3A_364 = arith.index_cast %parallel_loop3A_363 : i32 to index
            %parallel_loop3A_365 = arith.constant 48 : index
            %parallel_loop3A_366 = tpu.vector_load %arg6[%parallel_loop3A_364, %parallel_loop3A_365] {strides = array<i32>} : memref<512x128xf32, #tpu.memory_space<vmem>>, vector<1x16xf32>,
            %parallel_loop3A_367 = vector.shape_cast %parallel_loop3A_366 : vector<1x16xf32> to vector<16xf32>
            %parallel_loop3A_368 = arith.mulf %parallel_loop3A_367, %get3A_307 : vector<16xf32>
            %parallel_loop3A_369 = arith.addi %add3A_285, %parallel_loop3A_326 : i32
            %parallel_loop3A_370 = arith.index_cast %parallel_loop3A_369 : i32 to index
            %parallel_loop3A_371 = arith.constant 48 : index
            %parallel_loop3A_372 = tpu.vector_load %arg6[%parallel_loop3A_370, %parallel_loop3A_371] {strides = array<i32>} : memref<512x128xf32, #tpu.memory_space<vmem>>, vector<1x16xf32>,
            %parallel_loop3A_373 = vector.shape_cast %parallel_loop3A_372 : vector<1x16xf32> to vector<16xf32>
            %parallel_loop3A_374 = vector.shape_cast %parallel_loop3A_368 : vector<16xf32> to vector<1x16xf32>
            tpu.vector_store %arg6[%parallel_loop3A_370, %parallel_loop3A_371], %parallel_loop3A_374 {strides = array<i32>} : memref<512x128xf32, #tpu.memory_space<vmem>>, vector<1x16xf32>,
            %parallel_loop3A_375 = arith.addi %add3A_285, %parallel_loop3A_326 : i32
            %parallel_loop3A_376 = arith.index_cast %parallel_loop3A_375 : i32 to index
            %parallel_loop3A_377 = arith.constant 64 : index
            %parallel_loop3A_378 = tpu.vector_load %arg6[%parallel_loop3A_376, %parallel_loop3A_377] {strides = array<i32>} : memref<512x128xf32, #tpu.memory_space<vmem>>, vector<1x16xf32>,
            %parallel_loop3A_379 = vector.shape_cast %parallel_loop3A_378 : vector<1x16xf32> to vector<16xf32>
            %parallel_loop3A_380 = arith.mulf %parallel_loop3A_379, %get3A_311 : vector<16xf32>
            %parallel_loop3A_381 = arith.addi %add3A_285, %parallel_loop3A_326 : i32
            %parallel_loop3A_382 = arith.index_cast %parallel_loop3A_381 : i32 to index
            %parallel_loop3A_383 = arith.constant 64 : index
            %parallel_loop3A_384 = tpu.vector_load %arg6[%parallel_loop3A_382, %parallel_loop3A_383] {strides = array<i32>} : memref<512x128xf32, #tpu.memory_space<vmem>>, vector<1x16xf32>,
            %parallel_loop3A_385 = vector.shape_cast %parallel_loop3A_384 : vector<1x16xf32> to vector<16xf32>
            %parallel_loop3A_386 = vector.shape_cast %parallel_loop3A_380 : vector<16xf32> to vector<1x16xf32>
            tpu.vector_store %arg6[%parallel_loop3A_382, %parallel_loop3A_383], %parallel_loop3A_386 {strides = array<i32>} : memref<512x128xf32, #tpu.memory_space<vmem>>, vector<1x16xf32>,
            %parallel_loop3A_387 = arith.addi %add3A_285, %parallel_loop3A_326 : i32
            %parallel_loop3A_388 = arith.index_cast %parallel_loop3A_387 : i32 to index
            %parallel_loop3A_389 = arith.constant 80 : index
            %parallel_loop3A_390 = tpu.vector_load %arg6[%parallel_loop3A_388, %parallel_loop3A_389] {strides = array<i32>} : memref<512x128xf32, #tpu.memory_space<vmem>>, vector<1x16xf32>,
            %parallel_loop3A_391 = vector.shape_cast %parallel_loop3A_390 : vector<1x16xf32> to vector<16xf32>
            %parallel_loop3A_392 = arith.mulf %parallel_loop3A_391, %get3A_315 : vector<16xf32>
            %parallel_loop3A_393 = arith.addi %add3A_285, %parallel_loop3A_326 : i32
            %parallel_loop3A_394 = arith.index_cast %parallel_loop3A_393 : i32 to index
            %parallel_loop3A_395 = arith.constant 80 : index
            %parallel_loop3A_396 = tpu.vector_load %arg6[%parallel_loop3A_394, %parallel_loop3A_395] {strides = array<i32>} : memref<512x128xf32, #tpu.memory_space<vmem>>, vector<1x16xf32>,
            %parallel_loop3A_397 = vector.shape_cast %parallel_loop3A_396 : vector<1x16xf32> to vector<16xf32>
            %parallel_loop3A_398 = vector.shape_cast %parallel_loop3A_392 : vector<16xf32> to vector<1x16xf32>
            tpu.vector_store %arg6[%parallel_loop3A_394, %parallel_loop3A_395], %parallel_loop3A_398 {strides = array<i32>} : memref<512x128xf32, #tpu.memory_space<vmem>>, vector<1x16xf32>,
            %parallel_loop3A_399 = arith.addi %add3A_285, %parallel_loop3A_326 : i32
            %parallel_loop3A_400 = arith.index_cast %parallel_loop3A_399 : i32 to index
            %parallel_loop3A_401 = arith.constant 96 : index
            %parallel_loop3A_402 = tpu.vector_load %arg6[%parallel_loop3A_400, %parallel_loop3A_401] {strides = array<i32>} : memref<512x128xf32, #tpu.memory_space<vmem>>, vector<1x16xf32>,
            %parallel_loop3A_403 = vector.shape_cast %parallel_loop3A_402 : vector<1x16xf32> to vector<16xf32>
            %parallel_loop3A_404 = arith.mulf %parallel_loop3A_403, %get3A_319 : vector<16xf32>
            %parallel_loop3A_405 = arith.addi %add3A_285, %parallel_loop3A_326 : i32
            %parallel_loop3A_406 = arith.index_cast %parallel_loop3A_405 : i32 to index
            %parallel_loop3A_407 = arith.constant 96 : index
            %parallel_loop3A_408 = tpu.vector_load %arg6[%parallel_loop3A_406, %parallel_loop3A_407] {strides = array<i32>} : memref<512x128xf32, #tpu.memory_space<vmem>>, vector<1x16xf32>,
            %parallel_loop3A_409 = vector.shape_cast %parallel_loop3A_408 : vector<1x16xf32> to vector<16xf32>
            %parallel_loop3A_410 = vector.shape_cast %parallel_loop3A_404 : vector<16xf32> to vector<1x16xf32>
            tpu.vector_store %arg6[%parallel_loop3A_406, %parallel_loop3A_407], %parallel_loop3A_410 {strides = array<i32>} : memref<512x128xf32, #tpu.memory_space<vmem>>, vector<1x16xf32>,
            %parallel_loop3A_411 = arith.addi %add3A_285, %parallel_loop3A_326 : i32
            %parallel_loop3A_412 = arith.index_cast %parallel_loop3A_411 : i32 to index
            %parallel_loop3A_413 = arith.constant 112 : index
            %parallel_loop3A_414 = tpu.vector_load %arg6[%parallel_loop3A_412, %parallel_loop3A_413] {strides = array<i32>} : memref<512x128xf32, #tpu.memory_space<vmem>>, vector<1x16xf32>,
            %parallel_loop3A_415 = vector.shape_cast %parallel_loop3A_414 : vector<1x16xf32> to vector<16xf32>
            %parallel_loop3A_416 = arith.mulf %parallel_loop3A_415, %get3A_323 : vector<16xf32>
            %parallel_loop3A_417 = arith.addi %add3A_285, %parallel_loop3A_326 : i32
            %parallel_loop3A_418 = arith.index_cast %parallel_loop3A_417 : i32 to index
            %parallel_loop3A_419 = arith.constant 112 : index
            %parallel_loop3A_420 = tpu.vector_load %arg6[%parallel_loop3A_418, %parallel_loop3A_419] {strides = array<i32>} : memref<512x128xf32, #tpu.memory_space<vmem>>, vector<1x16xf32>,
            %parallel_loop3A_421 = vector.shape_cast %parallel_loop3A_420 : vector<1x16xf32> to vector<16xf32>
            %parallel_loop3A_422 = vector.shape_cast %parallel_loop3A_416 : vector<16xf32> to vector<1x16xf32>
            tpu.vector_store %arg6[%parallel_loop3A_418, %parallel_loop3A_419], %parallel_loop3A_422 {strides = array<i32>} : memref<512x128xf32, #tpu.memory_space<vmem>>, vector<1x16xf32>,
          } {sc.loop_unroll_factor = 2 : i64, sc.parallel_access}
        } else {
          %slice3A_292 = vector.extract_strided_slice %get3A_281 {offsets = [0], sizes = [1], strides = [1]} : vector<16xi32> to vector<1xi32>
          %squeeze3A_293 = vector.extract %slice3A_292[0] : i32 from vector<1xi32>
          %scan3A_294 = arith.constant 0 : i32
          %scan3A_295 = arith.constant 0 : i32
          %scan3A_296 = arith.constant 8 : i32
          %scan3A_297 = arith.addi %scan3A_295, %scan3A_296 : i32
          %scan3A_298 = arith.constant 1 : i32
          scf.for %scan3A_420 = %scan3A_295 to %scan3A_297 step %scan3A_298  : i32 {
            %mul3A_421 = arith.constant 16 : i32
            %mul3A_422 = arith.muli %scan3A_420, %mul3A_421 : i32
            %add3A_423 = arith.constant 0 : i32
            %add3A_424 = arith.addi %add3A_285, %add3A_423 : i32
            %get3A_425 = arith.index_cast %add3A_424 : i32 to index
            %get3A_426 = arith.index_cast %mul3A_422 : i32 to index
            %get3A_427 = tpu.vector_load %arg6[%get3A_425, %get3A_426] {strides = array<i32>} : memref<512x128xf32, #tpu.memory_space<vmem>>, vector<1x16xf32>,
            %get3A_428 = vector.shape_cast %get3A_427 : vector<1x16xf32> to vector<16xf32>
            %get3A_429 = arith.index_cast %squeeze3A_293 : i32 to index
            %get3A_430 = arith.index_cast %mul3A_422 : i32 to index
            %get3A_431 = tpu.vector_load %arg10[%get3A_429, %get3A_430] {strides = array<i32>} : memref<16x128xf32, #tpu.memory_space<vmem>>, vector<1x16xf32>,
            %get3A_432 = vector.shape_cast %get3A_431 : vector<1x16xf32> to vector<16xf32>
            %mul3A_433 = arith.mulf %get3A_428, %get3A_432 : vector<16xf32>
            %add3A_434 = arith.constant 0 : i32
            %add3A_435 = arith.addi %add3A_285, %add3A_434 : i32
            %swap3A = arith.index_cast %add3A_435 : i32 to index
            %swap3A_436 = arith.index_cast %mul3A_422 : i32 to index
            %swap3A_437 = tpu.vector_load %arg6[%swap3A, %swap3A_436] {strides = array<i32>} : memref<512x128xf32, #tpu.memory_space<vmem>>, vector<1x16xf32>,
            %swap3A_438 = vector.shape_cast %swap3A_437 : vector<1x16xf32> to vector<16xf32>
            %swap3A_439 = vector.shape_cast %mul3A_433 : vector<16xf32> to vector<1x16xf32>
            tpu.vector_store %arg6[%swap3A, %swap3A_436], %swap3A_439 {strides = array<i32>} : memref<512x128xf32, #tpu.memory_space<vmem>>, vector<1x16xf32>,
          }
          %scan3A_299 = arith.constant 8 : i32
          %slice3A_300 = vector.extract_strided_slice %get3A_281 {offsets = [1], sizes = [1], strides = [1]} : vector<16xi32> to vector<1xi32>
          %squeeze3A_301 = vector.extract %slice3A_300[0] : i32 from vector<1xi32>
          %scan3A_302 = arith.constant 0 : i32
          %scan3A_303 = arith.constant 0 : i32
          %scan3A_304 = arith.constant 8 : i32
          %scan3A_305 = arith.addi %scan3A_303, %scan3A_304 : i32
          %scan3A_306 = arith.constant 1 : i32
          scf.for %scan3A_420 = %scan3A_303 to %scan3A_305 step %scan3A_306  : i32 {
            %mul3A_421 = arith.constant 16 : i32
            %mul3A_422 = arith.muli %scan3A_420, %mul3A_421 : i32
            %add3A_423 = arith.constant 1 : i32
            %add3A_424 = arith.addi %add3A_285, %add3A_423 : i32
            %get3A_425 = arith.index_cast %add3A_424 : i32 to index
            %get3A_426 = arith.index_cast %mul3A_422 : i32 to index
            %get3A_427 = tpu.vector_load %arg6[%get3A_425, %get3A_426] {strides = array<i32>} : memref<512x128xf32, #tpu.memory_space<vmem>>, vector<1x16xf32>,
            %get3A_428 = vector.shape_cast %get3A_427 : vector<1x16xf32> to vector<16xf32>
            %get3A_429 = arith.index_cast %squeeze3A_301 : i32 to index
            %get3A_430 = arith.index_cast %mul3A_422 : i32 to index
            %get3A_431 = tpu.vector_load %arg10[%get3A_429, %get3A_430] {strides = array<i32>} : memref<16x128xf32, #tpu.memory_space<vmem>>, vector<1x16xf32>,
            %get3A_432 = vector.shape_cast %get3A_431 : vector<1x16xf32> to vector<16xf32>
            %mul3A_433 = arith.mulf %get3A_428, %get3A_432 : vector<16xf32>
            %add3A_434 = arith.constant 1 : i32
            %add3A_435 = arith.addi %add3A_285, %add3A_434 : i32
            %swap3A = arith.index_cast %add3A_435 : i32 to index
            %swap3A_436 = arith.index_cast %mul3A_422 : i32 to index
            %swap3A_437 = tpu.vector_load %arg6[%swap3A, %swap3A_436] {strides = array<i32>} : memref<512x128xf32, #tpu.memory_space<vmem>>, vector<1x16xf32>,
            %swap3A_438 = vector.shape_cast %swap3A_437 : vector<1x16xf32> to vector<16xf32>
            %swap3A_439 = vector.shape_cast %mul3A_433 : vector<16xf32> to vector<1x16xf32>
            tpu.vector_store %arg6[%swap3A, %swap3A_436], %swap3A_439 {strides = array<i32>} : memref<512x128xf32, #tpu.memory_space<vmem>>, vector<1x16xf32>,
          }
          %scan3A_307 = arith.constant 8 : i32
          %slice3A_308 = vector.extract_strided_slice %get3A_281 {offsets = [2], sizes = [1], strides = [1]} : vector<16xi32> to vector<1xi32>
          %squeeze3A_309 = vector.extract %slice3A_308[0] : i32 from vector<1xi32>
          %scan3A_310 = arith.constant 0 : i32
          %scan3A_311 = arith.constant 0 : i32
          %scan3A_312 = arith.constant 8 : i32
          %scan3A_313 = arith.addi %scan3A_311, %scan3A_312 : i32
          %scan3A_314 = arith.constant 1 : i32
          scf.for %scan3A_420 = %scan3A_311 to %scan3A_313 step %scan3A_314  : i32 {
            %mul3A_421 = arith.constant 16 : i32
            %mul3A_422 = arith.muli %scan3A_420, %mul3A_421 : i32
            %add3A_423 = arith.constant 2 : i32
            %add3A_424 = arith.addi %add3A_285, %add3A_423 : i32
            %get3A_425 = arith.index_cast %add3A_424 : i32 to index
            %get3A_426 = arith.index_cast %mul3A_422 : i32 to index
            %get3A_427 = tpu.vector_load %arg6[%get3A_425, %get3A_426] {strides = array<i32>} : memref<512x128xf32, #tpu.memory_space<vmem>>, vector<1x16xf32>,
            %get3A_428 = vector.shape_cast %get3A_427 : vector<1x16xf32> to vector<16xf32>
            %get3A_429 = arith.index_cast %squeeze3A_309 : i32 to index
            %get3A_430 = arith.index_cast %mul3A_422 : i32 to index
            %get3A_431 = tpu.vector_load %arg10[%get3A_429, %get3A_430] {strides = array<i32>} : memref<16x128xf32, #tpu.memory_space<vmem>>, vector<1x16xf32>,
            %get3A_432 = vector.shape_cast %get3A_431 : vector<1x16xf32> to vector<16xf32>
            %mul3A_433 = arith.mulf %get3A_428, %get3A_432 : vector<16xf32>
            %add3A_434 = arith.constant 2 : i32
            %add3A_435 = arith.addi %add3A_285, %add3A_434 : i32
            %swap3A = arith.index_cast %add3A_435 : i32 to index
            %swap3A_436 = arith.index_cast %mul3A_422 : i32 to index
            %swap3A_437 = tpu.vector_load %arg6[%swap3A, %swap3A_436] {strides = array<i32>} : memref<512x128xf32, #tpu.memory_space<vmem>>, vector<1x16xf32>,
            %swap3A_438 = vector.shape_cast %swap3A_437 : vector<1x16xf32> to vector<16xf32>
            %swap3A_439 = vector.shape_cast %mul3A_433 : vector<16xf32> to vector<1x16xf32>
            tpu.vector_store %arg6[%swap3A, %swap3A_436], %swap3A_439 {strides = array<i32>} : memref<512x128xf32, #tpu.memory_space<vmem>>, vector<1x16xf32>,
          }
          %scan3A_315 = arith.constant 8 : i32
          %slice3A_316 = vector.extract_strided_slice %get3A_281 {offsets = [3], sizes = [1], strides = [1]} : vector<16xi32> to vector<1xi32>
          %squeeze3A_317 = vector.extract %slice3A_316[0] : i32 from vector<1xi32>
          %scan3A_318 = arith.constant 0 : i32
          %scan3A_319 = arith.constant 0 : i32
          %scan3A_320 = arith.constant 8 : i32
          %scan3A_321 = arith.addi %scan3A_319, %scan3A_320 : i32
          %scan3A_322 = arith.constant 1 : i32
          scf.for %scan3A_420 = %scan3A_319 to %scan3A_321 step %scan3A_322  : i32 {
            %mul3A_421 = arith.constant 16 : i32
            %mul3A_422 = arith.muli %scan3A_420, %mul3A_421 : i32
            %add3A_423 = arith.constant 3 : i32
            %add3A_424 = arith.addi %add3A_285, %add3A_423 : i32
            %get3A_425 = arith.index_cast %add3A_424 : i32 to index
            %get3A_426 = arith.index_cast %mul3A_422 : i32 to index
            %get3A_427 = tpu.vector_load %arg6[%get3A_425, %get3A_426] {strides = array<i32>} : memref<512x128xf32, #tpu.memory_space<vmem>>, vector<1x16xf32>,
            %get3A_428 = vector.shape_cast %get3A_427 : vector<1x16xf32> to vector<16xf32>
            %get3A_429 = arith.index_cast %squeeze3A_317 : i32 to index
            %get3A_430 = arith.index_cast %mul3A_422 : i32 to index
            %get3A_431 = tpu.vector_load %arg10[%get3A_429, %get3A_430] {strides = array<i32>} : memref<16x128xf32, #tpu.memory_space<vmem>>, vector<1x16xf32>,
            %get3A_432 = vector.shape_cast %get3A_431 : vector<1x16xf32> to vector<16xf32>
            %mul3A_433 = arith.mulf %get3A_428, %get3A_432 : vector<16xf32>
            %add3A_434 = arith.constant 3 : i32
            %add3A_435 = arith.addi %add3A_285, %add3A_434 : i32
            %swap3A = arith.index_cast %add3A_435 : i32 to index
            %swap3A_436 = arith.index_cast %mul3A_422 : i32 to index
            %swap3A_437 = tpu.vector_load %arg6[%swap3A, %swap3A_436] {strides = array<i32>} : memref<512x128xf32, #tpu.memory_space<vmem>>, vector<1x16xf32>,
            %swap3A_438 = vector.shape_cast %swap3A_437 : vector<1x16xf32> to vector<16xf32>
            %swap3A_439 = vector.shape_cast %mul3A_433 : vector<16xf32> to vector<1x16xf32>
            tpu.vector_store %arg6[%swap3A, %swap3A_436], %swap3A_439 {strides = array<i32>} : memref<512x128xf32, #tpu.memory_space<vmem>>, vector<1x16xf32>,
          }
          %scan3A_323 = arith.constant 8 : i32
          %slice3A_324 = vector.extract_strided_slice %get3A_281 {offsets = [4], sizes = [1], strides = [1]} : vector<16xi32> to vector<1xi32>
          %squeeze3A_325 = vector.extract %slice3A_324[0] : i32 from vector<1xi32>
          %scan3A_326 = arith.constant 0 : i32
          %scan3A_327 = arith.constant 0 : i32
          %scan3A_328 = arith.constant 8 : i32
          %scan3A_329 = arith.addi %scan3A_327, %scan3A_328 : i32
          %scan3A_330 = arith.constant 1 : i32
          scf.for %scan3A_420 = %scan3A_327 to %scan3A_329 step %scan3A_330  : i32 {
            %mul3A_421 = arith.constant 16 : i32
            %mul3A_422 = arith.muli %scan3A_420, %mul3A_421 : i32
            %add3A_423 = arith.constant 4 : i32
            %add3A_424 = arith.addi %add3A_285, %add3A_423 : i32
            %get3A_425 = arith.index_cast %add3A_424 : i32 to index
            %get3A_426 = arith.index_cast %mul3A_422 : i32 to index
            %get3A_427 = tpu.vector_load %arg6[%get3A_425, %get3A_426] {strides = array<i32>} : memref<512x128xf32, #tpu.memory_space<vmem>>, vector<1x16xf32>,
            %get3A_428 = vector.shape_cast %get3A_427 : vector<1x16xf32> to vector<16xf32>
            %get3A_429 = arith.index_cast %squeeze3A_325 : i32 to index
            %get3A_430 = arith.index_cast %mul3A_422 : i32 to index
            %get3A_431 = tpu.vector_load %arg10[%get3A_429, %get3A_430] {strides = array<i32>} : memref<16x128xf32, #tpu.memory_space<vmem>>, vector<1x16xf32>,
            %get3A_432 = vector.shape_cast %get3A_431 : vector<1x16xf32> to vector<16xf32>
            %mul3A_433 = arith.mulf %get3A_428, %get3A_432 : vector<16xf32>
            %add3A_434 = arith.constant 4 : i32
            %add3A_435 = arith.addi %add3A_285, %add3A_434 : i32
            %swap3A = arith.index_cast %add3A_435 : i32 to index
            %swap3A_436 = arith.index_cast %mul3A_422 : i32 to index
            %swap3A_437 = tpu.vector_load %arg6[%swap3A, %swap3A_436] {strides = array<i32>} : memref<512x128xf32, #tpu.memory_space<vmem>>, vector<1x16xf32>,
            %swap3A_438 = vector.shape_cast %swap3A_437 : vector<1x16xf32> to vector<16xf32>
            %swap3A_439 = vector.shape_cast %mul3A_433 : vector<16xf32> to vector<1x16xf32>
            tpu.vector_store %arg6[%swap3A, %swap3A_436], %swap3A_439 {strides = array<i32>} : memref<512x128xf32, #tpu.memory_space<vmem>>, vector<1x16xf32>,
          }
          %scan3A_331 = arith.constant 8 : i32
          %slice3A_332 = vector.extract_strided_slice %get3A_281 {offsets = [5], sizes = [1], strides = [1]} : vector<16xi32> to vector<1xi32>
          %squeeze3A_333 = vector.extract %slice3A_332[0] : i32 from vector<1xi32>
          %scan3A_334 = arith.constant 0 : i32
          %scan3A_335 = arith.constant 0 : i32
          %scan3A_336 = arith.constant 8 : i32
          %scan3A_337 = arith.addi %scan3A_335, %scan3A_336 : i32
          %scan3A_338 = arith.constant 1 : i32
          scf.for %scan3A_420 = %scan3A_335 to %scan3A_337 step %scan3A_338  : i32 {
            %mul3A_421 = arith.constant 16 : i32
            %mul3A_422 = arith.muli %scan3A_420, %mul3A_421 : i32
            %add3A_423 = arith.constant 5 : i32
            %add3A_424 = arith.addi %add3A_285, %add3A_423 : i32
            %get3A_425 = arith.index_cast %add3A_424 : i32 to index
            %get3A_426 = arith.index_cast %mul3A_422 : i32 to index
            %get3A_427 = tpu.vector_load %arg6[%get3A_425, %get3A_426] {strides = array<i32>} : memref<512x128xf32, #tpu.memory_space<vmem>>, vector<1x16xf32>,
            %get3A_428 = vector.shape_cast %get3A_427 : vector<1x16xf32> to vector<16xf32>
            %get3A_429 = arith.index_cast %squeeze3A_333 : i32 to index
            %get3A_430 = arith.index_cast %mul3A_422 : i32 to index
            %get3A_431 = tpu.vector_load %arg10[%get3A_429, %get3A_430] {strides = array<i32>} : memref<16x128xf32, #tpu.memory_space<vmem>>, vector<1x16xf32>,
            %get3A_432 = vector.shape_cast %get3A_431 : vector<1x16xf32> to vector<16xf32>
            %mul3A_433 = arith.mulf %get3A_428, %get3A_432 : vector<16xf32>
            %add3A_434 = arith.constant 5 : i32
            %add3A_435 = arith.addi %add3A_285, %add3A_434 : i32
            %swap3A = arith.index_cast %add3A_435 : i32 to index
            %swap3A_436 = arith.index_cast %mul3A_422 : i32 to index
            %swap3A_437 = tpu.vector_load %arg6[%swap3A, %swap3A_436] {strides = array<i32>} : memref<512x128xf32, #tpu.memory_space<vmem>>, vector<1x16xf32>,
            %swap3A_438 = vector.shape_cast %swap3A_437 : vector<1x16xf32> to vector<16xf32>
            %swap3A_439 = vector.shape_cast %mul3A_433 : vector<16xf32> to vector<1x16xf32>
            tpu.vector_store %arg6[%swap3A, %swap3A_436], %swap3A_439 {strides = array<i32>} : memref<512x128xf32, #tpu.memory_space<vmem>>, vector<1x16xf32>,
          }
          %scan3A_339 = arith.constant 8 : i32
          %slice3A_340 = vector.extract_strided_slice %get3A_281 {offsets = [6], sizes = [1], strides = [1]} : vector<16xi32> to vector<1xi32>
          %squeeze3A_341 = vector.extract %slice3A_340[0] : i32 from vector<1xi32>
          %scan3A_342 = arith.constant 0 : i32
          %scan3A_343 = arith.constant 0 : i32
          %scan3A_344 = arith.constant 8 : i32
          %scan3A_345 = arith.addi %scan3A_343, %scan3A_344 : i32
          %scan3A_346 = arith.constant 1 : i32
          scf.for %scan3A_420 = %scan3A_343 to %scan3A_345 step %scan3A_346  : i32 {
            %mul3A_421 = arith.constant 16 : i32
            %mul3A_422 = arith.muli %scan3A_420, %mul3A_421 : i32
            %add3A_423 = arith.constant 6 : i32
            %add3A_424 = arith.addi %add3A_285, %add3A_423 : i32
            %get3A_425 = arith.index_cast %add3A_424 : i32 to index
            %get3A_426 = arith.index_cast %mul3A_422 : i32 to index
            %get3A_427 = tpu.vector_load %arg6[%get3A_425, %get3A_426] {strides = array<i32>} : memref<512x128xf32, #tpu.memory_space<vmem>>, vector<1x16xf32>,
            %get3A_428 = vector.shape_cast %get3A_427 : vector<1x16xf32> to vector<16xf32>
            %get3A_429 = arith.index_cast %squeeze3A_341 : i32 to index
            %get3A_430 = arith.index_cast %mul3A_422 : i32 to index
            %get3A_431 = tpu.vector_load %arg10[%get3A_429, %get3A_430] {strides = array<i32>} : memref<16x128xf32, #tpu.memory_space<vmem>>, vector<1x16xf32>,
            %get3A_432 = vector.shape_cast %get3A_431 : vector<1x16xf32> to vector<16xf32>
            %mul3A_433 = arith.mulf %get3A_428, %get3A_432 : vector<16xf32>
            %add3A_434 = arith.constant 6 : i32
            %add3A_435 = arith.addi %add3A_285, %add3A_434 : i32
            %swap3A = arith.index_cast %add3A_435 : i32 to index
            %swap3A_436 = arith.index_cast %mul3A_422 : i32 to index
            %swap3A_437 = tpu.vector_load %arg6[%swap3A, %swap3A_436] {strides = array<i32>} : memref<512x128xf32, #tpu.memory_space<vmem>>, vector<1x16xf32>,
            %swap3A_438 = vector.shape_cast %swap3A_437 : vector<1x16xf32> to vector<16xf32>
            %swap3A_439 = vector.shape_cast %mul3A_433 : vector<16xf32> to vector<1x16xf32>
            tpu.vector_store %arg6[%swap3A, %swap3A_436], %swap3A_439 {strides = array<i32>} : memref<512x128xf32, #tpu.memory_space<vmem>>, vector<1x16xf32>,
          }
          %scan3A_347 = arith.constant 8 : i32
          %slice3A_348 = vector.extract_strided_slice %get3A_281 {offsets = [7], sizes = [1], strides = [1]} : vector<16xi32> to vector<1xi32>
          %squeeze3A_349 = vector.extract %slice3A_348[0] : i32 from vector<1xi32>
          %scan3A_350 = arith.constant 0 : i32
          %scan3A_351 = arith.constant 0 : i32
          %scan3A_352 = arith.constant 8 : i32
          %scan3A_353 = arith.addi %scan3A_351, %scan3A_352 : i32
          %scan3A_354 = arith.constant 1 : i32
          scf.for %scan3A_420 = %scan3A_351 to %scan3A_353 step %scan3A_354  : i32 {
            %mul3A_421 = arith.constant 16 : i32
            %mul3A_422 = arith.muli %scan3A_420, %mul3A_421 : i32
            %add3A_423 = arith.constant 7 : i32
            %add3A_424 = arith.addi %add3A_285, %add3A_423 : i32
            %get3A_425 = arith.index_cast %add3A_424 : i32 to index
            %get3A_426 = arith.index_cast %mul3A_422 : i32 to index
            %get3A_427 = tpu.vector_load %arg6[%get3A_425, %get3A_426] {strides = array<i32>} : memref<512x128xf32, #tpu.memory_space<vmem>>, vector<1x16xf32>,
            %get3A_428 = vector.shape_cast %get3A_427 : vector<1x16xf32> to vector<16xf32>
            %get3A_429 = arith.index_cast %squeeze3A_349 : i32 to index
            %get3A_430 = arith.index_cast %mul3A_422 : i32 to index
            %get3A_431 = tpu.vector_load %arg10[%get3A_429, %get3A_430] {strides = array<i32>} : memref<16x128xf32, #tpu.memory_space<vmem>>, vector<1x16xf32>,
            %get3A_432 = vector.shape_cast %get3A_431 : vector<1x16xf32> to vector<16xf32>
            %mul3A_433 = arith.mulf %get3A_428, %get3A_432 : vector<16xf32>
            %add3A_434 = arith.constant 7 : i32
            %add3A_435 = arith.addi %add3A_285, %add3A_434 : i32
            %swap3A = arith.index_cast %add3A_435 : i32 to index
            %swap3A_436 = arith.index_cast %mul3A_422 : i32 to index
            %swap3A_437 = tpu.vector_load %arg6[%swap3A, %swap3A_436] {strides = array<i32>} : memref<512x128xf32, #tpu.memory_space<vmem>>, vector<1x16xf32>,
            %swap3A_438 = vector.shape_cast %swap3A_437 : vector<1x16xf32> to vector<16xf32>
            %swap3A_439 = vector.shape_cast %mul3A_433 : vector<16xf32> to vector<1x16xf32>
            tpu.vector_store %arg6[%swap3A, %swap3A_436], %swap3A_439 {strides = array<i32>} : memref<512x128xf32, #tpu.memory_space<vmem>>, vector<1x16xf32>,
          }
          %scan3A_355 = arith.constant 8 : i32
          %slice3A_356 = vector.extract_strided_slice %get3A_281 {offsets = [8], sizes = [1], strides = [1]} : vector<16xi32> to vector<1xi32>
          %squeeze3A_357 = vector.extract %slice3A_356[0] : i32 from vector<1xi32>
          %scan3A_358 = arith.constant 0 : i32
          %scan3A_359 = arith.constant 0 : i32
          %scan3A_360 = arith.constant 8 : i32
          %scan3A_361 = arith.addi %scan3A_359, %scan3A_360 : i32
          %scan3A_362 = arith.constant 1 : i32
          scf.for %scan3A_420 = %scan3A_359 to %scan3A_361 step %scan3A_362  : i32 {
            %mul3A_421 = arith.constant 16 : i32
            %mul3A_422 = arith.muli %scan3A_420, %mul3A_421 : i32
            %add3A_423 = arith.constant 8 : i32
            %add3A_424 = arith.addi %add3A_285, %add3A_423 : i32
            %get3A_425 = arith.index_cast %add3A_424 : i32 to index
            %get3A_426 = arith.index_cast %mul3A_422 : i32 to index
            %get3A_427 = tpu.vector_load %arg6[%get3A_425, %get3A_426] {strides = array<i32>} : memref<512x128xf32, #tpu.memory_space<vmem>>, vector<1x16xf32>,
            %get3A_428 = vector.shape_cast %get3A_427 : vector<1x16xf32> to vector<16xf32>
            %get3A_429 = arith.index_cast %squeeze3A_357 : i32 to index
            %get3A_430 = arith.index_cast %mul3A_422 : i32 to index
            %get3A_431 = tpu.vector_load %arg10[%get3A_429, %get3A_430] {strides = array<i32>} : memref<16x128xf32, #tpu.memory_space<vmem>>, vector<1x16xf32>,
            %get3A_432 = vector.shape_cast %get3A_431 : vector<1x16xf32> to vector<16xf32>
            %mul3A_433 = arith.mulf %get3A_428, %get3A_432 : vector<16xf32>
            %add3A_434 = arith.constant 8 : i32
            %add3A_435 = arith.addi %add3A_285, %add3A_434 : i32
            %swap3A = arith.index_cast %add3A_435 : i32 to index
            %swap3A_436 = arith.index_cast %mul3A_422 : i32 to index
            %swap3A_437 = tpu.vector_load %arg6[%swap3A, %swap3A_436] {strides = array<i32>} : memref<512x128xf32, #tpu.memory_space<vmem>>, vector<1x16xf32>,
            %swap3A_438 = vector.shape_cast %swap3A_437 : vector<1x16xf32> to vector<16xf32>
            %swap3A_439 = vector.shape_cast %mul3A_433 : vector<16xf32> to vector<1x16xf32>
            tpu.vector_store %arg6[%swap3A, %swap3A_436], %swap3A_439 {strides = array<i32>} : memref<512x128xf32, #tpu.memory_space<vmem>>, vector<1x16xf32>,
          }
          %scan3A_363 = arith.constant 8 : i32
          %slice3A_364 = vector.extract_strided_slice %get3A_281 {offsets = [9], sizes = [1], strides = [1]} : vector<16xi32> to vector<1xi32>
          %squeeze3A_365 = vector.extract %slice3A_364[0] : i32 from vector<1xi32>
          %scan3A_366 = arith.constant 0 : i32
          %scan3A_367 = arith.constant 0 : i32
          %scan3A_368 = arith.constant 8 : i32
          %scan3A_369 = arith.addi %scan3A_367, %scan3A_368 : i32
          %scan3A_370 = arith.constant 1 : i32
          scf.for %scan3A_420 = %scan3A_367 to %scan3A_369 step %scan3A_370  : i32 {
            %mul3A_421 = arith.constant 16 : i32
            %mul3A_422 = arith.muli %scan3A_420, %mul3A_421 : i32
            %add3A_423 = arith.constant 9 : i32
            %add3A_424 = arith.addi %add3A_285, %add3A_423 : i32
            %get3A_425 = arith.index_cast %add3A_424 : i32 to index
            %get3A_426 = arith.index_cast %mul3A_422 : i32 to index
            %get3A_427 = tpu.vector_load %arg6[%get3A_425, %get3A_426] {strides = array<i32>} : memref<512x128xf32, #tpu.memory_space<vmem>>, vector<1x16xf32>,
            %get3A_428 = vector.shape_cast %get3A_427 : vector<1x16xf32> to vector<16xf32>
            %get3A_429 = arith.index_cast %squeeze3A_365 : i32 to index
            %get3A_430 = arith.index_cast %mul3A_422 : i32 to index
            %get3A_431 = tpu.vector_load %arg10[%get3A_429, %get3A_430] {strides = array<i32>} : memref<16x128xf32, #tpu.memory_space<vmem>>, vector<1x16xf32>,
            %get3A_432 = vector.shape_cast %get3A_431 : vector<1x16xf32> to vector<16xf32>
            %mul3A_433 = arith.mulf %get3A_428, %get3A_432 : vector<16xf32>
            %add3A_434 = arith.constant 9 : i32
            %add3A_435 = arith.addi %add3A_285, %add3A_434 : i32
            %swap3A = arith.index_cast %add3A_435 : i32 to index
            %swap3A_436 = arith.index_cast %mul3A_422 : i32 to index
            %swap3A_437 = tpu.vector_load %arg6[%swap3A, %swap3A_436] {strides = array<i32>} : memref<512x128xf32, #tpu.memory_space<vmem>>, vector<1x16xf32>,
            %swap3A_438 = vector.shape_cast %swap3A_437 : vector<1x16xf32> to vector<16xf32>
            %swap3A_439 = vector.shape_cast %mul3A_433 : vector<16xf32> to vector<1x16xf32>
            tpu.vector_store %arg6[%swap3A, %swap3A_436], %swap3A_439 {strides = array<i32>} : memref<512x128xf32, #tpu.memory_space<vmem>>, vector<1x16xf32>,
          }
          %scan3A_371 = arith.constant 8 : i32
          %slice3A_372 = vector.extract_strided_slice %get3A_281 {offsets = [10], sizes = [1], strides = [1]} : vector<16xi32> to vector<1xi32>
          %squeeze3A_373 = vector.extract %slice3A_372[0] : i32 from vector<1xi32>
          %scan3A_374 = arith.constant 0 : i32
          %scan3A_375 = arith.constant 0 : i32
          %scan3A_376 = arith.constant 8 : i32
          %scan3A_377 = arith.addi %scan3A_375, %scan3A_376 : i32
          %scan3A_378 = arith.constant 1 : i32
          scf.for %scan3A_420 = %scan3A_375 to %scan3A_377 step %scan3A_378  : i32 {
            %mul3A_421 = arith.constant 16 : i32
            %mul3A_422 = arith.muli %scan3A_420, %mul3A_421 : i32
            %add3A_423 = arith.constant 10 : i32
            %add3A_424 = arith.addi %add3A_285, %add3A_423 : i32
            %get3A_425 = arith.index_cast %add3A_424 : i32 to index
            %get3A_426 = arith.index_cast %mul3A_422 : i32 to index
            %get3A_427 = tpu.vector_load %arg6[%get3A_425, %get3A_426] {strides = array<i32>} : memref<512x128xf32, #tpu.memory_space<vmem>>, vector<1x16xf32>,
            %get3A_428 = vector.shape_cast %get3A_427 : vector<1x16xf32> to vector<16xf32>
            %get3A_429 = arith.index_cast %squeeze3A_373 : i32 to index
            %get3A_430 = arith.index_cast %mul3A_422 : i32 to index
            %get3A_431 = tpu.vector_load %arg10[%get3A_429, %get3A_430] {strides = array<i32>} : memref<16x128xf32, #tpu.memory_space<vmem>>, vector<1x16xf32>,
            %get3A_432 = vector.shape_cast %get3A_431 : vector<1x16xf32> to vector<16xf32>
            %mul3A_433 = arith.mulf %get3A_428, %get3A_432 : vector<16xf32>
            %add3A_434 = arith.constant 10 : i32
            %add3A_435 = arith.addi %add3A_285, %add3A_434 : i32
            %swap3A = arith.index_cast %add3A_435 : i32 to index
            %swap3A_436 = arith.index_cast %mul3A_422 : i32 to index
            %swap3A_437 = tpu.vector_load %arg6[%swap3A, %swap3A_436] {strides = array<i32>} : memref<512x128xf32, #tpu.memory_space<vmem>>, vector<1x16xf32>,
            %swap3A_438 = vector.shape_cast %swap3A_437 : vector<1x16xf32> to vector<16xf32>
            %swap3A_439 = vector.shape_cast %mul3A_433 : vector<16xf32> to vector<1x16xf32>
            tpu.vector_store %arg6[%swap3A, %swap3A_436], %swap3A_439 {strides = array<i32>} : memref<512x128xf32, #tpu.memory_space<vmem>>, vector<1x16xf32>,
          }
          %scan3A_379 = arith.constant 8 : i32
          %slice3A_380 = vector.extract_strided_slice %get3A_281 {offsets = [11], sizes = [1], strides = [1]} : vector<16xi32> to vector<1xi32>
          %squeeze3A_381 = vector.extract %slice3A_380[0] : i32 from vector<1xi32>
          %scan3A_382 = arith.constant 0 : i32
          %scan3A_383 = arith.constant 0 : i32
          %scan3A_384 = arith.constant 8 : i32
          %scan3A_385 = arith.addi %scan3A_383, %scan3A_384 : i32
          %scan3A_386 = arith.constant 1 : i32
          scf.for %scan3A_420 = %scan3A_383 to %scan3A_385 step %scan3A_386  : i32 {
            %mul3A_421 = arith.constant 16 : i32
            %mul3A_422 = arith.muli %scan3A_420, %mul3A_421 : i32
            %add3A_423 = arith.constant 11 : i32
            %add3A_424 = arith.addi %add3A_285, %add3A_423 : i32
            %get3A_425 = arith.index_cast %add3A_424 : i32 to index
            %get3A_426 = arith.index_cast %mul3A_422 : i32 to index
            %get3A_427 = tpu.vector_load %arg6[%get3A_425, %get3A_426] {strides = array<i32>} : memref<512x128xf32, #tpu.memory_space<vmem>>, vector<1x16xf32>,
            %get3A_428 = vector.shape_cast %get3A_427 : vector<1x16xf32> to vector<16xf32>
            %get3A_429 = arith.index_cast %squeeze3A_381 : i32 to index
            %get3A_430 = arith.index_cast %mul3A_422 : i32 to index
            %get3A_431 = tpu.vector_load %arg10[%get3A_429, %get3A_430] {strides = array<i32>} : memref<16x128xf32, #tpu.memory_space<vmem>>, vector<1x16xf32>,
            %get3A_432 = vector.shape_cast %get3A_431 : vector<1x16xf32> to vector<16xf32>
            %mul3A_433 = arith.mulf %get3A_428, %get3A_432 : vector<16xf32>
            %add3A_434 = arith.constant 11 : i32
            %add3A_435 = arith.addi %add3A_285, %add3A_434 : i32
            %swap3A = arith.index_cast %add3A_435 : i32 to index
            %swap3A_436 = arith.index_cast %mul3A_422 : i32 to index
            %swap3A_437 = tpu.vector_load %arg6[%swap3A, %swap3A_436] {strides = array<i32>} : memref<512x128xf32, #tpu.memory_space<vmem>>, vector<1x16xf32>,
            %swap3A_438 = vector.shape_cast %swap3A_437 : vector<1x16xf32> to vector<16xf32>
            %swap3A_439 = vector.shape_cast %mul3A_433 : vector<16xf32> to vector<1x16xf32>
            tpu.vector_store %arg6[%swap3A, %swap3A_436], %swap3A_439 {strides = array<i32>} : memref<512x128xf32, #tpu.memory_space<vmem>>, vector<1x16xf32>,
          }
          %scan3A_387 = arith.constant 8 : i32
          %slice3A_388 = vector.extract_strided_slice %get3A_281 {offsets = [12], sizes = [1], strides = [1]} : vector<16xi32> to vector<1xi32>
          %squeeze3A_389 = vector.extract %slice3A_388[0] : i32 from vector<1xi32>
          %scan3A_390 = arith.constant 0 : i32
          %scan3A_391 = arith.constant 0 : i32
          %scan3A_392 = arith.constant 8 : i32
          %scan3A_393 = arith.addi %scan3A_391, %scan3A_392 : i32
          %scan3A_394 = arith.constant 1 : i32
          scf.for %scan3A_420 = %scan3A_391 to %scan3A_393 step %scan3A_394  : i32 {
            %mul3A_421 = arith.constant 16 : i32
            %mul3A_422 = arith.muli %scan3A_420, %mul3A_421 : i32
            %add3A_423 = arith.constant 12 : i32
            %add3A_424 = arith.addi %add3A_285, %add3A_423 : i32
            %get3A_425 = arith.index_cast %add3A_424 : i32 to index
            %get3A_426 = arith.index_cast %mul3A_422 : i32 to index
            %get3A_427 = tpu.vector_load %arg6[%get3A_425, %get3A_426] {strides = array<i32>} : memref<512x128xf32, #tpu.memory_space<vmem>>, vector<1x16xf32>,
            %get3A_428 = vector.shape_cast %get3A_427 : vector<1x16xf32> to vector<16xf32>
            %get3A_429 = arith.index_cast %squeeze3A_389 : i32 to index
            %get3A_430 = arith.index_cast %mul3A_422 : i32 to index
            %get3A_431 = tpu.vector_load %arg10[%get3A_429, %get3A_430] {strides = array<i32>} : memref<16x128xf32, #tpu.memory_space<vmem>>, vector<1x16xf32>,
            %get3A_432 = vector.shape_cast %get3A_431 : vector<1x16xf32> to vector<16xf32>
            %mul3A_433 = arith.mulf %get3A_428, %get3A_432 : vector<16xf32>
            %add3A_434 = arith.constant 12 : i32
            %add3A_435 = arith.addi %add3A_285, %add3A_434 : i32
            %swap3A = arith.index_cast %add3A_435 : i32 to index
            %swap3A_436 = arith.index_cast %mul3A_422 : i32 to index
            %swap3A_437 = tpu.vector_load %arg6[%swap3A, %swap3A_436] {strides = array<i32>} : memref<512x128xf32, #tpu.memory_space<vmem>>, vector<1x16xf32>,
            %swap3A_438 = vector.shape_cast %swap3A_437 : vector<1x16xf32> to vector<16xf32>
            %swap3A_439 = vector.shape_cast %mul3A_433 : vector<16xf32> to vector<1x16xf32>
            tpu.vector_store %arg6[%swap3A, %swap3A_436], %swap3A_439 {strides = array<i32>} : memref<512x128xf32, #tpu.memory_space<vmem>>, vector<1x16xf32>,
          }
          %scan3A_395 = arith.constant 8 : i32
          %slice3A_396 = vector.extract_strided_slice %get3A_281 {offsets = [13], sizes = [1], strides = [1]} : vector<16xi32> to vector<1xi32>
          %squeeze3A_397 = vector.extract %slice3A_396[0] : i32 from vector<1xi32>
          %scan3A_398 = arith.constant 0 : i32
          %scan3A_399 = arith.constant 0 : i32
          %scan3A_400 = arith.constant 8 : i32
          %scan3A_401 = arith.addi %scan3A_399, %scan3A_400 : i32
          %scan3A_402 = arith.constant 1 : i32
          scf.for %scan3A_420 = %scan3A_399 to %scan3A_401 step %scan3A_402  : i32 {
            %mul3A_421 = arith.constant 16 : i32
            %mul3A_422 = arith.muli %scan3A_420, %mul3A_421 : i32
            %add3A_423 = arith.constant 13 : i32
            %add3A_424 = arith.addi %add3A_285, %add3A_423 : i32
            %get3A_425 = arith.index_cast %add3A_424 : i32 to index
            %get3A_426 = arith.index_cast %mul3A_422 : i32 to index
            %get3A_427 = tpu.vector_load %arg6[%get3A_425, %get3A_426] {strides = array<i32>} : memref<512x128xf32, #tpu.memory_space<vmem>>, vector<1x16xf32>,
            %get3A_428 = vector.shape_cast %get3A_427 : vector<1x16xf32> to vector<16xf32>
            %get3A_429 = arith.index_cast %squeeze3A_397 : i32 to index
            %get3A_430 = arith.index_cast %mul3A_422 : i32 to index
            %get3A_431 = tpu.vector_load %arg10[%get3A_429, %get3A_430] {strides = array<i32>} : memref<16x128xf32, #tpu.memory_space<vmem>>, vector<1x16xf32>,
            %get3A_432 = vector.shape_cast %get3A_431 : vector<1x16xf32> to vector<16xf32>
            %mul3A_433 = arith.mulf %get3A_428, %get3A_432 : vector<16xf32>
            %add3A_434 = arith.constant 13 : i32
            %add3A_435 = arith.addi %add3A_285, %add3A_434 : i32
            %swap3A = arith.index_cast %add3A_435 : i32 to index
            %swap3A_436 = arith.index_cast %mul3A_422 : i32 to index
            %swap3A_437 = tpu.vector_load %arg6[%swap3A, %swap3A_436] {strides = array<i32>} : memref<512x128xf32, #tpu.memory_space<vmem>>, vector<1x16xf32>,
            %swap3A_438 = vector.shape_cast %swap3A_437 : vector<1x16xf32> to vector<16xf32>
            %swap3A_439 = vector.shape_cast %mul3A_433 : vector<16xf32> to vector<1x16xf32>
            tpu.vector_store %arg6[%swap3A, %swap3A_436], %swap3A_439 {strides = array<i32>} : memref<512x128xf32, #tpu.memory_space<vmem>>, vector<1x16xf32>,
          }
          %scan3A_403 = arith.constant 8 : i32
          %slice3A_404 = vector.extract_strided_slice %get3A_281 {offsets = [14], sizes = [1], strides = [1]} : vector<16xi32> to vector<1xi32>
          %squeeze3A_405 = vector.extract %slice3A_404[0] : i32 from vector<1xi32>
          %scan3A_406 = arith.constant 0 : i32
          %scan3A_407 = arith.constant 0 : i32
          %scan3A_408 = arith.constant 8 : i32
          %scan3A_409 = arith.addi %scan3A_407, %scan3A_408 : i32
          %scan3A_410 = arith.constant 1 : i32
          scf.for %scan3A_420 = %scan3A_407 to %scan3A_409 step %scan3A_410  : i32 {
            %mul3A_421 = arith.constant 16 : i32
            %mul3A_422 = arith.muli %scan3A_420, %mul3A_421 : i32
            %add3A_423 = arith.constant 14 : i32
            %add3A_424 = arith.addi %add3A_285, %add3A_423 : i32
            %get3A_425 = arith.index_cast %add3A_424 : i32 to index
            %get3A_426 = arith.index_cast %mul3A_422 : i32 to index
            %get3A_427 = tpu.vector_load %arg6[%get3A_425, %get3A_426] {strides = array<i32>} : memref<512x128xf32, #tpu.memory_space<vmem>>, vector<1x16xf32>,
            %get3A_428 = vector.shape_cast %get3A_427 : vector<1x16xf32> to vector<16xf32>
            %get3A_429 = arith.index_cast %squeeze3A_405 : i32 to index
            %get3A_430 = arith.index_cast %mul3A_422 : i32 to index
            %get3A_431 = tpu.vector_load %arg10[%get3A_429, %get3A_430] {strides = array<i32>} : memref<16x128xf32, #tpu.memory_space<vmem>>, vector<1x16xf32>,
            %get3A_432 = vector.shape_cast %get3A_431 : vector<1x16xf32> to vector<16xf32>
            %mul3A_433 = arith.mulf %get3A_428, %get3A_432 : vector<16xf32>
            %add3A_434 = arith.constant 14 : i32
            %add3A_435 = arith.addi %add3A_285, %add3A_434 : i32
            %swap3A = arith.index_cast %add3A_435 : i32 to index
            %swap3A_436 = arith.index_cast %mul3A_422 : i32 to index
            %swap3A_437 = tpu.vector_load %arg6[%swap3A, %swap3A_436] {strides = array<i32>} : memref<512x128xf32, #tpu.memory_space<vmem>>, vector<1x16xf32>,
            %swap3A_438 = vector.shape_cast %swap3A_437 : vector<1x16xf32> to vector<16xf32>
            %swap3A_439 = vector.shape_cast %mul3A_433 : vector<16xf32> to vector<1x16xf32>
            tpu.vector_store %arg6[%swap3A, %swap3A_436], %swap3A_439 {strides = array<i32>} : memref<512x128xf32, #tpu.memory_space<vmem>>, vector<1x16xf32>,
          }
          %scan3A_411 = arith.constant 8 : i32
          %slice3A_412 = vector.extract_strided_slice %get3A_281 {offsets = [15], sizes = [1], strides = [1]} : vector<16xi32> to vector<1xi32>
          %squeeze3A_413 = vector.extract %slice3A_412[0] : i32 from vector<1xi32>
          %scan3A_414 = arith.constant 0 : i32
          %scan3A_415 = arith.constant 0 : i32
          %scan3A_416 = arith.constant 8 : i32
          %scan3A_417 = arith.addi %scan3A_415, %scan3A_416 : i32
          %scan3A_418 = arith.constant 1 : i32
          scf.for %scan3A_420 = %scan3A_415 to %scan3A_417 step %scan3A_418  : i32 {
            %mul3A_421 = arith.constant 16 : i32
            %mul3A_422 = arith.muli %scan3A_420, %mul3A_421 : i32
            %add3A_423 = arith.constant 15 : i32
            %add3A_424 = arith.addi %add3A_285, %add3A_423 : i32
            %get3A_425 = arith.index_cast %add3A_424 : i32 to index
            %get3A_426 = arith.index_cast %mul3A_422 : i32 to index
            %get3A_427 = tpu.vector_load %arg6[%get3A_425, %get3A_426] {strides = array<i32>} : memref<512x128xf32, #tpu.memory_space<vmem>>, vector<1x16xf32>,
            %get3A_428 = vector.shape_cast %get3A_427 : vector<1x16xf32> to vector<16xf32>
            %get3A_429 = arith.index_cast %squeeze3A_413 : i32 to index
            %get3A_430 = arith.index_cast %mul3A_422 : i32 to index
            %get3A_431 = tpu.vector_load %arg10[%get3A_429, %get3A_430] {strides = array<i32>} : memref<16x128xf32, #tpu.memory_space<vmem>>, vector<1x16xf32>,
            %get3A_432 = vector.shape_cast %get3A_431 : vector<1x16xf32> to vector<16xf32>
            %mul3A_433 = arith.mulf %get3A_428, %get3A_432 : vector<16xf32>
            %add3A_434 = arith.constant 15 : i32
            %add3A_435 = arith.addi %add3A_285, %add3A_434 : i32
            %swap3A = arith.index_cast %add3A_435 : i32 to index
            %swap3A_436 = arith.index_cast %mul3A_422 : i32 to index
            %swap3A_437 = tpu.vector_load %arg6[%swap3A, %swap3A_436] {strides = array<i32>} : memref<512x128xf32, #tpu.memory_space<vmem>>, vector<1x16xf32>,
            %swap3A_438 = vector.shape_cast %swap3A_437 : vector<1x16xf32> to vector<16xf32>
            %swap3A_439 = vector.shape_cast %mul3A_433 : vector<16xf32> to vector<1x16xf32>
            tpu.vector_store %arg6[%swap3A, %swap3A_436], %swap3A_439 {strides = array<i32>} : memref<512x128xf32, #tpu.memory_space<vmem>>, vector<1x16xf32>,
          }
          %scan3A_419 = arith.constant 8 : i32
        }
      }
      %scan3A_254 = arith.constant 8 : i32
      %mul3A_255 = arith.constant 128 : i32
      %mul3A_256 = arith.muli %add3A_238, %mul3A_255 : i32
      %add3A_257 = arith.addi %mul3A_2, %mul3A_256 : i32
      %dma_start3A_258 = arith.constant 384 : i32
      %dma_start3A_259 = arith.constant 0 : i32
      %dma_start3A_260 = tpu.memref_slice %arg6[%dma_start3A_258, %dma_start3A_259] : memref<512x128xf32, #tpu.memory_space<vmem>> -> memref<128x128xf32, #tpu.memory_space<vmem>>
      %dma_start3A_261 = tpu.memref_slice %arg5[%add3A_257, %mul3A_0] : memref<32768x256xf32, #tpu.memory_space<hbm>> -> memref<128x128xf32, #tpu.memory_space<hbm>>
      %dma_start3A_262 = tpu.memref_slice %arg5[%add3A_257, %mul3A_0] : memref<32768x256xf32, #tpu.memory_space<hbm>> -> memref<128x128xf32, #tpu.memory_space<hbm>>
      %dma_start3A_263 = arith.constant 384 : i32
      %dma_start3A_264 = arith.constant 0 : i32
      %dma_start3A_265 = tpu.memref_slice %arg6[%dma_start3A_263, %dma_start3A_264] : memref<512x128xf32, #tpu.memory_space<vmem>> -> memref<128x128xf32, #tpu.memory_space<vmem>>
      tpu.enqueue_dma source(%dma_start3A_265 : memref<128x128xf32, #tpu.memory_space<vmem>>) target(%dma_start3A_262 : memref<128x128xf32, #tpu.memory_space<hbm>>) target_semaphore(%arg19 : memref<!tpu.dma_semaphore, #tpu.memory_space<semaphore_mem>>)
      %lt3A_266 = arith.constant 3 : i32
      %lt3A_267 = arith.cmpi slt, %scan3A_102, %lt3A_266 : i32
      %convert_element_type3A_268 = arith.extui %lt3A_267 : i1 to i32
      %cond3A_269 = arith.constant 0 : i32
      %cond3A_270 = arith.cmpi ne, %convert_element_type3A_268, %cond3A_269 : i32
      scf.if %cond3A_270 {
        %add3A_271 = arith.constant 0 : i32
        %add3A_272 = arith.addi %mul3A_2, %add3A_271 : i32
        %dma_wait3A_273 = arith.constant 128 : i32
        %dma_wait3A_274 = arith.constant 0 : i32
        %dma_wait3A_275 = tpu.memref_slice %arg6[%dma_wait3A_273, %dma_wait3A_274] : memref<512x128xf32, #tpu.memory_space<vmem>> -> memref<128x128xf32, #tpu.memory_space<vmem>>
        %dma_wait3A_276 = tpu.memref_slice %arg5[%add3A_272, %mul3A_0] : memref<32768x256xf32, #tpu.memory_space<hbm>> -> memref<128x128xf32, #tpu.memory_space<hbm>>
        %dma_wait3A_277 = tpu.memref_slice %arg5[%add3A_272, %mul3A_0] : memref<32768x256xf32, #tpu.memory_space<hbm>> -> memref<128x128xf32, #tpu.memory_space<hbm>>
        %dma_wait3A_278 = arith.constant 128 : i32
        %dma_wait3A_279 = arith.constant 0 : i32
        %dma_wait3A_280 = tpu.memref_slice %arg6[%dma_wait3A_278, %dma_wait3A_279] : memref<512x128xf32, #tpu.memory_space<vmem>> -> memref<128x128xf32, #tpu.memory_space<vmem>>
        tpu.wait_dma2 semaphore(%arg17 : memref<!tpu.dma_semaphore, #tpu.memory_space<semaphore_mem>>) src(%dma_wait3A_280 : memref<128x128xf32, #tpu.memory_space<vmem>>) dst(%dma_wait3A_277 : memref<128x128xf32, #tpu.memory_space<hbm>>)
        %add3A_281 = arith.constant 2 : i32
        %add3A_282 = arith.addi %add3A_238, %add3A_281 : i32
        %mul3A_283 = arith.constant 128 : i32
        %mul3A_284 = arith.muli %add3A_282, %mul3A_283 : i32
        %add3A_285 = arith.addi %mul3A_2, %mul3A_284 : i32
        %dma_start3A_286 = arith.constant 128 : i32
        %dma_start3A_287 = arith.constant 0 : i32
        %dma_start3A_288 = tpu.memref_slice %arg6[%dma_start3A_286, %dma_start3A_287] : memref<512x128xf32, #tpu.memory_space<vmem>> -> memref<128x128xf32, #tpu.memory_space<vmem>>
        %dma_start3A_289 = tpu.memref_slice %arg2[%add3A_285, %mul3A_0] : memref<32768x256xf32, #tpu.memory_space<hbm>> -> memref<128x128xf32, #tpu.memory_space<hbm>>
        %dma_start3A_290 = arith.constant 128 : i32
        %dma_start3A_291 = arith.constant 0 : i32
        %dma_start3A_292 = tpu.memref_slice %arg6[%dma_start3A_290, %dma_start3A_291] : memref<512x128xf32, #tpu.memory_space<vmem>> -> memref<128x128xf32, #tpu.memory_space<vmem>>
        %dma_start3A_293 = tpu.memref_slice %arg2[%add3A_285, %mul3A_0] : memref<32768x256xf32, #tpu.memory_space<hbm>> -> memref<128x128xf32, #tpu.memory_space<hbm>>
        tpu.enqueue_dma source(%dma_start3A_293 : memref<128x128xf32, #tpu.memory_space<hbm>>) target(%dma_start3A_292 : memref<128x128xf32, #tpu.memory_space<vmem>>) target_semaphore(%arg13 : memref<!tpu.dma_semaphore, #tpu.memory_space<semaphore_mem>>)
      } else {
      }
    }
    %scan3A_62 = arith.constant 4 : i32
    %add3A_63 = arith.constant 0 : i32
    %add3A_64 = arith.addi %mul3A_2, %add3A_63 : i32
    %dma_wait3A = arith.constant 0 : i32
    %dma_wait3A_65 = arith.constant 0 : i32
    %dma_wait3A_66 = tpu.memref_slice %arg6[%dma_wait3A, %dma_wait3A_65] : memref<512x128xf32, #tpu.memory_space<vmem>> -> memref<128x128xf32, #tpu.memory_space<vmem>>
    %dma_wait3A_67 = tpu.memref_slice %arg5[%add3A_64, %mul3A_0] : memref<32768x256xf32, #tpu.memory_space<hbm>> -> memref<128x128xf32, #tpu.memory_space<hbm>>
    %dma_wait3A_68 = tpu.memref_slice %arg5[%add3A_64, %mul3A_0] : memref<32768x256xf32, #tpu.memory_space<hbm>> -> memref<128x128xf32, #tpu.memory_space<hbm>>
    %dma_wait3A_69 = arith.constant 0 : i32
    %dma_wait3A_70 = arith.constant 0 : i32
    %dma_wait3A_71 = tpu.memref_slice %arg6[%dma_wait3A_69, %dma_wait3A_70] : memref<512x128xf32, #tpu.memory_space<vmem>> -> memref<128x128xf32, #tpu.memory_space<vmem>>
    tpu.wait_dma2 semaphore(%arg16 : memref<!tpu.dma_semaphore, #tpu.memory_space<semaphore_mem>>) src(%dma_wait3A_71 : memref<128x128xf32, #tpu.memory_space<vmem>>) dst(%dma_wait3A_68 : memref<128x128xf32, #tpu.memory_space<hbm>>)
    %add3A_72 = arith.constant 0 : i32
    %add3A_73 = arith.addi %mul3A_2, %add3A_72 : i32
    %dma_wait3A_74 = arith.constant 128 : i32
    %dma_wait3A_75 = arith.constant 0 : i32
    %dma_wait3A_76 = tpu.memref_slice %arg6[%dma_wait3A_74, %dma_wait3A_75] : memref<512x128xf32, #tpu.memory_space<vmem>> -> memref<128x128xf32, #tpu.memory_space<vmem>>
    %dma_wait3A_77 = tpu.memref_slice %arg5[%add3A_73, %mul3A_0] : memref<32768x256xf32, #tpu.memory_space<hbm>> -> memref<128x128xf32, #tpu.memory_space<hbm>>
    %dma_wait3A_78 = tpu.memref_slice %arg5[%add3A_73, %mul3A_0] : memref<32768x256xf32, #tpu.memory_space<hbm>> -> memref<128x128xf32, #tpu.memory_space<hbm>>
    %dma_wait3A_79 = arith.constant 128 : i32
    %dma_wait3A_80 = arith.constant 0 : i32
    %dma_wait3A_81 = tpu.memref_slice %arg6[%dma_wait3A_79, %dma_wait3A_80] : memref<512x128xf32, #tpu.memory_space<vmem>> -> memref<128x128xf32, #tpu.memory_space<vmem>>
    tpu.wait_dma2 semaphore(%arg17 : memref<!tpu.dma_semaphore, #tpu.memory_space<semaphore_mem>>) src(%dma_wait3A_81 : memref<128x128xf32, #tpu.memory_space<vmem>>) dst(%dma_wait3A_78 : memref<128x128xf32, #tpu.memory_space<hbm>>)
    %add3A_82 = arith.constant 0 : i32
    %add3A_83 = arith.addi %mul3A_2, %add3A_82 : i32
    %dma_wait3A_84 = arith.constant 256 : i32
    %dma_wait3A_85 = arith.constant 0 : i32
    %dma_wait3A_86 = tpu.memref_slice %arg6[%dma_wait3A_84, %dma_wait3A_85] : memref<512x128xf32, #tpu.memory_space<vmem>> -> memref<128x128xf32, #tpu.memory_space<vmem>>
    %dma_wait3A_87 = tpu.memref_slice %arg5[%add3A_83, %mul3A_0] : memref<32768x256xf32, #tpu.memory_space<hbm>> -> memref<128x128xf32, #tpu.memory_space<hbm>>
    %dma_wait3A_88 = tpu.memref_slice %arg5[%add3A_83, %mul3A_0] : memref<32768x256xf32, #tpu.memory_space<hbm>> -> memref<128x128xf32, #tpu.memory_space<hbm>>
    %dma_wait3A_89 = arith.constant 256 : i32
    %dma_wait3A_90 = arith.constant 0 : i32
    %dma_wait3A_91 = tpu.memref_slice %arg6[%dma_wait3A_89, %dma_wait3A_90] : memref<512x128xf32, #tpu.memory_space<vmem>> -> memref<128x128xf32, #tpu.memory_space<vmem>>
    tpu.wait_dma2 semaphore(%arg18 : memref<!tpu.dma_semaphore, #tpu.memory_space<semaphore_mem>>) src(%dma_wait3A_91 : memref<128x128xf32, #tpu.memory_space<vmem>>) dst(%dma_wait3A_88 : memref<128x128xf32, #tpu.memory_space<hbm>>)
    %add3A_92 = arith.constant 0 : i32
    %add3A_93 = arith.addi %mul3A_2, %add3A_92 : i32
    %dma_wait3A_94 = arith.constant 384 : i32
    %dma_wait3A_95 = arith.constant 0 : i32
    %dma_wait3A_96 = tpu.memref_slice %arg6[%dma_wait3A_94, %dma_wait3A_95] : memref<512x128xf32, #tpu.memory_space<vmem>> -> memref<128x128xf32, #tpu.memory_space<vmem>>
    %dma_wait3A_97 = tpu.memref_slice %arg5[%add3A_93, %mul3A_0] : memref<32768x256xf32, #tpu.memory_space<hbm>> -> memref<128x128xf32, #tpu.memory_space<hbm>>
    %dma_wait3A_98 = tpu.memref_slice %arg5[%add3A_93, %mul3A_0] : memref<32768x256xf32, #tpu.memory_space<hbm>> -> memref<128x128xf32, #tpu.memory_space<hbm>>
    %dma_wait3A_99 = arith.constant 384 : i32
    %dma_wait3A_100 = arith.constant 0 : i32
    %dma_wait3A_101 = tpu.memref_slice %arg6[%dma_wait3A_99, %dma_wait3A_100] : memref<512x128xf32, #tpu.memory_space<vmem>> -> memref<128x128xf32, #tpu.memory_space<vmem>>
    tpu.wait_dma2 semaphore(%arg19 : memref<!tpu.dma_semaphore, #tpu.memory_space<semaphore_mem>>) src(%dma_wait3A_101 : memref<128x128xf32, #tpu.memory_space<vmem>>) dst(%dma_wait3A_98 : memref<128x128xf32, #tpu.memory_space<hbm>>)
    return
  }
}

</mosaic_0001>

<sc_bundles>
// kernel: kernel.3.cloned.1.call-start
scs
__scs_entry_jumppad:
0x0: {  	(pc) =	sbr.rel $0x88, $3  }
0x1: {  	(tag) =	ssettag $0x0;
	lr =	simm.s32 $0x1  }
0x2: {  	[smem:$0x3F9E] =	sst lr;
	_ =	strace $0xD0000000  }
0x3: {  	_ = 	snop  }
0x4: {  	_ = 	snop  }
0x5: {  	_ = 	snop  }
0x6: {  	_ = 	snop  }
0x7: {  	_ = 	snop  }
__scs_overlays_trampoline_lowered:
0x8: {  	[smem:$0x3FAD] =	sst s0  }
0x9: {  	[smem:$0x3FAE] =	sst s1  }
0xa: {  	[smem:$0x3FAF] =	sst s2  }
0xb: {  	[smem:$0x3FB0] =	sst s3  }
0xc: {  	[smem:$0x3FB1] =	sst s4  }
0xd: {  	[smem:$0x3FB2] =	sst s5  }
0xe: {  	[smem:$0x3FB3] =	sst s6  }
0xf: {  	[smem:$0x3FB4] =	sst s7  }
0x10: {  	[smem:$0x3FB5] =	sst s8  }
0x11: {  	[smem:$0x3FB6] =	sst s9;
	s0 =	simm.s32 @!p0 $0x0  }
0x12: {  	s1 =	sld [smem:$0x3F9C];
	s0 =	simm.s32 @p0 $0x1  }
0x13: {  	[smem:$0x3FB7] =	sst s0;
	s0 =	simm.s32 @!p1 $0x0  }
0x14: {  	s2 =	sld [smem:$0x3F9B];
	s0 =	simm.s32 @p1 $0x1  }
0x15: {  	[smem:$0x3FB8] =	sst s0;
	s0 =	simm.s32 @!p2 $0x0  }
0x16: {  	s3 =	sld [smem:$0x3FDB];
	s0 =	simm.s32 @p2 $0x1  }
0x17: {  	s4 =	simm.s32 $0x1BF5;
	[smem:$0x3FBA] =	sst s0  }
0x18: {  	s0 =	sld [smem:$0x3F9D];
	_ =	swait.ge [sflag:s4], $0x0  }
0x19: {  	s7 =	sld [smem:$0x3F9E]  }
0x1a: {  	s8 =	sadd.s32 $0xFFFFE003, lr  }
0x1b: {  	s9 =	sadd.s32 $0xFFFFFEF7, lr;
	s5 =	simm.s32 $0xFFFFFFFF;
	p2 =	slt.u32 s8, $0xFFFFF086  }
0x1c: {  	p1 =	slt.u32 s9, $0xF7A;
	s5 =	simm.s32 @!p2 $0x0  }
0x1d: {  	s5 =	simm.s32 @p1 $0x1;
	p0 =	seq.s32 s7, s2  }
0x1e: {  	s7 =	smul.u32 @!p0 $0xF7A, s2;
	p2 =	seq.s32 @!p0 s5, $0x0  }
0x1f: {  	s9 =	smul.u32 $0xF7A, s1;
	s8 =	simm.s32 @!p0 $0x1BF5;
	p2 =	por !p2, p0  }
0x20: {  	[sflag:s8] =	ssyncset.s32 @!p0 $0xFFFFF086;
	s6 =	sadd.s32 @!p0 s3, s7;
	s7 =	simm.s32 @!p0 $0x108  }
0x21: {  	s3 =	sadd.s32 s3, s9;
	s6 =	sadd.s32 @!p0 $0x88, s6;
	s7 =	simm.s32 @p2 $0x1082  }
0x22: {  	[simem:s7], [sflag:s8] =	dma.local @!p0 [hbm:s6], $0xF7A  }
0x23: {  	s9 =	sor.u32 $0xD0000000, s2;
	s6 =	simm.s32 $0x108;
	_ =	swait.ge @!p0 [sflag:s8], $0x0  }
0x24: {  	s3 =	sadd.s32 $0x88, s3;
	s6 =	simm.s32 @!p1 $0x1082;
	[sflag:s4] =	ssyncset.s32 $0xFFFFF086  }
0x25: {  	[simem:s6], [sflag:s4] =	dma.local [hbm:s3], $0xF7A  }
0x26: {  	[smem:$0x3F9E] =	sst s1;
	(tag) =	ssettag s2;
	_ =	strace s9  }
0x27: {  	s1 =	sld [smem:$0x3FAE]  }
0x28: {  	s2 =	sld [smem:$0x3FAF]  }
0x29: {  	s4 =	sld [smem:$0x3FB1]  }
0x2a: {  	p0 =	seq.s32 s5, $0x0;
	s5 =	sld [smem:$0x3FB2]  }
0x2b: {  	s6 =	sld [smem:$0x3FB3]  }
0x2c: {  	s7 =	sld [smem:$0x3FB4]  }
0x2d: {  	s3 =	simm.s32 $0x108;
	s8 =	sld [smem:$0x3FB5]  }
0x2e: {  	s3 =	simm.s32 @!p0 $0x1082;
	s9 =	sld [smem:$0x3FB6]  }
0x2f: {  	lr =	sadd.s32 s0, s3;
	s0 =	sld [smem:$0x3FAD]  }
0x30: {  	s3 =	sld [smem:$0x3FB0]  }
0x31: {  	[smem:$0x3FB9] =	sst s10  }
0x32: {  	s10 =	sld [smem:$0x3FB7];
	_ =	sdelay $0x3  }
0x33: {  	p0 =	seq.s32 s10, $0x1;
	s10 =	sld [smem:$0x3FB9];
	_ =	sdelay $0x3  }
0x34: {  	[smem:$0x3FB9] =	sst s10  }
0x35: {  	s10 =	sld [smem:$0x3FB8];
	_ =	sdelay $0x3  }
0x36: {  	p1 =	seq.s32 s10, $0x1;
	s10 =	sld [smem:$0x3FB9];
	_ =	sdelay $0x3  }
0x37: {  	[smem:$0x3FB9] =	sst s10  }
0x38: {  	s10 =	sld [smem:$0x3FBA]  }
0x39: {  	_ = 	snop;
	(pc) =	sbr.ind lr, $3  }
0x3a: {  	_ = 	snop  }
0x3b: {  	_ = 	snop  }
0x3c: {  	p2 =	seq.s32 s10, $0x1;
	s10 =	sld [smem:$0x3FB9]  }
0x3d: {  	_ =	shalt  }
0x3e: {  	_ =	shalt  }
0x3f: {  	_ =	shalt  }
0x40: {  	_ =	shalt  }
0x41: {  	_ =	shalt  }
0x42: {  	_ =	shalt  }
0x43: {  	_ =	shalt  }
0x44: {  	_ =	shalt  }
0x45: {  	_ =	shalt  }
0x46: {  	_ =	shalt  }
0x47: {  	_ =	shalt  }
0x48: {  	_ =	shalt  }
0x49: {  	_ =	shalt  }
0x4a: {  	_ =	shalt  }
0x4b: {  	_ =	shalt  }
0x4c: {  	_ =	shalt  }
0x4d: {  	_ =	shalt  }
0x4e: {  	_ =	shalt  }
0x4f: {  	_ =	shalt  }
0x50: {  	_ =	shalt  }
0x51: {  	_ =	shalt  }
0x52: {  	_ =	shalt  }
0x53: {  	_ =	shalt  }
0x54: {  	_ =	shalt  }
0x55: {  	_ =	shalt  }
0x56: {  	_ =	shalt  }
0x57: {  	_ =	shalt  }
0x58: {  	_ =	shalt  }
0x59: {  	_ =	shalt  }
0x5a: {  	_ =	shalt  }
0x5b: {  	_ =	shalt  }
0x5c: {  	_ =	shalt  }
0x5d: {  	_ =	shalt  }
0x5e: {  	_ =	shalt  }
0x5f: {  	_ =	shalt  }
0x60: {  	_ =	shalt  }
0x61: {  	_ =	shalt  }
0x62: {  	_ =	shalt  }
0x63: {  	_ =	shalt  }
0x64: {  	_ =	shalt  }
0x65: {  	_ =	shalt  }
0x66: {  	_ =	shalt  }
0x67: {  	_ =	shalt  }
0x68: {  	_ =	shalt  }
0x69: {  	_ =	shalt  }
0x6a: {  	_ =	shalt  }
0x6b: {  	_ =	shalt  }
0x6c: {  	_ =	shalt  }
0x6d: {  	_ =	shalt  }
0x6e: {  	_ =	shalt  }
0x6f: {  	_ =	shalt  }
0x70: {  	_ =	shalt  }
0x71: {  	_ =	shalt  }
0x72: {  	_ =	shalt  }
0x73: {  	_ =	shalt  }
0x74: {  	_ =	shalt  }
0x75: {  	_ =	shalt  }
0x76: {  	_ =	shalt  }
0x77: {  	_ =	shalt  }
0x78: {  	_ =	shalt  }
0x79: {  	_ =	shalt  }
0x7a: {  	_ =	shalt  }
0x7b: {  	_ =	shalt  }
0x7c: {  	_ =	shalt  }
0x7d: {  	_ =	shalt  }
0x7e: {  	_ =	shalt  }
0x7f: {  	_ =	shalt  }
0x80: {  	_ =	shalt  }
0x81: {  	_ =	shalt  }
0x82: {  	_ =	shalt  }
0x83: {  	_ =	shalt  }
0x84: {  	_ =	shalt  }
0x85: {  	_ =	shalt  }
0x86: {  	_ =	shalt  }
0x87: {  	_ =	shalt  }
.Lfunc_end0:
.L_simem_size_0:
called_computation_lowered:
.L_overlay_start_0:
0x88: {  	s2 =	sld [smem:$0x3FD9]  }
0x89: {  	s3 =	sld [smem:$0x3FFE];
	_ =	sdelay $0x1  }
0x8a: {  	s1 =	srdreg.scid  }
0x8b: {  	s0 =	sand.u32 $0x1, s1  }
0x8c: {  	s18 =	sshll.u32 s0, $0xA;
	s2 =	sadd.s32 s3, s2  }
0x8d: {  	s2 =	sadd.s32 s2, s18  }
0x8e: {  	[smem:$0x3FC5] =	sst s2  }
0x8f: {  	_ = 	snop  }
0x90: {  	s2 =	sld [smem:$0x3FC9]  }
0x91: {  	s19 =	sld [smem:$0x3FC8]  }
0x92: {  	s4 =	sld [smem:$0x3FC7]  }
0x93: {  	s5 =	sld [smem:$0x3FD0];
	(tm) =	ssettm $0x1  }
0x94: {  	s6 =	sld [smem:$0x3FFB];
	_ =	sdelay $0x3  }
0x95: {  	_ =	strace s6  }
0x96: {  	s6 =	sld [smem:$0x3FFC];
	_ =	sdelay $0x3  }
0x97: {  	_ =	strace s6  }
0x98: {  	s6 =	sld [smem:$0x3FFD];
	_ =	sdelay $0x3  }
0x99: {  	_ =	strace s6  }
0x9a: {  	_ =	strace $0x8FFFFFFF  }
0x9b: {  	s20 =	sld [smem:$0x3FDB];
	_ =	sdelay $0x1  }
0x9c: {  	s7 =	simm.s32 $_scs_section_size  }
0x9d: {  	s8 =	simm.s32 $_size__tile_overlayer_lowered;
	s9 =	simm.s32 $_tile_overlayer_lowered  }
0x9e: {  	s23 =	simm.s32 $0x1BFF;
	s22 =	sshll.u32 s9, $0x1;
	s6 =	sadd.s32 s7, s20  }
0x9f: {  	s10 =	simm.s32 $0x0;
	s21 =	sshll.u32 s8, $0x1;
	s8 =	sadd.s32 s22, s6  }
0xa0: {  	[timem:s10], [sflag:s23] =	dma.local [hbm:s8], s21  }
0xa1: {  	_ =	swait.ge [sflag:s23], s21  }
0xa2: {  	s7 =	ssub.s32 $0x0, s21;
	[sflag:s23] =	ssyncset.done $0x0  }
0xa3: {  	[sflag:s23] =	ssyncadd.s32 s7;
	_ =	sdelay $0x1  }
0xa4: {  	s24 =	simm.s32 $0x1B8B  }
0xa5: {  	_ =	swait.ge [sflag:s24], $0x1  }
0xa6: {  	[sflag:s24] =	ssyncset.done $0x0  }
0xa7: {  	s25 =	simm.s32 $0x1B8E;
	[sflag:s24] =	ssyncadd.s32 $0xFFFFFFFF  }
0xa8: {  	s26 =	simm.s32 $execute0_lowered;
	[smem:$0x3FD2] =	sst s25  }
0xa9: {  	s7 =	sshll.u32 s26, $0x1;
	_ =	strace $0x80000046;
	[dreg:$0x1] =	wrdreg $0xFFFFFFFF  }
0xaa: {  	s28 =	simm.s32 $_size_execute0_lowered;
	s6 =	sadd.s32 s6, s7;
	[dreg:$0x0] =	wrdreg $0x0  }
0xab: {  	s7 =	sshll.u32 s28, $0x1;
	[dreg:$0x2] =	wrdreg s6  }
0xac: {  	[dreg:$0x3] =	wrdreg s7  }
0xad: {  	[dreg:$0x4] =	wrdreg $0xC0  }
0xae: {  	_ =	task [dreg:s10], $0x5FFFF  }
0xaf: {  	[dreg:$0x1] =	wrdreg $0xFFFFFFFF  }
0xb0: {  	[dreg:$0x0] =	wrdreg $0x60  }
0xb1: {  	[dreg:$0x2] =	wrdreg s2  }
0xb2: {  	[dreg:$0x3] =	wrdreg s19  }
0xb3: {  	[dreg:$0x4] =	wrdreg s4  }
0xb4: {  	[dreg:$0x5] =	wrdreg s5  }
0xb5: {  	[dreg:$0x6] =	wrdreg $0x120000  }
0xb6: {  	[dreg:$0x7] =	wrdreg $0x9  }
0xb7: {  	_ =	task.clear_ibuf [dreg:s10], $0x8FFFF;
	_ =	strace $0x90000046  }
0xb8: {  	s29 =	simm.s32 $0x9;
	_ =	strace $0x80000048  }
0xb9: {  	_ =	swait.ge [sflag:s29], $0x1  }
0xba: {  	[sflag:s29] =	ssyncadd.s32 $0xFFFFFFFF  }
0xbb: {  	_ =	strace $0x90000048  }
0xbc: {  	_ =	sfence  }
0xbd: {  	s30 =	sld [smem:$0x0];
	_ =	sdelay $0x2  }
0xbe: {  	s31 =	sshll.u32 s1, $0xD;
	s1 =	sshrl.u32 s1, $0x2  }
0xbf: {  	s3 =	sand.u32 $0x4000, s31;
	s1 =	sadd.s32 s1, s30  }
0xc0: {  	s0 =	sor.u32 s3, s0;
	s1 =	sshll.u32 s1, $0x11  }
0xc1: {  	s0 =	sor.u32 s1, s0  }
0xc2: {  	s0 =	sadd.s32 $0x8F2B, s0  }
0xc3: {  	[sflag:s0] =	ssyncadd.remote.s32 $0x1  }
0xc4: {  	_ =	sfence.sel $0xFFFF  }
0xc5: {  	[dreg:$0x0] =	wrdreg $0xFFFFFFFF;
	(pc) =	sbr.abs _section_cstart, $3  }
0xc6: {  	[dreg:$0x1] =	wrdreg $0xFFFFFFFF  }
0xc7: {  	_ =	task.clear_ibuf [dreg:s10], $0x2FFFF;
	_ =	strace $0x9FFFFFFF  }
0xc8: {  	(tm) =	ssettm $0x7FFFFFFF  }
0xc9: {  	_ =	shalt  }
tec
execute0_lowered:
.L_overlay_start_1:
0x0: {  	(tag) =	ssettag $0x1  }
0x1: {  	s0 =	rddreg [dreg:$0x0]  }
0x2: {  	s1 =	rddreg [dreg:$0x1]  }
0x3: {  	s7 =	rddreg [dreg:$0x2]  }
0x4: {  	s2 =	rddreg [dreg:$0x3]  }
0x5: {  	s4 =	srdreg.scid;
	s3 =	rddreg [dreg:$0x4]  }
0x6: {  	s9 =	stileid.u32;
	s5 =	simm.s32 $0x0;
	s28 =	simm.s32 $0x80  }
0x7: {  	s29 =	simm.s32 $0x2;
	s30 =	simm.s32 $0xC000;
	s31 =	simm.s32 $0x3  }
0x8: {  	s10 =	sand.u32 $0x1, s4;
	s6 =	sshll.u32 s9, $0x13;
	[smem:$0x7FF] =	sst s5  }
0x9: {  	s15 =	sshll.u32 s9, $0x8;
	p0 =	sne.s32 s9, $0x0;
	s4 =	sshll.u32 s10, $0xA  }
0xa: {  	s8 =	ssub.s32 $0x2, s10;
	_ =	strace $0x80000047;
	s1 =	sadd.s32 s1, s15  }
0xb: {  	s17 =	sshll.u32 s10, $0x7;
	s6 =	sor.u32 s4, s6;
	s11 =	sshrl.u32 s8, $0x1  }
0xc: {  	[dreg:$0x8] =	wrdreg s1;
	s1 =	sadd.s32 s7, s17;
	s12 =	sshrl.u32 s6, $0x3  }
0xd: {  	s13 =	ssub.s32 s8, s11;
	s8 =	sshll.u32 s9, $0xB;
	[dreg:$0xb] =	wrdreg s1  }
0xe: {  	s19 =	sor.u32 $0x28000, s6;
	s21 =	sor.u32 $0x18000, s6;
	s24 =	sor.u32 $0x10000, s6  }
0xf: {  	s25 =	sor.u32 $0x20000, s6;
	s9 =	simm.s32 $0x0;
	s22 =	sadd.s32 s0, s12  }
0x10: {  	s16 =	sor.u32 $0x200, s8;
	s18 =	sor.u32 $0x280, s8;
	[dreg:$0xe] =	wrdreg s25  }
0x11: {  	s20 =	smax.u32 s13, $0x1;
	s1 =	sshrl.u32 s19, $0x3;
	[dreg:$0x9] =	wrdreg s16  }
0x12: {  	s23 =	sshrl.u32 s21, $0x3;
	s26 =	sshrl.u32 s24, $0x3;
	[dreg:$0xa] =	wrdreg s18  }
0x13: {  	s19 =	simm.s32 $0x400;
	s21 =	simm.s32 $0x4000;
	[dreg:$0xc] =	wrdreg s20  }
.Ltmp0:
0x14: {  	s14 =	sadd.s32 $0x1000, s22;
	[dreg:$0x6] =	wrdreg s22;
	(pc) =	sbr.rel .LBB2_1-.Ltmp0, $4  }
0x15: {  	s25 =	simm.s32 $0x1;
	s1 =	sadd.s32 s1, s0;
	[dreg:$0x7] =	wrdreg s14  }
0x16: {  	s24 =	simm.s32 $0x6;
	[dreg:$0xd] =	wrdreg s1;
	s1 =	sadd.s32 s23, s0  }
0x17: {  	s20 =	simm.s32 $0x800;
	[dreg:$0xf] =	wrdreg s1;
	s1 =	sadd.s32 s26, s0  }
0x18: {  	v0 =	vimm.f32 $0.0e+00;
	s23 =	simm.s32 $0x9;
	s26 =	simm.s32 $0x8000;
	[dreg:$0x10] =	wrdreg s1  }
.LBB2_40:
0x19: {  	s1 =	simm.s32 $0x5  }
0x1a: {  	_ =	swait.ge [sflag:s1], $0x4000  }
0x1b: {  	[sflag:s1] =	ssyncset.done $0x0  }
0x1c: {  	[sflag:s1] =	ssyncadd.s32 $0xFFFFC000  }
0x1d: {  	_ =	swait.ge [sflag:s24], $0x4000  }
0x1e: {  	[sflag:s24] =	ssyncset.done $0x0  }
0x1f: {  	s17 =	simm.s32 $0x7;
	[sflag:s24] =	ssyncadd.s32 $0xFFFFC000  }
0x20: {  	_ =	swait.ge [sflag:s17], $0x4000  }
0x21: {  	[sflag:s17] =	ssyncset.done $0x0  }
0x22: {  	s7 =	simm.s32 $0x8;
	[sflag:s17] =	ssyncadd.s32 $0xFFFFC000  }
0x23: {  	_ =	swait.ge [sflag:s7], $0x4000  }
0x24: {  	s9 =	rddreg [dreg:$0x11]  }
0x25: {  	s18 =	rddreg [dreg:$0xc];
	s9 =	sadd.s32 $0x1, s9  }
0x26: {  	p1 =	sne.s32 s9, s18  }
.Ltmp1:
0x27: {  	_ = 	snop;
	(pc) =	sbr.rel @!p1 .LBB2_41-.Ltmp1, $3  }
0x28: {  	_ =	sdelay $0x1  }
0x29: {  	[sflag:s7] =	ssyncset.done $0x0  }
0x2a: {  	[sflag:s7] =	ssyncadd.s32 $0xFFFFC000  }
.LBB2_1:
0x2b: {  	[tilespmem:s5], [sflag:$0x1] =	stream.strided.gather [hbm4b:s22+s19], $0x4000, s20, s19, $0x38;
	[tilespmem:$0x12080] =	vst v63  }
0x2c: {  	s1 =	rddreg [dreg:$0x7]  }
0x2d: {  	[tilespmem:s21], [sflag:$0x2] =	stream.strided.gather [hbm4b:s1+s19], $0x4000, s20, s19, $0x38;
	[tilespmem:$0x12080] =	vst v63  }
.Ltmp2:
0x2e: {  	s22 =	rddreg [dreg:$0x8];
	s7 =	simm.s32 $0x10000;
	(pc) =	sbr.rel @p0 .LBB2_5-.Ltmp2, $4  }
0x2f: {  	[tilespmem:s7], [sflag:$0x9] =	stream.linear.gather [hbm4b:s22+s5], $0x800, $0x38;
	[tilespmem:$0x12080] =	vst v63  }
0x30: {  	_ =	swait.ge [sflag:s23], $0x800  }
0x31: {  	[sflag:s23] =	ssyncset.done $0x0  }
0x32: {  	[sflag:s23] =	ssyncadd.s32 $0xFFFFF800  }
0x33: {  	s1 =	sshra.s32 s5, $0x2;
	s7 =	sadd.s32 $0x200, s5  }
.LBB2_3:
0x34: {  	p1 =	sne.s32 s7, $0x1E00;
	[tilespmem:s1+$0x10870] =	vst v0  }
0x35: {  	[tilespmem:s1+$0x10800] =	vst v0  }
0x36: {  	[tilespmem:s1+$0x10810] =	vst v0  }
.Ltmp3:
0x37: {  	[tilespmem:s1+$0x10820] =	vst v0;
	(pc) =	sbr.rel @p1 .LBB2_3-.Ltmp3, $4  }
0x38: {  	[tilespmem:s1+$0x10830] =	vst v0  }
0x39: {  	[tilespmem:s1+$0x10840] =	vst v0  }
0x3a: {  	[tilespmem:s1+$0x10850] =	vst v0  }
0x3b: {  	[tilespmem:s1+$0x10860] =	vst v0;
	s1 =	sshra.s32 s7, $0x2;
	s7 =	sadd.s32 $0x200, s7  }
0x3c: {  	[tilespmem:s1+$0x10870] =	vst v0  }
0x3d: {  	[tilespmem:s1+$0x10800] =	vst v0  }
0x3e: {  	[tilespmem:s1+$0x10810] =	vst v0  }
0x3f: {  	[tilespmem:s1+$0x10820] =	vst v0  }
0x40: {  	[tilespmem:s1+$0x10830] =	vst v0  }
0x41: {  	[tilespmem:s1+$0x10840] =	vst v0  }
0x42: {  	[tilespmem:s1+$0x10850] =	vst v0  }
0x43: {  	[tilespmem:s1+$0x10860] =	vst v0;
	s22 =	simm.s32 $0x10800  }
0x44: {  	[spmem:s3] =	stream.linear.scatter [tilespmem:s22], [sflag:$0x9], $0x800, $0x38;
	[tilespmem:$0x12080] =	vst v63  }
0x45: {  	_ =	swait.ge [sflag:s23], $0x800  }
0x46: {  	[sflag:s23] =	ssyncset.done $0x0  }
0x47: {  	[sflag:s23] =	ssyncadd.s32 $0xFFFFF800  }
.LBB2_5:
0x48: {  	[dreg:$0x11] =	wrdreg s9  }
0x49: {  	[bflag:$0x0] =	sbarrier.arrive $0xFFFF  }
0x4a: {  	_ =	swait.ge [sflag:s25], $0x4000  }
0x4b: {  	[sflag:s25] =	ssyncset.done $0x0  }
0x4c: {  	s16 =	rddreg [dreg:$0x10];
	[sflag:s25] =	ssyncadd.s32 $0xFFFFC000  }
0x4d: {  	[tilespmem:s26], [sflag:$0x3] =	stream.strided.gather [hbm4b:s16+s19], $0x4000, s20, s19, $0x38;
	[tilespmem:$0x12080] =	vst v63  }
0x4e: {  	s1 =	simm.s32 $0x10000  }
0x4f: {  	[spmem:s3] =	stream.indirect.scatter.add.f32 [tilespmem:s5], [sflag:$0x9], $0x80, s1, s28, $0xb8;
	[tilespmem:$0x12080] =	vst v63  }
0x50: {  	_ =	swait.ge [sflag:s23], $0x4000  }
0x51: {  	[sflag:s23] =	ssyncset.done $0x0  }
0x52: {  	[sflag:s23] =	ssyncadd.s32 $0xFFFFC000  }
0x53: {  	_ =	swait.ge [sflag:s29], $0x4000  }
0x54: {  	[sflag:s29] =	ssyncset.done $0x0  }
0x55: {  	s15 =	rddreg [dreg:$0xf];
	[sflag:s29] =	ssyncadd.s32 $0xFFFFC000  }
0x56: {  	[tilespmem:s30], [sflag:$0x4] =	stream.strided.gather [hbm4b:s15+s19], $0x4000, s20, s19, $0x38;
	[tilespmem:$0x12080] =	vst v63  }
0x57: {  	s18 =	simm.s32 $0x10080  }
0x58: {  	[spmem:s3] =	stream.indirect.scatter.add.f32 [tilespmem:s21], [sflag:$0x9], $0x80, s18, s28, $0xb8;
	[tilespmem:$0x12080] =	vst v63  }
0x59: {  	_ =	swait.ge [sflag:s23], $0x4000  }
0x5a: {  	[sflag:s23] =	ssyncset.done $0x0  }
0x5b: {  	[sflag:s23] =	ssyncadd.s32 $0xFFFFC000  }
0x5c: {  	p1 =	por $0x0, $0x0;
	_ =	swait.ge [sflag:s31], $0x4000  }
0x5d: {  	s7 =	simm.s32 @p1 $0x10100;
	[sflag:s31] =	ssyncset.done $0x0  }
0x5e: {  	s9 =	simm.s32 @p1 $0x8000;
	s1 =	simm.s32 @p1 $0x80;
	[sflag:s31] =	ssyncadd.s32 $0xFFFFC000  }
0x5f: {  	[spmem:s3] =	stream.indirect.scatter.add.f32 @p1 [tilespmem:s9], [sflag:$0x9], $0x80, s7, s1, $0xb8;
	[tilespmem:$0x12080] =	vst v63  }
0x60: {  	s1 =	simm.s32 @p1 $0x9  }
0x61: {  	_ =	swait.ge @p1 [sflag:s1], $0x4000  }
0x62: {  	[sflag:s1] =	ssyncset.done @p1 $0x0  }
0x63: {  	s10 =	simm.s32 @!p1 $0x0;
	s9 =	simm.s32 @p1 $0x4;
	[sflag:s1] =	ssyncadd.s32 @p1 $0xFFFFC000  }
0x64: {  	s13 =	simm.s32 @!p1 $0x400;
	s12 =	rddreg [dreg:$0xe];
	_ =	swait.ge @p1 [sflag:s9], $0x4000  }
0x65: {  	s14 =	simm.s32 @!p1 $0x800;
	s7 =	sshrl.u32 @!p1 s12, $0x3;
	[sflag:s9] =	ssyncset.done @p1 $0x0  }
0x66: {  	s1 =	sadd.s32 @!p1 s0, s7;
	s7 =	simm.s32 @!p1 $0x10100;
	[sflag:s9] =	ssyncadd.s32 @p1 $0xFFFFC000  }
0x67: {  	[tilespmem:s10], [sflag:$0x1] =	stream.strided.gather @!p1 [hbm4b:s1+s13], $0x4000, s14, s13, $0x38;
	[tilespmem:$0x12080] =	vst v63  }
0x68: {  	s9 =	simm.s32 @!p1 $0x8000;
	s1 =	simm.s32 @!p1 $0x80;
	s10 =	simm.s32 @!p1 $0x9  }
0x69: {  	[spmem:s3] =	stream.indirect.scatter.add.f32 @!p1 [tilespmem:s9], [sflag:$0x9], $0x80, s7, s1, $0xb8;
	[tilespmem:$0x12080] =	vst v63  }
0x6a: {  	_ =	swait.ge @!p1 [sflag:s10], $0x4000  }
0x6b: {  	[sflag:s10] =	ssyncset.done @!p1 $0x0  }
0x6c: {  	s1 =	simm.s32 @!p1 $0x4;
	[sflag:s10] =	ssyncadd.s32 @!p1 $0xFFFFC000  }
0x6d: {  	_ =	swait.ge @!p1 [sflag:s1], $0x4000  }
0x6e: {  	s22 =	simm.s32 $0x10180;
	[sflag:s1] =	ssyncset.done @!p1 $0x0  }
0x6f: {  	s7 =	simm.s32 @!p1 $0x4000;
	s11 =	rddreg [dreg:$0xd];
	[sflag:s1] =	ssyncadd.s32 @!p1 $0xFFFFC000  }
0x70: {  	[tilespmem:s7], [sflag:$0x2] =	stream.strided.gather @!p1 [hbm4b:s11+s13], $0x4000, s14, s13, $0x38;
	[tilespmem:$0x12080] =	vst v63  }
0x71: {  	s9 =	sadd.s32 $0x20000, s12;
	s10 =	sadd.s32 $0x4000, s15;
	s1 =	simm.s32 $0x800  }
0x72: {  	[spmem:s3] =	stream.indirect.scatter.add.f32 [tilespmem:s30], [sflag:$0x9], $0x80, s22, s28, $0xb8;
	[tilespmem:$0x12080] =	vst v63  }
0x73: {  	s7 =	sadd.s32 $0x4000, s16;
	s13 =	smov.u32 s11;
	_ =	swait.ge [sflag:s23], $0x4000  }
.LBB2_6:
0x74: {  	[sflag:s23] =	ssyncset.done $0x0  }
0x75: {  	s13 =	sadd.s32 $0x4000, s13;
	s14 =	smov.u32 s1;
	s1 =	sadd.s32 $0x800, s1  }
0x76: {  	p1 =	sne.s32 s1, $0x2000;
	[sflag:s23] =	ssyncadd.s32 $0xFFFFC000  }
0x77: {  	_ =	swait.ge [sflag:s25], $0x4000  }
0x78: {  	[sflag:s25] =	ssyncset.done $0x0  }
0x79: {  	s15 =	sshra.s32 s14, $0x2;
	[sflag:s25] =	ssyncadd.s32 $0xFFFFC000  }
0x7a: {  	[tilespmem:s26], [sflag:$0x3] =	stream.strided.gather [hbm4b:s7+s19], $0x4000, s20, s19, $0x38;
	[tilespmem:$0x12080] =	vst v63  }
0x7b: {  	s16 =	sadd.s32 $0x10000, s15  }
0x7c: {  	[spmem:s3] =	stream.indirect.scatter.add.f32 [tilespmem:s5], [sflag:$0x9], $0x80, s16, s28, $0xb8;
	[tilespmem:$0x12080] =	vst v63  }
0x7d: {  	_ =	swait.ge [sflag:s23], $0x4000  }
0x7e: {  	[sflag:s23] =	ssyncset.done $0x0  }
0x7f: {  	[sflag:s23] =	ssyncadd.s32 $0xFFFFC000  }
0x80: {  	_ =	swait.ge [sflag:s29], $0x4000  }
0x81: {  	[sflag:s29] =	ssyncset.done $0x0  }
0x82: {  	[sflag:s29] =	ssyncadd.s32 $0xFFFFC000  }
0x83: {  	[tilespmem:s30], [sflag:$0x4] =	stream.strided.gather [hbm4b:s10+s19], $0x4000, s20, s19, $0x38;
	[tilespmem:$0x12080] =	vst v63  }
0x84: {  	s16 =	sadd.s32 $0x10080, s15  }
0x85: {  	[spmem:s3] =	stream.indirect.scatter.add.f32 [tilespmem:s21], [sflag:$0x9], $0x80, s16, s28, $0xb8;
	[tilespmem:$0x12080] =	vst v63  }
0x86: {  	_ =	swait.ge [sflag:s23], $0x4000  }
0x87: {  	[sflag:s23] =	ssyncset.done $0x0  }
0x88: {  	[sflag:s23] =	ssyncadd.s32 $0xFFFFC000  }
0x89: {  	p2 =	seq.s32 s14, $0x1800;
	_ =	swait.ge [sflag:s31], $0x4000  }
0x8a: {  	s17 =	simm.s32 @p2 $0x80;
	s16 =	sshra.s32 @p2 s14, $0x2;
	[sflag:s31] =	ssyncset.done $0x0  }
0x8b: {  	s18 =	simm.s32 @p2 $0x8000;
	s16 =	sadd.s32 @p2 $0x10100, s16;
	[sflag:s31] =	ssyncadd.s32 $0xFFFFC000  }
0x8c: {  	[spmem:s3] =	stream.indirect.scatter.add.f32 @p2 [tilespmem:s18], [sflag:$0x9], $0x80, s16, s17, $0xb8;
	[tilespmem:$0x12080] =	vst v63  }
0x8d: {  	s14 =	sshra.s32 @!p2 s14, $0x2;
	s16 =	simm.s32 @p2 $0x9;
	s17 =	sshrl.u32 @!p2 s9, $0x3  }
0x8e: {  	s14 =	sadd.s32 @!p2 $0x10100, s14;
	s17 =	sadd.s32 @!p2 s0, s17;
	_ =	swait.ge @p2 [sflag:s16], $0x4000  }
0x8f: {  	s18 =	simm.s32 @p2 $0x4;
	[sflag:s16] =	ssyncset.done @p2 $0x0  }
0x90: {  	[sflag:s16] =	ssyncadd.s32 @p2 $0xFFFFC000  }
0x91: {  	s16 =	simm.s32 @!p2 $0x0;
	_ =	swait.ge @p2 [sflag:s18], $0x4000  }
0x92: {  	s12 =	simm.s32 @!p2 $0x400;
	s11 =	simm.s32 @!p2 $0x800;
	[sflag:s18] =	ssyncset.done @p2 $0x0  }
0x93: {  	s22 =	simm.s32 @!p2 $0x8000;
	[sflag:s18] =	ssyncadd.s32 @p2 $0xFFFFC000;
	s18 =	simm.s32 @!p2 $0x80  }
0x94: {  	[tilespmem:s16], [sflag:$0x1] =	stream.strided.gather @!p2 [hbm4b:s17+s12], $0x4000, s11, s12, $0x38;
	[tilespmem:$0x12080] =	vst v63  }
0x95: {  	s16 =	simm.s32 @!p2 $0x9  }
0x96: {  	[spmem:s3] =	stream.indirect.scatter.add.f32 @!p2 [tilespmem:s22], [sflag:$0x9], $0x80, s14, s18, $0xb8;
	[tilespmem:$0x12080] =	vst v63  }
0x97: {  	_ =	swait.ge @!p2 [sflag:s16], $0x4000  }
0x98: {  	s14 =	simm.s32 @!p2 $0x4;
	[sflag:s16] =	ssyncset.done @!p2 $0x0  }
0x99: {  	[sflag:s16] =	ssyncadd.s32 @!p2 $0xFFFFC000  }
0x9a: {  	_ =	swait.ge @!p2 [sflag:s14], $0x4000  }
0x9b: {  	s16 =	simm.s32 @!p2 $0x4000;
	[sflag:s14] =	ssyncset.done @!p2 $0x0  }
.Ltmp4:
0x9c: {  	[sflag:s14] =	ssyncadd.s32 @!p2 $0xFFFFC000;
	s14 =	sadd.s32 $0x10180, s15;
	(pc) =	sbr.rel @p1 .LBB2_6-.Ltmp4, $4  }
0x9d: {  	[tilespmem:s16], [sflag:$0x2] =	stream.strided.gather @!p2 [hbm4b:s13+s12], $0x4000, s11, s12, $0x38;
	[tilespmem:$0x12080] =	vst v63  }
0x9e: {  	s7 =	sadd.s32 $0x4000, s7  }
0x9f: {  	[spmem:s3] =	stream.indirect.scatter.add.f32 [tilespmem:s30], [sflag:$0x9], $0x80, s14, s28, $0xb8;
	[tilespmem:$0x12080] =	vst v63  }
0xa0: {  	s10 =	sadd.s32 $0x4000, s10;
	s9 =	sadd.s32 $0x20000, s9;
	_ =	swait.ge [sflag:s23], $0x4000  }
0xa1: {  	[sflag:s23] =	ssyncset.done $0x0  }
0xa2: {  	s1 =	simm.s32 $0x0;
	s22 =	rddreg [dreg:$0x6];
	[sflag:s23] =	ssyncadd.s32 $0xFFFFC000  }
0xa3: {  	[tilespmem:s1], [sflag:$0x1] =	stream.strided.gather [hbm4b:s22+s19], $0x4000, s20, s19, $0x38;
	[tilespmem:$0x12080] =	vst v63  }
0xa4: {  	s7 =	rddreg [dreg:$0x7]  }
0xa5: {  	[tilespmem:s21], [sflag:$0x2] =	stream.strided.gather [hbm4b:s7+s19], $0x4000, s20, s19, $0x38;
	[tilespmem:$0x12080] =	vst v63  }
0xa6: {  	s17 =	simm.s32 $0x10800;
	[bflag:$0x0] =	sbarrier.arrive $0xFFFF  }
0xa7: {  	[tilespmem:s17], [sflag:$0x9] =	stream.linear.gather [spmem:s3], $0x800, $0x38;
	[tilespmem:$0x12080] =	vst v63  }
0xa8: {  	_ =	swait.ge [sflag:s23], $0x800  }
0xa9: {  	[sflag:s23] =	ssyncset.done $0x0  }
0xaa: {  	s9 =	simm.s32 $0x11000;
	s18 =	rddreg [dreg:$0xb];
	[sflag:s23] =	ssyncadd.s32 $0xFFFFF800  }
0xab: {  	[tilespmem:s9], [sflag:$0x9] =	stream.strided.gather [hbm4b:s18+s19], $0x800, s20, s19, $0x38;
	[tilespmem:$0x12080] =	vst v63  }
0xac: {  	_ =	swait.ge [sflag:s23], $0x800  }
0xad: {  	[sflag:s23] =	ssyncset.done $0x0  }
0xae: {  	s9 =	simm.s32 $0x0;
	[sflag:s23] =	ssyncadd.s32 $0xFFFFF800  }
0xaf: {  	v1 =	vld [tilespmem:s9+$0x11070]  }
0xb0: {  	v2 =	vld [tilespmem:s9+$0x11000]  }
0xb1: {  	v3 =	vld [tilespmem:s9+$0x11010]  }
0xb2: {  	v4 =	vld [tilespmem:s9+$0x11020]  }
0xb3: {  	v5 =	vld [tilespmem:s9+$0x10870]  }
0xb4: {  	v6 =	vld [tilespmem:s9+$0x11030];
	v1 =	vmul.f32 $2.500000000e-01, v1  }
0xb5: {  	v7 =	vld [tilespmem:s9+$0x11040]  }
0xb6: {  	v8 =	vld [tilespmem:s9+$0x11050];
	v1 =	vadd.f32 $8.750000000e-01, v1  }
0xb7: {  	v9 =	vld [tilespmem:s9+$0x11060]  }
0xb8: {  	v10 =	vld [tilespmem:s9+$0x10800];
	v1 =	vmul.f32 v1, v5  }
0xb9: {  	v11 =	vld [tilespmem:s9+$0x10820]  }
0xba: {  	v12 =	vld [tilespmem:s9+$0x10840];
	v2 =	vmul.f32 $2.500000000e-01, v2;
	(erf) = vrcp.f32 v1  }
0xbb: {  	v5 =	vld [tilespmem:s9+$0x10810]  }
0xbc: {  	v13 =	vld [tilespmem:s9+$0x10850];
	v3 =	vmul.f32 $2.500000000e-01, v3;
	v2 =	vadd.f32 $8.750000000e-01, v2  }
0xbd: {  	v4 =	vmul.f32 $2.500000000e-01, v4;
	v6 =	vmul.f32 $2.500000000e-01, v6;
	v1 =	vld [tilespmem:s9+$0x10830]  }
0xbe: {  	s7 =	simm.s32 $0x80;
	v14 =	vld [tilespmem:s9+$0x10860];
	v3 =	vadd.f32 $8.750000000e-01, v3;
	v2 =	vmul.f32 v2, v10  }
0xbf: {  	v15 =	vld [tilespmem:s7+$0x11000];
	v4 =	vadd.f32 $8.750000000e-01, v4;
	v6 =	vadd.f32 $8.750000000e-01, v6  }
0xc0: {  	v10 =	vld [tilespmem:s7+$0x11070];
	(erf) = vrcp.f32 v2;
	v3 =	vmul.f32 v3, v5  }
0xc1: {  	v4 =	vmul.f32 v4, v11;
	v11 =	vld [tilespmem:s7+$0x11030];
	v2 =	vmul.f32 $2.500000000e-01, v7  }
0xc2: {  	v7 =	vld [tilespmem:s7+$0x11020];
	(erf) = vrcp.f32 v3;
	v1 =	vmul.f32 v6, v1  }
0xc3: {  	v5 =	vld [tilespmem:s7+$0x11010];
	v2 =	vadd.f32 $8.750000000e-01, v2;
	v6 =	vpop (erf);
	(erf) = vrcp.f32 v4;
	v4 =	vmul.f32 $2.500000000e-01, v8  }
0xc4: {  	v3 =	vld [tilespmem:s7+$0x10870];
	[tilespmem:s9+$0x11870] =	vst v6;
	v6 =	vmul.f32 $2.500000000e-01, v9  }
0xc5: {  	v2 =	vmul.f32 v2, v12;
	v4 =	vadd.f32 $8.750000000e-01, v4  }
0xc6: {  	(erf) = vrcp.f32 v1;
	v1 =	vadd.f32 $8.750000000e-01, v6  }
0xc7: {  	v4 =	vmul.f32 v4, v13  }
0xc8: {  	(erf) = vrcp.f32 v2;
	v1 =	vmul.f32 v1, v14  }
0xc9: {  	v2 =	vpop (erf);
	(erf) = vrcp.f32 v4;
	v4 =	vmul.f32 $2.500000000e-01, v10  }
0xca: {  	v8 =	vld [tilespmem:s7+$0x11040];
	(erf) = vrcp.f32 v1  }
0xcb: {  	v12 =	vld [tilespmem:s7+$0x11060];
	v4 =	vadd.f32 $8.750000000e-01, v4  }
0xcc: {  	v9 =	vld [tilespmem:s7+$0x11050]  }
0xcd: {  	v11 =	vmul.f32 $2.500000000e-01, v11;
	v13 =	vld [tilespmem:s7+$0x10800];
	v4 =	vmul.f32 v4, v3  }
0xce: {  	v5 =	vmul.f32 $2.500000000e-01, v5;
	v14 =	vld [tilespmem:s7+$0x10810];
	[tilespmem:s9+$0x11800] =	vst v2;
	v10 =	vmul.f32 $2.500000000e-01, v15;
	v1 =	vpop (erf)  }
0xcf: {  	v7 =	vmul.f32 $2.500000000e-01, v7;
	v2 =	vld [tilespmem:s7+$0x10820];
	[tilespmem:s9+$0x11810] =	vst v1;
	v6 =	vpop (erf);
	(erf) = vrcp.f32 v4  }
0xd0: {  	v15 =	vadd.f32 $8.750000000e-01, v5;
	v16 =	vmul.f32 $2.500000000e-01, v12;
	v10 =	vadd.f32 $8.750000000e-01, v10;
	v1 =	vld [tilespmem:s7+$0x10830];
	[tilespmem:s9+$0x11820] =	vst v6;
	v6 =	vpop (erf)  }
0xd1: {  	v5 =	vmul.f32 $2.500000000e-01, v8;
	v3 =	vld [tilespmem:s7+$0x10840];
	[tilespmem:s9+$0x11830] =	vst v6;
	v8 =	vpop (erf);
	v6 =	vadd.f32 $8.750000000e-01, v7;
	v7 =	vmul.f32 $2.500000000e-01, v9  }
0xd2: {  	v9 =	vadd.f32 $8.750000000e-01, v11;
	v11 =	vmul.f32 v10, v13;
	v10 =	vadd.f32 $8.750000000e-01, v16;
	v4 =	vld [tilespmem:s7+$0x10850];
	[tilespmem:s9+$0x11840] =	vst v8;
	v13 =	vpop (erf)  }
0xd3: {  	s10 =	simm.s32 $0x100;
	s13 =	simm.s32 $0x600;
	v12 =	vmul.f32 v15, v14;
	v8 =	vadd.f32 $8.750000000e-01, v5;
	v5 =	vld [tilespmem:s7+$0x10860];
	v7 =	vadd.f32 $8.750000000e-01, v7;
	[tilespmem:s9+$0x11850] =	vst v13;
	v13 =	vpop (erf)  }
.LBB2_8:
0xd4: {  	p1 =	sne.s32 s13, $0x1E00;
	v14 =	vld [tilespmem:s10+$0x11070];
	v2 =	vmul.f32 v6, v2;
	(erf) = vrcp.f32 v11;
	[tilespmem:s9+$0x11860] =	vst v13;
	s9 =	smov.u32 s7;
	s7 =	smov.u32 s10  }
0xd5: {  	v6 =	vld [tilespmem:s7+$0x11000];
	v1 =	vmul.f32 v9, v1;
	(erf) = vrcp.f32 v12  }
0xd6: {  	v9 =	vld [tilespmem:s7+$0x11010];
	v8 =	vmul.f32 v8, v3;
	(erf) = vrcp.f32 v2  }
0xd7: {  	v2 =	vld [tilespmem:s7+$0x11020];
	v4 =	vmul.f32 v7, v4;
	(erf) = vrcp.f32 v1  }
0xd8: {  	v1 =	vld [tilespmem:s7+$0x10870];
	v5 =	vmul.f32 v10, v5;
	(erf) = vrcp.f32 v8;
	v3 =	vpop (erf)  }
0xd9: {  	v7 =	vld [tilespmem:s7+$0x11030];
	v8 =	vmul.f32 $2.500000000e-01, v14;
	[tilespmem:s9+$0x11870] =	vst v3;
	(erf) = vrcp.f32 v4  }
0xda: {  	v14 =	vmul.f32 $2.500000000e-01, v6;
	v4 =	vld [tilespmem:s7+$0x11040];
	(erf) = vrcp.f32 v5  }
0xdb: {  	v5 =	vmul.f32 $2.500000000e-01, v9;
	v10 =	vld [tilespmem:s7+$0x11050];
	v6 =	vadd.f32 $8.750000000e-01, v8  }
0xdc: {  	v11 =	vadd.f32 $8.750000000e-01, v14;
	v2 =	vmul.f32 $2.500000000e-01, v2;
	v12 =	vld [tilespmem:s7+$0x11060]  }
0xdd: {  	v13 =	vld [tilespmem:s7+$0x10800];
	v5 =	vadd.f32 $8.750000000e-01, v5;
	v1 =	vmul.f32 v6, v1;
	v3 =	vpop (erf)  }
0xde: {  	v14 =	vld [tilespmem:s7+$0x10810];
	v6 =	vadd.f32 $8.750000000e-01, v2;
	v7 =	vmul.f32 $2.500000000e-01, v7;
	[tilespmem:s9+$0x11800] =	vst v3;
	v3 =	vpop (erf)  }
.Ltmp5:
0xdf: {  	v2 =	vld [tilespmem:s7+$0x10820];
	v4 =	vmul.f32 $2.500000000e-01, v4;
	(erf) = vrcp.f32 v1;
	[tilespmem:s9+$0x11810] =	vst v3;
	v3 =	vpop (erf);
	(pc) =	sbr.rel @p1 .LBB2_8-.Ltmp5, $4  }
0xe0: {  	v1 =	vld [tilespmem:s7+$0x10830];
	v9 =	vadd.f32 $8.750000000e-01, v7;
	v7 =	vmul.f32 $2.500000000e-01, v10;
	[tilespmem:s9+$0x11820] =	vst v3;
	v10 =	vpop (erf)  }
0xe1: {  	v3 =	vld [tilespmem:s7+$0x10840];
	v8 =	vadd.f32 $8.750000000e-01, v4;
	v15 =	vmul.f32 $2.500000000e-01, v12;
	[tilespmem:s9+$0x11830] =	vst v10;
	v10 =	vpop (erf)  }
0xe2: {  	v11 =	vmul.f32 v11, v13;
	v4 =	vld [tilespmem:s7+$0x10850];
	v7 =	vadd.f32 $8.750000000e-01, v7;
	[tilespmem:s9+$0x11840] =	vst v10;
	v13 =	vpop (erf)  }
0xe3: {  	s10 =	sshra.s32 s13, $0x2;
	s13 =	sadd.s32 $0x200, s13;
	v12 =	vmul.f32 v5, v14;
	v5 =	vld [tilespmem:s7+$0x10860];
	v10 =	vadd.f32 $8.750000000e-01, v15;
	[tilespmem:s9+$0x11850] =	vst v13;
	v13 =	vpop (erf)  }
0xe4: {  	v14 =	vld [tilespmem:s10+$0x11070];
	[tilespmem:s9+$0x11860] =	vst v13;
	(erf) = vrcp.f32 v11;
	v2 =	vmul.f32 v6, v2  }
0xe5: {  	v13 =	vld [tilespmem:s10+$0x11000];
	(erf) = vrcp.f32 v12;
	v1 =	vmul.f32 v9, v1  }
0xe6: {  	v41 =	vld [tilespmem:s10+$0x11010];
	(erf) = vrcp.f32 v2  }
0xe7: {  	v15 =	vld [tilespmem:s10+$0x11020];
	v3 =	vmul.f32 v8, v3;
	(erf) = vrcp.f32 v1  }
0xe8: {  	v42 =	vld [tilespmem:s10+$0x10870];
	v43 =	vpop (erf)  }
0xe9: {  	v16 =	vld [tilespmem:s10+$0x11030];
	(erf) = vrcp.f32 v3;
	[tilespmem:s7+$0x11870] =	vst v43  }
0xea: {  	v2 =	vld [tilespmem:s10+$0x11040]  }
0xeb: {  	v1 =	vld [tilespmem:s10+$0x11050]  }
0xec: {  	v46 =	vmul.f32 $2.500000000e-01, v14;
	v44 =	vld [tilespmem:s10+$0x11060]  }
0xed: {  	v4 =	vmul.f32 v7, v4;
	v5 =	vmul.f32 v10, v5;
	v3 =	vld [tilespmem:s10+$0x10800];
	v45 =	vpop (erf)  }
0xee: {  	v12 =	vld [tilespmem:s10+$0x10810];
	v51 =	vmul.f32 $2.500000000e-01, v13;
	v52 =	vmul.f32 $2.500000000e-01, v41;
	v49 =	vadd.f32 $8.750000000e-01, v46;
	[tilespmem:s7+$0x11800] =	vst v45;
	v47 =	vpop (erf)  }
0xef: {  	v55 =	vmul.f32 $2.500000000e-01, v15;
	(erf) = vrcp.f32 v4;
	v48 =	vld [tilespmem:s10+$0x10820];
	[tilespmem:s7+$0x11810] =	vst v47;
	v50 =	vpop (erf)  }
0xf0: {  	v4 =	vmul.f32 v49, v42;
	(erf) = vrcp.f32 v5;
	v5 =	vadd.f32 $8.750000000e-01, v51;
	v9 =	vld [tilespmem:s10+$0x10830];
	[tilespmem:s7+$0x11820] =	vst v50;
	v53 =	vpop (erf)  }
0xf1: {  	v56 =	vmul.f32 $2.500000000e-01, v16;
	v57 =	vadd.f32 $8.750000000e-01, v52;
	v2 =	vmul.f32 $2.500000000e-01, v2;
	v54 =	vld [tilespmem:s10+$0x10840];
	[tilespmem:s7+$0x11830] =	vst v53  }
0xf2: {  	v11 =	vadd.f32 $8.750000000e-01, v55;
	(erf) = vrcp.f32 v4;
	v3 =	vmul.f32 v5, v3;
	v58 =	vpop (erf);
	v59 =	vld [tilespmem:s10+$0x10850]  }
0xf3: {  	v60 =	vadd.f32 $8.750000000e-01, v56;
	v1 =	vmul.f32 $2.500000000e-01, v1;
	v6 =	vmul.f32 v57, v12;
	[tilespmem:s7+$0x11840] =	vst v58  }
0xf4: {  	v61 =	vmul.f32 $2.500000000e-01, v44;
	v2 =	vadd.f32 $8.750000000e-01, v2;
	(erf) = vrcp.f32 v3;
	v62 =	vld [tilespmem:s10+$0x10860]  }
0xf5: {  	v1 =	vadd.f32 $8.750000000e-01, v1;
	(erf) = vrcp.f32 v6;
	v11 =	vmul.f32 v11, v48  }
0xf6: {  	v3 =	vmul.f32 v60, v9;
	v2 =	vmul.f32 v2, v54  }
0xf7: {  	v63 =	vadd.f32 $8.750000000e-01, v61;
	(erf) = vrcp.f32 v11;
	v1 =	vmul.f32 v1, v59  }
0xf8: {  	(erf) = vrcp.f32 v3  }
0xf9: {  	v3 =	vmul.f32 v63, v62;
	(erf) = vrcp.f32 v2  }
0xfa: {  	(erf) = vrcp.f32 v1  }
0xfb: {  	v1 =	vpop (erf);
	(erf) = vrcp.f32 v3  }
0xfc: {  	v2 =	vpop (erf);
	[tilespmem:s7+$0x11850] =	vst v1  }
0xfd: {  	v1 =	vpop (erf);
	[tilespmem:s7+$0x11860] =	vst v2  }
0xfe: {  	[tilespmem:s10+$0x11870] =	vst v1;
	v1 =	vpop (erf)  }
0xff: {  	[tilespmem:s10+$0x11800] =	vst v1;
	v1 =	vpop (erf)  }
0x100: {  	[tilespmem:s10+$0x11810] =	vst v1;
	v1 =	vpop (erf)  }
0x101: {  	[tilespmem:s10+$0x11820] =	vst v1;
	v1 =	vpop (erf)  }
0x102: {  	[tilespmem:s10+$0x11830] =	vst v1;
	v1 =	vpop (erf)  }
0x103: {  	[tilespmem:s10+$0x11840] =	vst v1;
	v1 =	vpop (erf)  }
0x104: {  	[tilespmem:s10+$0x11850] =	vst v1;
	v1 =	vpop (erf)  }
0x105: {  	[tilespmem:s10+$0x11860] =	vst v1  }
.LBB2_10:
.Ltmp6:
0x106: {  	(pc) =	sbr.rel .LBB2_11-.Ltmp6, $4  }
0x107: {  	s10 =	sshll.u32 s1, $0x9  }
0x108: {  	_ =	swait.ge [sflag:s25], $0x4000;
	s7 =	sand.u32 $0x3FFFFE00, s10  }
0x109: {  	[sflag:s25] =	ssyncset.done $0x0;
	s7 =	sadd.s32 $0x10000, s7  }
0x10a: {  	s9 =	simm.s32 $0x0;
	s13 =	simm.s32 $0x80;
	[sflag:s25] =	ssyncadd.s32 $0xFFFFC000;
	v1 =	vmov s7  }
.LBB2_12:
0x10b: {  	s11 =	sshll.u32 s9, $0xB  }
0x10c: {  	v4 =	vld [tilespmem:s7+$0x11800];
	s16 =	sand.u32 $0x3FFFF800, s11  }
0x10d: {  	v3 =	vld [tilespmem:s16+$0x0];
	_ =	sdelay $0x4  }
0x10e: {  	v3 =	vmul.f32 v4, v3;
	_ =	sdelay $0x1  }
0x10f: {  	[tilespmem:s16+$0x0] =	vst v3;
	v3 =	vld [tilespmem:s16+$0x10]  }
0x110: {  	v10 =	vld [tilespmem:s7+$0x11810];
	_ =	sdelay $0x4  }
0x111: {  	v3 =	vmul.f32 v10, v3;
	_ =	sdelay $0x1  }
0x112: {  	[tilespmem:s16+$0x10] =	vst v3;
	v3 =	vld [tilespmem:s16+$0x20]  }
0x113: {  	v11 =	vld [tilespmem:s7+$0x11820];
	_ =	sdelay $0x4  }
0x114: {  	v3 =	vmul.f32 v11, v3;
	_ =	sdelay $0x1  }
0x115: {  	[tilespmem:s16+$0x20] =	vst v3;
	v3 =	vld [tilespmem:s16+$0x30]  }
0x116: {  	v12 =	vld [tilespmem:s7+$0x11830];
	_ =	sdelay $0x4  }
0x117: {  	v3 =	vmul.f32 v12, v3;
	_ =	sdelay $0x1  }
0x118: {  	[tilespmem:s16+$0x30] =	vst v3;
	v3 =	vld [tilespmem:s16+$0x40]  }
0x119: {  	v13 =	vld [tilespmem:s7+$0x11840];
	_ =	sdelay $0x4  }
0x11a: {  	v3 =	vmul.f32 v13, v3;
	_ =	sdelay $0x1  }
0x11b: {  	[tilespmem:s16+$0x40] =	vst v3;
	v3 =	vld [tilespmem:s16+$0x50]  }
0x11c: {  	v14 =	vld [tilespmem:s7+$0x11850];
	_ =	sdelay $0x4  }
0x11d: {  	v3 =	vmul.f32 v14, v3  }
0x11e: {  	v2 =	vshll.u32 v2, $0x9  }
0x11f: {  	v2 =	vshra.s32 v2, $0x2;
	[tilespmem:s16+$0x50] =	vst v3;
	v3 =	vld [tilespmem:s16+$0x60]  }
0x120: {  	(v2sf) =	vpush v2, $0x1;
	v15 =	vld [tilespmem:s7+$0x11860];
	_ =	sdelay $0x4  }
0x121: {  	v3 =	vmul.f32 v15, v3;
	_ =	sdelay $0x1  }
0x122: {  	[tilespmem:s16+$0x60] =	vst v3;
	v3 =	vld [tilespmem:s16+$0x70]  }
0x123: {  	v16 =	vld [tilespmem:s7+$0x11870];
	_ =	sdelay $0x4  }
0x124: {  	v3 =	vmul.f32 v16, v3;
	_ =	sdelay $0x1  }
0x125: {  	s11 =	spop (v2sf);
	[tilespmem:s16+$0x70] =	vst v3;
	v3 =	vld [tilespmem:s16+$0x80]  }
0x126: {  	v17 =	vld [tilespmem:s11+$0x11800];
	_ =	sdelay $0x4  }
0x127: {  	v3 =	vmul.f32 v17, v3;
	_ =	sdelay $0x1  }
0x128: {  	[tilespmem:s16+$0x80] =	vst v3;
	v3 =	vld [tilespmem:s16+$0x90]  }
0x129: {  	v18 =	vld [tilespmem:s11+$0x11810];
	_ =	sdelay $0x4  }
0x12a: {  	v3 =	vmul.f32 v18, v3;
	_ =	sdelay $0x1  }
0x12b: {  	[tilespmem:s16+$0x90] =	vst v3;
	v3 =	vld [tilespmem:s16+$0xA0]  }
0x12c: {  	v19 =	vld [tilespmem:s11+$0x11820];
	_ =	sdelay $0x4  }
0x12d: {  	v3 =	vmul.f32 v19, v3;
	_ =	sdelay $0x1  }
0x12e: {  	[tilespmem:s16+$0xA0] =	vst v3;
	v3 =	vld [tilespmem:s16+$0xB0]  }
0x12f: {  	v20 =	vld [tilespmem:s11+$0x11830];
	_ =	sdelay $0x4  }
0x130: {  	v3 =	vmul.f32 v20, v3;
	_ =	sdelay $0x1  }
0x131: {  	[tilespmem:s16+$0xB0] =	vst v3;
	v3 =	vld [tilespmem:s16+$0xC0]  }
0x132: {  	v21 =	vld [tilespmem:s11+$0x11840];
	_ =	sdelay $0x4  }
0x133: {  	v3 =	vmul.f32 v21, v3;
	_ =	sdelay $0x1  }
0x134: {  	[tilespmem:s16+$0xC0] =	vst v3;
	v3 =	vld [tilespmem:s16+$0xD0]  }
0x135: {  	v22 =	vld [tilespmem:s11+$0x11850];
	_ =	sdelay $0x4  }
0x136: {  	v3 =	vmul.f32 v22, v3;
	_ =	sdelay $0x1  }
0x137: {  	[tilespmem:s16+$0xD0] =	vst v3;
	v3 =	vld [tilespmem:s16+$0xE0]  }
0x138: {  	(v2sf) =	vpush v2, $0x2;
	v23 =	vld [tilespmem:s11+$0x11860];
	_ =	sdelay $0x4  }
0x139: {  	v3 =	vmul.f32 v23, v3;
	_ =	sdelay $0x1  }
0x13a: {  	[tilespmem:s16+$0xE0] =	vst v3;
	v3 =	vld [tilespmem:s16+$0xF0]  }
0x13b: {  	v24 =	vld [tilespmem:s11+$0x11870];
	_ =	sdelay $0x4  }
0x13c: {  	v3 =	vmul.f32 v24, v3;
	_ =	sdelay $0x1  }
0x13d: {  	s12 =	spop (v2sf);
	[tilespmem:s16+$0xF0] =	vst v3;
	v3 =	vld [tilespmem:s16+$0x100]  }
0x13e: {  	v25 =	vld [tilespmem:s12+$0x11800];
	_ =	sdelay $0x4  }
0x13f: {  	v3 =	vmul.f32 v25, v3;
	_ =	sdelay $0x1  }
0x140: {  	[tilespmem:s16+$0x100] =	vst v3;
	v3 =	vld [tilespmem:s16+$0x110]  }
0x141: {  	v26 =	vld [tilespmem:s12+$0x11810];
	_ =	sdelay $0x4  }
0x142: {  	v3 =	vmul.f32 v26, v3;
	_ =	sdelay $0x1  }
0x143: {  	[tilespmem:s16+$0x110] =	vst v3;
	v3 =	vld [tilespmem:s16+$0x120]  }
0x144: {  	v27 =	vld [tilespmem:s12+$0x11820];
	_ =	sdelay $0x4  }
0x145: {  	v3 =	vmul.f32 v27, v3;
	_ =	sdelay $0x1  }
0x146: {  	[tilespmem:s16+$0x120] =	vst v3;
	v3 =	vld [tilespmem:s16+$0x130]  }
0x147: {  	v28 =	vld [tilespmem:s12+$0x11830];
	_ =	sdelay $0x4  }
0x148: {  	v3 =	vmul.f32 v28, v3;
	_ =	sdelay $0x1  }
0x149: {  	[tilespmem:s16+$0x130] =	vst v3;
	v3 =	vld [tilespmem:s16+$0x140]  }
0x14a: {  	v29 =	vld [tilespmem:s12+$0x11840];
	_ =	sdelay $0x4  }
0x14b: {  	v3 =	vmul.f32 v29, v3;
	_ =	sdelay $0x1  }
0x14c: {  	[tilespmem:s16+$0x140] =	vst v3;
	v3 =	vld [tilespmem:s16+$0x150]  }
0x14d: {  	v30 =	vld [tilespmem:s12+$0x11850];
	_ =	sdelay $0x4  }
0x14e: {  	v3 =	vmul.f32 v30, v3;
	_ =	sdelay $0x1  }
0x14f: {  	[tilespmem:s16+$0x150] =	vst v3;
	v3 =	vld [tilespmem:s16+$0x160]  }
0x150: {  	(v2sf) =	vpush v2, $0x3;
	v31 =	vld [tilespmem:s12+$0x11860];
	_ =	sdelay $0x4  }
0x151: {  	v3 =	vmul.f32 v31, v3;
	_ =	sdelay $0x1  }
0x152: {  	[tilespmem:s16+$0x160] =	vst v3;
	v3 =	vld [tilespmem:s16+$0x170]  }
0x153: {  	v32 =	vld [tilespmem:s12+$0x11870];
	_ =	sdelay $0x4  }
0x154: {  	v3 =	vmul.f32 v32, v3;
	_ =	sdelay $0x1  }
0x155: {  	s14 =	spop (v2sf);
	[tilespmem:s16+$0x170] =	vst v3;
	v3 =	vld [tilespmem:s16+$0x180]  }
0x156: {  	v33 =	vld [tilespmem:s14+$0x11800];
	_ =	sdelay $0x4  }
0x157: {  	v3 =	vmul.f32 v33, v3;
	_ =	sdelay $0x1  }
0x158: {  	[tilespmem:s16+$0x180] =	vst v3;
	v3 =	vld [tilespmem:s16+$0x190]  }
0x159: {  	v34 =	vld [tilespmem:s14+$0x11810];
	_ =	sdelay $0x4  }
0x15a: {  	v3 =	vmul.f32 v34, v3;
	_ =	sdelay $0x1  }
0x15b: {  	[tilespmem:s16+$0x190] =	vst v3;
	v3 =	vld [tilespmem:s16+$0x1A0]  }
0x15c: {  	v35 =	vld [tilespmem:s14+$0x11820];
	_ =	sdelay $0x4  }
0x15d: {  	v3 =	vmul.f32 v35, v3;
	_ =	sdelay $0x1  }
0x15e: {  	[tilespmem:s16+$0x1A0] =	vst v3;
	v3 =	vld [tilespmem:s16+$0x1B0]  }
0x15f: {  	v36 =	vld [tilespmem:s14+$0x11830];
	_ =	sdelay $0x4  }
0x160: {  	v3 =	vmul.f32 v36, v3;
	_ =	sdelay $0x1  }
0x161: {  	[tilespmem:s16+$0x1B0] =	vst v3;
	v3 =	vld [tilespmem:s16+$0x1C0]  }
0x162: {  	v37 =	vld [tilespmem:s14+$0x11840];
	_ =	sdelay $0x4  }
0x163: {  	v3 =	vmul.f32 v37, v3;
	_ =	sdelay $0x1  }
0x164: {  	[tilespmem:s16+$0x1C0] =	vst v3;
	v3 =	vld [tilespmem:s16+$0x1D0]  }
0x165: {  	v38 =	vld [tilespmem:s14+$0x11850];
	_ =	sdelay $0x4  }
0x166: {  	v3 =	vmul.f32 v38, v3;
	_ =	sdelay $0x1  }
0x167: {  	[tilespmem:s16+$0x1D0] =	vst v3;
	v3 =	vld [tilespmem:s16+$0x1E0]  }
0x168: {  	(v2sf) =	vpush v2, $0x4;
	v39 =	vld [tilespmem:s14+$0x11860];
	_ =	sdelay $0x4  }
0x169: {  	v3 =	vmul.f32 v39, v3;
	_ =	sdelay $0x1  }
0x16a: {  	[tilespmem:s16+$0x1E0] =	vst v3;
	v3 =	vld [tilespmem:s16+$0x1F0]  }
0x16b: {  	v40 =	vld [tilespmem:s14+$0x11870];
	_ =	sdelay $0x4  }
0x16c: {  	v3 =	vmul.f32 v40, v3;
	_ =	sdelay $0x1  }
0x16d: {  	s17 =	spop (v2sf);
	[tilespmem:s16+$0x1F0] =	vst v3;
	v3 =	vld [tilespmem:s16+$0x200]  }
0x16e: {  	v41 =	vld [tilespmem:s17+$0x11800];
	_ =	sdelay $0x4  }
0x16f: {  	v3 =	vmul.f32 v41, v3;
	_ =	sdelay $0x1  }
0x170: {  	[tilespmem:s16+$0x200] =	vst v3;
	v3 =	vld [tilespmem:s16+$0x210]  }
0x171: {  	v42 =	vld [tilespmem:s17+$0x11810];
	_ =	sdelay $0x4  }
0x172: {  	v3 =	vmul.f32 v42, v3;
	_ =	sdelay $0x1  }
0x173: {  	[tilespmem:s16+$0x210] =	vst v3;
	v3 =	vld [tilespmem:s16+$0x220]  }
0x174: {  	v43 =	vld [tilespmem:s17+$0x11820];
	_ =	sdelay $0x4  }
0x175: {  	v3 =	vmul.f32 v43, v3;
	_ =	sdelay $0x1  }
0x176: {  	[tilespmem:s16+$0x220] =	vst v3;
	v3 =	vld [tilespmem:s16+$0x230]  }
0x177: {  	v44 =	vld [tilespmem:s17+$0x11830];
	_ =	sdelay $0x4  }
0x178: {  	v3 =	vmul.f32 v44, v3;
	_ =	sdelay $0x1  }
0x179: {  	[tilespmem:s16+$0x230] =	vst v3;
	v3 =	vld [tilespmem:s16+$0x240]  }
0x17a: {  	v45 =	vld [tilespmem:s17+$0x11840];
	_ =	sdelay $0x4  }
0x17b: {  	v3 =	vmul.f32 v45, v3;
	_ =	sdelay $0x1  }
0x17c: {  	[tilespmem:s16+$0x240] =	vst v3;
	v3 =	vld [tilespmem:s16+$0x250]  }
0x17d: {  	v46 =	vld [tilespmem:s17+$0x11850];
	_ =	sdelay $0x4  }
0x17e: {  	v3 =	vmul.f32 v46, v3;
	_ =	sdelay $0x1  }
0x17f: {  	[tilespmem:s16+$0x250] =	vst v3;
	v3 =	vld [tilespmem:s16+$0x260]  }
0x180: {  	(v2sf) =	vpush v2, $0x5;
	v47 =	vld [tilespmem:s17+$0x11860];
	_ =	sdelay $0x4  }
0x181: {  	v3 =	vmul.f32 v47, v3;
	_ =	sdelay $0x1  }
0x182: {  	[tilespmem:s16+$0x260] =	vst v3;
	v3 =	vld [tilespmem:s16+$0x270]  }
0x183: {  	v48 =	vld [tilespmem:s17+$0x11870];
	_ =	sdelay $0x4  }
0x184: {  	v3 =	vmul.f32 v48, v3;
	_ =	sdelay $0x1  }
0x185: {  	s18 =	spop (v2sf);
	[tilespmem:s16+$0x270] =	vst v3;
	v3 =	vld [tilespmem:s16+$0x280]  }
0x186: {  	v49 =	vld [tilespmem:s18+$0x11800];
	_ =	sdelay $0x4  }
0x187: {  	v3 =	vmul.f32 v49, v3;
	_ =	sdelay $0x1  }
0x188: {  	[tilespmem:s16+$0x280] =	vst v3;
	v3 =	vld [tilespmem:s16+$0x290]  }
0x189: {  	v50 =	vld [tilespmem:s18+$0x11810];
	_ =	sdelay $0x4  }
0x18a: {  	v3 =	vmul.f32 v50, v3;
	_ =	sdelay $0x1  }
0x18b: {  	[tilespmem:s16+$0x290] =	vst v3;
	v3 =	vld [tilespmem:s16+$0x2A0]  }
0x18c: {  	v51 =	vld [tilespmem:s18+$0x11820];
	_ =	sdelay $0x4  }
0x18d: {  	v3 =	vmul.f32 v51, v3;
	_ =	sdelay $0x1  }
0x18e: {  	[tilespmem:s16+$0x2A0] =	vst v3;
	v3 =	vld [tilespmem:s16+$0x2B0]  }
0x18f: {  	v52 =	vld [tilespmem:s18+$0x11830];
	_ =	sdelay $0x4  }
0x190: {  	v3 =	vmul.f32 v52, v3;
	_ =	sdelay $0x1  }
0x191: {  	[tilespmem:s16+$0x2B0] =	vst v3;
	v3 =	vld [tilespmem:s16+$0x2C0]  }
0x192: {  	v53 =	vld [tilespmem:s18+$0x11840];
	_ =	sdelay $0x4  }
0x193: {  	v3 =	vmul.f32 v53, v3;
	_ =	sdelay $0x1  }
0x194: {  	[tilespmem:s16+$0x2C0] =	vst v3;
	v3 =	vld [tilespmem:s16+$0x2D0]  }
0x195: {  	v54 =	vld [tilespmem:s18+$0x11850];
	_ =	sdelay $0x4  }
0x196: {  	v3 =	vmul.f32 v54, v3;
	_ =	sdelay $0x1  }
0x197: {  	[tilespmem:s16+$0x2D0] =	vst v3;
	v3 =	vld [tilespmem:s16+$0x2E0]  }
0x198: {  	(v2sf) =	vpush v2, $0x6;
	v55 =	vld [tilespmem:s18+$0x11860];
	_ =	sdelay $0x4  }
0x199: {  	v3 =	vmul.f32 v55, v3;
	_ =	sdelay $0x1  }
0x19a: {  	[tilespmem:s16+$0x2E0] =	vst v3;
	v3 =	vld [tilespmem:s16+$0x2F0]  }
0x19b: {  	v56 =	vld [tilespmem:s18+$0x11870];
	_ =	sdelay $0x4  }
0x19c: {  	v3 =	vmul.f32 v56, v3;
	_ =	sdelay $0x1  }
0x19d: {  	s11 =	spop (v2sf);
	[tilespmem:s16+$0x2F0] =	vst v3;
	v3 =	vld [tilespmem:s16+$0x300]  }
0x19e: {  	v57 =	vld [tilespmem:s11+$0x11800];
	_ =	sdelay $0x4  }
0x19f: {  	v3 =	vmul.f32 v57, v3;
	_ =	sdelay $0x1  }
0x1a0: {  	[tilespmem:s16+$0x300] =	vst v3;
	v3 =	vld [tilespmem:s16+$0x310]  }
0x1a1: {  	v58 =	vld [tilespmem:s11+$0x11810];
	_ =	sdelay $0x4  }
0x1a2: {  	v3 =	vmul.f32 v58, v3;
	_ =	sdelay $0x1  }
0x1a3: {  	[tilespmem:s16+$0x310] =	vst v3;
	v3 =	vld [tilespmem:s16+$0x320]  }
0x1a4: {  	v59 =	vld [tilespmem:s11+$0x11820];
	_ =	sdelay $0x4  }
0x1a5: {  	v3 =	vmul.f32 v59, v3;
	_ =	sdelay $0x1  }
0x1a6: {  	[tilespmem:s16+$0x320] =	vst v3;
	v3 =	vld [tilespmem:s16+$0x330]  }
0x1a7: {  	v60 =	vld [tilespmem:s11+$0x11830];
	_ =	sdelay $0x4  }
0x1a8: {  	v3 =	vmul.f32 v60, v3;
	_ =	sdelay $0x1  }
0x1a9: {  	[tilespmem:s16+$0x330] =	vst v3;
	v3 =	vld [tilespmem:s16+$0x340]  }
0x1aa: {  	v61 =	vld [tilespmem:s11+$0x11840];
	_ =	sdelay $0x4  }
0x1ab: {  	v3 =	vmul.f32 v61, v3;
	_ =	sdelay $0x1  }
0x1ac: {  	[tilespmem:s16+$0x340] =	vst v3;
	v3 =	vld [tilespmem:s16+$0x350]  }
0x1ad: {  	v62 =	vld [tilespmem:s11+$0x11850];
	_ =	sdelay $0x4  }
0x1ae: {  	v3 =	vmul.f32 v62, v3;
	_ =	sdelay $0x1  }
0x1af: {  	[tilespmem:s16+$0x350] =	vst v3;
	v3 =	vld [tilespmem:s16+$0x360]  }
0x1b0: {  	(v2sf) =	vpush v2, $0x7;
	v63 =	vld [tilespmem:s11+$0x11860];
	_ =	sdelay $0x4  }
0x1b1: {  	v3 =	vmul.f32 v63, v3;
	_ =	sdelay $0x1  }
0x1b2: {  	[tilespmem:s16+$0x360] =	vst v3;
	v3 =	vld [tilespmem:s16+$0x370]  }
0x1b3: {  	v8 =	vld [tilespmem:s11+$0x11870];
	_ =	sdelay $0x4  }
0x1b4: {  	v3 =	vmul.f32 v8, v3;
	_ =	sdelay $0x1  }
0x1b5: {  	s12 =	spop (v2sf);
	[tilespmem:s16+$0x370] =	vst v3;
	v3 =	vld [tilespmem:s16+$0x380]  }
0x1b6: {  	v9 =	vld [tilespmem:s12+$0x11800];
	_ =	sdelay $0x4  }
0x1b7: {  	v3 =	vmul.f32 v9, v3;
	_ =	sdelay $0x1  }
0x1b8: {  	[tilespmem:s16+$0x380] =	vst v3;
	v3 =	vld [tilespmem:s16+$0x390]  }
0x1b9: {  	v10 =	vld [tilespmem:s12+$0x11810];
	_ =	sdelay $0x4  }
0x1ba: {  	v3 =	vmul.f32 v10, v3;
	_ =	sdelay $0x1  }
0x1bb: {  	[tilespmem:s16+$0x390] =	vst v3;
	v3 =	vld [tilespmem:s16+$0x3A0]  }
0x1bc: {  	v11 =	vld [tilespmem:s12+$0x11820];
	_ =	sdelay $0x4  }
0x1bd: {  	v3 =	vmul.f32 v11, v3;
	_ =	sdelay $0x1  }
0x1be: {  	[tilespmem:s16+$0x3A0] =	vst v3;
	v3 =	vld [tilespmem:s16+$0x3B0]  }
0x1bf: {  	v12 =	vld [tilespmem:s12+$0x11830];
	_ =	sdelay $0x4  }
0x1c0: {  	v3 =	vmul.f32 v12, v3;
	_ =	sdelay $0x1  }
0x1c1: {  	[tilespmem:s16+$0x3B0] =	vst v3;
	v3 =	vld [tilespmem:s16+$0x3C0]  }
0x1c2: {  	v13 =	vld [tilespmem:s12+$0x11840];
	_ =	sdelay $0x4  }
0x1c3: {  	v3 =	vmul.f32 v13, v3;
	_ =	sdelay $0x1  }
0x1c4: {  	[tilespmem:s16+$0x3C0] =	vst v3;
	v3 =	vld [tilespmem:s16+$0x3D0]  }
0x1c5: {  	v14 =	vld [tilespmem:s12+$0x11850];
	_ =	sdelay $0x4  }
0x1c6: {  	v3 =	vmul.f32 v14, v3;
	_ =	sdelay $0x1  }
0x1c7: {  	[tilespmem:s16+$0x3D0] =	vst v3;
	v3 =	vld [tilespmem:s16+$0x3E0]  }
0x1c8: {  	(v2sf) =	vpush v2, $0x8;
	v15 =	vld [tilespmem:s12+$0x11860];
	_ =	sdelay $0x4  }
0x1c9: {  	v3 =	vmul.f32 v15, v3;
	_ =	sdelay $0x1  }
0x1ca: {  	[tilespmem:s16+$0x3E0] =	vst v3;
	v3 =	vld [tilespmem:s16+$0x3F0]  }
0x1cb: {  	v16 =	vld [tilespmem:s12+$0x11870];
	_ =	sdelay $0x4  }
0x1cc: {  	v3 =	vmul.f32 v16, v3;
	_ =	sdelay $0x1  }
0x1cd: {  	s14 =	spop (v2sf);
	[tilespmem:s16+$0x3F0] =	vst v3;
	v3 =	vld [tilespmem:s16+$0x400]  }
0x1ce: {  	v17 =	vld [tilespmem:s14+$0x11800];
	_ =	sdelay $0x4  }
0x1cf: {  	v3 =	vmul.f32 v17, v3;
	_ =	sdelay $0x1  }
0x1d0: {  	[tilespmem:s16+$0x400] =	vst v3;
	v3 =	vld [tilespmem:s16+$0x410]  }
0x1d1: {  	v18 =	vld [tilespmem:s14+$0x11810];
	_ =	sdelay $0x4  }
0x1d2: {  	v3 =	vmul.f32 v18, v3;
	_ =	sdelay $0x1  }
0x1d3: {  	[tilespmem:s16+$0x410] =	vst v3;
	v3 =	vld [tilespmem:s16+$0x420]  }
0x1d4: {  	v19 =	vld [tilespmem:s14+$0x11820];
	_ =	sdelay $0x4  }
0x1d5: {  	v3 =	vmul.f32 v19, v3;
	_ =	sdelay $0x1  }
0x1d6: {  	[tilespmem:s16+$0x420] =	vst v3;
	v3 =	vld [tilespmem:s16+$0x430]  }
0x1d7: {  	v20 =	vld [tilespmem:s14+$0x11830];
	_ =	sdelay $0x4  }
0x1d8: {  	v3 =	vmul.f32 v20, v3;
	_ =	sdelay $0x1  }
0x1d9: {  	[tilespmem:s16+$0x430] =	vst v3;
	v3 =	vld [tilespmem:s16+$0x440]  }
0x1da: {  	v21 =	vld [tilespmem:s14+$0x11840];
	_ =	sdelay $0x4  }
0x1db: {  	v3 =	vmul.f32 v21, v3;
	_ =	sdelay $0x1  }
0x1dc: {  	[tilespmem:s16+$0x440] =	vst v3;
	v3 =	vld [tilespmem:s16+$0x450]  }
0x1dd: {  	v22 =	vld [tilespmem:s14+$0x11850];
	_ =	sdelay $0x4  }
0x1de: {  	v3 =	vmul.f32 v22, v3;
	_ =	sdelay $0x1  }
0x1df: {  	[tilespmem:s16+$0x450] =	vst v3;
	v3 =	vld [tilespmem:s16+$0x460]  }
0x1e0: {  	(v2sf) =	vpush v2, $0x9;
	v23 =	vld [tilespmem:s14+$0x11860];
	_ =	sdelay $0x4  }
0x1e1: {  	v3 =	vmul.f32 v23, v3;
	_ =	sdelay $0x1  }
0x1e2: {  	[tilespmem:s16+$0x460] =	vst v3;
	v3 =	vld [tilespmem:s16+$0x470]  }
0x1e3: {  	v24 =	vld [tilespmem:s14+$0x11870];
	_ =	sdelay $0x4  }
0x1e4: {  	v3 =	vmul.f32 v24, v3;
	_ =	sdelay $0x1  }
0x1e5: {  	s17 =	spop (v2sf);
	[tilespmem:s16+$0x470] =	vst v3;
	v3 =	vld [tilespmem:s16+$0x480]  }
0x1e6: {  	v25 =	vld [tilespmem:s17+$0x11800];
	_ =	sdelay $0x4  }
0x1e7: {  	v3 =	vmul.f32 v25, v3;
	_ =	sdelay $0x1  }
0x1e8: {  	[tilespmem:s16+$0x480] =	vst v3;
	v3 =	vld [tilespmem:s16+$0x490]  }
0x1e9: {  	v26 =	vld [tilespmem:s17+$0x11810];
	_ =	sdelay $0x4  }
0x1ea: {  	v3 =	vmul.f32 v26, v3;
	_ =	sdelay $0x1  }
0x1eb: {  	[tilespmem:s16+$0x490] =	vst v3;
	v3 =	vld [tilespmem:s16+$0x4A0]  }
0x1ec: {  	v27 =	vld [tilespmem:s17+$0x11820];
	_ =	sdelay $0x4  }
0x1ed: {  	v3 =	vmul.f32 v27, v3;
	_ =	sdelay $0x1  }
0x1ee: {  	[tilespmem:s16+$0x4A0] =	vst v3;
	v3 =	vld [tilespmem:s16+$0x4B0]  }
0x1ef: {  	v28 =	vld [tilespmem:s17+$0x11830];
	_ =	sdelay $0x4  }
0x1f0: {  	v3 =	vmul.f32 v28, v3;
	_ =	sdelay $0x1  }
0x1f1: {  	[tilespmem:s16+$0x4B0] =	vst v3;
	v3 =	vld [tilespmem:s16+$0x4C0]  }
0x1f2: {  	v29 =	vld [tilespmem:s17+$0x11840];
	_ =	sdelay $0x4  }
0x1f3: {  	v3 =	vmul.f32 v29, v3;
	_ =	sdelay $0x1  }
0x1f4: {  	[tilespmem:s16+$0x4C0] =	vst v3;
	v3 =	vld [tilespmem:s16+$0x4D0]  }
0x1f5: {  	v30 =	vld [tilespmem:s17+$0x11850];
	_ =	sdelay $0x4  }
0x1f6: {  	v3 =	vmul.f32 v30, v3;
	_ =	sdelay $0x1  }
0x1f7: {  	[tilespmem:s16+$0x4D0] =	vst v3;
	v3 =	vld [tilespmem:s16+$0x4E0]  }
0x1f8: {  	(v2sf) =	vpush v2, $0xA;
	v31 =	vld [tilespmem:s17+$0x11860];
	_ =	sdelay $0x4  }
0x1f9: {  	v3 =	vmul.f32 v31, v3;
	_ =	sdelay $0x1  }
0x1fa: {  	[tilespmem:s16+$0x4E0] =	vst v3;
	v3 =	vld [tilespmem:s16+$0x4F0]  }
0x1fb: {  	v32 =	vld [tilespmem:s17+$0x11870];
	_ =	sdelay $0x4  }
0x1fc: {  	v3 =	vmul.f32 v32, v3;
	_ =	sdelay $0x1  }
0x1fd: {  	s18 =	spop (v2sf);
	[tilespmem:s16+$0x4F0] =	vst v3;
	v3 =	vld [tilespmem:s16+$0x500]  }
0x1fe: {  	v33 =	vld [tilespmem:s18+$0x11800];
	_ =	sdelay $0x4  }
0x1ff: {  	v3 =	vmul.f32 v33, v3;
	_ =	sdelay $0x1  }
0x200: {  	[tilespmem:s16+$0x500] =	vst v3;
	v3 =	vld [tilespmem:s16+$0x510]  }
0x201: {  	v34 =	vld [tilespmem:s18+$0x11810];
	_ =	sdelay $0x4  }
0x202: {  	v3 =	vmul.f32 v34, v3;
	_ =	sdelay $0x1  }
0x203: {  	[tilespmem:s16+$0x510] =	vst v3;
	v3 =	vld [tilespmem:s16+$0x520]  }
0x204: {  	v35 =	vld [tilespmem:s18+$0x11820];
	_ =	sdelay $0x4  }
0x205: {  	v3 =	vmul.f32 v35, v3;
	_ =	sdelay $0x1  }
0x206: {  	[tilespmem:s16+$0x520] =	vst v3;
	v3 =	vld [tilespmem:s16+$0x530]  }
0x207: {  	v36 =	vld [tilespmem:s18+$0x11830];
	_ =	sdelay $0x4  }
0x208: {  	v3 =	vmul.f32 v36, v3;
	_ =	sdelay $0x1  }
0x209: {  	[tilespmem:s16+$0x530] =	vst v3;
	v3 =	vld [tilespmem:s16+$0x540]  }
0x20a: {  	v37 =	vld [tilespmem:s18+$0x11840];
	_ =	sdelay $0x4  }
0x20b: {  	v3 =	vmul.f32 v37, v3;
	_ =	sdelay $0x1  }
0x20c: {  	[tilespmem:s16+$0x540] =	vst v3;
	v3 =	vld [tilespmem:s16+$0x550]  }
0x20d: {  	v38 =	vld [tilespmem:s18+$0x11850];
	_ =	sdelay $0x4  }
0x20e: {  	v3 =	vmul.f32 v38, v3;
	_ =	sdelay $0x1  }
0x20f: {  	[tilespmem:s16+$0x550] =	vst v3;
	v3 =	vld [tilespmem:s16+$0x560]  }
0x210: {  	(v2sf) =	vpush v2, $0xB;
	v39 =	vld [tilespmem:s18+$0x11860];
	_ =	sdelay $0x4  }
0x211: {  	v3 =	vmul.f32 v39, v3;
	_ =	sdelay $0x1  }
0x212: {  	[tilespmem:s16+$0x560] =	vst v3;
	v3 =	vld [tilespmem:s16+$0x570]  }
0x213: {  	v40 =	vld [tilespmem:s18+$0x11870];
	_ =	sdelay $0x4  }
0x214: {  	v3 =	vmul.f32 v40, v3;
	_ =	sdelay $0x1  }
0x215: {  	s11 =	spop (v2sf);
	[tilespmem:s16+$0x570] =	vst v3;
	v3 =	vld [tilespmem:s16+$0x580]  }
0x216: {  	v41 =	vld [tilespmem:s11+$0x11800];
	_ =	sdelay $0x4  }
0x217: {  	v3 =	vmul.f32 v41, v3;
	_ =	sdelay $0x1  }
0x218: {  	[tilespmem:s16+$0x580] =	vst v3;
	v3 =	vld [tilespmem:s16+$0x590]  }
0x219: {  	v42 =	vld [tilespmem:s11+$0x11810];
	_ =	sdelay $0x4  }
0x21a: {  	v3 =	vmul.f32 v42, v3;
	_ =	sdelay $0x1  }
0x21b: {  	[tilespmem:s16+$0x590] =	vst v3;
	v3 =	vld [tilespmem:s16+$0x5A0]  }
0x21c: {  	v43 =	vld [tilespmem:s11+$0x11820];
	_ =	sdelay $0x4  }
0x21d: {  	v3 =	vmul.f32 v43, v3;
	_ =	sdelay $0x1  }
0x21e: {  	[tilespmem:s16+$0x5A0] =	vst v3;
	v3 =	vld [tilespmem:s16+$0x5B0]  }
0x21f: {  	v44 =	vld [tilespmem:s11+$0x11830];
	_ =	sdelay $0x4  }
0x220: {  	v3 =	vmul.f32 v44, v3;
	_ =	sdelay $0x1  }
0x221: {  	[tilespmem:s16+$0x5B0] =	vst v3;
	v3 =	vld [tilespmem:s16+$0x5C0]  }
0x222: {  	v45 =	vld [tilespmem:s11+$0x11840];
	_ =	sdelay $0x4  }
0x223: {  	v3 =	vmul.f32 v45, v3;
	_ =	sdelay $0x1  }
0x224: {  	[tilespmem:s16+$0x5C0] =	vst v3;
	v3 =	vld [tilespmem:s16+$0x5D0]  }
0x225: {  	v46 =	vld [tilespmem:s11+$0x11850];
	_ =	sdelay $0x4  }
0x226: {  	v3 =	vmul.f32 v46, v3;
	_ =	sdelay $0x1  }
0x227: {  	[tilespmem:s16+$0x5D0] =	vst v3;
	v3 =	vld [tilespmem:s16+$0x5E0]  }
0x228: {  	(v2sf) =	vpush v2, $0xC;
	v47 =	vld [tilespmem:s11+$0x11860];
	_ =	sdelay $0x4  }
0x229: {  	v3 =	vmul.f32 v47, v3;
	_ =	sdelay $0x1  }
0x22a: {  	[tilespmem:s16+$0x5E0] =	vst v3;
	v3 =	vld [tilespmem:s16+$0x5F0]  }
0x22b: {  	v48 =	vld [tilespmem:s11+$0x11870];
	_ =	sdelay $0x4  }
0x22c: {  	v3 =	vmul.f32 v48, v3;
	_ =	sdelay $0x1  }
0x22d: {  	s12 =	spop (v2sf);
	[tilespmem:s16+$0x5F0] =	vst v3;
	v3 =	vld [tilespmem:s16+$0x600]  }
0x22e: {  	v49 =	vld [tilespmem:s12+$0x11800];
	_ =	sdelay $0x4  }
0x22f: {  	v3 =	vmul.f32 v49, v3;
	_ =	sdelay $0x1  }
0x230: {  	[tilespmem:s16+$0x600] =	vst v3;
	v3 =	vld [tilespmem:s16+$0x610]  }
0x231: {  	v50 =	vld [tilespmem:s12+$0x11810];
	_ =	sdelay $0x4  }
0x232: {  	v3 =	vmul.f32 v50, v3;
	_ =	sdelay $0x1  }
0x233: {  	[tilespmem:s16+$0x610] =	vst v3;
	v3 =	vld [tilespmem:s16+$0x620]  }
0x234: {  	v51 =	vld [tilespmem:s12+$0x11820];
	_ =	sdelay $0x4  }
0x235: {  	v3 =	vmul.f32 v51, v3;
	_ =	sdelay $0x1  }
0x236: {  	[tilespmem:s16+$0x620] =	vst v3;
	v3 =	vld [tilespmem:s16+$0x630]  }
0x237: {  	v52 =	vld [tilespmem:s12+$0x11830];
	_ =	sdelay $0x4  }
0x238: {  	v3 =	vmul.f32 v52, v3;
	_ =	sdelay $0x1  }
0x239: {  	[tilespmem:s16+$0x630] =	vst v3;
	v3 =	vld [tilespmem:s16+$0x640]  }
0x23a: {  	v53 =	vld [tilespmem:s12+$0x11840];
	_ =	sdelay $0x4  }
0x23b: {  	v3 =	vmul.f32 v53, v3;
	_ =	sdelay $0x1  }
0x23c: {  	[tilespmem:s16+$0x640] =	vst v3;
	v3 =	vld [tilespmem:s16+$0x650]  }
0x23d: {  	v54 =	vld [tilespmem:s12+$0x11850];
	_ =	sdelay $0x4  }
0x23e: {  	v3 =	vmul.f32 v54, v3;
	_ =	sdelay $0x1  }
0x23f: {  	[tilespmem:s16+$0x650] =	vst v3;
	v3 =	vld [tilespmem:s16+$0x660]  }
0x240: {  	(v2sf) =	vpush v2, $0xD;
	v55 =	vld [tilespmem:s12+$0x11860];
	_ =	sdelay $0x4  }
0x241: {  	v3 =	vmul.f32 v55, v3;
	_ =	sdelay $0x1  }
0x242: {  	[tilespmem:s16+$0x660] =	vst v3;
	v3 =	vld [tilespmem:s16+$0x670]  }
0x243: {  	v56 =	vld [tilespmem:s12+$0x11870];
	_ =	sdelay $0x4  }
0x244: {  	v3 =	vmul.f32 v56, v3;
	_ =	sdelay $0x1  }
0x245: {  	s14 =	spop (v2sf);
	[tilespmem:s16+$0x670] =	vst v3;
	v3 =	vld [tilespmem:s16+$0x680]  }
0x246: {  	v57 =	vld [tilespmem:s14+$0x11800];
	_ =	sdelay $0x4  }
0x247: {  	v3 =	vmul.f32 v57, v3;
	_ =	sdelay $0x1  }
0x248: {  	[tilespmem:s16+$0x680] =	vst v3;
	v3 =	vld [tilespmem:s16+$0x690]  }
0x249: {  	v58 =	vld [tilespmem:s14+$0x11810];
	_ =	sdelay $0x4  }
0x24a: {  	v3 =	vmul.f32 v58, v3;
	_ =	sdelay $0x1  }
0x24b: {  	[tilespmem:s16+$0x690] =	vst v3;
	v3 =	vld [tilespmem:s16+$0x6A0]  }
0x24c: {  	v59 =	vld [tilespmem:s14+$0x11820];
	_ =	sdelay $0x4  }
0x24d: {  	v3 =	vmul.f32 v59, v3;
	_ =	sdelay $0x1  }
0x24e: {  	[tilespmem:s16+$0x6A0] =	vst v3;
	v3 =	vld [tilespmem:s16+$0x6B0]  }
0x24f: {  	v60 =	vld [tilespmem:s14+$0x11830];
	_ =	sdelay $0x4  }
0x250: {  	v3 =	vmul.f32 v60, v3;
	_ =	sdelay $0x1  }
0x251: {  	[tilespmem:s16+$0x6B0] =	vst v3;
	v3 =	vld [tilespmem:s16+$0x6C0]  }
0x252: {  	v61 =	vld [tilespmem:s14+$0x11840];
	_ =	sdelay $0x4  }
0x253: {  	v3 =	vmul.f32 v61, v3;
	_ =	sdelay $0x1  }
0x254: {  	[tilespmem:s16+$0x6C0] =	vst v3;
	v3 =	vld [tilespmem:s16+$0x6D0]  }
0x255: {  	v62 =	vld [tilespmem:s14+$0x11850];
	_ =	sdelay $0x4  }
0x256: {  	v3 =	vmul.f32 v62, v3;
	_ =	sdelay $0x1  }
0x257: {  	[tilespmem:s16+$0x6D0] =	vst v3;
	v3 =	vld [tilespmem:s16+$0x6E0]  }
0x258: {  	(v2sf) =	vpush v2, $0xE;
	v63 =	vld [tilespmem:s14+$0x11860];
	_ =	sdelay $0x4  }
0x259: {  	v2 =	vmul.f32 v63, v3;
	_ =	sdelay $0x1  }
0x25a: {  	[tilespmem:s16+$0x6E0] =	vst v2;
	v2 =	vld [tilespmem:s16+$0x6F0]  }
0x25b: {  	v3 =	vld [tilespmem:s14+$0x11870];
	_ =	sdelay $0x4  }
0x25c: {  	v2 =	vmul.f32 v3, v2;
	_ =	sdelay $0x1  }
0x25d: {  	s17 =	spop (v2sf);
	[tilespmem:s16+$0x6F0] =	vst v2;
	v2 =	vld [tilespmem:s16+$0x700]  }
0x25e: {  	v3 =	vld [tilespmem:s17+$0x11800];
	_ =	sdelay $0x4  }
0x25f: {  	v2 =	vmul.f32 v3, v2;
	_ =	sdelay $0x1  }
0x260: {  	[tilespmem:s16+$0x700] =	vst v2;
	v2 =	vld [tilespmem:s16+$0x710]  }
0x261: {  	v3 =	vld [tilespmem:s17+$0x11810];
	_ =	sdelay $0x4  }
0x262: {  	v2 =	vmul.f32 v3, v2;
	_ =	sdelay $0x1  }
0x263: {  	[tilespmem:s16+$0x710] =	vst v2;
	v2 =	vld [tilespmem:s16+$0x720]  }
0x264: {  	v3 =	vld [tilespmem:s17+$0x11820];
	_ =	sdelay $0x4  }
0x265: {  	v2 =	vmul.f32 v3, v2;
	_ =	sdelay $0x1  }
0x266: {  	[tilespmem:s16+$0x720] =	vst v2;
	v2 =	vld [tilespmem:s16+$0x730]  }
0x267: {  	v3 =	vld [tilespmem:s17+$0x11830];
	_ =	sdelay $0x4  }
0x268: {  	v2 =	vmul.f32 v3, v2;
	_ =	sdelay $0x1  }
0x269: {  	[tilespmem:s16+$0x730] =	vst v2;
	v2 =	vld [tilespmem:s16+$0x740]  }
0x26a: {  	v3 =	vld [tilespmem:s17+$0x11840];
	_ =	sdelay $0x4  }
0x26b: {  	v2 =	vmul.f32 v3, v2;
	_ =	sdelay $0x1  }
0x26c: {  	[tilespmem:s16+$0x740] =	vst v2;
	v2 =	vld [tilespmem:s16+$0x750]  }
0x26d: {  	v3 =	vld [tilespmem:s17+$0x11850];
	_ =	sdelay $0x4  }
0x26e: {  	v2 =	vmul.f32 v3, v2;
	_ =	sdelay $0x1  }
0x26f: {  	[tilespmem:s16+$0x750] =	vst v2;
	v2 =	vld [tilespmem:s16+$0x760]  }
0x270: {  	v3 =	vld [tilespmem:s17+$0x11860];
	_ =	sdelay $0x4  }
0x271: {  	v2 =	vmul.f32 v3, v2;
	_ =	sdelay $0x1  }
0x272: {  	[tilespmem:s16+$0x760] =	vst v2;
	v2 =	vld [tilespmem:s16+$0x770]  }
0x273: {  	v3 =	vld [tilespmem:s17+$0x11870];
	_ =	sdelay $0x4  }
0x274: {  	v2 =	vmul.f32 v3, v2  }
0x275: {  	s18 =	sshll.u32 s15, $0x9  }
0x276: {  	s7 =	sshra.s32 s18, $0x2;
	[tilespmem:s16+$0x770] =	vst v2;
	v2 =	vld [tilespmem:s16+$0x780]  }
0x277: {  	v3 =	vld [tilespmem:s7+$0x11800];
	_ =	sdelay $0x4  }
0x278: {  	v2 =	vmul.f32 v3, v2;
	_ =	sdelay $0x1  }
0x279: {  	[tilespmem:s16+$0x780] =	vst v2;
	v2 =	vld [tilespmem:s16+$0x790]  }
0x27a: {  	v3 =	vld [tilespmem:s7+$0x11810];
	_ =	sdelay $0x4  }
0x27b: {  	v2 =	vmul.f32 v3, v2;
	_ =	sdelay $0x1  }
0x27c: {  	[tilespmem:s16+$0x790] =	vst v2;
	v2 =	vld [tilespmem:s16+$0x7A0]  }
0x27d: {  	v3 =	vld [tilespmem:s7+$0x11820];
	_ =	sdelay $0x4  }
0x27e: {  	v2 =	vmul.f32 v3, v2;
	_ =	sdelay $0x1  }
0x27f: {  	[tilespmem:s16+$0x7A0] =	vst v2;
	v2 =	vld [tilespmem:s16+$0x7B0]  }
0x280: {  	v3 =	vld [tilespmem:s7+$0x11830];
	_ =	sdelay $0x4  }
0x281: {  	v2 =	vmul.f32 v3, v2;
	_ =	sdelay $0x1  }
0x282: {  	[tilespmem:s16+$0x7B0] =	vst v2;
	v2 =	vld [tilespmem:s16+$0x7C0]  }
0x283: {  	v3 =	vld [tilespmem:s7+$0x11840];
	_ =	sdelay $0x4  }
0x284: {  	v2 =	vmul.f32 v3, v2;
	_ =	sdelay $0x1  }
0x285: {  	[tilespmem:s16+$0x7C0] =	vst v2;
	v2 =	vld [tilespmem:s16+$0x7D0]  }
0x286: {  	v3 =	vld [tilespmem:s7+$0x11850];
	_ =	sdelay $0x4  }
0x287: {  	v2 =	vmul.f32 v3, v2;
	_ =	sdelay $0x1  }
0x288: {  	[tilespmem:s16+$0x7D0] =	vst v2;
	v2 =	vld [tilespmem:s16+$0x7E0]  }
0x289: {  	v3 =	vld [tilespmem:s7+$0x11860];
	_ =	sdelay $0x4  }
0x28a: {  	v2 =	vmul.f32 v3, v2;
	_ =	sdelay $0x1  }
0x28b: {  	[tilespmem:s16+$0x7E0] =	vst v2;
	v2 =	vld [tilespmem:s16+$0x7F0]  }
0x28c: {  	v3 =	vld [tilespmem:s7+$0x11870];
	_ =	sdelay $0x4  }
0x28d: {  	v2 =	vmul.f32 v3, v2;
	_ =	sdelay $0x1  }
0x28e: {  	[tilespmem:s16+$0x7F0] =	vst v2  }
.LBB2_16:
0x28f: {  	s9 =	sadd.s32 $0x1, s9  }
0x290: {  	p1 =	sne.s32 s9, $0x8  }
.Ltmp7:
0x291: {  	_ = 	snop;
	(pc) =	sbr.rel @!p1 .LBB2_17-.Ltmp7, $2  }
0x292: {  	_ =	sdelay $0x2  }
0x293: {  	s13 =	sadd.s32 $0x800, s13  }
.LBB2_11:
0x294: {  	_ =	sdelay $0x2  }
0x295: {  	s7 =	sshll.u32 s9, $0x4  }
0x296: {  	v2 =	vld.idx.msk [tilespmem:v1+s7+$0x0 ss:$0x1], $0xffff;
	_ =	sdelay $0x4  }
0x297: {  	(v2sf) =	vpush v2, $0x0  }
0x298: {  	(v2sf) =	vpush v2, $0xF;
	_ =	sdelay $0xd  }
0x299: {  	s18 =	spop (v2sf)  }
0x29a: {  	s15 =	spop (v2sf)  }
0x29b: {  	p1 =	seq.s32 s18, s15  }
.Ltmp8:
0x29c: {  	_ = 	snop;
	(pc) =	sbr.rel @!p1 .LBB2_12-.Ltmp8, $3  }
0x29d: {  	_ =	sdelay $0x1  }
0x29e: {  	s7 =	sshll.u32 s18, $0x9  }
0x29f: {  	s7 =	sshra.s32 s7, $0x2  }
0x2a0: {  	v2 =	vld [tilespmem:s7+$0x11800]  }
0x2a1: {  	v7 =	vld [tilespmem:s7+$0x11810]  }
0x2a2: {  	v8 =	vld [tilespmem:s7+$0x11820]  }
0x2a3: {  	v6 =	vld [tilespmem:s7+$0x11830]  }
0x2a4: {  	v5 =	vld [tilespmem:s7+$0x11840]  }
0x2a5: {  	v4 =	vld [tilespmem:s7+$0x11850]  }
0x2a6: {  	v3 =	vld [tilespmem:s7+$0x11860]  }
0x2a7: {  	v9 =	vld [tilespmem:s7+$0x11870]  }
0x2a8: {  	v10 =	vld [tilespmem:s13+$0x70]  }
0x2a9: {  	v11 =	vld [tilespmem:s13+$0xFFFFFF90]  }
0x2aa: {  	v12 =	vld [tilespmem:s13+$0xFFFFFFA0]  }
0x2ab: {  	v13 =	vld [tilespmem:s13+$0xFFFFFFB0]  }
0x2ac: {  	v14 =	vld [tilespmem:s13+$0xFFFFFFC0]  }
0x2ad: {  	v15 =	vld [tilespmem:s13+$0xFFFFFFD0];
	v10 =	vmul.f32 v10, v9  }
0x2ae: {  	v16 =	vld [tilespmem:s13+$0xFFFFFFE0];
	v11 =	vmul.f32 v11, v7  }
0x2af: {  	v17 =	vld [tilespmem:s13+$0xFFFFFFF0];
	v12 =	vmul.f32 v12, v8;
	[tilespmem:s13+$0x70] =	vst v10  }
0x2b0: {  	[tilespmem:s13+$0xFFFFFF90] =	vst v11;
	v10 =	vmul.f32 v13, v6;
	v13 =	vld [tilespmem:s13+$0x0]  }
0x2b1: {  	[tilespmem:s13+$0xFFFFFFA0] =	vst v12;
	v11 =	vmul.f32 v14, v5;
	v14 =	vld [tilespmem:s13+$0x10]  }
0x2b2: {  	v18 =	vld [tilespmem:s13+$0x20];
	v12 =	vmul.f32 v15, v4;
	[tilespmem:s13+$0xFFFFFFB0] =	vst v10  }
0x2b3: {  	v15 =	vmul.f32 v16, v3;
	[tilespmem:s13+$0xFFFFFFC0] =	vst v11;
	v10 =	vld [tilespmem:s13+$0x30]  }
0x2b4: {  	v16 =	vmul.f32 v17, v9;
	[tilespmem:s13+$0xFFFFFFD0] =	vst v12;
	v11 =	vld [tilespmem:s13+$0x40]  }
0x2b5: {  	[tilespmem:s13+$0xFFFFFFE0] =	vst v15;
	v12 =	vld [tilespmem:s13+$0x50];
	v17 =	vmul.f32 v13, v2  }
0x2b6: {  	[tilespmem:s13+$0xFFFFFFF0] =	vst v16;
	v13 =	vld [tilespmem:s13+$0x60];
	v15 =	vmul.f32 v14, v7  }
0x2b7: {  	s15 =	simm.s32 $0x0;
	s16 =	sadd.s32 $0x100, s13;
	s7 =	smov.u32 s13;
	v16 =	vmul.f32 v18, v8;
	v14 =	vld [tilespmem:s13+$0xFFFFFF80];
	[tilespmem:s13+$0x0] =	vst v17  }
.LBB2_14:
0x2b8: {  	v17 =	vld [tilespmem:s16+$0x70];
	s15 =	sadd.s32 $0x2, s15;
	[tilespmem:s7+$0x10] =	vst v15;
	v10 =	vmul.f32 v10, v6  }
0x2b9: {  	v15 =	vld [tilespmem:s16+$0xFFFFFF90];
	p1 =	slt.u32 s15, $0xE;
	[tilespmem:s7+$0x20] =	vst v16;
	v11 =	vmul.f32 v11, v5  }
0x2ba: {  	v16 =	vld [tilespmem:s16+$0xFFFFFFA0];
	[tilespmem:s7+$0x30] =	vst v10;
	v10 =	vmul.f32 v12, v4  }
0x2bb: {  	v12 =	vld [tilespmem:s16+$0xFFFFFFB0];
	[tilespmem:s7+$0x40] =	vst v11;
	v11 =	vmul.f32 v13, v3  }
0x2bc: {  	v13 =	vld [tilespmem:s16+$0xFFFFFFC0];
	v14 =	vmul.f32 v14, v2;
	[tilespmem:s7+$0x50] =	vst v10  }
0x2bd: {  	v10 =	vld [tilespmem:s16+$0xFFFFFFD0];
	v17 =	vmul.f32 v17, v9;
	[tilespmem:s7+$0x60] =	vst v11  }
0x2be: {  	v11 =	vmul.f32 v15, v7;
	v15 =	vld [tilespmem:s16+$0xFFFFFFE0];
	[tilespmem:s7+$0xFFFFFF80] =	vst v14;
	s7 =	smov.u32 s16  }
0x2bf: {  	v14 =	vmul.f32 v16, v8;
	v16 =	vld [tilespmem:s16+$0xFFFFFFF0];
	[tilespmem:s16+$0x70] =	vst v17  }
0x2c0: {  	[tilespmem:s16+$0xFFFFFF90] =	vst v11;
	v11 =	vmul.f32 v12, v6;
	v12 =	vld [tilespmem:s16+$0x0]  }
0x2c1: {  	[tilespmem:s16+$0xFFFFFFA0] =	vst v14;
	v13 =	vmul.f32 v13, v5;
	v14 =	vld [tilespmem:s16+$0x10]  }
0x2c2: {  	[tilespmem:s16+$0xFFFFFFB0] =	vst v11;
	v11 =	vmul.f32 v10, v4;
	v17 =	vld [tilespmem:s16+$0x20]  }
.Ltmp9:
0x2c3: {  	[tilespmem:s16+$0xFFFFFFC0] =	vst v13;
	v13 =	vmul.f32 v15, v3;
	v10 =	vld [tilespmem:s16+$0x30];
	(pc) =	sbr.rel @p1 .LBB2_14-.Ltmp9, $4  }
0x2c4: {  	[tilespmem:s16+$0xFFFFFFD0] =	vst v11;
	v15 =	vmul.f32 v16, v9;
	v11 =	vld [tilespmem:s16+$0x40]  }
0x2c5: {  	[tilespmem:s16+$0xFFFFFFE0] =	vst v13;
	v16 =	vmul.f32 v12, v2;
	v12 =	vld [tilespmem:s16+$0x50]  }
0x2c6: {  	[tilespmem:s16+$0xFFFFFFF0] =	vst v15;
	v15 =	vmul.f32 v14, v7;
	v13 =	vld [tilespmem:s16+$0x60]  }
0x2c7: {  	s16 =	sadd.s32 $0x100, s16;
	v14 =	vld [tilespmem:s7+$0xFFFFFF80];
	[tilespmem:s7+$0x0] =	vst v16;
	v16 =	vmul.f32 v17, v8  }
0x2c8: {  	[tilespmem:s7+$0x10] =	vst v15;
	v6 =	vmul.f32 v10, v6  }
0x2c9: {  	[tilespmem:s7+$0x20] =	vst v16;
	v5 =	vmul.f32 v11, v5  }
.Ltmp10:
0x2ca: {  	[tilespmem:s7+$0x30] =	vst v6;
	v4 =	vmul.f32 v12, v4;
	(pc) =	sbr.rel .LBB2_16-.Ltmp10, $4  }
0x2cb: {  	[tilespmem:s7+$0x40] =	vst v5;
	v3 =	vmul.f32 v13, v3  }
0x2cc: {  	v2 =	vmul.f32 v14, v2;
	[tilespmem:s7+$0x50] =	vst v4  }
0x2cd: {  	[tilespmem:s7+$0x60] =	vst v3  }
0x2ce: {  	[tilespmem:s7+$0xFFFFFF80] =	vst v2  }
.LBB2_17:
0x2cf: {  	s7 =	sshll.u32 s1, $0x11  }
0x2d0: {  	s7 =	sadd.s32 s6, s7  }
0x2d1: {  	s16 =	sor.u32 $0x100, s10;
	s7 =	sshrl.u32 s7, $0x3  }
0x2d2: {  	p1 =	seq.s32 s1, $0x0;
	s15 =	sadd.s32 s8, s16;
	s7 =	sadd.s32 s2, s7  }
0x2d3: {  	[hbm4b:s7+s19] =	stream.strided.scatter [tilespmem:s5], [sflag:$0x5], $0x4000, s20, s19, $0x38;
	[tilespmem:$0x12080] =	vst v63  }
0x2d4: {  	s9 =	simm.s32 @!p1 $0x7;
	s7 =	sshll.u32 s15, $0x8  }
0x2d5: {  	_ =	swait.ge @!p1 [sflag:s9], $0x4000;
	s7 =	sor.u32 s4, s7  }
0x2d6: {  	[sflag:s9] =	ssyncset.done @!p1 $0x0;
	s13 =	sshrl.u32 s7, $0x3  }
0x2d7: {  	s17 =	sshll.u32 s1, $0x2;
	[sflag:s9] =	ssyncadd.s32 @!p1 $0xFFFFC000;
	s18 =	sadd.s32 s0, s13  }
0x2d8: {  	[tilespmem:s26], [sflag:$0x3] =	stream.strided.gather [hbm4b:s18+s19], $0x4000, s20, s19, $0x38;
	[tilespmem:$0x12080] =	vst v63  }
.Ltmp11:
0x2d9: {  	s9 =	sor.u32 $0x1, s17;
	(pc) =	sbr.rel .LBB2_18-.Ltmp11, $4  }
0x2da: {  	s7 =	sshll.u32 s9, $0x7  }
0x2db: {  	_ =	swait.ge [sflag:s29], $0x4000;
	s7 =	sand.u32 $0x3FFFFF80, s7  }
0x2dc: {  	[sflag:s29] =	ssyncset.done $0x0;
	s7 =	sadd.s32 $0x10000, s7  }
0x2dd: {  	s17 =	simm.s32 $0x0;
	s18 =	simm.s32 $0x40F0;
	[sflag:s29] =	ssyncadd.s32 $0xFFFFC000;
	v1 =	vmov s7  }
.LBB2_19:
0x2de: {  	s11 =	sor.u32 $0x80, s14  }
0x2df: {  	s11 =	sshll.u32 s11, $0x7  }
0x2e0: {  	v4 =	vld [tilespmem:s7+$0x11800];
	s11 =	sand.u32 $0x3FFFFF80, s11  }
0x2e1: {  	v3 =	vld [tilespmem:s11+$0x0];
	_ =	sdelay $0x4  }
0x2e2: {  	v3 =	vmul.f32 v4, v3;
	_ =	sdelay $0x1  }
0x2e3: {  	[tilespmem:s11+$0x0] =	vst v3;
	v3 =	vld [tilespmem:s11+$0x10]  }
0x2e4: {  	v10 =	vld [tilespmem:s7+$0x11810];
	_ =	sdelay $0x4  }
0x2e5: {  	v3 =	vmul.f32 v10, v3;
	_ =	sdelay $0x1  }
0x2e6: {  	[tilespmem:s11+$0x10] =	vst v3;
	v3 =	vld [tilespmem:s11+$0x20]  }
0x2e7: {  	v11 =	vld [tilespmem:s7+$0x11820];
	_ =	sdelay $0x4  }
0x2e8: {  	v3 =	vmul.f32 v11, v3;
	_ =	sdelay $0x1  }
0x2e9: {  	[tilespmem:s11+$0x20] =	vst v3;
	v3 =	vld [tilespmem:s11+$0x30]  }
0x2ea: {  	v12 =	vld [tilespmem:s7+$0x11830];
	_ =	sdelay $0x4  }
0x2eb: {  	v3 =	vmul.f32 v12, v3;
	_ =	sdelay $0x1  }
0x2ec: {  	[tilespmem:s11+$0x30] =	vst v3;
	v3 =	vld [tilespmem:s11+$0x40]  }
0x2ed: {  	v13 =	vld [tilespmem:s7+$0x11840];
	_ =	sdelay $0x4  }
0x2ee: {  	v3 =	vmul.f32 v13, v3;
	_ =	sdelay $0x1  }
0x2ef: {  	[tilespmem:s11+$0x40] =	vst v3;
	v3 =	vld [tilespmem:s11+$0x50]  }
0x2f0: {  	v14 =	vld [tilespmem:s7+$0x11850];
	_ =	sdelay $0x4  }
0x2f1: {  	v3 =	vmul.f32 v14, v3;
	_ =	sdelay $0x1  }
0x2f2: {  	v2 =	vshll.u32 v2, $0x9;
	[tilespmem:s11+$0x50] =	vst v3;
	v3 =	vld [tilespmem:s11+$0x60]  }
0x2f3: {  	v2 =	vshra.s32 v2, $0x2;
	v15 =	vld [tilespmem:s7+$0x11860]  }
0x2f4: {  	(v2sf) =	vpush v2, $0x1;
	_ =	sdelay $0x3  }
0x2f5: {  	v3 =	vmul.f32 v15, v3;
	_ =	sdelay $0x1  }
0x2f6: {  	[tilespmem:s11+$0x60] =	vst v3;
	v3 =	vld [tilespmem:s11+$0x70]  }
0x2f7: {  	v16 =	vld [tilespmem:s7+$0x11870];
	_ =	sdelay $0x4  }
0x2f8: {  	v3 =	vmul.f32 v16, v3  }
0x2f9: {  	s14 =	sshll.u32 s17, $0xB  }
0x2fa: {  	s7 =	sand.u32 $0x3FFFF800, s14;
	[tilespmem:s11+$0x70] =	vst v3  }
0x2fb: {  	s12 =	spop (v2sf);
	v3 =	vld [tilespmem:s7+$0x4080]  }
0x2fc: {  	v17 =	vld [tilespmem:s12+$0x11800];
	_ =	sdelay $0x4  }
0x2fd: {  	v3 =	vmul.f32 v17, v3;
	_ =	sdelay $0x1  }
0x2fe: {  	[tilespmem:s7+$0x4080] =	vst v3;
	v3 =	vld [tilespmem:s7+$0x4090]  }
0x2ff: {  	v18 =	vld [tilespmem:s12+$0x11810];
	_ =	sdelay $0x4  }
0x300: {  	v3 =	vmul.f32 v18, v3;
	_ =	sdelay $0x1  }
0x301: {  	[tilespmem:s7+$0x4090] =	vst v3;
	v3 =	vld [tilespmem:s7+$0x40A0]  }
0x302: {  	v19 =	vld [tilespmem:s12+$0x11820];
	_ =	sdelay $0x4  }
0x303: {  	v3 =	vmul.f32 v19, v3;
	_ =	sdelay $0x1  }
0x304: {  	[tilespmem:s7+$0x40A0] =	vst v3;
	v3 =	vld [tilespmem:s7+$0x40B0]  }
0x305: {  	v20 =	vld [tilespmem:s12+$0x11830];
	_ =	sdelay $0x4  }
0x306: {  	v3 =	vmul.f32 v20, v3;
	_ =	sdelay $0x1  }
0x307: {  	[tilespmem:s7+$0x40B0] =	vst v3;
	v3 =	vld [tilespmem:s7+$0x40C0]  }
0x308: {  	v21 =	vld [tilespmem:s12+$0x11840];
	_ =	sdelay $0x4  }
0x309: {  	v3 =	vmul.f32 v21, v3;
	_ =	sdelay $0x1  }
0x30a: {  	[tilespmem:s7+$0x40C0] =	vst v3;
	v3 =	vld [tilespmem:s7+$0x40D0]  }
0x30b: {  	v22 =	vld [tilespmem:s12+$0x11850];
	_ =	sdelay $0x4  }
0x30c: {  	v3 =	vmul.f32 v22, v3;
	_ =	sdelay $0x1  }
0x30d: {  	[tilespmem:s7+$0x40D0] =	vst v3;
	v3 =	vld [tilespmem:s7+$0x40E0]  }
0x30e: {  	(v2sf) =	vpush v2, $0x2;
	v23 =	vld [tilespmem:s12+$0x11860];
	_ =	sdelay $0x4  }
0x30f: {  	v3 =	vmul.f32 v23, v3;
	_ =	sdelay $0x1  }
0x310: {  	[tilespmem:s7+$0x40E0] =	vst v3;
	v3 =	vld [tilespmem:s7+$0x40F0]  }
0x311: {  	v24 =	vld [tilespmem:s12+$0x11870];
	_ =	sdelay $0x4  }
0x312: {  	v3 =	vmul.f32 v24, v3;
	_ =	sdelay $0x1  }
0x313: {  	s14 =	spop (v2sf);
	[tilespmem:s7+$0x40F0] =	vst v3;
	v3 =	vld [tilespmem:s7+$0x4100]  }
0x314: {  	v25 =	vld [tilespmem:s14+$0x11800];
	_ =	sdelay $0x4  }
0x315: {  	v3 =	vmul.f32 v25, v3;
	_ =	sdelay $0x1  }
0x316: {  	[tilespmem:s7+$0x4100] =	vst v3;
	v3 =	vld [tilespmem:s7+$0x4110]  }
0x317: {  	v26 =	vld [tilespmem:s14+$0x11810];
	_ =	sdelay $0x4  }
0x318: {  	v3 =	vmul.f32 v26, v3;
	_ =	sdelay $0x1  }
0x319: {  	[tilespmem:s7+$0x4110] =	vst v3;
	v3 =	vld [tilespmem:s7+$0x4120]  }
0x31a: {  	v27 =	vld [tilespmem:s14+$0x11820];
	_ =	sdelay $0x4  }
0x31b: {  	v3 =	vmul.f32 v27, v3;
	_ =	sdelay $0x1  }
0x31c: {  	[tilespmem:s7+$0x4120] =	vst v3;
	v3 =	vld [tilespmem:s7+$0x4130]  }
0x31d: {  	v28 =	vld [tilespmem:s14+$0x11830];
	_ =	sdelay $0x4  }
0x31e: {  	v3 =	vmul.f32 v28, v3;
	_ =	sdelay $0x1  }
0x31f: {  	[tilespmem:s7+$0x4130] =	vst v3;
	v3 =	vld [tilespmem:s7+$0x4140]  }
0x320: {  	v29 =	vld [tilespmem:s14+$0x11840];
	_ =	sdelay $0x4  }
0x321: {  	v3 =	vmul.f32 v29, v3;
	_ =	sdelay $0x1  }
0x322: {  	[tilespmem:s7+$0x4140] =	vst v3;
	v3 =	vld [tilespmem:s7+$0x4150]  }
0x323: {  	v30 =	vld [tilespmem:s14+$0x11850];
	_ =	sdelay $0x4  }
0x324: {  	v3 =	vmul.f32 v30, v3;
	_ =	sdelay $0x1  }
0x325: {  	[tilespmem:s7+$0x4150] =	vst v3;
	v3 =	vld [tilespmem:s7+$0x4160]  }
0x326: {  	(v2sf) =	vpush v2, $0x3;
	v31 =	vld [tilespmem:s14+$0x11860];
	_ =	sdelay $0x4  }
0x327: {  	v3 =	vmul.f32 v31, v3;
	_ =	sdelay $0x1  }
0x328: {  	[tilespmem:s7+$0x4160] =	vst v3;
	v3 =	vld [tilespmem:s7+$0x4170]  }
0x329: {  	v32 =	vld [tilespmem:s14+$0x11870];
	_ =	sdelay $0x4  }
0x32a: {  	v3 =	vmul.f32 v32, v3;
	_ =	sdelay $0x1  }
0x32b: {  	s12 =	spop (v2sf);
	[tilespmem:s7+$0x4170] =	vst v3;
	v3 =	vld [tilespmem:s7+$0x4180]  }
0x32c: {  	v33 =	vld [tilespmem:s12+$0x11800];
	_ =	sdelay $0x4  }
0x32d: {  	v3 =	vmul.f32 v33, v3;
	_ =	sdelay $0x1  }
0x32e: {  	[tilespmem:s7+$0x4180] =	vst v3;
	v3 =	vld [tilespmem:s7+$0x4190]  }
0x32f: {  	v34 =	vld [tilespmem:s12+$0x11810];
	_ =	sdelay $0x4  }
0x330: {  	v3 =	vmul.f32 v34, v3;
	_ =	sdelay $0x1  }
0x331: {  	[tilespmem:s7+$0x4190] =	vst v3;
	v3 =	vld [tilespmem:s7+$0x41A0]  }
0x332: {  	v35 =	vld [tilespmem:s12+$0x11820];
	_ =	sdelay $0x4  }
0x333: {  	v3 =	vmul.f32 v35, v3;
	_ =	sdelay $0x1  }
0x334: {  	[tilespmem:s7+$0x41A0] =	vst v3;
	v3 =	vld [tilespmem:s7+$0x41B0]  }
0x335: {  	v36 =	vld [tilespmem:s12+$0x11830];
	_ =	sdelay $0x4  }
0x336: {  	v3 =	vmul.f32 v36, v3;
	_ =	sdelay $0x1  }
0x337: {  	[tilespmem:s7+$0x41B0] =	vst v3;
	v3 =	vld [tilespmem:s7+$0x41C0]  }
0x338: {  	v37 =	vld [tilespmem:s12+$0x11840];
	_ =	sdelay $0x4  }
0x339: {  	v3 =	vmul.f32 v37, v3;
	_ =	sdelay $0x1  }
0x33a: {  	[tilespmem:s7+$0x41C0] =	vst v3;
	v3 =	vld [tilespmem:s7+$0x41D0]  }
0x33b: {  	v38 =	vld [tilespmem:s12+$0x11850];
	_ =	sdelay $0x4  }
0x33c: {  	v3 =	vmul.f32 v38, v3;
	_ =	sdelay $0x1  }
0x33d: {  	[tilespmem:s7+$0x41D0] =	vst v3;
	v3 =	vld [tilespmem:s7+$0x41E0]  }
0x33e: {  	(v2sf) =	vpush v2, $0x4;
	v39 =	vld [tilespmem:s12+$0x11860];
	_ =	sdelay $0x4  }
0x33f: {  	v3 =	vmul.f32 v39, v3;
	_ =	sdelay $0x1  }
0x340: {  	[tilespmem:s7+$0x41E0] =	vst v3;
	v3 =	vld [tilespmem:s7+$0x41F0]  }
0x341: {  	v40 =	vld [tilespmem:s12+$0x11870];
	_ =	sdelay $0x4  }
0x342: {  	v3 =	vmul.f32 v40, v3;
	_ =	sdelay $0x1  }
0x343: {  	s14 =	spop (v2sf);
	[tilespmem:s7+$0x41F0] =	vst v3;
	v3 =	vld [tilespmem:s7+$0x4200]  }
0x344: {  	v41 =	vld [tilespmem:s14+$0x11800];
	_ =	sdelay $0x4  }
0x345: {  	v3 =	vmul.f32 v41, v3;
	_ =	sdelay $0x1  }
0x346: {  	[tilespmem:s7+$0x4200] =	vst v3;
	v3 =	vld [tilespmem:s7+$0x4210]  }
0x347: {  	v42 =	vld [tilespmem:s14+$0x11810];
	_ =	sdelay $0x4  }
0x348: {  	v3 =	vmul.f32 v42, v3;
	_ =	sdelay $0x1  }
0x349: {  	[tilespmem:s7+$0x4210] =	vst v3;
	v3 =	vld [tilespmem:s7+$0x4220]  }
0x34a: {  	v43 =	vld [tilespmem:s14+$0x11820];
	_ =	sdelay $0x4  }
0x34b: {  	v3 =	vmul.f32 v43, v3;
	_ =	sdelay $0x1  }
0x34c: {  	[tilespmem:s7+$0x4220] =	vst v3;
	v3 =	vld [tilespmem:s7+$0x4230]  }
0x34d: {  	v44 =	vld [tilespmem:s14+$0x11830];
	_ =	sdelay $0x4  }
0x34e: {  	v3 =	vmul.f32 v44, v3;
	_ =	sdelay $0x1  }
0x34f: {  	[tilespmem:s7+$0x4230] =	vst v3;
	v3 =	vld [tilespmem:s7+$0x4240]  }
0x350: {  	v45 =	vld [tilespmem:s14+$0x11840];
	_ =	sdelay $0x4  }
0x351: {  	v3 =	vmul.f32 v45, v3;
	_ =	sdelay $0x1  }
0x352: {  	[tilespmem:s7+$0x4240] =	vst v3;
	v3 =	vld [tilespmem:s7+$0x4250]  }
0x353: {  	v46 =	vld [tilespmem:s14+$0x11850];
	_ =	sdelay $0x4  }
0x354: {  	v3 =	vmul.f32 v46, v3;
	_ =	sdelay $0x1  }
0x355: {  	[tilespmem:s7+$0x4250] =	vst v3;
	v3 =	vld [tilespmem:s7+$0x4260]  }
0x356: {  	(v2sf) =	vpush v2, $0x5;
	v47 =	vld [tilespmem:s14+$0x11860];
	_ =	sdelay $0x4  }
0x357: {  	v3 =	vmul.f32 v47, v3;
	_ =	sdelay $0x1  }
0x358: {  	[tilespmem:s7+$0x4260] =	vst v3;
	v3 =	vld [tilespmem:s7+$0x4270]  }
0x359: {  	v48 =	vld [tilespmem:s14+$0x11870];
	_ =	sdelay $0x4  }
0x35a: {  	v3 =	vmul.f32 v48, v3;
	_ =	sdelay $0x1  }
0x35b: {  	s12 =	spop (v2sf);
	[tilespmem:s7+$0x4270] =	vst v3;
	v3 =	vld [tilespmem:s7+$0x4280]  }
0x35c: {  	v49 =	vld [tilespmem:s12+$0x11800];
	_ =	sdelay $0x4  }
0x35d: {  	v3 =	vmul.f32 v49, v3;
	_ =	sdelay $0x1  }
0x35e: {  	[tilespmem:s7+$0x4280] =	vst v3;
	v3 =	vld [tilespmem:s7+$0x4290]  }
0x35f: {  	v50 =	vld [tilespmem:s12+$0x11810];
	_ =	sdelay $0x4  }
0x360: {  	v3 =	vmul.f32 v50, v3;
	_ =	sdelay $0x1  }
0x361: {  	[tilespmem:s7+$0x4290] =	vst v3;
	v3 =	vld [tilespmem:s7+$0x42A0]  }
0x362: {  	v51 =	vld [tilespmem:s12+$0x11820];
	_ =	sdelay $0x4  }
0x363: {  	v3 =	vmul.f32 v51, v3;
	_ =	sdelay $0x1  }
0x364: {  	[tilespmem:s7+$0x42A0] =	vst v3;
	v3 =	vld [tilespmem:s7+$0x42B0]  }
0x365: {  	v52 =	vld [tilespmem:s12+$0x11830];
	_ =	sdelay $0x4  }
0x366: {  	v3 =	vmul.f32 v52, v3;
	_ =	sdelay $0x1  }
0x367: {  	[tilespmem:s7+$0x42B0] =	vst v3;
	v3 =	vld [tilespmem:s7+$0x42C0]  }
0x368: {  	v53 =	vld [tilespmem:s12+$0x11840];
	_ =	sdelay $0x4  }
0x369: {  	v3 =	vmul.f32 v53, v3;
	_ =	sdelay $0x1  }
0x36a: {  	[tilespmem:s7+$0x42C0] =	vst v3;
	v3 =	vld [tilespmem:s7+$0x42D0]  }
0x36b: {  	v54 =	vld [tilespmem:s12+$0x11850];
	_ =	sdelay $0x4  }
0x36c: {  	v3 =	vmul.f32 v54, v3;
	_ =	sdelay $0x1  }
0x36d: {  	[tilespmem:s7+$0x42D0] =	vst v3;
	v3 =	vld [tilespmem:s7+$0x42E0]  }
0x36e: {  	(v2sf) =	vpush v2, $0x6;
	v55 =	vld [tilespmem:s12+$0x11860];
	_ =	sdelay $0x4  }
0x36f: {  	v3 =	vmul.f32 v55, v3;
	_ =	sdelay $0x1  }
0x370: {  	[tilespmem:s7+$0x42E0] =	vst v3;
	v3 =	vld [tilespmem:s7+$0x42F0]  }
0x371: {  	v56 =	vld [tilespmem:s12+$0x11870];
	_ =	sdelay $0x4  }
0x372: {  	v3 =	vmul.f32 v56, v3;
	_ =	sdelay $0x1  }
0x373: {  	s14 =	spop (v2sf);
	[tilespmem:s7+$0x42F0] =	vst v3;
	v3 =	vld [tilespmem:s7+$0x4300]  }
0x374: {  	v57 =	vld [tilespmem:s14+$0x11800];
	_ =	sdelay $0x4  }
0x375: {  	v3 =	vmul.f32 v57, v3;
	_ =	sdelay $0x1  }
0x376: {  	[tilespmem:s7+$0x4300] =	vst v3;
	v3 =	vld [tilespmem:s7+$0x4310]  }
0x377: {  	v58 =	vld [tilespmem:s14+$0x11810];
	_ =	sdelay $0x4  }
0x378: {  	v3 =	vmul.f32 v58, v3;
	_ =	sdelay $0x1  }
0x379: {  	[tilespmem:s7+$0x4310] =	vst v3;
	v3 =	vld [tilespmem:s7+$0x4320]  }
0x37a: {  	v59 =	vld [tilespmem:s14+$0x11820];
	_ =	sdelay $0x4  }
0x37b: {  	v3 =	vmul.f32 v59, v3;
	_ =	sdelay $0x1  }
0x37c: {  	[tilespmem:s7+$0x4320] =	vst v3;
	v3 =	vld [tilespmem:s7+$0x4330]  }
0x37d: {  	v60 =	vld [tilespmem:s14+$0x11830];
	_ =	sdelay $0x4  }
0x37e: {  	v3 =	vmul.f32 v60, v3;
	_ =	sdelay $0x1  }
0x37f: {  	[tilespmem:s7+$0x4330] =	vst v3;
	v3 =	vld [tilespmem:s7+$0x4340]  }
0x380: {  	v61 =	vld [tilespmem:s14+$0x11840];
	_ =	sdelay $0x4  }
0x381: {  	v3 =	vmul.f32 v61, v3;
	_ =	sdelay $0x1  }
0x382: {  	[tilespmem:s7+$0x4340] =	vst v3;
	v3 =	vld [tilespmem:s7+$0x4350]  }
0x383: {  	v62 =	vld [tilespmem:s14+$0x11850];
	_ =	sdelay $0x4  }
0x384: {  	v3 =	vmul.f32 v62, v3;
	_ =	sdelay $0x1  }
0x385: {  	[tilespmem:s7+$0x4350] =	vst v3;
	v3 =	vld [tilespmem:s7+$0x4360]  }
0x386: {  	(v2sf) =	vpush v2, $0x7;
	v63 =	vld [tilespmem:s14+$0x11860];
	_ =	sdelay $0x4  }
0x387: {  	v3 =	vmul.f32 v63, v3;
	_ =	sdelay $0x1  }
0x388: {  	[tilespmem:s7+$0x4360] =	vst v3;
	v3 =	vld [tilespmem:s7+$0x4370]  }
0x389: {  	v8 =	vld [tilespmem:s14+$0x11870];
	_ =	sdelay $0x4  }
0x38a: {  	v3 =	vmul.f32 v8, v3;
	_ =	sdelay $0x1  }
0x38b: {  	s12 =	spop (v2sf);
	[tilespmem:s7+$0x4370] =	vst v3;
	v3 =	vld [tilespmem:s7+$0x4380]  }
0x38c: {  	v9 =	vld [tilespmem:s12+$0x11800];
	_ =	sdelay $0x4  }
0x38d: {  	v3 =	vmul.f32 v9, v3;
	_ =	sdelay $0x1  }
0x38e: {  	[tilespmem:s7+$0x4380] =	vst v3;
	v3 =	vld [tilespmem:s7+$0x4390]  }
0x38f: {  	v10 =	vld [tilespmem:s12+$0x11810];
	_ =	sdelay $0x4  }
0x390: {  	v3 =	vmul.f32 v10, v3;
	_ =	sdelay $0x1  }
0x391: {  	[tilespmem:s7+$0x4390] =	vst v3;
	v3 =	vld [tilespmem:s7+$0x43A0]  }
0x392: {  	v11 =	vld [tilespmem:s12+$0x11820];
	_ =	sdelay $0x4  }
0x393: {  	v3 =	vmul.f32 v11, v3;
	_ =	sdelay $0x1  }
0x394: {  	[tilespmem:s7+$0x43A0] =	vst v3;
	v3 =	vld [tilespmem:s7+$0x43B0]  }
0x395: {  	v12 =	vld [tilespmem:s12+$0x11830];
	_ =	sdelay $0x4  }
0x396: {  	v3 =	vmul.f32 v12, v3;
	_ =	sdelay $0x1  }
0x397: {  	[tilespmem:s7+$0x43B0] =	vst v3;
	v3 =	vld [tilespmem:s7+$0x43C0]  }
0x398: {  	v13 =	vld [tilespmem:s12+$0x11840];
	_ =	sdelay $0x4  }
0x399: {  	v3 =	vmul.f32 v13, v3;
	_ =	sdelay $0x1  }
0x39a: {  	[tilespmem:s7+$0x43C0] =	vst v3;
	v3 =	vld [tilespmem:s7+$0x43D0]  }
0x39b: {  	v14 =	vld [tilespmem:s12+$0x11850];
	_ =	sdelay $0x4  }
0x39c: {  	v3 =	vmul.f32 v14, v3;
	_ =	sdelay $0x1  }
0x39d: {  	[tilespmem:s7+$0x43D0] =	vst v3;
	v3 =	vld [tilespmem:s7+$0x43E0]  }
0x39e: {  	(v2sf) =	vpush v2, $0x8;
	v15 =	vld [tilespmem:s12+$0x11860];
	_ =	sdelay $0x4  }
0x39f: {  	v3 =	vmul.f32 v15, v3;
	_ =	sdelay $0x1  }
0x3a0: {  	[tilespmem:s7+$0x43E0] =	vst v3;
	v3 =	vld [tilespmem:s7+$0x43F0]  }
0x3a1: {  	v16 =	vld [tilespmem:s12+$0x11870];
	_ =	sdelay $0x4  }
0x3a2: {  	v3 =	vmul.f32 v16, v3;
	_ =	sdelay $0x1  }
0x3a3: {  	s14 =	spop (v2sf);
	[tilespmem:s7+$0x43F0] =	vst v3;
	v3 =	vld [tilespmem:s7+$0x4400]  }
0x3a4: {  	v17 =	vld [tilespmem:s14+$0x11800];
	_ =	sdelay $0x4  }
0x3a5: {  	v3 =	vmul.f32 v17, v3;
	_ =	sdelay $0x1  }
0x3a6: {  	[tilespmem:s7+$0x4400] =	vst v3;
	v3 =	vld [tilespmem:s7+$0x4410]  }
0x3a7: {  	v18 =	vld [tilespmem:s14+$0x11810];
	_ =	sdelay $0x4  }
0x3a8: {  	v3 =	vmul.f32 v18, v3;
	_ =	sdelay $0x1  }
0x3a9: {  	[tilespmem:s7+$0x4410] =	vst v3;
	v3 =	vld [tilespmem:s7+$0x4420]  }
0x3aa: {  	v19 =	vld [tilespmem:s14+$0x11820];
	_ =	sdelay $0x4  }
0x3ab: {  	v3 =	vmul.f32 v19, v3;
	_ =	sdelay $0x1  }
0x3ac: {  	[tilespmem:s7+$0x4420] =	vst v3;
	v3 =	vld [tilespmem:s7+$0x4430]  }
0x3ad: {  	v20 =	vld [tilespmem:s14+$0x11830];
	_ =	sdelay $0x4  }
0x3ae: {  	v3 =	vmul.f32 v20, v3;
	_ =	sdelay $0x1  }
0x3af: {  	[tilespmem:s7+$0x4430] =	vst v3;
	v3 =	vld [tilespmem:s7+$0x4440]  }
0x3b0: {  	v21 =	vld [tilespmem:s14+$0x11840];
	_ =	sdelay $0x4  }
0x3b1: {  	v3 =	vmul.f32 v21, v3;
	_ =	sdelay $0x1  }
0x3b2: {  	[tilespmem:s7+$0x4440] =	vst v3;
	v3 =	vld [tilespmem:s7+$0x4450]  }
0x3b3: {  	v22 =	vld [tilespmem:s14+$0x11850];
	_ =	sdelay $0x4  }
0x3b4: {  	v3 =	vmul.f32 v22, v3;
	_ =	sdelay $0x1  }
0x3b5: {  	[tilespmem:s7+$0x4450] =	vst v3;
	v3 =	vld [tilespmem:s7+$0x4460]  }
0x3b6: {  	(v2sf) =	vpush v2, $0x9;
	v23 =	vld [tilespmem:s14+$0x11860];
	_ =	sdelay $0x4  }
0x3b7: {  	v3 =	vmul.f32 v23, v3;
	_ =	sdelay $0x1  }
0x3b8: {  	[tilespmem:s7+$0x4460] =	vst v3;
	v3 =	vld [tilespmem:s7+$0x4470]  }
0x3b9: {  	v24 =	vld [tilespmem:s14+$0x11870];
	_ =	sdelay $0x4  }
0x3ba: {  	v3 =	vmul.f32 v24, v3;
	_ =	sdelay $0x1  }
0x3bb: {  	s12 =	spop (v2sf);
	[tilespmem:s7+$0x4470] =	vst v3;
	v3 =	vld [tilespmem:s7+$0x4480]  }
0x3bc: {  	v25 =	vld [tilespmem:s12+$0x11800];
	_ =	sdelay $0x4  }
0x3bd: {  	v3 =	vmul.f32 v25, v3;
	_ =	sdelay $0x1  }
0x3be: {  	[tilespmem:s7+$0x4480] =	vst v3;
	v3 =	vld [tilespmem:s7+$0x4490]  }
0x3bf: {  	v26 =	vld [tilespmem:s12+$0x11810];
	_ =	sdelay $0x4  }
0x3c0: {  	v3 =	vmul.f32 v26, v3;
	_ =	sdelay $0x1  }
0x3c1: {  	[tilespmem:s7+$0x4490] =	vst v3;
	v3 =	vld [tilespmem:s7+$0x44A0]  }
0x3c2: {  	v27 =	vld [tilespmem:s12+$0x11820];
	_ =	sdelay $0x4  }
0x3c3: {  	v3 =	vmul.f32 v27, v3;
	_ =	sdelay $0x1  }
0x3c4: {  	[tilespmem:s7+$0x44A0] =	vst v3;
	v3 =	vld [tilespmem:s7+$0x44B0]  }
0x3c5: {  	v28 =	vld [tilespmem:s12+$0x11830];
	_ =	sdelay $0x4  }
0x3c6: {  	v3 =	vmul.f32 v28, v3;
	_ =	sdelay $0x1  }
0x3c7: {  	[tilespmem:s7+$0x44B0] =	vst v3;
	v3 =	vld [tilespmem:s7+$0x44C0]  }
0x3c8: {  	v29 =	vld [tilespmem:s12+$0x11840];
	_ =	sdelay $0x4  }
0x3c9: {  	v3 =	vmul.f32 v29, v3;
	_ =	sdelay $0x1  }
0x3ca: {  	[tilespmem:s7+$0x44C0] =	vst v3;
	v3 =	vld [tilespmem:s7+$0x44D0]  }
0x3cb: {  	v30 =	vld [tilespmem:s12+$0x11850];
	_ =	sdelay $0x4  }
0x3cc: {  	v3 =	vmul.f32 v30, v3;
	_ =	sdelay $0x1  }
0x3cd: {  	[tilespmem:s7+$0x44D0] =	vst v3;
	v3 =	vld [tilespmem:s7+$0x44E0]  }
0x3ce: {  	(v2sf) =	vpush v2, $0xA;
	v31 =	vld [tilespmem:s12+$0x11860];
	_ =	sdelay $0x4  }
0x3cf: {  	v3 =	vmul.f32 v31, v3;
	_ =	sdelay $0x1  }
0x3d0: {  	[tilespmem:s7+$0x44E0] =	vst v3;
	v3 =	vld [tilespmem:s7+$0x44F0]  }
0x3d1: {  	v32 =	vld [tilespmem:s12+$0x11870];
	_ =	sdelay $0x4  }
0x3d2: {  	v3 =	vmul.f32 v32, v3;
	_ =	sdelay $0x1  }
0x3d3: {  	s14 =	spop (v2sf);
	[tilespmem:s7+$0x44F0] =	vst v3;
	v3 =	vld [tilespmem:s7+$0x4500]  }
0x3d4: {  	v33 =	vld [tilespmem:s14+$0x11800];
	_ =	sdelay $0x4  }
0x3d5: {  	v3 =	vmul.f32 v33, v3;
	_ =	sdelay $0x1  }
0x3d6: {  	[tilespmem:s7+$0x4500] =	vst v3;
	v3 =	vld [tilespmem:s7+$0x4510]  }
0x3d7: {  	v34 =	vld [tilespmem:s14+$0x11810];
	_ =	sdelay $0x4  }
0x3d8: {  	v3 =	vmul.f32 v34, v3;
	_ =	sdelay $0x1  }
0x3d9: {  	[tilespmem:s7+$0x4510] =	vst v3;
	v3 =	vld [tilespmem:s7+$0x4520]  }
0x3da: {  	v35 =	vld [tilespmem:s14+$0x11820];
	_ =	sdelay $0x4  }
0x3db: {  	v3 =	vmul.f32 v35, v3;
	_ =	sdelay $0x1  }
0x3dc: {  	[tilespmem:s7+$0x4520] =	vst v3;
	v3 =	vld [tilespmem:s7+$0x4530]  }
0x3dd: {  	v36 =	vld [tilespmem:s14+$0x11830];
	_ =	sdelay $0x4  }
0x3de: {  	v3 =	vmul.f32 v36, v3;
	_ =	sdelay $0x1  }
0x3df: {  	[tilespmem:s7+$0x4530] =	vst v3;
	v3 =	vld [tilespmem:s7+$0x4540]  }
0x3e0: {  	v37 =	vld [tilespmem:s14+$0x11840];
	_ =	sdelay $0x4  }
0x3e1: {  	v3 =	vmul.f32 v37, v3;
	_ =	sdelay $0x1  }
0x3e2: {  	[tilespmem:s7+$0x4540] =	vst v3;
	v3 =	vld [tilespmem:s7+$0x4550]  }
0x3e3: {  	v38 =	vld [tilespmem:s14+$0x11850];
	_ =	sdelay $0x4  }
0x3e4: {  	v3 =	vmul.f32 v38, v3;
	_ =	sdelay $0x1  }
0x3e5: {  	[tilespmem:s7+$0x4550] =	vst v3;
	v3 =	vld [tilespmem:s7+$0x4560]  }
0x3e6: {  	(v2sf) =	vpush v2, $0xB;
	v39 =	vld [tilespmem:s14+$0x11860];
	_ =	sdelay $0x4  }
0x3e7: {  	v3 =	vmul.f32 v39, v3;
	_ =	sdelay $0x1  }
0x3e8: {  	[tilespmem:s7+$0x4560] =	vst v3;
	v3 =	vld [tilespmem:s7+$0x4570]  }
0x3e9: {  	v40 =	vld [tilespmem:s14+$0x11870];
	_ =	sdelay $0x4  }
0x3ea: {  	v3 =	vmul.f32 v40, v3;
	_ =	sdelay $0x1  }
0x3eb: {  	s12 =	spop (v2sf);
	[tilespmem:s7+$0x4570] =	vst v3;
	v3 =	vld [tilespmem:s7+$0x4580]  }
0x3ec: {  	v41 =	vld [tilespmem:s12+$0x11800];
	_ =	sdelay $0x4  }
0x3ed: {  	v3 =	vmul.f32 v41, v3;
	_ =	sdelay $0x1  }
0x3ee: {  	[tilespmem:s7+$0x4580] =	vst v3;
	v3 =	vld [tilespmem:s7+$0x4590]  }
0x3ef: {  	v42 =	vld [tilespmem:s12+$0x11810];
	_ =	sdelay $0x4  }
0x3f0: {  	v3 =	vmul.f32 v42, v3;
	_ =	sdelay $0x1  }
0x3f1: {  	[tilespmem:s7+$0x4590] =	vst v3;
	v3 =	vld [tilespmem:s7+$0x45A0]  }
0x3f2: {  	v43 =	vld [tilespmem:s12+$0x11820];
	_ =	sdelay $0x4  }
0x3f3: {  	v3 =	vmul.f32 v43, v3;
	_ =	sdelay $0x1  }
0x3f4: {  	[tilespmem:s7+$0x45A0] =	vst v3;
	v3 =	vld [tilespmem:s7+$0x45B0]  }
0x3f5: {  	v44 =	vld [tilespmem:s12+$0x11830];
	_ =	sdelay $0x4  }
0x3f6: {  	v3 =	vmul.f32 v44, v3;
	_ =	sdelay $0x1  }
0x3f7: {  	[tilespmem:s7+$0x45B0] =	vst v3;
	v3 =	vld [tilespmem:s7+$0x45C0]  }
0x3f8: {  	v45 =	vld [tilespmem:s12+$0x11840];
	_ =	sdelay $0x4  }
0x3f9: {  	v3 =	vmul.f32 v45, v3;
	_ =	sdelay $0x1  }
0x3fa: {  	[tilespmem:s7+$0x45C0] =	vst v3;
	v3 =	vld [tilespmem:s7+$0x45D0]  }
0x3fb: {  	v46 =	vld [tilespmem:s12+$0x11850];
	_ =	sdelay $0x4  }
0x3fc: {  	v3 =	vmul.f32 v46, v3;
	_ =	sdelay $0x1  }
0x3fd: {  	[tilespmem:s7+$0x45D0] =	vst v3;
	v3 =	vld [tilespmem:s7+$0x45E0]  }
0x3fe: {  	(v2sf) =	vpush v2, $0xC;
	v47 =	vld [tilespmem:s12+$0x11860];
	_ =	sdelay $0x4  }
0x3ff: {  	v3 =	vmul.f32 v47, v3;
	_ =	sdelay $0x1  }
0x400: {  	[tilespmem:s7+$0x45E0] =	vst v3;
	v3 =	vld [tilespmem:s7+$0x45F0]  }
0x401: {  	v48 =	vld [tilespmem:s12+$0x11870];
	_ =	sdelay $0x4  }
0x402: {  	v3 =	vmul.f32 v48, v3;
	_ =	sdelay $0x1  }
0x403: {  	s14 =	spop (v2sf);
	[tilespmem:s7+$0x45F0] =	vst v3;
	v3 =	vld [tilespmem:s7+$0x4600]  }
0x404: {  	v49 =	vld [tilespmem:s14+$0x11800];
	_ =	sdelay $0x4  }
0x405: {  	v3 =	vmul.f32 v49, v3;
	_ =	sdelay $0x1  }
0x406: {  	[tilespmem:s7+$0x4600] =	vst v3;
	v3 =	vld [tilespmem:s7+$0x4610]  }
0x407: {  	v50 =	vld [tilespmem:s14+$0x11810];
	_ =	sdelay $0x4  }
0x408: {  	v3 =	vmul.f32 v50, v3;
	_ =	sdelay $0x1  }
0x409: {  	[tilespmem:s7+$0x4610] =	vst v3;
	v3 =	vld [tilespmem:s7+$0x4620]  }
0x40a: {  	v51 =	vld [tilespmem:s14+$0x11820];
	_ =	sdelay $0x4  }
0x40b: {  	v3 =	vmul.f32 v51, v3;
	_ =	sdelay $0x1  }
0x40c: {  	[tilespmem:s7+$0x4620] =	vst v3;
	v3 =	vld [tilespmem:s7+$0x4630]  }
0x40d: {  	v52 =	vld [tilespmem:s14+$0x11830];
	_ =	sdelay $0x4  }
0x40e: {  	v3 =	vmul.f32 v52, v3;
	_ =	sdelay $0x1  }
0x40f: {  	[tilespmem:s7+$0x4630] =	vst v3;
	v3 =	vld [tilespmem:s7+$0x4640]  }
0x410: {  	v53 =	vld [tilespmem:s14+$0x11840];
	_ =	sdelay $0x4  }
0x411: {  	v3 =	vmul.f32 v53, v3;
	_ =	sdelay $0x1  }
0x412: {  	[tilespmem:s7+$0x4640] =	vst v3;
	v3 =	vld [tilespmem:s7+$0x4650]  }
0x413: {  	v54 =	vld [tilespmem:s14+$0x11850];
	_ =	sdelay $0x4  }
0x414: {  	v3 =	vmul.f32 v54, v3;
	_ =	sdelay $0x1  }
0x415: {  	[tilespmem:s7+$0x4650] =	vst v3;
	v3 =	vld [tilespmem:s7+$0x4660]  }
0x416: {  	(v2sf) =	vpush v2, $0xD;
	v55 =	vld [tilespmem:s14+$0x11860];
	_ =	sdelay $0x4  }
0x417: {  	v3 =	vmul.f32 v55, v3;
	_ =	sdelay $0x1  }
0x418: {  	[tilespmem:s7+$0x4660] =	vst v3;
	v3 =	vld [tilespmem:s7+$0x4670]  }
0x419: {  	v56 =	vld [tilespmem:s14+$0x11870];
	_ =	sdelay $0x4  }
0x41a: {  	v3 =	vmul.f32 v56, v3;
	_ =	sdelay $0x1  }
0x41b: {  	s12 =	spop (v2sf);
	[tilespmem:s7+$0x4670] =	vst v3;
	v3 =	vld [tilespmem:s7+$0x4680]  }
0x41c: {  	v57 =	vld [tilespmem:s12+$0x11800];
	_ =	sdelay $0x4  }
0x41d: {  	v3 =	vmul.f32 v57, v3;
	_ =	sdelay $0x1  }
0x41e: {  	[tilespmem:s7+$0x4680] =	vst v3;
	v3 =	vld [tilespmem:s7+$0x4690]  }
0x41f: {  	v58 =	vld [tilespmem:s12+$0x11810];
	_ =	sdelay $0x4  }
0x420: {  	v3 =	vmul.f32 v58, v3;
	_ =	sdelay $0x1  }
0x421: {  	[tilespmem:s7+$0x4690] =	vst v3;
	v3 =	vld [tilespmem:s7+$0x46A0]  }
0x422: {  	v59 =	vld [tilespmem:s12+$0x11820];
	_ =	sdelay $0x4  }
0x423: {  	v3 =	vmul.f32 v59, v3;
	_ =	sdelay $0x1  }
0x424: {  	[tilespmem:s7+$0x46A0] =	vst v3;
	v3 =	vld [tilespmem:s7+$0x46B0]  }
0x425: {  	v60 =	vld [tilespmem:s12+$0x11830];
	_ =	sdelay $0x4  }
0x426: {  	v3 =	vmul.f32 v60, v3;
	_ =	sdelay $0x1  }
0x427: {  	[tilespmem:s7+$0x46B0] =	vst v3;
	v3 =	vld [tilespmem:s7+$0x46C0]  }
0x428: {  	v61 =	vld [tilespmem:s12+$0x11840];
	_ =	sdelay $0x4  }
0x429: {  	v3 =	vmul.f32 v61, v3;
	_ =	sdelay $0x1  }
0x42a: {  	[tilespmem:s7+$0x46C0] =	vst v3;
	v3 =	vld [tilespmem:s7+$0x46D0]  }
0x42b: {  	v62 =	vld [tilespmem:s12+$0x11850];
	_ =	sdelay $0x4  }
0x42c: {  	v3 =	vmul.f32 v62, v3;
	_ =	sdelay $0x1  }
0x42d: {  	[tilespmem:s7+$0x46D0] =	vst v3;
	v3 =	vld [tilespmem:s7+$0x46E0]  }
0x42e: {  	(v2sf) =	vpush v2, $0xE;
	v63 =	vld [tilespmem:s12+$0x11860];
	_ =	sdelay $0x4  }
0x42f: {  	v2 =	vmul.f32 v63, v3;
	_ =	sdelay $0x1  }
0x430: {  	[tilespmem:s7+$0x46E0] =	vst v2;
	v2 =	vld [tilespmem:s7+$0x46F0]  }
0x431: {  	v3 =	vld [tilespmem:s12+$0x11870];
	_ =	sdelay $0x4  }
0x432: {  	v2 =	vmul.f32 v3, v2;
	_ =	sdelay $0x1  }
0x433: {  	s14 =	spop (v2sf);
	[tilespmem:s7+$0x46F0] =	vst v2;
	v2 =	vld [tilespmem:s7+$0x4700]  }
0x434: {  	v3 =	vld [tilespmem:s14+$0x11800];
	_ =	sdelay $0x4  }
0x435: {  	v2 =	vmul.f32 v3, v2;
	_ =	sdelay $0x1  }
0x436: {  	[tilespmem:s7+$0x4700] =	vst v2;
	v2 =	vld [tilespmem:s7+$0x4710]  }
0x437: {  	v3 =	vld [tilespmem:s14+$0x11810];
	_ =	sdelay $0x4  }
0x438: {  	v2 =	vmul.f32 v3, v2;
	_ =	sdelay $0x1  }
0x439: {  	[tilespmem:s7+$0x4710] =	vst v2;
	v2 =	vld [tilespmem:s7+$0x4720]  }
0x43a: {  	v3 =	vld [tilespmem:s14+$0x11820];
	_ =	sdelay $0x4  }
0x43b: {  	v2 =	vmul.f32 v3, v2;
	_ =	sdelay $0x1  }
0x43c: {  	[tilespmem:s7+$0x4720] =	vst v2;
	v2 =	vld [tilespmem:s7+$0x4730]  }
0x43d: {  	v3 =	vld [tilespmem:s14+$0x11830];
	_ =	sdelay $0x4  }
0x43e: {  	v2 =	vmul.f32 v3, v2;
	_ =	sdelay $0x1  }
0x43f: {  	[tilespmem:s7+$0x4730] =	vst v2;
	v2 =	vld [tilespmem:s7+$0x4740]  }
0x440: {  	v3 =	vld [tilespmem:s14+$0x11840];
	_ =	sdelay $0x4  }
0x441: {  	v2 =	vmul.f32 v3, v2;
	_ =	sdelay $0x1  }
0x442: {  	[tilespmem:s7+$0x4740] =	vst v2;
	v2 =	vld [tilespmem:s7+$0x4750]  }
0x443: {  	v3 =	vld [tilespmem:s14+$0x11850];
	_ =	sdelay $0x4  }
0x444: {  	v2 =	vmul.f32 v3, v2;
	_ =	sdelay $0x1  }
0x445: {  	[tilespmem:s7+$0x4750] =	vst v2;
	v2 =	vld [tilespmem:s7+$0x4760]  }
0x446: {  	v3 =	vld [tilespmem:s14+$0x11860];
	_ =	sdelay $0x4  }
0x447: {  	v2 =	vmul.f32 v3, v2;
	_ =	sdelay $0x1  }
0x448: {  	[tilespmem:s7+$0x4760] =	vst v2;
	v2 =	vld [tilespmem:s7+$0x4770]  }
0x449: {  	v3 =	vld [tilespmem:s14+$0x11870];
	_ =	sdelay $0x4  }
0x44a: {  	v2 =	vmul.f32 v3, v2  }
0x44b: {  	s15 =	sshll.u32 s15, $0x9  }
0x44c: {  	s11 =	sshra.s32 s15, $0x2;
	[tilespmem:s7+$0x4770] =	vst v2;
	v2 =	vld [tilespmem:s7+$0x4780]  }
0x44d: {  	v3 =	vld [tilespmem:s11+$0x11800];
	_ =	sdelay $0x4  }
0x44e: {  	v2 =	vmul.f32 v3, v2;
	_ =	sdelay $0x1  }
0x44f: {  	[tilespmem:s7+$0x4780] =	vst v2;
	v2 =	vld [tilespmem:s7+$0x4790]  }
0x450: {  	v3 =	vld [tilespmem:s11+$0x11810];
	_ =	sdelay $0x4  }
0x451: {  	v2 =	vmul.f32 v3, v2;
	_ =	sdelay $0x1  }
0x452: {  	[tilespmem:s7+$0x4790] =	vst v2;
	v2 =	vld [tilespmem:s7+$0x47A0]  }
0x453: {  	v3 =	vld [tilespmem:s11+$0x11820];
	_ =	sdelay $0x4  }
0x454: {  	v2 =	vmul.f32 v3, v2;
	_ =	sdelay $0x1  }
0x455: {  	[tilespmem:s7+$0x47A0] =	vst v2;
	v2 =	vld [tilespmem:s7+$0x47B0]  }
0x456: {  	v3 =	vld [tilespmem:s11+$0x11830];
	_ =	sdelay $0x4  }
0x457: {  	v2 =	vmul.f32 v3, v2;
	_ =	sdelay $0x1  }
0x458: {  	[tilespmem:s7+$0x47B0] =	vst v2;
	v2 =	vld [tilespmem:s7+$0x47C0]  }
0x459: {  	v3 =	vld [tilespmem:s11+$0x11840];
	_ =	sdelay $0x4  }
0x45a: {  	v2 =	vmul.f32 v3, v2;
	_ =	sdelay $0x1  }
0x45b: {  	[tilespmem:s7+$0x47C0] =	vst v2;
	v2 =	vld [tilespmem:s7+$0x47D0]  }
0x45c: {  	v3 =	vld [tilespmem:s11+$0x11850];
	_ =	sdelay $0x4  }
0x45d: {  	v2 =	vmul.f32 v3, v2;
	_ =	sdelay $0x1  }
0x45e: {  	[tilespmem:s7+$0x47D0] =	vst v2;
	v2 =	vld [tilespmem:s7+$0x47E0]  }
0x45f: {  	v3 =	vld [tilespmem:s11+$0x11860];
	_ =	sdelay $0x4  }
0x460: {  	v2 =	vmul.f32 v3, v2;
	_ =	sdelay $0x1  }
0x461: {  	[tilespmem:s7+$0x47E0] =	vst v2;
	v2 =	vld [tilespmem:s7+$0x47F0]  }
0x462: {  	v3 =	vld [tilespmem:s11+$0x11870];
	_ =	sdelay $0x4  }
0x463: {  	v2 =	vmul.f32 v3, v2;
	_ =	sdelay $0x1  }
0x464: {  	[tilespmem:s7+$0x47F0] =	vst v2  }
.LBB2_23:
0x465: {  	s17 =	sadd.s32 $0x1, s17  }
0x466: {  	p2 =	sne.s32 s17, $0x8  }
.Ltmp12:
0x467: {  	_ = 	snop;
	(pc) =	sbr.rel @!p2 .LBB2_24-.Ltmp12, $2  }
0x468: {  	_ =	sdelay $0x2  }
0x469: {  	s18 =	sadd.s32 $0x800, s18  }
.LBB2_18:
0x46a: {  	_ =	sdelay $0x2  }
0x46b: {  	s14 =	sshll.u32 s17, $0x4  }
0x46c: {  	v2 =	vld.idx.msk [tilespmem:v1+s14+$0x0 ss:$0x1], $0xffff;
	_ =	sdelay $0x4  }
0x46d: {  	(v2sf) =	vpush v2, $0x0  }
0x46e: {  	(v2sf) =	vpush v2, $0xF;
	_ =	sdelay $0xd  }
0x46f: {  	s7 =	spop (v2sf)  }
0x470: {  	s15 =	spop (v2sf)  }
0x471: {  	p2 =	seq.s32 s7, s15  }
.Ltmp13:
0x472: {  	_ = 	snop;
	(pc) =	sbr.rel @!p2 .LBB2_19-.Ltmp13, $3  }
0x473: {  	_ =	sdelay $0x1  }
0x474: {  	s7 =	sshll.u32 s7, $0x9  }
0x475: {  	s7 =	sshra.s32 s7, $0x2  }
0x476: {  	v2 =	vld [tilespmem:s7+$0x11800]  }
0x477: {  	v7 =	vld [tilespmem:s7+$0x11810]  }
0x478: {  	v8 =	vld [tilespmem:s7+$0x11820]  }
0x479: {  	v6 =	vld [tilespmem:s7+$0x11830]  }
0x47a: {  	v5 =	vld [tilespmem:s7+$0x11840]  }
0x47b: {  	v4 =	vld [tilespmem:s7+$0x11850]  }
0x47c: {  	v3 =	vld [tilespmem:s7+$0x11860]  }
0x47d: {  	v9 =	vld [tilespmem:s7+$0x11870]  }
0x47e: {  	v10 =	vld [tilespmem:s18+$0x0]  }
0x47f: {  	v11 =	vld [tilespmem:s18+$0xFFFFFF20]  }
0x480: {  	v12 =	vld [tilespmem:s18+$0xFFFFFF30]  }
0x481: {  	v13 =	vld [tilespmem:s18+$0xFFFFFF40]  }
0x482: {  	v14 =	vld [tilespmem:s18+$0xFFFFFF50]  }
0x483: {  	v15 =	vld [tilespmem:s18+$0xFFFFFF60];
	v10 =	vmul.f32 v10, v9  }
0x484: {  	v16 =	vld [tilespmem:s18+$0xFFFFFF70];
	v11 =	vmul.f32 v11, v7  }
0x485: {  	v17 =	vld [tilespmem:s18+$0xFFFFFF80];
	v12 =	vmul.f32 v12, v8;
	[tilespmem:s18+$0x0] =	vst v10  }
0x486: {  	[tilespmem:s18+$0xFFFFFF20] =	vst v11;
	v10 =	vmul.f32 v13, v6;
	v13 =	vld [tilespmem:s18+$0xFFFFFF90]  }
0x487: {  	[tilespmem:s18+$0xFFFFFF30] =	vst v12;
	v11 =	vmul.f32 v14, v5;
	v14 =	vld [tilespmem:s18+$0xFFFFFFA0]  }
0x488: {  	v18 =	vld [tilespmem:s18+$0xFFFFFFB0];
	v12 =	vmul.f32 v15, v4;
	[tilespmem:s18+$0xFFFFFF40] =	vst v10  }
0x489: {  	v15 =	vmul.f32 v16, v3;
	[tilespmem:s18+$0xFFFFFF50] =	vst v11;
	v10 =	vld [tilespmem:s18+$0xFFFFFFC0]  }
0x48a: {  	v16 =	vmul.f32 v17, v9;
	[tilespmem:s18+$0xFFFFFF60] =	vst v12;
	v11 =	vld [tilespmem:s18+$0xFFFFFFD0]  }
0x48b: {  	[tilespmem:s18+$0xFFFFFF70] =	vst v15;
	v12 =	vld [tilespmem:s18+$0xFFFFFFE0];
	v17 =	vmul.f32 v13, v2  }
0x48c: {  	[tilespmem:s18+$0xFFFFFF80] =	vst v16;
	v13 =	vld [tilespmem:s18+$0xFFFFFFF0];
	v15 =	vmul.f32 v14, v7  }
0x48d: {  	s15 =	simm.s32 $0x0;
	s14 =	sadd.s32 $0x100, s18;
	s7 =	smov.u32 s18;
	v16 =	vmul.f32 v18, v8;
	v14 =	vld [tilespmem:s18+$0xFFFFFF10];
	[tilespmem:s18+$0xFFFFFF90] =	vst v17  }
.LBB2_21:
0x48e: {  	v17 =	vld [tilespmem:s14+$0x0];
	s15 =	sadd.s32 $0x2, s15;
	[tilespmem:s7+$0xFFFFFFA0] =	vst v15;
	v10 =	vmul.f32 v10, v6  }
0x48f: {  	v15 =	vld [tilespmem:s14+$0xFFFFFF20];
	p2 =	slt.u32 s15, $0xE;
	[tilespmem:s7+$0xFFFFFFB0] =	vst v16;
	v11 =	vmul.f32 v11, v5  }
0x490: {  	v16 =	vld [tilespmem:s14+$0xFFFFFF30];
	[tilespmem:s7+$0xFFFFFFC0] =	vst v10;
	v10 =	vmul.f32 v12, v4  }
0x491: {  	v12 =	vld [tilespmem:s14+$0xFFFFFF40];
	[tilespmem:s7+$0xFFFFFFD0] =	vst v11;
	v11 =	vmul.f32 v13, v3  }
0x492: {  	v13 =	vld [tilespmem:s14+$0xFFFFFF50];
	v14 =	vmul.f32 v14, v2;
	[tilespmem:s7+$0xFFFFFFE0] =	vst v10  }
0x493: {  	v10 =	vld [tilespmem:s14+$0xFFFFFF60];
	v17 =	vmul.f32 v17, v9;
	[tilespmem:s7+$0xFFFFFFF0] =	vst v11  }
0x494: {  	v11 =	vmul.f32 v15, v7;
	v15 =	vld [tilespmem:s14+$0xFFFFFF70];
	[tilespmem:s7+$0xFFFFFF10] =	vst v14;
	s7 =	smov.u32 s14  }
0x495: {  	v14 =	vmul.f32 v16, v8;
	v16 =	vld [tilespmem:s14+$0xFFFFFF80];
	[tilespmem:s14+$0x0] =	vst v17  }
0x496: {  	[tilespmem:s14+$0xFFFFFF20] =	vst v11;
	v11 =	vmul.f32 v12, v6;
	v12 =	vld [tilespmem:s14+$0xFFFFFF90]  }
0x497: {  	[tilespmem:s14+$0xFFFFFF30] =	vst v14;
	v13 =	vmul.f32 v13, v5;
	v14 =	vld [tilespmem:s14+$0xFFFFFFA0]  }
0x498: {  	[tilespmem:s14+$0xFFFFFF40] =	vst v11;
	v11 =	vmul.f32 v10, v4;
	v17 =	vld [tilespmem:s14+$0xFFFFFFB0]  }
.Ltmp14:
0x499: {  	[tilespmem:s14+$0xFFFFFF50] =	vst v13;
	v13 =	vmul.f32 v15, v3;
	v10 =	vld [tilespmem:s14+$0xFFFFFFC0];
	(pc) =	sbr.rel @p2 .LBB2_21-.Ltmp14, $4  }
0x49a: {  	[tilespmem:s14+$0xFFFFFF60] =	vst v11;
	v15 =	vmul.f32 v16, v9;
	v11 =	vld [tilespmem:s14+$0xFFFFFFD0]  }
0x49b: {  	[tilespmem:s14+$0xFFFFFF70] =	vst v13;
	v16 =	vmul.f32 v12, v2;
	v12 =	vld [tilespmem:s14+$0xFFFFFFE0]  }
0x49c: {  	[tilespmem:s14+$0xFFFFFF80] =	vst v15;
	v15 =	vmul.f32 v14, v7;
	v13 =	vld [tilespmem:s14+$0xFFFFFFF0]  }
0x49d: {  	s14 =	sadd.s32 $0x100, s14;
	v14 =	vld [tilespmem:s7+$0xFFFFFF10];
	[tilespmem:s7+$0xFFFFFF90] =	vst v16;
	v16 =	vmul.f32 v17, v8  }
0x49e: {  	[tilespmem:s7+$0xFFFFFFA0] =	vst v15;
	v6 =	vmul.f32 v10, v6  }
0x49f: {  	[tilespmem:s7+$0xFFFFFFB0] =	vst v16;
	v5 =	vmul.f32 v11, v5  }
.Ltmp15:
0x4a0: {  	[tilespmem:s7+$0xFFFFFFC0] =	vst v6;
	v4 =	vmul.f32 v12, v4;
	(pc) =	sbr.rel .LBB2_23-.Ltmp15, $4  }
0x4a1: {  	[tilespmem:s7+$0xFFFFFFD0] =	vst v5;
	v3 =	vmul.f32 v13, v3  }
0x4a2: {  	v2 =	vmul.f32 v14, v2;
	[tilespmem:s7+$0xFFFFFFE0] =	vst v4  }
0x4a3: {  	[tilespmem:s7+$0xFFFFFFF0] =	vst v3  }
0x4a4: {  	[tilespmem:s7+$0xFFFFFF10] =	vst v2  }
.LBB2_24:
0x4a5: {  	s7 =	sshll.u32 s9, $0xF  }
0x4a6: {  	s7 =	sadd.s32 s6, s7  }
0x4a7: {  	s17 =	sor.u32 $0x180, s10;
	s7 =	sshrl.u32 s7, $0x3  }
0x4a8: {  	s14 =	sadd.s32 s8, s17;
	s7 =	sadd.s32 s2, s7  }
0x4a9: {  	[hbm4b:s7+s19] =	stream.strided.scatter [tilespmem:s21], [sflag:$0x6], $0x4000, s20, s19, $0x38;
	[tilespmem:$0x12080] =	vst v63  }
0x4aa: {  	s11 =	simm.s32 @!p1 $0x8;
	s7 =	sshll.u32 s14, $0x8  }
0x4ab: {  	_ =	swait.ge @!p1 [sflag:s11], $0x4000;
	s7 =	sor.u32 s4, s7  }
0x4ac: {  	[sflag:s11] =	ssyncset.done @!p1 $0x0;
	s9 =	sshrl.u32 s7, $0x3  }
.Ltmp16:
0x4ad: {  	[sflag:s11] =	ssyncadd.s32 @!p1 $0xFFFFC000;
	s7 =	sadd.s32 s0, s9;
	(pc) =	sbr.rel .LBB2_25-.Ltmp16, $4  }
0x4ae: {  	[tilespmem:s30], [sflag:$0x4] =	stream.strided.gather [hbm4b:s7+s19], $0x4000, s20, s19, $0x38;
	[tilespmem:$0x12080] =	vst v63  }
0x4af: {  	_ =	swait.ge [sflag:s31], $0x4000  }
0x4b0: {  	s15 =	sadd.s32 $0x10000, s16;
	[sflag:s31] =	ssyncset.done $0x0  }
0x4b1: {  	s16 =	simm.s32 $0x0;
	s18 =	simm.s32 $0x80F0;
	v1 =	vmov s15;
	[sflag:s31] =	ssyncadd.s32 $0xFFFFC000  }
.LBB2_26:
0x4b2: {  	s11 =	sor.u32 $0x100, s14  }
0x4b3: {  	s11 =	sshll.u32 s11, $0x7  }
0x4b4: {  	v4 =	vld [tilespmem:s7+$0x11800];
	s11 =	sand.u32 $0x3FFFFF80, s11  }
0x4b5: {  	v3 =	vld [tilespmem:s11+$0x0];
	_ =	sdelay $0x4  }
0x4b6: {  	v3 =	vmul.f32 v4, v3;
	_ =	sdelay $0x1  }
0x4b7: {  	[tilespmem:s11+$0x0] =	vst v3;
	v3 =	vld [tilespmem:s11+$0x10]  }
0x4b8: {  	v10 =	vld [tilespmem:s7+$0x11810];
	_ =	sdelay $0x4  }
0x4b9: {  	v3 =	vmul.f32 v10, v3;
	_ =	sdelay $0x1  }
0x4ba: {  	[tilespmem:s11+$0x10] =	vst v3;
	v3 =	vld [tilespmem:s11+$0x20]  }
0x4bb: {  	v11 =	vld [tilespmem:s7+$0x11820];
	_ =	sdelay $0x4  }
0x4bc: {  	v3 =	vmul.f32 v11, v3;
	_ =	sdelay $0x1  }
0x4bd: {  	[tilespmem:s11+$0x20] =	vst v3;
	v3 =	vld [tilespmem:s11+$0x30]  }
0x4be: {  	v12 =	vld [tilespmem:s7+$0x11830];
	_ =	sdelay $0x4  }
0x4bf: {  	v3 =	vmul.f32 v12, v3;
	_ =	sdelay $0x1  }
0x4c0: {  	[tilespmem:s11+$0x30] =	vst v3;
	v3 =	vld [tilespmem:s11+$0x40]  }
0x4c1: {  	v13 =	vld [tilespmem:s7+$0x11840];
	_ =	sdelay $0x4  }
0x4c2: {  	v3 =	vmul.f32 v13, v3;
	_ =	sdelay $0x1  }
0x4c3: {  	[tilespmem:s11+$0x40] =	vst v3;
	v3 =	vld [tilespmem:s11+$0x50]  }
0x4c4: {  	v14 =	vld [tilespmem:s7+$0x11850];
	_ =	sdelay $0x4  }
0x4c5: {  	v3 =	vmul.f32 v14, v3;
	_ =	sdelay $0x1  }
0x4c6: {  	v2 =	vshll.u32 v2, $0x9;
	[tilespmem:s11+$0x50] =	vst v3;
	v3 =	vld [tilespmem:s11+$0x60]  }
0x4c7: {  	v2 =	vshra.s32 v2, $0x2;
	v15 =	vld [tilespmem:s7+$0x11860]  }
0x4c8: {  	(v2sf) =	vpush v2, $0x1;
	_ =	sdelay $0x3  }
0x4c9: {  	v3 =	vmul.f32 v15, v3;
	_ =	sdelay $0x1  }
0x4ca: {  	[tilespmem:s11+$0x60] =	vst v3;
	v3 =	vld [tilespmem:s11+$0x70]  }
0x4cb: {  	v16 =	vld [tilespmem:s7+$0x11870];
	_ =	sdelay $0x4  }
0x4cc: {  	v3 =	vmul.f32 v16, v3  }
0x4cd: {  	s14 =	sshll.u32 s16, $0xB  }
0x4ce: {  	s7 =	sand.u32 $0x3FFFF800, s14;
	[tilespmem:s11+$0x70] =	vst v3  }
0x4cf: {  	s12 =	spop (v2sf);
	v3 =	vld [tilespmem:s7+$0x8080]  }
0x4d0: {  	v17 =	vld [tilespmem:s12+$0x11800];
	_ =	sdelay $0x4  }
0x4d1: {  	v3 =	vmul.f32 v17, v3;
	_ =	sdelay $0x1  }
0x4d2: {  	[tilespmem:s7+$0x8080] =	vst v3;
	v3 =	vld [tilespmem:s7+$0x8090]  }
0x4d3: {  	v18 =	vld [tilespmem:s12+$0x11810];
	_ =	sdelay $0x4  }
0x4d4: {  	v3 =	vmul.f32 v18, v3;
	_ =	sdelay $0x1  }
0x4d5: {  	[tilespmem:s7+$0x8090] =	vst v3;
	v3 =	vld [tilespmem:s7+$0x80A0]  }
0x4d6: {  	v19 =	vld [tilespmem:s12+$0x11820];
	_ =	sdelay $0x4  }
0x4d7: {  	v3 =	vmul.f32 v19, v3;
	_ =	sdelay $0x1  }
0x4d8: {  	[tilespmem:s7+$0x80A0] =	vst v3;
	v3 =	vld [tilespmem:s7+$0x80B0]  }
0x4d9: {  	v20 =	vld [tilespmem:s12+$0x11830];
	_ =	sdelay $0x4  }
0x4da: {  	v3 =	vmul.f32 v20, v3;
	_ =	sdelay $0x1  }
0x4db: {  	[tilespmem:s7+$0x80B0] =	vst v3;
	v3 =	vld [tilespmem:s7+$0x80C0]  }
0x4dc: {  	v21 =	vld [tilespmem:s12+$0x11840];
	_ =	sdelay $0x4  }
0x4dd: {  	v3 =	vmul.f32 v21, v3;
	_ =	sdelay $0x1  }
0x4de: {  	[tilespmem:s7+$0x80C0] =	vst v3;
	v3 =	vld [tilespmem:s7+$0x80D0]  }
0x4df: {  	v22 =	vld [tilespmem:s12+$0x11850];
	_ =	sdelay $0x4  }
0x4e0: {  	v3 =	vmul.f32 v22, v3;
	_ =	sdelay $0x1  }
0x4e1: {  	[tilespmem:s7+$0x80D0] =	vst v3;
	v3 =	vld [tilespmem:s7+$0x80E0]  }
0x4e2: {  	(v2sf) =	vpush v2, $0x2;
	v23 =	vld [tilespmem:s12+$0x11860];
	_ =	sdelay $0x4  }
0x4e3: {  	v3 =	vmul.f32 v23, v3;
	_ =	sdelay $0x1  }
0x4e4: {  	[tilespmem:s7+$0x80E0] =	vst v3;
	v3 =	vld [tilespmem:s7+$0x80F0]  }
0x4e5: {  	v24 =	vld [tilespmem:s12+$0x11870];
	_ =	sdelay $0x4  }
0x4e6: {  	v3 =	vmul.f32 v24, v3;
	_ =	sdelay $0x1  }
0x4e7: {  	s14 =	spop (v2sf);
	[tilespmem:s7+$0x80F0] =	vst v3;
	v3 =	vld [tilespmem:s7+$0x8100]  }
0x4e8: {  	v25 =	vld [tilespmem:s14+$0x11800];
	_ =	sdelay $0x4  }
0x4e9: {  	v3 =	vmul.f32 v25, v3;
	_ =	sdelay $0x1  }
0x4ea: {  	[tilespmem:s7+$0x8100] =	vst v3;
	v3 =	vld [tilespmem:s7+$0x8110]  }
0x4eb: {  	v26 =	vld [tilespmem:s14+$0x11810];
	_ =	sdelay $0x4  }
0x4ec: {  	v3 =	vmul.f32 v26, v3;
	_ =	sdelay $0x1  }
0x4ed: {  	[tilespmem:s7+$0x8110] =	vst v3;
	v3 =	vld [tilespmem:s7+$0x8120]  }
0x4ee: {  	v27 =	vld [tilespmem:s14+$0x11820];
	_ =	sdelay $0x4  }
0x4ef: {  	v3 =	vmul.f32 v27, v3;
	_ =	sdelay $0x1  }
0x4f0: {  	[tilespmem:s7+$0x8120] =	vst v3;
	v3 =	vld [tilespmem:s7+$0x8130]  }
0x4f1: {  	v28 =	vld [tilespmem:s14+$0x11830];
	_ =	sdelay $0x4  }
0x4f2: {  	v3 =	vmul.f32 v28, v3;
	_ =	sdelay $0x1  }
0x4f3: {  	[tilespmem:s7+$0x8130] =	vst v3;
	v3 =	vld [tilespmem:s7+$0x8140]  }
0x4f4: {  	v29 =	vld [tilespmem:s14+$0x11840];
	_ =	sdelay $0x4  }
0x4f5: {  	v3 =	vmul.f32 v29, v3;
	_ =	sdelay $0x1  }
0x4f6: {  	[tilespmem:s7+$0x8140] =	vst v3;
	v3 =	vld [tilespmem:s7+$0x8150]  }
0x4f7: {  	v30 =	vld [tilespmem:s14+$0x11850];
	_ =	sdelay $0x4  }
0x4f8: {  	v3 =	vmul.f32 v30, v3;
	_ =	sdelay $0x1  }
0x4f9: {  	[tilespmem:s7+$0x8150] =	vst v3;
	v3 =	vld [tilespmem:s7+$0x8160]  }
0x4fa: {  	(v2sf) =	vpush v2, $0x3;
	v31 =	vld [tilespmem:s14+$0x11860];
	_ =	sdelay $0x4  }
0x4fb: {  	v3 =	vmul.f32 v31, v3;
	_ =	sdelay $0x1  }
0x4fc: {  	[tilespmem:s7+$0x8160] =	vst v3;
	v3 =	vld [tilespmem:s7+$0x8170]  }
0x4fd: {  	v32 =	vld [tilespmem:s14+$0x11870];
	_ =	sdelay $0x4  }
0x4fe: {  	v3 =	vmul.f32 v32, v3;
	_ =	sdelay $0x1  }
0x4ff: {  	s12 =	spop (v2sf);
	[tilespmem:s7+$0x8170] =	vst v3;
	v3 =	vld [tilespmem:s7+$0x8180]  }
0x500: {  	v33 =	vld [tilespmem:s12+$0x11800];
	_ =	sdelay $0x4  }
0x501: {  	v3 =	vmul.f32 v33, v3;
	_ =	sdelay $0x1  }
0x502: {  	[tilespmem:s7+$0x8180] =	vst v3;
	v3 =	vld [tilespmem:s7+$0x8190]  }
0x503: {  	v34 =	vld [tilespmem:s12+$0x11810];
	_ =	sdelay $0x4  }
0x504: {  	v3 =	vmul.f32 v34, v3;
	_ =	sdelay $0x1  }
0x505: {  	[tilespmem:s7+$0x8190] =	vst v3;
	v3 =	vld [tilespmem:s7+$0x81A0]  }
0x506: {  	v35 =	vld [tilespmem:s12+$0x11820];
	_ =	sdelay $0x4  }
0x507: {  	v3 =	vmul.f32 v35, v3;
	_ =	sdelay $0x1  }
0x508: {  	[tilespmem:s7+$0x81A0] =	vst v3;
	v3 =	vld [tilespmem:s7+$0x81B0]  }
0x509: {  	v36 =	vld [tilespmem:s12+$0x11830];
	_ =	sdelay $0x4  }
0x50a: {  	v3 =	vmul.f32 v36, v3;
	_ =	sdelay $0x1  }
0x50b: {  	[tilespmem:s7+$0x81B0] =	vst v3;
	v3 =	vld [tilespmem:s7+$0x81C0]  }
0x50c: {  	v37 =	vld [tilespmem:s12+$0x11840];
	_ =	sdelay $0x4  }
0x50d: {  	v3 =	vmul.f32 v37, v3;
	_ =	sdelay $0x1  }
0x50e: {  	[tilespmem:s7+$0x81C0] =	vst v3;
	v3 =	vld [tilespmem:s7+$0x81D0]  }
0x50f: {  	v38 =	vld [tilespmem:s12+$0x11850];
	_ =	sdelay $0x4  }
0x510: {  	v3 =	vmul.f32 v38, v3;
	_ =	sdelay $0x1  }
0x511: {  	[tilespmem:s7+$0x81D0] =	vst v3;
	v3 =	vld [tilespmem:s7+$0x81E0]  }
0x512: {  	(v2sf) =	vpush v2, $0x4;
	v39 =	vld [tilespmem:s12+$0x11860];
	_ =	sdelay $0x4  }
0x513: {  	v3 =	vmul.f32 v39, v3;
	_ =	sdelay $0x1  }
0x514: {  	[tilespmem:s7+$0x81E0] =	vst v3;
	v3 =	vld [tilespmem:s7+$0x81F0]  }
0x515: {  	v40 =	vld [tilespmem:s12+$0x11870];
	_ =	sdelay $0x4  }
0x516: {  	v3 =	vmul.f32 v40, v3;
	_ =	sdelay $0x1  }
0x517: {  	s14 =	spop (v2sf);
	[tilespmem:s7+$0x81F0] =	vst v3;
	v3 =	vld [tilespmem:s7+$0x8200]  }
0x518: {  	v41 =	vld [tilespmem:s14+$0x11800];
	_ =	sdelay $0x4  }
0x519: {  	v3 =	vmul.f32 v41, v3;
	_ =	sdelay $0x1  }
0x51a: {  	[tilespmem:s7+$0x8200] =	vst v3;
	v3 =	vld [tilespmem:s7+$0x8210]  }
0x51b: {  	v42 =	vld [tilespmem:s14+$0x11810];
	_ =	sdelay $0x4  }
0x51c: {  	v3 =	vmul.f32 v42, v3;
	_ =	sdelay $0x1  }
0x51d: {  	[tilespmem:s7+$0x8210] =	vst v3;
	v3 =	vld [tilespmem:s7+$0x8220]  }
0x51e: {  	v43 =	vld [tilespmem:s14+$0x11820];
	_ =	sdelay $0x4  }
0x51f: {  	v3 =	vmul.f32 v43, v3;
	_ =	sdelay $0x1  }
0x520: {  	[tilespmem:s7+$0x8220] =	vst v3;
	v3 =	vld [tilespmem:s7+$0x8230]  }
0x521: {  	v44 =	vld [tilespmem:s14+$0x11830];
	_ =	sdelay $0x4  }
0x522: {  	v3 =	vmul.f32 v44, v3;
	_ =	sdelay $0x1  }
0x523: {  	[tilespmem:s7+$0x8230] =	vst v3;
	v3 =	vld [tilespmem:s7+$0x8240]  }
0x524: {  	v45 =	vld [tilespmem:s14+$0x11840];
	_ =	sdelay $0x4  }
0x525: {  	v3 =	vmul.f32 v45, v3;
	_ =	sdelay $0x1  }
0x526: {  	[tilespmem:s7+$0x8240] =	vst v3;
	v3 =	vld [tilespmem:s7+$0x8250]  }
0x527: {  	v46 =	vld [tilespmem:s14+$0x11850];
	_ =	sdelay $0x4  }
0x528: {  	v3 =	vmul.f32 v46, v3;
	_ =	sdelay $0x1  }
0x529: {  	[tilespmem:s7+$0x8250] =	vst v3;
	v3 =	vld [tilespmem:s7+$0x8260]  }
0x52a: {  	(v2sf) =	vpush v2, $0x5;
	v47 =	vld [tilespmem:s14+$0x11860];
	_ =	sdelay $0x4  }
0x52b: {  	v3 =	vmul.f32 v47, v3;
	_ =	sdelay $0x1  }
0x52c: {  	[tilespmem:s7+$0x8260] =	vst v3;
	v3 =	vld [tilespmem:s7+$0x8270]  }
0x52d: {  	v48 =	vld [tilespmem:s14+$0x11870];
	_ =	sdelay $0x4  }
0x52e: {  	v3 =	vmul.f32 v48, v3;
	_ =	sdelay $0x1  }
0x52f: {  	s12 =	spop (v2sf);
	[tilespmem:s7+$0x8270] =	vst v3;
	v3 =	vld [tilespmem:s7+$0x8280]  }
0x530: {  	v49 =	vld [tilespmem:s12+$0x11800];
	_ =	sdelay $0x4  }
0x531: {  	v3 =	vmul.f32 v49, v3;
	_ =	sdelay $0x1  }
0x532: {  	[tilespmem:s7+$0x8280] =	vst v3;
	v3 =	vld [tilespmem:s7+$0x8290]  }
0x533: {  	v50 =	vld [tilespmem:s12+$0x11810];
	_ =	sdelay $0x4  }
0x534: {  	v3 =	vmul.f32 v50, v3;
	_ =	sdelay $0x1  }
0x535: {  	[tilespmem:s7+$0x8290] =	vst v3;
	v3 =	vld [tilespmem:s7+$0x82A0]  }
0x536: {  	v51 =	vld [tilespmem:s12+$0x11820];
	_ =	sdelay $0x4  }
0x537: {  	v3 =	vmul.f32 v51, v3;
	_ =	sdelay $0x1  }
0x538: {  	[tilespmem:s7+$0x82A0] =	vst v3;
	v3 =	vld [tilespmem:s7+$0x82B0]  }
0x539: {  	v52 =	vld [tilespmem:s12+$0x11830];
	_ =	sdelay $0x4  }
0x53a: {  	v3 =	vmul.f32 v52, v3;
	_ =	sdelay $0x1  }
0x53b: {  	[tilespmem:s7+$0x82B0] =	vst v3;
	v3 =	vld [tilespmem:s7+$0x82C0]  }
0x53c: {  	v53 =	vld [tilespmem:s12+$0x11840];
	_ =	sdelay $0x4  }
0x53d: {  	v3 =	vmul.f32 v53, v3;
	_ =	sdelay $0x1  }
0x53e: {  	[tilespmem:s7+$0x82C0] =	vst v3;
	v3 =	vld [tilespmem:s7+$0x82D0]  }
0x53f: {  	v54 =	vld [tilespmem:s12+$0x11850];
	_ =	sdelay $0x4  }
0x540: {  	v3 =	vmul.f32 v54, v3;
	_ =	sdelay $0x1  }
0x541: {  	[tilespmem:s7+$0x82D0] =	vst v3;
	v3 =	vld [tilespmem:s7+$0x82E0]  }
0x542: {  	(v2sf) =	vpush v2, $0x6;
	v55 =	vld [tilespmem:s12+$0x11860];
	_ =	sdelay $0x4  }
0x543: {  	v3 =	vmul.f32 v55, v3;
	_ =	sdelay $0x1  }
0x544: {  	[tilespmem:s7+$0x82E0] =	vst v3;
	v3 =	vld [tilespmem:s7+$0x82F0]  }
0x545: {  	v56 =	vld [tilespmem:s12+$0x11870];
	_ =	sdelay $0x4  }
0x546: {  	v3 =	vmul.f32 v56, v3;
	_ =	sdelay $0x1  }
0x547: {  	s14 =	spop (v2sf);
	[tilespmem:s7+$0x82F0] =	vst v3;
	v3 =	vld [tilespmem:s7+$0x8300]  }
0x548: {  	v57 =	vld [tilespmem:s14+$0x11800];
	_ =	sdelay $0x4  }
0x549: {  	v3 =	vmul.f32 v57, v3;
	_ =	sdelay $0x1  }
0x54a: {  	[tilespmem:s7+$0x8300] =	vst v3;
	v3 =	vld [tilespmem:s7+$0x8310]  }
0x54b: {  	v58 =	vld [tilespmem:s14+$0x11810];
	_ =	sdelay $0x4  }
0x54c: {  	v3 =	vmul.f32 v58, v3;
	_ =	sdelay $0x1  }
0x54d: {  	[tilespmem:s7+$0x8310] =	vst v3;
	v3 =	vld [tilespmem:s7+$0x8320]  }
0x54e: {  	v59 =	vld [tilespmem:s14+$0x11820];
	_ =	sdelay $0x4  }
0x54f: {  	v3 =	vmul.f32 v59, v3;
	_ =	sdelay $0x1  }
0x550: {  	[tilespmem:s7+$0x8320] =	vst v3;
	v3 =	vld [tilespmem:s7+$0x8330]  }
0x551: {  	v60 =	vld [tilespmem:s14+$0x11830];
	_ =	sdelay $0x4  }
0x552: {  	v3 =	vmul.f32 v60, v3;
	_ =	sdelay $0x1  }
0x553: {  	[tilespmem:s7+$0x8330] =	vst v3;
	v3 =	vld [tilespmem:s7+$0x8340]  }
0x554: {  	v61 =	vld [tilespmem:s14+$0x11840];
	_ =	sdelay $0x4  }
0x555: {  	v3 =	vmul.f32 v61, v3;
	_ =	sdelay $0x1  }
0x556: {  	[tilespmem:s7+$0x8340] =	vst v3;
	v3 =	vld [tilespmem:s7+$0x8350]  }
0x557: {  	v62 =	vld [tilespmem:s14+$0x11850];
	_ =	sdelay $0x4  }
0x558: {  	v3 =	vmul.f32 v62, v3;
	_ =	sdelay $0x1  }
0x559: {  	[tilespmem:s7+$0x8350] =	vst v3;
	v3 =	vld [tilespmem:s7+$0x8360]  }
0x55a: {  	(v2sf) =	vpush v2, $0x7;
	v63 =	vld [tilespmem:s14+$0x11860];
	_ =	sdelay $0x4  }
0x55b: {  	v3 =	vmul.f32 v63, v3;
	_ =	sdelay $0x1  }
0x55c: {  	[tilespmem:s7+$0x8360] =	vst v3;
	v3 =	vld [tilespmem:s7+$0x8370]  }
0x55d: {  	v8 =	vld [tilespmem:s14+$0x11870];
	_ =	sdelay $0x4  }
0x55e: {  	v3 =	vmul.f32 v8, v3;
	_ =	sdelay $0x1  }
0x55f: {  	s12 =	spop (v2sf);
	[tilespmem:s7+$0x8370] =	vst v3;
	v3 =	vld [tilespmem:s7+$0x8380]  }
0x560: {  	v9 =	vld [tilespmem:s12+$0x11800];
	_ =	sdelay $0x4  }
0x561: {  	v3 =	vmul.f32 v9, v3;
	_ =	sdelay $0x1  }
0x562: {  	[tilespmem:s7+$0x8380] =	vst v3;
	v3 =	vld [tilespmem:s7+$0x8390]  }
0x563: {  	v10 =	vld [tilespmem:s12+$0x11810];
	_ =	sdelay $0x4  }
0x564: {  	v3 =	vmul.f32 v10, v3;
	_ =	sdelay $0x1  }
0x565: {  	[tilespmem:s7+$0x8390] =	vst v3;
	v3 =	vld [tilespmem:s7+$0x83A0]  }
0x566: {  	v11 =	vld [tilespmem:s12+$0x11820];
	_ =	sdelay $0x4  }
0x567: {  	v3 =	vmul.f32 v11, v3;
	_ =	sdelay $0x1  }
0x568: {  	[tilespmem:s7+$0x83A0] =	vst v3;
	v3 =	vld [tilespmem:s7+$0x83B0]  }
0x569: {  	v12 =	vld [tilespmem:s12+$0x11830];
	_ =	sdelay $0x4  }
0x56a: {  	v3 =	vmul.f32 v12, v3;
	_ =	sdelay $0x1  }
0x56b: {  	[tilespmem:s7+$0x83B0] =	vst v3;
	v3 =	vld [tilespmem:s7+$0x83C0]  }
0x56c: {  	v13 =	vld [tilespmem:s12+$0x11840];
	_ =	sdelay $0x4  }
0x56d: {  	v3 =	vmul.f32 v13, v3;
	_ =	sdelay $0x1  }
0x56e: {  	[tilespmem:s7+$0x83C0] =	vst v3;
	v3 =	vld [tilespmem:s7+$0x83D0]  }
0x56f: {  	v14 =	vld [tilespmem:s12+$0x11850];
	_ =	sdelay $0x4  }
0x570: {  	v3 =	vmul.f32 v14, v3;
	_ =	sdelay $0x1  }
0x571: {  	[tilespmem:s7+$0x83D0] =	vst v3;
	v3 =	vld [tilespmem:s7+$0x83E0]  }
0x572: {  	(v2sf) =	vpush v2, $0x8;
	v15 =	vld [tilespmem:s12+$0x11860];
	_ =	sdelay $0x4  }
0x573: {  	v3 =	vmul.f32 v15, v3;
	_ =	sdelay $0x1  }
0x574: {  	[tilespmem:s7+$0x83E0] =	vst v3;
	v3 =	vld [tilespmem:s7+$0x83F0]  }
0x575: {  	v16 =	vld [tilespmem:s12+$0x11870];
	_ =	sdelay $0x4  }
0x576: {  	v3 =	vmul.f32 v16, v3;
	_ =	sdelay $0x1  }
0x577: {  	s14 =	spop (v2sf);
	[tilespmem:s7+$0x83F0] =	vst v3;
	v3 =	vld [tilespmem:s7+$0x8400]  }
0x578: {  	v17 =	vld [tilespmem:s14+$0x11800];
	_ =	sdelay $0x4  }
0x579: {  	v3 =	vmul.f32 v17, v3;
	_ =	sdelay $0x1  }
0x57a: {  	[tilespmem:s7+$0x8400] =	vst v3;
	v3 =	vld [tilespmem:s7+$0x8410]  }
0x57b: {  	v18 =	vld [tilespmem:s14+$0x11810];
	_ =	sdelay $0x4  }
0x57c: {  	v3 =	vmul.f32 v18, v3;
	_ =	sdelay $0x1  }
0x57d: {  	[tilespmem:s7+$0x8410] =	vst v3;
	v3 =	vld [tilespmem:s7+$0x8420]  }
0x57e: {  	v19 =	vld [tilespmem:s14+$0x11820];
	_ =	sdelay $0x4  }
0x57f: {  	v3 =	vmul.f32 v19, v3;
	_ =	sdelay $0x1  }
0x580: {  	[tilespmem:s7+$0x8420] =	vst v3;
	v3 =	vld [tilespmem:s7+$0x8430]  }
0x581: {  	v20 =	vld [tilespmem:s14+$0x11830];
	_ =	sdelay $0x4  }
0x582: {  	v3 =	vmul.f32 v20, v3;
	_ =	sdelay $0x1  }
0x583: {  	[tilespmem:s7+$0x8430] =	vst v3;
	v3 =	vld [tilespmem:s7+$0x8440]  }
0x584: {  	v21 =	vld [tilespmem:s14+$0x11840];
	_ =	sdelay $0x4  }
0x585: {  	v3 =	vmul.f32 v21, v3;
	_ =	sdelay $0x1  }
0x586: {  	[tilespmem:s7+$0x8440] =	vst v3;
	v3 =	vld [tilespmem:s7+$0x8450]  }
0x587: {  	v22 =	vld [tilespmem:s14+$0x11850];
	_ =	sdelay $0x4  }
0x588: {  	v3 =	vmul.f32 v22, v3;
	_ =	sdelay $0x1  }
0x589: {  	[tilespmem:s7+$0x8450] =	vst v3;
	v3 =	vld [tilespmem:s7+$0x8460]  }
0x58a: {  	(v2sf) =	vpush v2, $0x9;
	v23 =	vld [tilespmem:s14+$0x11860];
	_ =	sdelay $0x4  }
0x58b: {  	v3 =	vmul.f32 v23, v3;
	_ =	sdelay $0x1  }
0x58c: {  	[tilespmem:s7+$0x8460] =	vst v3;
	v3 =	vld [tilespmem:s7+$0x8470]  }
0x58d: {  	v24 =	vld [tilespmem:s14+$0x11870];
	_ =	sdelay $0x4  }
0x58e: {  	v3 =	vmul.f32 v24, v3;
	_ =	sdelay $0x1  }
0x58f: {  	s12 =	spop (v2sf);
	[tilespmem:s7+$0x8470] =	vst v3;
	v3 =	vld [tilespmem:s7+$0x8480]  }
0x590: {  	v25 =	vld [tilespmem:s12+$0x11800];
	_ =	sdelay $0x4  }
0x591: {  	v3 =	vmul.f32 v25, v3;
	_ =	sdelay $0x1  }
0x592: {  	[tilespmem:s7+$0x8480] =	vst v3;
	v3 =	vld [tilespmem:s7+$0x8490]  }
0x593: {  	v26 =	vld [tilespmem:s12+$0x11810];
	_ =	sdelay $0x4  }
0x594: {  	v3 =	vmul.f32 v26, v3;
	_ =	sdelay $0x1  }
0x595: {  	[tilespmem:s7+$0x8490] =	vst v3;
	v3 =	vld [tilespmem:s7+$0x84A0]  }
0x596: {  	v27 =	vld [tilespmem:s12+$0x11820];
	_ =	sdelay $0x4  }
0x597: {  	v3 =	vmul.f32 v27, v3;
	_ =	sdelay $0x1  }
0x598: {  	[tilespmem:s7+$0x84A0] =	vst v3;
	v3 =	vld [tilespmem:s7+$0x84B0]  }
0x599: {  	v28 =	vld [tilespmem:s12+$0x11830];
	_ =	sdelay $0x4  }
0x59a: {  	v3 =	vmul.f32 v28, v3;
	_ =	sdelay $0x1  }
0x59b: {  	[tilespmem:s7+$0x84B0] =	vst v3;
	v3 =	vld [tilespmem:s7+$0x84C0]  }
0x59c: {  	v29 =	vld [tilespmem:s12+$0x11840];
	_ =	sdelay $0x4  }
0x59d: {  	v3 =	vmul.f32 v29, v3;
	_ =	sdelay $0x1  }
0x59e: {  	[tilespmem:s7+$0x84C0] =	vst v3;
	v3 =	vld [tilespmem:s7+$0x84D0]  }
0x59f: {  	v30 =	vld [tilespmem:s12+$0x11850];
	_ =	sdelay $0x4  }
0x5a0: {  	v3 =	vmul.f32 v30, v3;
	_ =	sdelay $0x1  }
0x5a1: {  	[tilespmem:s7+$0x84D0] =	vst v3;
	v3 =	vld [tilespmem:s7+$0x84E0]  }
0x5a2: {  	(v2sf) =	vpush v2, $0xA;
	v31 =	vld [tilespmem:s12+$0x11860];
	_ =	sdelay $0x4  }
0x5a3: {  	v3 =	vmul.f32 v31, v3;
	_ =	sdelay $0x1  }
0x5a4: {  	[tilespmem:s7+$0x84E0] =	vst v3;
	v3 =	vld [tilespmem:s7+$0x84F0]  }
0x5a5: {  	v32 =	vld [tilespmem:s12+$0x11870];
	_ =	sdelay $0x4  }
0x5a6: {  	v3 =	vmul.f32 v32, v3;
	_ =	sdelay $0x1  }
0x5a7: {  	s14 =	spop (v2sf);
	[tilespmem:s7+$0x84F0] =	vst v3;
	v3 =	vld [tilespmem:s7+$0x8500]  }
0x5a8: {  	v33 =	vld [tilespmem:s14+$0x11800];
	_ =	sdelay $0x4  }
0x5a9: {  	v3 =	vmul.f32 v33, v3;
	_ =	sdelay $0x1  }
0x5aa: {  	[tilespmem:s7+$0x8500] =	vst v3;
	v3 =	vld [tilespmem:s7+$0x8510]  }
0x5ab: {  	v34 =	vld [tilespmem:s14+$0x11810];
	_ =	sdelay $0x4  }
0x5ac: {  	v3 =	vmul.f32 v34, v3;
	_ =	sdelay $0x1  }
0x5ad: {  	[tilespmem:s7+$0x8510] =	vst v3;
	v3 =	vld [tilespmem:s7+$0x8520]  }
0x5ae: {  	v35 =	vld [tilespmem:s14+$0x11820];
	_ =	sdelay $0x4  }
0x5af: {  	v3 =	vmul.f32 v35, v3;
	_ =	sdelay $0x1  }
0x5b0: {  	[tilespmem:s7+$0x8520] =	vst v3;
	v3 =	vld [tilespmem:s7+$0x8530]  }
0x5b1: {  	v36 =	vld [tilespmem:s14+$0x11830];
	_ =	sdelay $0x4  }
0x5b2: {  	v3 =	vmul.f32 v36, v3;
	_ =	sdelay $0x1  }
0x5b3: {  	[tilespmem:s7+$0x8530] =	vst v3;
	v3 =	vld [tilespmem:s7+$0x8540]  }
0x5b4: {  	v37 =	vld [tilespmem:s14+$0x11840];
	_ =	sdelay $0x4  }
0x5b5: {  	v3 =	vmul.f32 v37, v3;
	_ =	sdelay $0x1  }
0x5b6: {  	[tilespmem:s7+$0x8540] =	vst v3;
	v3 =	vld [tilespmem:s7+$0x8550]  }
0x5b7: {  	v38 =	vld [tilespmem:s14+$0x11850];
	_ =	sdelay $0x4  }
0x5b8: {  	v3 =	vmul.f32 v38, v3;
	_ =	sdelay $0x1  }
0x5b9: {  	[tilespmem:s7+$0x8550] =	vst v3;
	v3 =	vld [tilespmem:s7+$0x8560]  }
0x5ba: {  	(v2sf) =	vpush v2, $0xB;
	v39 =	vld [tilespmem:s14+$0x11860];
	_ =	sdelay $0x4  }
0x5bb: {  	v3 =	vmul.f32 v39, v3;
	_ =	sdelay $0x1  }
0x5bc: {  	[tilespmem:s7+$0x8560] =	vst v3;
	v3 =	vld [tilespmem:s7+$0x8570]  }
0x5bd: {  	v40 =	vld [tilespmem:s14+$0x11870];
	_ =	sdelay $0x4  }
0x5be: {  	v3 =	vmul.f32 v40, v3;
	_ =	sdelay $0x1  }
0x5bf: {  	s12 =	spop (v2sf);
	[tilespmem:s7+$0x8570] =	vst v3;
	v3 =	vld [tilespmem:s7+$0x8580]  }
0x5c0: {  	v41 =	vld [tilespmem:s12+$0x11800];
	_ =	sdelay $0x4  }
0x5c1: {  	v3 =	vmul.f32 v41, v3;
	_ =	sdelay $0x1  }
0x5c2: {  	[tilespmem:s7+$0x8580] =	vst v3;
	v3 =	vld [tilespmem:s7+$0x8590]  }
0x5c3: {  	v42 =	vld [tilespmem:s12+$0x11810];
	_ =	sdelay $0x4  }
0x5c4: {  	v3 =	vmul.f32 v42, v3;
	_ =	sdelay $0x1  }
0x5c5: {  	[tilespmem:s7+$0x8590] =	vst v3;
	v3 =	vld [tilespmem:s7+$0x85A0]  }
0x5c6: {  	v43 =	vld [tilespmem:s12+$0x11820];
	_ =	sdelay $0x4  }
0x5c7: {  	v3 =	vmul.f32 v43, v3;
	_ =	sdelay $0x1  }
0x5c8: {  	[tilespmem:s7+$0x85A0] =	vst v3;
	v3 =	vld [tilespmem:s7+$0x85B0]  }
0x5c9: {  	v44 =	vld [tilespmem:s12+$0x11830];
	_ =	sdelay $0x4  }
0x5ca: {  	v3 =	vmul.f32 v44, v3;
	_ =	sdelay $0x1  }
0x5cb: {  	[tilespmem:s7+$0x85B0] =	vst v3;
	v3 =	vld [tilespmem:s7+$0x85C0]  }
0x5cc: {  	v45 =	vld [tilespmem:s12+$0x11840];
	_ =	sdelay $0x4  }
0x5cd: {  	v3 =	vmul.f32 v45, v3;
	_ =	sdelay $0x1  }
0x5ce: {  	[tilespmem:s7+$0x85C0] =	vst v3;
	v3 =	vld [tilespmem:s7+$0x85D0]  }
0x5cf: {  	v46 =	vld [tilespmem:s12+$0x11850];
	_ =	sdelay $0x4  }
0x5d0: {  	v3 =	vmul.f32 v46, v3;
	_ =	sdelay $0x1  }
0x5d1: {  	[tilespmem:s7+$0x85D0] =	vst v3;
	v3 =	vld [tilespmem:s7+$0x85E0]  }
0x5d2: {  	(v2sf) =	vpush v2, $0xC;
	v47 =	vld [tilespmem:s12+$0x11860];
	_ =	sdelay $0x4  }
0x5d3: {  	v3 =	vmul.f32 v47, v3;
	_ =	sdelay $0x1  }
0x5d4: {  	[tilespmem:s7+$0x85E0] =	vst v3;
	v3 =	vld [tilespmem:s7+$0x85F0]  }
0x5d5: {  	v48 =	vld [tilespmem:s12+$0x11870];
	_ =	sdelay $0x4  }
0x5d6: {  	v3 =	vmul.f32 v48, v3;
	_ =	sdelay $0x1  }
0x5d7: {  	s14 =	spop (v2sf);
	[tilespmem:s7+$0x85F0] =	vst v3;
	v3 =	vld [tilespmem:s7+$0x8600]  }
0x5d8: {  	v49 =	vld [tilespmem:s14+$0x11800];
	_ =	sdelay $0x4  }
0x5d9: {  	v3 =	vmul.f32 v49, v3;
	_ =	sdelay $0x1  }
0x5da: {  	[tilespmem:s7+$0x8600] =	vst v3;
	v3 =	vld [tilespmem:s7+$0x8610]  }
0x5db: {  	v50 =	vld [tilespmem:s14+$0x11810];
	_ =	sdelay $0x4  }
0x5dc: {  	v3 =	vmul.f32 v50, v3;
	_ =	sdelay $0x1  }
0x5dd: {  	[tilespmem:s7+$0x8610] =	vst v3;
	v3 =	vld [tilespmem:s7+$0x8620]  }
0x5de: {  	v51 =	vld [tilespmem:s14+$0x11820];
	_ =	sdelay $0x4  }
0x5df: {  	v3 =	vmul.f32 v51, v3;
	_ =	sdelay $0x1  }
0x5e0: {  	[tilespmem:s7+$0x8620] =	vst v3;
	v3 =	vld [tilespmem:s7+$0x8630]  }
0x5e1: {  	v52 =	vld [tilespmem:s14+$0x11830];
	_ =	sdelay $0x4  }
0x5e2: {  	v3 =	vmul.f32 v52, v3;
	_ =	sdelay $0x1  }
0x5e3: {  	[tilespmem:s7+$0x8630] =	vst v3;
	v3 =	vld [tilespmem:s7+$0x8640]  }
0x5e4: {  	v53 =	vld [tilespmem:s14+$0x11840];
	_ =	sdelay $0x4  }
0x5e5: {  	v3 =	vmul.f32 v53, v3;
	_ =	sdelay $0x1  }
0x5e6: {  	[tilespmem:s7+$0x8640] =	vst v3;
	v3 =	vld [tilespmem:s7+$0x8650]  }
0x5e7: {  	v54 =	vld [tilespmem:s14+$0x11850];
	_ =	sdelay $0x4  }
0x5e8: {  	v3 =	vmul.f32 v54, v3;
	_ =	sdelay $0x1  }
0x5e9: {  	[tilespmem:s7+$0x8650] =	vst v3;
	v3 =	vld [tilespmem:s7+$0x8660]  }
0x5ea: {  	(v2sf) =	vpush v2, $0xD;
	v55 =	vld [tilespmem:s14+$0x11860];
	_ =	sdelay $0x4  }
0x5eb: {  	v3 =	vmul.f32 v55, v3;
	_ =	sdelay $0x1  }
0x5ec: {  	[tilespmem:s7+$0x8660] =	vst v3;
	v3 =	vld [tilespmem:s7+$0x8670]  }
0x5ed: {  	v56 =	vld [tilespmem:s14+$0x11870];
	_ =	sdelay $0x4  }
0x5ee: {  	v3 =	vmul.f32 v56, v3;
	_ =	sdelay $0x1  }
0x5ef: {  	s12 =	spop (v2sf);
	[tilespmem:s7+$0x8670] =	vst v3;
	v3 =	vld [tilespmem:s7+$0x8680]  }
0x5f0: {  	v57 =	vld [tilespmem:s12+$0x11800];
	_ =	sdelay $0x4  }
0x5f1: {  	v3 =	vmul.f32 v57, v3;
	_ =	sdelay $0x1  }
0x5f2: {  	[tilespmem:s7+$0x8680] =	vst v3;
	v3 =	vld [tilespmem:s7+$0x8690]  }
0x5f3: {  	v58 =	vld [tilespmem:s12+$0x11810];
	_ =	sdelay $0x4  }
0x5f4: {  	v3 =	vmul.f32 v58, v3;
	_ =	sdelay $0x1  }
0x5f5: {  	[tilespmem:s7+$0x8690] =	vst v3;
	v3 =	vld [tilespmem:s7+$0x86A0]  }
0x5f6: {  	v59 =	vld [tilespmem:s12+$0x11820];
	_ =	sdelay $0x4  }
0x5f7: {  	v3 =	vmul.f32 v59, v3;
	_ =	sdelay $0x1  }
0x5f8: {  	[tilespmem:s7+$0x86A0] =	vst v3;
	v3 =	vld [tilespmem:s7+$0x86B0]  }
0x5f9: {  	v60 =	vld [tilespmem:s12+$0x11830];
	_ =	sdelay $0x4  }
0x5fa: {  	v3 =	vmul.f32 v60, v3;
	_ =	sdelay $0x1  }
0x5fb: {  	[tilespmem:s7+$0x86B0] =	vst v3;
	v3 =	vld [tilespmem:s7+$0x86C0]  }
0x5fc: {  	v61 =	vld [tilespmem:s12+$0x11840];
	_ =	sdelay $0x4  }
0x5fd: {  	v3 =	vmul.f32 v61, v3;
	_ =	sdelay $0x1  }
0x5fe: {  	[tilespmem:s7+$0x86C0] =	vst v3;
	v3 =	vld [tilespmem:s7+$0x86D0]  }
0x5ff: {  	v62 =	vld [tilespmem:s12+$0x11850];
	_ =	sdelay $0x4  }
0x600: {  	v3 =	vmul.f32 v62, v3;
	_ =	sdelay $0x1  }
0x601: {  	[tilespmem:s7+$0x86D0] =	vst v3;
	v3 =	vld [tilespmem:s7+$0x86E0]  }
0x602: {  	(v2sf) =	vpush v2, $0xE;
	v63 =	vld [tilespmem:s12+$0x11860];
	_ =	sdelay $0x4  }
0x603: {  	v2 =	vmul.f32 v63, v3;
	_ =	sdelay $0x1  }
0x604: {  	[tilespmem:s7+$0x86E0] =	vst v2;
	v2 =	vld [tilespmem:s7+$0x86F0]  }
0x605: {  	v3 =	vld [tilespmem:s12+$0x11870];
	_ =	sdelay $0x4  }
0x606: {  	v2 =	vmul.f32 v3, v2;
	_ =	sdelay $0x1  }
0x607: {  	s14 =	spop (v2sf);
	[tilespmem:s7+$0x86F0] =	vst v2;
	v2 =	vld [tilespmem:s7+$0x8700]  }
0x608: {  	v3 =	vld [tilespmem:s14+$0x11800];
	_ =	sdelay $0x4  }
0x609: {  	v2 =	vmul.f32 v3, v2;
	_ =	sdelay $0x1  }
0x60a: {  	[tilespmem:s7+$0x8700] =	vst v2;
	v2 =	vld [tilespmem:s7+$0x8710]  }
0x60b: {  	v3 =	vld [tilespmem:s14+$0x11810];
	_ =	sdelay $0x4  }
0x60c: {  	v2 =	vmul.f32 v3, v2;
	_ =	sdelay $0x1  }
0x60d: {  	[tilespmem:s7+$0x8710] =	vst v2;
	v2 =	vld [tilespmem:s7+$0x8720]  }
0x60e: {  	v3 =	vld [tilespmem:s14+$0x11820];
	_ =	sdelay $0x4  }
0x60f: {  	v2 =	vmul.f32 v3, v2;
	_ =	sdelay $0x1  }
0x610: {  	[tilespmem:s7+$0x8720] =	vst v2;
	v2 =	vld [tilespmem:s7+$0x8730]  }
0x611: {  	v3 =	vld [tilespmem:s14+$0x11830];
	_ =	sdelay $0x4  }
0x612: {  	v2 =	vmul.f32 v3, v2;
	_ =	sdelay $0x1  }
0x613: {  	[tilespmem:s7+$0x8730] =	vst v2;
	v2 =	vld [tilespmem:s7+$0x8740]  }
0x614: {  	v3 =	vld [tilespmem:s14+$0x11840];
	_ =	sdelay $0x4  }
0x615: {  	v2 =	vmul.f32 v3, v2;
	_ =	sdelay $0x1  }
0x616: {  	[tilespmem:s7+$0x8740] =	vst v2;
	v2 =	vld [tilespmem:s7+$0x8750]  }
0x617: {  	v3 =	vld [tilespmem:s14+$0x11850];
	_ =	sdelay $0x4  }
0x618: {  	v2 =	vmul.f32 v3, v2;
	_ =	sdelay $0x1  }
0x619: {  	[tilespmem:s7+$0x8750] =	vst v2;
	v2 =	vld [tilespmem:s7+$0x8760]  }
0x61a: {  	v3 =	vld [tilespmem:s14+$0x11860];
	_ =	sdelay $0x4  }
0x61b: {  	v2 =	vmul.f32 v3, v2;
	_ =	sdelay $0x1  }
0x61c: {  	[tilespmem:s7+$0x8760] =	vst v2;
	v2 =	vld [tilespmem:s7+$0x8770]  }
0x61d: {  	v3 =	vld [tilespmem:s14+$0x11870];
	_ =	sdelay $0x4  }
0x61e: {  	v2 =	vmul.f32 v3, v2  }
0x61f: {  	s15 =	sshll.u32 s15, $0x9  }
0x620: {  	s11 =	sshra.s32 s15, $0x2;
	[tilespmem:s7+$0x8770] =	vst v2;
	v2 =	vld [tilespmem:s7+$0x8780]  }
0x621: {  	v3 =	vld [tilespmem:s11+$0x11800];
	_ =	sdelay $0x4  }
0x622: {  	v2 =	vmul.f32 v3, v2;
	_ =	sdelay $0x1  }
0x623: {  	[tilespmem:s7+$0x8780] =	vst v2;
	v2 =	vld [tilespmem:s7+$0x8790]  }
0x624: {  	v3 =	vld [tilespmem:s11+$0x11810];
	_ =	sdelay $0x4  }
0x625: {  	v2 =	vmul.f32 v3, v2;
	_ =	sdelay $0x1  }
0x626: {  	[tilespmem:s7+$0x8790] =	vst v2;
	v2 =	vld [tilespmem:s7+$0x87A0]  }
0x627: {  	v3 =	vld [tilespmem:s11+$0x11820];
	_ =	sdelay $0x4  }
0x628: {  	v2 =	vmul.f32 v3, v2;
	_ =	sdelay $0x1  }
0x629: {  	[tilespmem:s7+$0x87A0] =	vst v2;
	v2 =	vld [tilespmem:s7+$0x87B0]  }
0x62a: {  	v3 =	vld [tilespmem:s11+$0x11830];
	_ =	sdelay $0x4  }
0x62b: {  	v2 =	vmul.f32 v3, v2;
	_ =	sdelay $0x1  }
0x62c: {  	[tilespmem:s7+$0x87B0] =	vst v2;
	v2 =	vld [tilespmem:s7+$0x87C0]  }
0x62d: {  	v3 =	vld [tilespmem:s11+$0x11840];
	_ =	sdelay $0x4  }
0x62e: {  	v2 =	vmul.f32 v3, v2;
	_ =	sdelay $0x1  }
0x62f: {  	[tilespmem:s7+$0x87C0] =	vst v2;
	v2 =	vld [tilespmem:s7+$0x87D0]  }
0x630: {  	v3 =	vld [tilespmem:s11+$0x11850];
	_ =	sdelay $0x4  }
0x631: {  	v2 =	vmul.f32 v3, v2;
	_ =	sdelay $0x1  }
0x632: {  	[tilespmem:s7+$0x87D0] =	vst v2;
	v2 =	vld [tilespmem:s7+$0x87E0]  }
0x633: {  	v3 =	vld [tilespmem:s11+$0x11860];
	_ =	sdelay $0x4  }
0x634: {  	v2 =	vmul.f32 v3, v2;
	_ =	sdelay $0x1  }
0x635: {  	[tilespmem:s7+$0x87E0] =	vst v2;
	v2 =	vld [tilespmem:s7+$0x87F0]  }
0x636: {  	v3 =	vld [tilespmem:s11+$0x11870];
	_ =	sdelay $0x4  }
0x637: {  	v2 =	vmul.f32 v3, v2;
	_ =	sdelay $0x1  }
0x638: {  	[tilespmem:s7+$0x87F0] =	vst v2  }
.LBB2_30:
0x639: {  	s16 =	sadd.s32 $0x1, s16  }
0x63a: {  	p1 =	sne.s32 s16, $0x8  }
.Ltmp17:
0x63b: {  	_ = 	snop;
	(pc) =	sbr.rel @!p1 .LBB2_31-.Ltmp17, $2  }
0x63c: {  	_ =	sdelay $0x2  }
0x63d: {  	s18 =	sadd.s32 $0x800, s18  }
.LBB2_25:
0x63e: {  	_ =	sdelay $0x2  }
0x63f: {  	s14 =	sshll.u32 s16, $0x4  }
0x640: {  	v2 =	vld.idx.msk [tilespmem:v1+s14+$0x0 ss:$0x1], $0xffff;
	_ =	sdelay $0x4  }
0x641: {  	(v2sf) =	vpush v2, $0x0  }
0x642: {  	(v2sf) =	vpush v2, $0xF;
	_ =	sdelay $0xd  }
0x643: {  	s7 =	spop (v2sf)  }
0x644: {  	s15 =	spop (v2sf)  }
0x645: {  	p1 =	seq.s32 s7, s15  }
.Ltmp18:
0x646: {  	_ = 	snop;
	(pc) =	sbr.rel @!p1 .LBB2_26-.Ltmp18, $3  }
0x647: {  	_ =	sdelay $0x1  }
0x648: {  	s7 =	sshll.u32 s7, $0x9  }
0x649: {  	s7 =	sshra.s32 s7, $0x2  }
0x64a: {  	v2 =	vld [tilespmem:s7+$0x11800]  }
0x64b: {  	v7 =	vld [tilespmem:s7+$0x11810]  }
0x64c: {  	v8 =	vld [tilespmem:s7+$0x11820]  }
0x64d: {  	v6 =	vld [tilespmem:s7+$0x11830]  }
0x64e: {  	v5 =	vld [tilespmem:s7+$0x11840]  }
0x64f: {  	v4 =	vld [tilespmem:s7+$0x11850]  }
0x650: {  	v3 =	vld [tilespmem:s7+$0x11860]  }
0x651: {  	v9 =	vld [tilespmem:s7+$0x11870]  }
0x652: {  	v10 =	vld [tilespmem:s18+$0x0]  }
0x653: {  	v11 =	vld [tilespmem:s18+$0xFFFFFF20]  }
0x654: {  	v12 =	vld [tilespmem:s18+$0xFFFFFF30]  }
0x655: {  	v13 =	vld [tilespmem:s18+$0xFFFFFF40]  }
0x656: {  	v14 =	vld [tilespmem:s18+$0xFFFFFF50]  }
0x657: {  	v15 =	vld [tilespmem:s18+$0xFFFFFF60];
	v10 =	vmul.f32 v10, v9  }
0x658: {  	v16 =	vld [tilespmem:s18+$0xFFFFFF70];
	v11 =	vmul.f32 v11, v7  }
0x659: {  	v17 =	vld [tilespmem:s18+$0xFFFFFF80];
	v12 =	vmul.f32 v12, v8;
	[tilespmem:s18+$0x0] =	vst v10  }
0x65a: {  	[tilespmem:s18+$0xFFFFFF20] =	vst v11;
	v10 =	vmul.f32 v13, v6;
	v13 =	vld [tilespmem:s18+$0xFFFFFF90]  }
0x65b: {  	[tilespmem:s18+$0xFFFFFF30] =	vst v12;
	v11 =	vmul.f32 v14, v5;
	v14 =	vld [tilespmem:s18+$0xFFFFFFA0]  }
0x65c: {  	v18 =	vld [tilespmem:s18+$0xFFFFFFB0];
	v12 =	vmul.f32 v15, v4;
	[tilespmem:s18+$0xFFFFFF40] =	vst v10  }
0x65d: {  	v15 =	vmul.f32 v16, v3;
	[tilespmem:s18+$0xFFFFFF50] =	vst v11;
	v10 =	vld [tilespmem:s18+$0xFFFFFFC0]  }
0x65e: {  	v16 =	vmul.f32 v17, v9;
	[tilespmem:s18+$0xFFFFFF60] =	vst v12;
	v11 =	vld [tilespmem:s18+$0xFFFFFFD0]  }
0x65f: {  	[tilespmem:s18+$0xFFFFFF70] =	vst v15;
	v12 =	vld [tilespmem:s18+$0xFFFFFFE0];
	v17 =	vmul.f32 v13, v2  }
0x660: {  	[tilespmem:s18+$0xFFFFFF80] =	vst v16;
	v13 =	vld [tilespmem:s18+$0xFFFFFFF0];
	v15 =	vmul.f32 v14, v7  }
0x661: {  	s15 =	simm.s32 $0x0;
	s14 =	sadd.s32 $0x100, s18;
	s7 =	smov.u32 s18;
	v16 =	vmul.f32 v18, v8;
	v14 =	vld [tilespmem:s18+$0xFFFFFF10];
	[tilespmem:s18+$0xFFFFFF90] =	vst v17  }
.LBB2_28:
0x662: {  	v17 =	vld [tilespmem:s14+$0x0];
	s15 =	sadd.s32 $0x2, s15;
	[tilespmem:s7+$0xFFFFFFA0] =	vst v15;
	v10 =	vmul.f32 v10, v6  }
0x663: {  	v15 =	vld [tilespmem:s14+$0xFFFFFF20];
	p1 =	slt.u32 s15, $0xE;
	[tilespmem:s7+$0xFFFFFFB0] =	vst v16;
	v11 =	vmul.f32 v11, v5  }
0x664: {  	v16 =	vld [tilespmem:s14+$0xFFFFFF30];
	[tilespmem:s7+$0xFFFFFFC0] =	vst v10;
	v10 =	vmul.f32 v12, v4  }
0x665: {  	v12 =	vld [tilespmem:s14+$0xFFFFFF40];
	[tilespmem:s7+$0xFFFFFFD0] =	vst v11;
	v11 =	vmul.f32 v13, v3  }
0x666: {  	v13 =	vld [tilespmem:s14+$0xFFFFFF50];
	v14 =	vmul.f32 v14, v2;
	[tilespmem:s7+$0xFFFFFFE0] =	vst v10  }
0x667: {  	v10 =	vld [tilespmem:s14+$0xFFFFFF60];
	v17 =	vmul.f32 v17, v9;
	[tilespmem:s7+$0xFFFFFFF0] =	vst v11  }
0x668: {  	v11 =	vmul.f32 v15, v7;
	v15 =	vld [tilespmem:s14+$0xFFFFFF70];
	[tilespmem:s7+$0xFFFFFF10] =	vst v14;
	s7 =	smov.u32 s14  }
0x669: {  	v14 =	vmul.f32 v16, v8;
	v16 =	vld [tilespmem:s14+$0xFFFFFF80];
	[tilespmem:s14+$0x0] =	vst v17  }
0x66a: {  	[tilespmem:s14+$0xFFFFFF20] =	vst v11;
	v11 =	vmul.f32 v12, v6;
	v12 =	vld [tilespmem:s14+$0xFFFFFF90]  }
0x66b: {  	[tilespmem:s14+$0xFFFFFF30] =	vst v14;
	v13 =	vmul.f32 v13, v5;
	v14 =	vld [tilespmem:s14+$0xFFFFFFA0]  }
0x66c: {  	[tilespmem:s14+$0xFFFFFF40] =	vst v11;
	v11 =	vmul.f32 v10, v4;
	v17 =	vld [tilespmem:s14+$0xFFFFFFB0]  }
.Ltmp19:
0x66d: {  	[tilespmem:s14+$0xFFFFFF50] =	vst v13;
	v13 =	vmul.f32 v15, v3;
	v10 =	vld [tilespmem:s14+$0xFFFFFFC0];
	(pc) =	sbr.rel @p1 .LBB2_28-.Ltmp19, $4  }
0x66e: {  	[tilespmem:s14+$0xFFFFFF60] =	vst v11;
	v15 =	vmul.f32 v16, v9;
	v11 =	vld [tilespmem:s14+$0xFFFFFFD0]  }
0x66f: {  	[tilespmem:s14+$0xFFFFFF70] =	vst v13;
	v16 =	vmul.f32 v12, v2;
	v12 =	vld [tilespmem:s14+$0xFFFFFFE0]  }
0x670: {  	[tilespmem:s14+$0xFFFFFF80] =	vst v15;
	v15 =	vmul.f32 v14, v7;
	v13 =	vld [tilespmem:s14+$0xFFFFFFF0]  }
0x671: {  	s14 =	sadd.s32 $0x100, s14;
	v14 =	vld [tilespmem:s7+$0xFFFFFF10];
	[tilespmem:s7+$0xFFFFFF90] =	vst v16;
	v16 =	vmul.f32 v17, v8  }
0x672: {  	[tilespmem:s7+$0xFFFFFFA0] =	vst v15;
	v6 =	vmul.f32 v10, v6  }
0x673: {  	[tilespmem:s7+$0xFFFFFFB0] =	vst v16;
	v5 =	vmul.f32 v11, v5  }
.Ltmp20:
0x674: {  	[tilespmem:s7+$0xFFFFFFC0] =	vst v6;
	v4 =	vmul.f32 v12, v4;
	(pc) =	sbr.rel .LBB2_30-.Ltmp20, $4  }
0x675: {  	[tilespmem:s7+$0xFFFFFFD0] =	vst v5;
	v3 =	vmul.f32 v13, v3  }
0x676: {  	v2 =	vmul.f32 v14, v2;
	[tilespmem:s7+$0xFFFFFFE0] =	vst v4  }
0x677: {  	[tilespmem:s7+$0xFFFFFFF0] =	vst v3  }
0x678: {  	[tilespmem:s7+$0xFFFFFF10] =	vst v2  }
.LBB2_31:
0x679: {  	s7 =	sadd.s32 s2, s13  }
0x67a: {  	[hbm4b:s7+s19] =	stream.strided.scatter [tilespmem:s26], [sflag:$0x7], $0x4000, s20, s19, $0x38;
	[tilespmem:$0x12080] =	vst v63  }
0x67b: {  	p1 =	seq.s32 s1, $0x3;
	s7 =	rddreg [dreg:$0x9]  }
0x67c: {  	s11 =	simm.s32 @!p1 $0x5;
	s7 =	sadd.s32 @!p1 s10, s7  }
0x67d: {  	s16 =	simm.s32 $0x4;
	_ =	swait.ge @!p1 [sflag:s11], $0x4000;
	s7 =	sshll.u32 @!p1 s7, $0x8  }
0x67e: {  	s12 =	simm.s32 @!p1 $0x800;
	[sflag:s11] =	ssyncset.done @!p1 $0x0;
	s7 =	sor.u32 @!p1 s4, s7  }
0x67f: {  	s13 =	simm.s32 @!p1 $0x0;
	[sflag:s11] =	ssyncadd.s32 @!p1 $0xFFFFC000;
	s7 =	sshrl.u32 @!p1 s7, $0x3  }
.Ltmp21:
0x680: {  	s11 =	simm.s32 @!p1 $0x400;
	s7 =	sadd.s32 @!p1 s0, s7;
	(pc) =	sbr.rel .LBB2_32-.Ltmp21, $4  }
0x681: {  	[tilespmem:s13], [sflag:$0x1] =	stream.strided.gather @!p1 [hbm4b:s7+s11], $0x4000, s12, s11, $0x38;
	[tilespmem:$0x12080] =	vst v63  }
0x682: {  	_ =	swait.ge [sflag:s16], $0x4000  }
0x683: {  	s18 =	sadd.s32 $0x10000, s17;
	[sflag:s16] =	ssyncset.done $0x0  }
0x684: {  	v1 =	vmov s18;
	s13 =	simm.s32 $0x0;
	[sflag:s16] =	ssyncadd.s32 $0xFFFFC000;
	s16 =	simm.s32 $0xC0F0  }
.LBB2_33:
0x685: {  	s11 =	sor.u32 $0x180, s14  }
0x686: {  	s11 =	sshll.u32 s11, $0x7  }
0x687: {  	v4 =	vld [tilespmem:s7+$0x11800];
	s11 =	sand.u32 $0x3FFFFF80, s11  }
0x688: {  	v3 =	vld [tilespmem:s11+$0x0];
	_ =	sdelay $0x4  }
0x689: {  	v3 =	vmul.f32 v4, v3;
	_ =	sdelay $0x1  }
0x68a: {  	[tilespmem:s11+$0x0] =	vst v3;
	v3 =	vld [tilespmem:s11+$0x10]  }
0x68b: {  	v10 =	vld [tilespmem:s7+$0x11810];
	_ =	sdelay $0x4  }
0x68c: {  	v3 =	vmul.f32 v10, v3;
	_ =	sdelay $0x1  }
0x68d: {  	[tilespmem:s11+$0x10] =	vst v3;
	v3 =	vld [tilespmem:s11+$0x20]  }
0x68e: {  	v11 =	vld [tilespmem:s7+$0x11820];
	_ =	sdelay $0x4  }
0x68f: {  	v3 =	vmul.f32 v11, v3;
	_ =	sdelay $0x1  }
0x690: {  	[tilespmem:s11+$0x20] =	vst v3;
	v3 =	vld [tilespmem:s11+$0x30]  }
0x691: {  	v12 =	vld [tilespmem:s7+$0x11830];
	_ =	sdelay $0x4  }
0x692: {  	v3 =	vmul.f32 v12, v3;
	_ =	sdelay $0x1  }
0x693: {  	[tilespmem:s11+$0x30] =	vst v3;
	v3 =	vld [tilespmem:s11+$0x40]  }
0x694: {  	v13 =	vld [tilespmem:s7+$0x11840];
	_ =	sdelay $0x4  }
0x695: {  	v3 =	vmul.f32 v13, v3;
	_ =	sdelay $0x1  }
0x696: {  	[tilespmem:s11+$0x40] =	vst v3;
	v3 =	vld [tilespmem:s11+$0x50]  }
0x697: {  	v14 =	vld [tilespmem:s7+$0x11850];
	_ =	sdelay $0x4  }
0x698: {  	v3 =	vmul.f32 v14, v3;
	_ =	sdelay $0x1  }
0x699: {  	v2 =	vshll.u32 v2, $0x9;
	[tilespmem:s11+$0x50] =	vst v3;
	v3 =	vld [tilespmem:s11+$0x60]  }
0x69a: {  	v2 =	vshra.s32 v2, $0x2;
	v15 =	vld [tilespmem:s7+$0x11860]  }
0x69b: {  	(v2sf) =	vpush v2, $0x1;
	_ =	sdelay $0x3  }
0x69c: {  	v3 =	vmul.f32 v15, v3;
	_ =	sdelay $0x1  }
0x69d: {  	[tilespmem:s11+$0x60] =	vst v3;
	v3 =	vld [tilespmem:s11+$0x70]  }
0x69e: {  	v16 =	vld [tilespmem:s7+$0x11870];
	_ =	sdelay $0x4  }
0x69f: {  	v3 =	vmul.f32 v16, v3  }
0x6a0: {  	s12 =	sshll.u32 s13, $0xB  }
0x6a1: {  	s7 =	sand.u32 $0x3FFFF800, s12;
	[tilespmem:s11+$0x70] =	vst v3  }
0x6a2: {  	s14 =	spop (v2sf);
	v3 =	vld [tilespmem:s7+$0xC080]  }
0x6a3: {  	v17 =	vld [tilespmem:s14+$0x11800];
	_ =	sdelay $0x4  }
0x6a4: {  	v3 =	vmul.f32 v17, v3;
	_ =	sdelay $0x1  }
0x6a5: {  	[tilespmem:s7+$0xC080] =	vst v3;
	v3 =	vld [tilespmem:s7+$0xC090]  }
0x6a6: {  	v18 =	vld [tilespmem:s14+$0x11810];
	_ =	sdelay $0x4  }
0x6a7: {  	v3 =	vmul.f32 v18, v3;
	_ =	sdelay $0x1  }
0x6a8: {  	[tilespmem:s7+$0xC090] =	vst v3;
	v3 =	vld [tilespmem:s7+$0xC0A0]  }
0x6a9: {  	v19 =	vld [tilespmem:s14+$0x11820];
	_ =	sdelay $0x4  }
0x6aa: {  	v3 =	vmul.f32 v19, v3;
	_ =	sdelay $0x1  }
0x6ab: {  	[tilespmem:s7+$0xC0A0] =	vst v3;
	v3 =	vld [tilespmem:s7+$0xC0B0]  }
0x6ac: {  	v20 =	vld [tilespmem:s14+$0x11830];
	_ =	sdelay $0x4  }
0x6ad: {  	v3 =	vmul.f32 v20, v3;
	_ =	sdelay $0x1  }
0x6ae: {  	[tilespmem:s7+$0xC0B0] =	vst v3;
	v3 =	vld [tilespmem:s7+$0xC0C0]  }
0x6af: {  	v21 =	vld [tilespmem:s14+$0x11840];
	_ =	sdelay $0x4  }
0x6b0: {  	v3 =	vmul.f32 v21, v3;
	_ =	sdelay $0x1  }
0x6b1: {  	[tilespmem:s7+$0xC0C0] =	vst v3;
	v3 =	vld [tilespmem:s7+$0xC0D0]  }
0x6b2: {  	v22 =	vld [tilespmem:s14+$0x11850];
	_ =	sdelay $0x4  }
0x6b3: {  	v3 =	vmul.f32 v22, v3;
	_ =	sdelay $0x1  }
0x6b4: {  	[tilespmem:s7+$0xC0D0] =	vst v3;
	v3 =	vld [tilespmem:s7+$0xC0E0]  }
0x6b5: {  	(v2sf) =	vpush v2, $0x2;
	v23 =	vld [tilespmem:s14+$0x11860];
	_ =	sdelay $0x4  }
0x6b6: {  	v3 =	vmul.f32 v23, v3;
	_ =	sdelay $0x1  }
0x6b7: {  	[tilespmem:s7+$0xC0E0] =	vst v3;
	v3 =	vld [tilespmem:s7+$0xC0F0]  }
0x6b8: {  	v24 =	vld [tilespmem:s14+$0x11870];
	_ =	sdelay $0x4  }
0x6b9: {  	v3 =	vmul.f32 v24, v3;
	_ =	sdelay $0x1  }
0x6ba: {  	s17 =	spop (v2sf);
	[tilespmem:s7+$0xC0F0] =	vst v3;
	v3 =	vld [tilespmem:s7+$0xC100]  }
0x6bb: {  	v25 =	vld [tilespmem:s17+$0x11800];
	_ =	sdelay $0x4  }
0x6bc: {  	v3 =	vmul.f32 v25, v3;
	_ =	sdelay $0x1  }
0x6bd: {  	[tilespmem:s7+$0xC100] =	vst v3;
	v3 =	vld [tilespmem:s7+$0xC110]  }
0x6be: {  	v26 =	vld [tilespmem:s17+$0x11810];
	_ =	sdelay $0x4  }
0x6bf: {  	v3 =	vmul.f32 v26, v3;
	_ =	sdelay $0x1  }
0x6c0: {  	[tilespmem:s7+$0xC110] =	vst v3;
	v3 =	vld [tilespmem:s7+$0xC120]  }
0x6c1: {  	v27 =	vld [tilespmem:s17+$0x11820];
	_ =	sdelay $0x4  }
0x6c2: {  	v3 =	vmul.f32 v27, v3;
	_ =	sdelay $0x1  }
0x6c3: {  	[tilespmem:s7+$0xC120] =	vst v3;
	v3 =	vld [tilespmem:s7+$0xC130]  }
0x6c4: {  	v28 =	vld [tilespmem:s17+$0x11830];
	_ =	sdelay $0x4  }
0x6c5: {  	v3 =	vmul.f32 v28, v3;
	_ =	sdelay $0x1  }
0x6c6: {  	[tilespmem:s7+$0xC130] =	vst v3;
	v3 =	vld [tilespmem:s7+$0xC140]  }
0x6c7: {  	v29 =	vld [tilespmem:s17+$0x11840];
	_ =	sdelay $0x4  }
0x6c8: {  	v3 =	vmul.f32 v29, v3;
	_ =	sdelay $0x1  }
0x6c9: {  	[tilespmem:s7+$0xC140] =	vst v3;
	v3 =	vld [tilespmem:s7+$0xC150]  }
0x6ca: {  	v30 =	vld [tilespmem:s17+$0x11850];
	_ =	sdelay $0x4  }
0x6cb: {  	v3 =	vmul.f32 v30, v3;
	_ =	sdelay $0x1  }
0x6cc: {  	[tilespmem:s7+$0xC150] =	vst v3;
	v3 =	vld [tilespmem:s7+$0xC160]  }
0x6cd: {  	(v2sf) =	vpush v2, $0x3;
	v31 =	vld [tilespmem:s17+$0x11860];
	_ =	sdelay $0x4  }
0x6ce: {  	v3 =	vmul.f32 v31, v3;
	_ =	sdelay $0x1  }
0x6cf: {  	[tilespmem:s7+$0xC160] =	vst v3;
	v3 =	vld [tilespmem:s7+$0xC170]  }
0x6d0: {  	v32 =	vld [tilespmem:s17+$0x11870];
	_ =	sdelay $0x4  }
0x6d1: {  	v3 =	vmul.f32 v32, v3;
	_ =	sdelay $0x1  }
0x6d2: {  	s18 =	spop (v2sf);
	[tilespmem:s7+$0xC170] =	vst v3;
	v3 =	vld [tilespmem:s7+$0xC180]  }
0x6d3: {  	v33 =	vld [tilespmem:s18+$0x11800];
	_ =	sdelay $0x4  }
0x6d4: {  	v3 =	vmul.f32 v33, v3;
	_ =	sdelay $0x1  }
0x6d5: {  	[tilespmem:s7+$0xC180] =	vst v3;
	v3 =	vld [tilespmem:s7+$0xC190]  }
0x6d6: {  	v34 =	vld [tilespmem:s18+$0x11810];
	_ =	sdelay $0x4  }
0x6d7: {  	v3 =	vmul.f32 v34, v3;
	_ =	sdelay $0x1  }
0x6d8: {  	[tilespmem:s7+$0xC190] =	vst v3;
	v3 =	vld [tilespmem:s7+$0xC1A0]  }
0x6d9: {  	v35 =	vld [tilespmem:s18+$0x11820];
	_ =	sdelay $0x4  }
0x6da: {  	v3 =	vmul.f32 v35, v3;
	_ =	sdelay $0x1  }
0x6db: {  	[tilespmem:s7+$0xC1A0] =	vst v3;
	v3 =	vld [tilespmem:s7+$0xC1B0]  }
0x6dc: {  	v36 =	vld [tilespmem:s18+$0x11830];
	_ =	sdelay $0x4  }
0x6dd: {  	v3 =	vmul.f32 v36, v3;
	_ =	sdelay $0x1  }
0x6de: {  	[tilespmem:s7+$0xC1B0] =	vst v3;
	v3 =	vld [tilespmem:s7+$0xC1C0]  }
0x6df: {  	v37 =	vld [tilespmem:s18+$0x11840];
	_ =	sdelay $0x4  }
0x6e0: {  	v3 =	vmul.f32 v37, v3;
	_ =	sdelay $0x1  }
0x6e1: {  	[tilespmem:s7+$0xC1C0] =	vst v3;
	v3 =	vld [tilespmem:s7+$0xC1D0]  }
0x6e2: {  	v38 =	vld [tilespmem:s18+$0x11850];
	_ =	sdelay $0x4  }
0x6e3: {  	v3 =	vmul.f32 v38, v3;
	_ =	sdelay $0x1  }
0x6e4: {  	[tilespmem:s7+$0xC1D0] =	vst v3;
	v3 =	vld [tilespmem:s7+$0xC1E0]  }
0x6e5: {  	(v2sf) =	vpush v2, $0x4;
	v39 =	vld [tilespmem:s18+$0x11860];
	_ =	sdelay $0x4  }
0x6e6: {  	v3 =	vmul.f32 v39, v3;
	_ =	sdelay $0x1  }
0x6e7: {  	[tilespmem:s7+$0xC1E0] =	vst v3;
	v3 =	vld [tilespmem:s7+$0xC1F0]  }
0x6e8: {  	v40 =	vld [tilespmem:s18+$0x11870];
	_ =	sdelay $0x4  }
0x6e9: {  	v3 =	vmul.f32 v40, v3;
	_ =	sdelay $0x1  }
0x6ea: {  	s12 =	spop (v2sf);
	[tilespmem:s7+$0xC1F0] =	vst v3;
	v3 =	vld [tilespmem:s7+$0xC200]  }
0x6eb: {  	v41 =	vld [tilespmem:s12+$0x11800];
	_ =	sdelay $0x4  }
0x6ec: {  	v3 =	vmul.f32 v41, v3;
	_ =	sdelay $0x1  }
0x6ed: {  	[tilespmem:s7+$0xC200] =	vst v3;
	v3 =	vld [tilespmem:s7+$0xC210]  }
0x6ee: {  	v42 =	vld [tilespmem:s12+$0x11810];
	_ =	sdelay $0x4  }
0x6ef: {  	v3 =	vmul.f32 v42, v3;
	_ =	sdelay $0x1  }
0x6f0: {  	[tilespmem:s7+$0xC210] =	vst v3;
	v3 =	vld [tilespmem:s7+$0xC220]  }
0x6f1: {  	v43 =	vld [tilespmem:s12+$0x11820];
	_ =	sdelay $0x4  }
0x6f2: {  	v3 =	vmul.f32 v43, v3;
	_ =	sdelay $0x1  }
0x6f3: {  	[tilespmem:s7+$0xC220] =	vst v3;
	v3 =	vld [tilespmem:s7+$0xC230]  }
0x6f4: {  	v44 =	vld [tilespmem:s12+$0x11830];
	_ =	sdelay $0x4  }
0x6f5: {  	v3 =	vmul.f32 v44, v3;
	_ =	sdelay $0x1  }
0x6f6: {  	[tilespmem:s7+$0xC230] =	vst v3;
	v3 =	vld [tilespmem:s7+$0xC240]  }
0x6f7: {  	v45 =	vld [tilespmem:s12+$0x11840];
	_ =	sdelay $0x4  }
0x6f8: {  	v3 =	vmul.f32 v45, v3;
	_ =	sdelay $0x1  }
0x6f9: {  	[tilespmem:s7+$0xC240] =	vst v3;
	v3 =	vld [tilespmem:s7+$0xC250]  }
0x6fa: {  	v46 =	vld [tilespmem:s12+$0x11850];
	_ =	sdelay $0x4  }
0x6fb: {  	v3 =	vmul.f32 v46, v3;
	_ =	sdelay $0x1  }
0x6fc: {  	[tilespmem:s7+$0xC250] =	vst v3;
	v3 =	vld [tilespmem:s7+$0xC260]  }
0x6fd: {  	(v2sf) =	vpush v2, $0x5;
	v47 =	vld [tilespmem:s12+$0x11860];
	_ =	sdelay $0x4  }
0x6fe: {  	v3 =	vmul.f32 v47, v3;
	_ =	sdelay $0x1  }
0x6ff: {  	[tilespmem:s7+$0xC260] =	vst v3;
	v3 =	vld [tilespmem:s7+$0xC270]  }
0x700: {  	v48 =	vld [tilespmem:s12+$0x11870];
	_ =	sdelay $0x4  }
0x701: {  	v3 =	vmul.f32 v48, v3;
	_ =	sdelay $0x1  }
0x702: {  	s14 =	spop (v2sf);
	[tilespmem:s7+$0xC270] =	vst v3;
	v3 =	vld [tilespmem:s7+$0xC280]  }
0x703: {  	v49 =	vld [tilespmem:s14+$0x11800];
	_ =	sdelay $0x4  }
0x704: {  	v3 =	vmul.f32 v49, v3;
	_ =	sdelay $0x1  }
0x705: {  	[tilespmem:s7+$0xC280] =	vst v3;
	v3 =	vld [tilespmem:s7+$0xC290]  }
0x706: {  	v50 =	vld [tilespmem:s14+$0x11810];
	_ =	sdelay $0x4  }
0x707: {  	v3 =	vmul.f32 v50, v3;
	_ =	sdelay $0x1  }
0x708: {  	[tilespmem:s7+$0xC290] =	vst v3;
	v3 =	vld [tilespmem:s7+$0xC2A0]  }
0x709: {  	v51 =	vld [tilespmem:s14+$0x11820];
	_ =	sdelay $0x4  }
0x70a: {  	v3 =	vmul.f32 v51, v3;
	_ =	sdelay $0x1  }
0x70b: {  	[tilespmem:s7+$0xC2A0] =	vst v3;
	v3 =	vld [tilespmem:s7+$0xC2B0]  }
0x70c: {  	v52 =	vld [tilespmem:s14+$0x11830];
	_ =	sdelay $0x4  }
0x70d: {  	v3 =	vmul.f32 v52, v3;
	_ =	sdelay $0x1  }
0x70e: {  	[tilespmem:s7+$0xC2B0] =	vst v3;
	v3 =	vld [tilespmem:s7+$0xC2C0]  }
0x70f: {  	v53 =	vld [tilespmem:s14+$0x11840];
	_ =	sdelay $0x4  }
0x710: {  	v3 =	vmul.f32 v53, v3;
	_ =	sdelay $0x1  }
0x711: {  	[tilespmem:s7+$0xC2C0] =	vst v3;
	v3 =	vld [tilespmem:s7+$0xC2D0]  }
0x712: {  	v54 =	vld [tilespmem:s14+$0x11850];
	_ =	sdelay $0x4  }
0x713: {  	v3 =	vmul.f32 v54, v3;
	_ =	sdelay $0x1  }
0x714: {  	[tilespmem:s7+$0xC2D0] =	vst v3;
	v3 =	vld [tilespmem:s7+$0xC2E0]  }
0x715: {  	(v2sf) =	vpush v2, $0x6;
	v55 =	vld [tilespmem:s14+$0x11860];
	_ =	sdelay $0x4  }
0x716: {  	v3 =	vmul.f32 v55, v3;
	_ =	sdelay $0x1  }
0x717: {  	[tilespmem:s7+$0xC2E0] =	vst v3;
	v3 =	vld [tilespmem:s7+$0xC2F0]  }
0x718: {  	v56 =	vld [tilespmem:s14+$0x11870];
	_ =	sdelay $0x4  }
0x719: {  	v3 =	vmul.f32 v56, v3;
	_ =	sdelay $0x1  }
0x71a: {  	s17 =	spop (v2sf);
	[tilespmem:s7+$0xC2F0] =	vst v3;
	v3 =	vld [tilespmem:s7+$0xC300]  }
0x71b: {  	v57 =	vld [tilespmem:s17+$0x11800];
	_ =	sdelay $0x4  }
0x71c: {  	v3 =	vmul.f32 v57, v3;
	_ =	sdelay $0x1  }
0x71d: {  	[tilespmem:s7+$0xC300] =	vst v3;
	v3 =	vld [tilespmem:s7+$0xC310]  }
0x71e: {  	v58 =	vld [tilespmem:s17+$0x11810];
	_ =	sdelay $0x4  }
0x71f: {  	v3 =	vmul.f32 v58, v3;
	_ =	sdelay $0x1  }
0x720: {  	[tilespmem:s7+$0xC310] =	vst v3;
	v3 =	vld [tilespmem:s7+$0xC320]  }
0x721: {  	v59 =	vld [tilespmem:s17+$0x11820];
	_ =	sdelay $0x4  }
0x722: {  	v3 =	vmul.f32 v59, v3;
	_ =	sdelay $0x1  }
0x723: {  	[tilespmem:s7+$0xC320] =	vst v3;
	v3 =	vld [tilespmem:s7+$0xC330]  }
0x724: {  	v60 =	vld [tilespmem:s17+$0x11830];
	_ =	sdelay $0x4  }
0x725: {  	v3 =	vmul.f32 v60, v3;
	_ =	sdelay $0x1  }
0x726: {  	[tilespmem:s7+$0xC330] =	vst v3;
	v3 =	vld [tilespmem:s7+$0xC340]  }
0x727: {  	v61 =	vld [tilespmem:s17+$0x11840];
	_ =	sdelay $0x4  }
0x728: {  	v3 =	vmul.f32 v61, v3;
	_ =	sdelay $0x1  }
0x729: {  	[tilespmem:s7+$0xC340] =	vst v3;
	v3 =	vld [tilespmem:s7+$0xC350]  }
0x72a: {  	v62 =	vld [tilespmem:s17+$0x11850];
	_ =	sdelay $0x4  }
0x72b: {  	v3 =	vmul.f32 v62, v3;
	_ =	sdelay $0x1  }
0x72c: {  	[tilespmem:s7+$0xC350] =	vst v3;
	v3 =	vld [tilespmem:s7+$0xC360]  }
0x72d: {  	(v2sf) =	vpush v2, $0x7;
	v63 =	vld [tilespmem:s17+$0x11860];
	_ =	sdelay $0x4  }
0x72e: {  	v3 =	vmul.f32 v63, v3;
	_ =	sdelay $0x1  }
0x72f: {  	[tilespmem:s7+$0xC360] =	vst v3;
	v3 =	vld [tilespmem:s7+$0xC370]  }
0x730: {  	v8 =	vld [tilespmem:s17+$0x11870];
	_ =	sdelay $0x4  }
0x731: {  	v3 =	vmul.f32 v8, v3;
	_ =	sdelay $0x1  }
0x732: {  	s18 =	spop (v2sf);
	[tilespmem:s7+$0xC370] =	vst v3;
	v3 =	vld [tilespmem:s7+$0xC380]  }
0x733: {  	v9 =	vld [tilespmem:s18+$0x11800];
	_ =	sdelay $0x4  }
0x734: {  	v3 =	vmul.f32 v9, v3;
	_ =	sdelay $0x1  }
0x735: {  	[tilespmem:s7+$0xC380] =	vst v3;
	v3 =	vld [tilespmem:s7+$0xC390]  }
0x736: {  	v10 =	vld [tilespmem:s18+$0x11810];
	_ =	sdelay $0x4  }
0x737: {  	v3 =	vmul.f32 v10, v3;
	_ =	sdelay $0x1  }
0x738: {  	[tilespmem:s7+$0xC390] =	vst v3;
	v3 =	vld [tilespmem:s7+$0xC3A0]  }
0x739: {  	v11 =	vld [tilespmem:s18+$0x11820];
	_ =	sdelay $0x4  }
0x73a: {  	v3 =	vmul.f32 v11, v3;
	_ =	sdelay $0x1  }
0x73b: {  	[tilespmem:s7+$0xC3A0] =	vst v3;
	v3 =	vld [tilespmem:s7+$0xC3B0]  }
0x73c: {  	v12 =	vld [tilespmem:s18+$0x11830];
	_ =	sdelay $0x4  }
0x73d: {  	v3 =	vmul.f32 v12, v3;
	_ =	sdelay $0x1  }
0x73e: {  	[tilespmem:s7+$0xC3B0] =	vst v3;
	v3 =	vld [tilespmem:s7+$0xC3C0]  }
0x73f: {  	v13 =	vld [tilespmem:s18+$0x11840];
	_ =	sdelay $0x4  }
0x740: {  	v3 =	vmul.f32 v13, v3;
	_ =	sdelay $0x1  }
0x741: {  	[tilespmem:s7+$0xC3C0] =	vst v3;
	v3 =	vld [tilespmem:s7+$0xC3D0]  }
0x742: {  	v14 =	vld [tilespmem:s18+$0x11850];
	_ =	sdelay $0x4  }
0x743: {  	v3 =	vmul.f32 v14, v3;
	_ =	sdelay $0x1  }
0x744: {  	[tilespmem:s7+$0xC3D0] =	vst v3;
	v3 =	vld [tilespmem:s7+$0xC3E0]  }
0x745: {  	(v2sf) =	vpush v2, $0x8;
	v15 =	vld [tilespmem:s18+$0x11860];
	_ =	sdelay $0x4  }
0x746: {  	v3 =	vmul.f32 v15, v3;
	_ =	sdelay $0x1  }
0x747: {  	[tilespmem:s7+$0xC3E0] =	vst v3;
	v3 =	vld [tilespmem:s7+$0xC3F0]  }
0x748: {  	v16 =	vld [tilespmem:s18+$0x11870];
	_ =	sdelay $0x4  }
0x749: {  	v3 =	vmul.f32 v16, v3;
	_ =	sdelay $0x1  }
0x74a: {  	s12 =	spop (v2sf);
	[tilespmem:s7+$0xC3F0] =	vst v3;
	v3 =	vld [tilespmem:s7+$0xC400]  }
0x74b: {  	v17 =	vld [tilespmem:s12+$0x11800];
	_ =	sdelay $0x4  }
0x74c: {  	v3 =	vmul.f32 v17, v3;
	_ =	sdelay $0x1  }
0x74d: {  	[tilespmem:s7+$0xC400] =	vst v3;
	v3 =	vld [tilespmem:s7+$0xC410]  }
0x74e: {  	v18 =	vld [tilespmem:s12+$0x11810];
	_ =	sdelay $0x4  }
0x74f: {  	v3 =	vmul.f32 v18, v3;
	_ =	sdelay $0x1  }
0x750: {  	[tilespmem:s7+$0xC410] =	vst v3;
	v3 =	vld [tilespmem:s7+$0xC420]  }
0x751: {  	v19 =	vld [tilespmem:s12+$0x11820];
	_ =	sdelay $0x4  }
0x752: {  	v3 =	vmul.f32 v19, v3;
	_ =	sdelay $0x1  }
0x753: {  	[tilespmem:s7+$0xC420] =	vst v3;
	v3 =	vld [tilespmem:s7+$0xC430]  }
0x754: {  	v20 =	vld [tilespmem:s12+$0x11830];
	_ =	sdelay $0x4  }
0x755: {  	v3 =	vmul.f32 v20, v3;
	_ =	sdelay $0x1  }
0x756: {  	[tilespmem:s7+$0xC430] =	vst v3;
	v3 =	vld [tilespmem:s7+$0xC440]  }
0x757: {  	v21 =	vld [tilespmem:s12+$0x11840];
	_ =	sdelay $0x4  }
0x758: {  	v3 =	vmul.f32 v21, v3;
	_ =	sdelay $0x1  }
0x759: {  	[tilespmem:s7+$0xC440] =	vst v3;
	v3 =	vld [tilespmem:s7+$0xC450]  }
0x75a: {  	v22 =	vld [tilespmem:s12+$0x11850];
	_ =	sdelay $0x4  }
0x75b: {  	v3 =	vmul.f32 v22, v3;
	_ =	sdelay $0x1  }
0x75c: {  	[tilespmem:s7+$0xC450] =	vst v3;
	v3 =	vld [tilespmem:s7+$0xC460]  }
0x75d: {  	(v2sf) =	vpush v2, $0x9;
	v23 =	vld [tilespmem:s12+$0x11860];
	_ =	sdelay $0x4  }
0x75e: {  	v3 =	vmul.f32 v23, v3;
	_ =	sdelay $0x1  }
0x75f: {  	[tilespmem:s7+$0xC460] =	vst v3;
	v3 =	vld [tilespmem:s7+$0xC470]  }
0x760: {  	v24 =	vld [tilespmem:s12+$0x11870];
	_ =	sdelay $0x4  }
0x761: {  	v3 =	vmul.f32 v24, v3;
	_ =	sdelay $0x1  }
0x762: {  	s14 =	spop (v2sf);
	[tilespmem:s7+$0xC470] =	vst v3;
	v3 =	vld [tilespmem:s7+$0xC480]  }
0x763: {  	v25 =	vld [tilespmem:s14+$0x11800];
	_ =	sdelay $0x4  }
0x764: {  	v3 =	vmul.f32 v25, v3;
	_ =	sdelay $0x1  }
0x765: {  	[tilespmem:s7+$0xC480] =	vst v3;
	v3 =	vld [tilespmem:s7+$0xC490]  }
0x766: {  	v26 =	vld [tilespmem:s14+$0x11810];
	_ =	sdelay $0x4  }
0x767: {  	v3 =	vmul.f32 v26, v3;
	_ =	sdelay $0x1  }
0x768: {  	[tilespmem:s7+$0xC490] =	vst v3;
	v3 =	vld [tilespmem:s7+$0xC4A0]  }
0x769: {  	v27 =	vld [tilespmem:s14+$0x11820];
	_ =	sdelay $0x4  }
0x76a: {  	v3 =	vmul.f32 v27, v3;
	_ =	sdelay $0x1  }
0x76b: {  	[tilespmem:s7+$0xC4A0] =	vst v3;
	v3 =	vld [tilespmem:s7+$0xC4B0]  }
0x76c: {  	v28 =	vld [tilespmem:s14+$0x11830];
	_ =	sdelay $0x4  }
0x76d: {  	v3 =	vmul.f32 v28, v3;
	_ =	sdelay $0x1  }
0x76e: {  	[tilespmem:s7+$0xC4B0] =	vst v3;
	v3 =	vld [tilespmem:s7+$0xC4C0]  }
0x76f: {  	v29 =	vld [tilespmem:s14+$0x11840];
	_ =	sdelay $0x4  }
0x770: {  	v3 =	vmul.f32 v29, v3;
	_ =	sdelay $0x1  }
0x771: {  	[tilespmem:s7+$0xC4C0] =	vst v3;
	v3 =	vld [tilespmem:s7+$0xC4D0]  }
0x772: {  	v30 =	vld [tilespmem:s14+$0x11850];
	_ =	sdelay $0x4  }
0x773: {  	v3 =	vmul.f32 v30, v3;
	_ =	sdelay $0x1  }
0x774: {  	[tilespmem:s7+$0xC4D0] =	vst v3;
	v3 =	vld [tilespmem:s7+$0xC4E0]  }
0x775: {  	(v2sf) =	vpush v2, $0xA;
	v31 =	vld [tilespmem:s14+$0x11860];
	_ =	sdelay $0x4  }
0x776: {  	v3 =	vmul.f32 v31, v3;
	_ =	sdelay $0x1  }
0x777: {  	[tilespmem:s7+$0xC4E0] =	vst v3;
	v3 =	vld [tilespmem:s7+$0xC4F0]  }
0x778: {  	v32 =	vld [tilespmem:s14+$0x11870];
	_ =	sdelay $0x4  }
0x779: {  	v3 =	vmul.f32 v32, v3;
	_ =	sdelay $0x1  }
0x77a: {  	s17 =	spop (v2sf);
	[tilespmem:s7+$0xC4F0] =	vst v3;
	v3 =	vld [tilespmem:s7+$0xC500]  }
0x77b: {  	v33 =	vld [tilespmem:s17+$0x11800];
	_ =	sdelay $0x4  }
0x77c: {  	v3 =	vmul.f32 v33, v3;
	_ =	sdelay $0x1  }
0x77d: {  	[tilespmem:s7+$0xC500] =	vst v3;
	v3 =	vld [tilespmem:s7+$0xC510]  }
0x77e: {  	v34 =	vld [tilespmem:s17+$0x11810];
	_ =	sdelay $0x4  }
0x77f: {  	v3 =	vmul.f32 v34, v3;
	_ =	sdelay $0x1  }
0x780: {  	[tilespmem:s7+$0xC510] =	vst v3;
	v3 =	vld [tilespmem:s7+$0xC520]  }
0x781: {  	v35 =	vld [tilespmem:s17+$0x11820];
	_ =	sdelay $0x4  }
0x782: {  	v3 =	vmul.f32 v35, v3;
	_ =	sdelay $0x1  }
0x783: {  	[tilespmem:s7+$0xC520] =	vst v3;
	v3 =	vld [tilespmem:s7+$0xC530]  }
0x784: {  	v36 =	vld [tilespmem:s17+$0x11830];
	_ =	sdelay $0x4  }
0x785: {  	v3 =	vmul.f32 v36, v3;
	_ =	sdelay $0x1  }
0x786: {  	[tilespmem:s7+$0xC530] =	vst v3;
	v3 =	vld [tilespmem:s7+$0xC540]  }
0x787: {  	v37 =	vld [tilespmem:s17+$0x11840];
	_ =	sdelay $0x4  }
0x788: {  	v3 =	vmul.f32 v37, v3;
	_ =	sdelay $0x1  }
0x789: {  	[tilespmem:s7+$0xC540] =	vst v3;
	v3 =	vld [tilespmem:s7+$0xC550]  }
0x78a: {  	v38 =	vld [tilespmem:s17+$0x11850];
	_ =	sdelay $0x4  }
0x78b: {  	v3 =	vmul.f32 v38, v3;
	_ =	sdelay $0x1  }
0x78c: {  	[tilespmem:s7+$0xC550] =	vst v3;
	v3 =	vld [tilespmem:s7+$0xC560]  }
0x78d: {  	(v2sf) =	vpush v2, $0xB;
	v39 =	vld [tilespmem:s17+$0x11860];
	_ =	sdelay $0x4  }
0x78e: {  	v3 =	vmul.f32 v39, v3;
	_ =	sdelay $0x1  }
0x78f: {  	[tilespmem:s7+$0xC560] =	vst v3;
	v3 =	vld [tilespmem:s7+$0xC570]  }
0x790: {  	v40 =	vld [tilespmem:s17+$0x11870];
	_ =	sdelay $0x4  }
0x791: {  	v3 =	vmul.f32 v40, v3;
	_ =	sdelay $0x1  }
0x792: {  	s18 =	spop (v2sf);
	[tilespmem:s7+$0xC570] =	vst v3;
	v3 =	vld [tilespmem:s7+$0xC580]  }
0x793: {  	v41 =	vld [tilespmem:s18+$0x11800];
	_ =	sdelay $0x4  }
0x794: {  	v3 =	vmul.f32 v41, v3;
	_ =	sdelay $0x1  }
0x795: {  	[tilespmem:s7+$0xC580] =	vst v3;
	v3 =	vld [tilespmem:s7+$0xC590]  }
0x796: {  	v42 =	vld [tilespmem:s18+$0x11810];
	_ =	sdelay $0x4  }
0x797: {  	v3 =	vmul.f32 v42, v3;
	_ =	sdelay $0x1  }
0x798: {  	[tilespmem:s7+$0xC590] =	vst v3;
	v3 =	vld [tilespmem:s7+$0xC5A0]  }
0x799: {  	v43 =	vld [tilespmem:s18+$0x11820];
	_ =	sdelay $0x4  }
0x79a: {  	v3 =	vmul.f32 v43, v3;
	_ =	sdelay $0x1  }
0x79b: {  	[tilespmem:s7+$0xC5A0] =	vst v3;
	v3 =	vld [tilespmem:s7+$0xC5B0]  }
0x79c: {  	v44 =	vld [tilespmem:s18+$0x11830];
	_ =	sdelay $0x4  }
0x79d: {  	v3 =	vmul.f32 v44, v3;
	_ =	sdelay $0x1  }
0x79e: {  	[tilespmem:s7+$0xC5B0] =	vst v3;
	v3 =	vld [tilespmem:s7+$0xC5C0]  }
0x79f: {  	v45 =	vld [tilespmem:s18+$0x11840];
	_ =	sdelay $0x4  }
0x7a0: {  	v3 =	vmul.f32 v45, v3;
	_ =	sdelay $0x1  }
0x7a1: {  	[tilespmem:s7+$0xC5C0] =	vst v3;
	v3 =	vld [tilespmem:s7+$0xC5D0]  }
0x7a2: {  	v46 =	vld [tilespmem:s18+$0x11850];
	_ =	sdelay $0x4  }
0x7a3: {  	v3 =	vmul.f32 v46, v3;
	_ =	sdelay $0x1  }
0x7a4: {  	[tilespmem:s7+$0xC5D0] =	vst v3;
	v3 =	vld [tilespmem:s7+$0xC5E0]  }
0x7a5: {  	(v2sf) =	vpush v2, $0xC;
	v47 =	vld [tilespmem:s18+$0x11860];
	_ =	sdelay $0x4  }
0x7a6: {  	v3 =	vmul.f32 v47, v3;
	_ =	sdelay $0x1  }
0x7a7: {  	[tilespmem:s7+$0xC5E0] =	vst v3;
	v3 =	vld [tilespmem:s7+$0xC5F0]  }
0x7a8: {  	v48 =	vld [tilespmem:s18+$0x11870];
	_ =	sdelay $0x4  }
0x7a9: {  	v3 =	vmul.f32 v48, v3;
	_ =	sdelay $0x1  }
0x7aa: {  	s12 =	spop (v2sf);
	[tilespmem:s7+$0xC5F0] =	vst v3;
	v3 =	vld [tilespmem:s7+$0xC600]  }
0x7ab: {  	v49 =	vld [tilespmem:s12+$0x11800];
	_ =	sdelay $0x4  }
0x7ac: {  	v3 =	vmul.f32 v49, v3;
	_ =	sdelay $0x1  }
0x7ad: {  	[tilespmem:s7+$0xC600] =	vst v3;
	v3 =	vld [tilespmem:s7+$0xC610]  }
0x7ae: {  	v50 =	vld [tilespmem:s12+$0x11810];
	_ =	sdelay $0x4  }
0x7af: {  	v3 =	vmul.f32 v50, v3;
	_ =	sdelay $0x1  }
0x7b0: {  	[tilespmem:s7+$0xC610] =	vst v3;
	v3 =	vld [tilespmem:s7+$0xC620]  }
0x7b1: {  	v51 =	vld [tilespmem:s12+$0x11820];
	_ =	sdelay $0x4  }
0x7b2: {  	v3 =	vmul.f32 v51, v3;
	_ =	sdelay $0x1  }
0x7b3: {  	[tilespmem:s7+$0xC620] =	vst v3;
	v3 =	vld [tilespmem:s7+$0xC630]  }
0x7b4: {  	v52 =	vld [tilespmem:s12+$0x11830];
	_ =	sdelay $0x4  }
0x7b5: {  	v3 =	vmul.f32 v52, v3;
	_ =	sdelay $0x1  }
0x7b6: {  	[tilespmem:s7+$0xC630] =	vst v3;
	v3 =	vld [tilespmem:s7+$0xC640]  }
0x7b7: {  	v53 =	vld [tilespmem:s12+$0x11840];
	_ =	sdelay $0x4  }
0x7b8: {  	v3 =	vmul.f32 v53, v3;
	_ =	sdelay $0x1  }
0x7b9: {  	[tilespmem:s7+$0xC640] =	vst v3;
	v3 =	vld [tilespmem:s7+$0xC650]  }
0x7ba: {  	v54 =	vld [tilespmem:s12+$0x11850];
	_ =	sdelay $0x4  }
0x7bb: {  	v3 =	vmul.f32 v54, v3;
	_ =	sdelay $0x1  }
0x7bc: {  	[tilespmem:s7+$0xC650] =	vst v3;
	v3 =	vld [tilespmem:s7+$0xC660]  }
0x7bd: {  	(v2sf) =	vpush v2, $0xD;
	v55 =	vld [tilespmem:s12+$0x11860];
	_ =	sdelay $0x4  }
0x7be: {  	v3 =	vmul.f32 v55, v3;
	_ =	sdelay $0x1  }
0x7bf: {  	[tilespmem:s7+$0xC660] =	vst v3;
	v3 =	vld [tilespmem:s7+$0xC670]  }
0x7c0: {  	v56 =	vld [tilespmem:s12+$0x11870];
	_ =	sdelay $0x4  }
0x7c1: {  	v3 =	vmul.f32 v56, v3;
	_ =	sdelay $0x1  }
0x7c2: {  	s14 =	spop (v2sf);
	[tilespmem:s7+$0xC670] =	vst v3;
	v3 =	vld [tilespmem:s7+$0xC680]  }
0x7c3: {  	v57 =	vld [tilespmem:s14+$0x11800];
	_ =	sdelay $0x4  }
0x7c4: {  	v3 =	vmul.f32 v57, v3;
	_ =	sdelay $0x1  }
0x7c5: {  	[tilespmem:s7+$0xC680] =	vst v3;
	v3 =	vld [tilespmem:s7+$0xC690]  }
0x7c6: {  	v58 =	vld [tilespmem:s14+$0x11810];
	_ =	sdelay $0x4  }
0x7c7: {  	v3 =	vmul.f32 v58, v3;
	_ =	sdelay $0x1  }
0x7c8: {  	[tilespmem:s7+$0xC690] =	vst v3;
	v3 =	vld [tilespmem:s7+$0xC6A0]  }
0x7c9: {  	v59 =	vld [tilespmem:s14+$0x11820];
	_ =	sdelay $0x4  }
0x7ca: {  	v3 =	vmul.f32 v59, v3;
	_ =	sdelay $0x1  }
0x7cb: {  	[tilespmem:s7+$0xC6A0] =	vst v3;
	v3 =	vld [tilespmem:s7+$0xC6B0]  }
0x7cc: {  	v60 =	vld [tilespmem:s14+$0x11830];
	_ =	sdelay $0x4  }
0x7cd: {  	v3 =	vmul.f32 v60, v3;
	_ =	sdelay $0x1  }
0x7ce: {  	[tilespmem:s7+$0xC6B0] =	vst v3;
	v3 =	vld [tilespmem:s7+$0xC6C0]  }
0x7cf: {  	v61 =	vld [tilespmem:s14+$0x11840];
	_ =	sdelay $0x4  }
0x7d0: {  	v3 =	vmul.f32 v61, v3;
	_ =	sdelay $0x1  }
0x7d1: {  	[tilespmem:s7+$0xC6C0] =	vst v3;
	v3 =	vld [tilespmem:s7+$0xC6D0]  }
0x7d2: {  	v62 =	vld [tilespmem:s14+$0x11850];
	_ =	sdelay $0x4  }
0x7d3: {  	v3 =	vmul.f32 v62, v3;
	_ =	sdelay $0x1  }
0x7d4: {  	[tilespmem:s7+$0xC6D0] =	vst v3;
	v3 =	vld [tilespmem:s7+$0xC6E0]  }
0x7d5: {  	(v2sf) =	vpush v2, $0xE;
	v63 =	vld [tilespmem:s14+$0x11860];
	_ =	sdelay $0x4  }
0x7d6: {  	v2 =	vmul.f32 v63, v3;
	_ =	sdelay $0x1  }
0x7d7: {  	[tilespmem:s7+$0xC6E0] =	vst v2;
	v2 =	vld [tilespmem:s7+$0xC6F0]  }
0x7d8: {  	v3 =	vld [tilespmem:s14+$0x11870];
	_ =	sdelay $0x4  }
0x7d9: {  	v2 =	vmul.f32 v3, v2;
	_ =	sdelay $0x1  }
0x7da: {  	s17 =	spop (v2sf);
	[tilespmem:s7+$0xC6F0] =	vst v2;
	v2 =	vld [tilespmem:s7+$0xC700]  }
0x7db: {  	v3 =	vld [tilespmem:s17+$0x11800];
	_ =	sdelay $0x4  }
0x7dc: {  	v2 =	vmul.f32 v3, v2;
	_ =	sdelay $0x1  }
0x7dd: {  	[tilespmem:s7+$0xC700] =	vst v2;
	v2 =	vld [tilespmem:s7+$0xC710]  }
0x7de: {  	v3 =	vld [tilespmem:s17+$0x11810];
	_ =	sdelay $0x4  }
0x7df: {  	v2 =	vmul.f32 v3, v2;
	_ =	sdelay $0x1  }
0x7e0: {  	[tilespmem:s7+$0xC710] =	vst v2;
	v2 =	vld [tilespmem:s7+$0xC720]  }
0x7e1: {  	v3 =	vld [tilespmem:s17+$0x11820];
	_ =	sdelay $0x4  }
0x7e2: {  	v2 =	vmul.f32 v3, v2;
	_ =	sdelay $0x1  }
0x7e3: {  	[tilespmem:s7+$0xC720] =	vst v2;
	v2 =	vld [tilespmem:s7+$0xC730]  }
0x7e4: {  	v3 =	vld [tilespmem:s17+$0x11830];
	_ =	sdelay $0x4  }
0x7e5: {  	v2 =	vmul.f32 v3, v2;
	_ =	sdelay $0x1  }
0x7e6: {  	[tilespmem:s7+$0xC730] =	vst v2;
	v2 =	vld [tilespmem:s7+$0xC740]  }
0x7e7: {  	v3 =	vld [tilespmem:s17+$0x11840];
	_ =	sdelay $0x4  }
0x7e8: {  	v2 =	vmul.f32 v3, v2;
	_ =	sdelay $0x1  }
0x7e9: {  	[tilespmem:s7+$0xC740] =	vst v2;
	v2 =	vld [tilespmem:s7+$0xC750]  }
0x7ea: {  	v3 =	vld [tilespmem:s17+$0x11850];
	_ =	sdelay $0x4  }
0x7eb: {  	v2 =	vmul.f32 v3, v2;
	_ =	sdelay $0x1  }
0x7ec: {  	[tilespmem:s7+$0xC750] =	vst v2;
	v2 =	vld [tilespmem:s7+$0xC760]  }
0x7ed: {  	v3 =	vld [tilespmem:s17+$0x11860];
	_ =	sdelay $0x4  }
0x7ee: {  	v2 =	vmul.f32 v3, v2;
	_ =	sdelay $0x1  }
0x7ef: {  	[tilespmem:s7+$0xC760] =	vst v2;
	v2 =	vld [tilespmem:s7+$0xC770]  }
0x7f0: {  	v3 =	vld [tilespmem:s17+$0x11870];
	_ =	sdelay $0x4  }
0x7f1: {  	v2 =	vmul.f32 v3, v2  }
0x7f2: {  	s18 =	sshll.u32 s15, $0x9  }
0x7f3: {  	s11 =	sshra.s32 s18, $0x2;
	[tilespmem:s7+$0xC770] =	vst v2;
	v2 =	vld [tilespmem:s7+$0xC780]  }
0x7f4: {  	v3 =	vld [tilespmem:s11+$0x11800];
	_ =	sdelay $0x4  }
0x7f5: {  	v2 =	vmul.f32 v3, v2;
	_ =	sdelay $0x1  }
0x7f6: {  	[tilespmem:s7+$0xC780] =	vst v2;
	v2 =	vld [tilespmem:s7+$0xC790]  }
0x7f7: {  	v3 =	vld [tilespmem:s11+$0x11810];
	_ =	sdelay $0x4  }
0x7f8: {  	v2 =	vmul.f32 v3, v2;
	_ =	sdelay $0x1  }
0x7f9: {  	[tilespmem:s7+$0xC790] =	vst v2;
	v2 =	vld [tilespmem:s7+$0xC7A0]  }
0x7fa: {  	v3 =	vld [tilespmem:s11+$0x11820];
	_ =	sdelay $0x4  }
0x7fb: {  	v2 =	vmul.f32 v3, v2;
	_ =	sdelay $0x1  }
0x7fc: {  	[tilespmem:s7+$0xC7A0] =	vst v2;
	v2 =	vld [tilespmem:s7+$0xC7B0]  }
0x7fd: {  	v3 =	vld [tilespmem:s11+$0x11830];
	_ =	sdelay $0x4  }
0x7fe: {  	v2 =	vmul.f32 v3, v2;
	_ =	sdelay $0x1  }
0x7ff: {  	[tilespmem:s7+$0xC7B0] =	vst v2;
	v2 =	vld [tilespmem:s7+$0xC7C0]  }
0x800: {  	v3 =	vld [tilespmem:s11+$0x11840];
	_ =	sdelay $0x4  }
0x801: {  	v2 =	vmul.f32 v3, v2;
	_ =	sdelay $0x1  }
0x802: {  	[tilespmem:s7+$0xC7C0] =	vst v2;
	v2 =	vld [tilespmem:s7+$0xC7D0]  }
0x803: {  	v3 =	vld [tilespmem:s11+$0x11850];
	_ =	sdelay $0x4  }
0x804: {  	v2 =	vmul.f32 v3, v2;
	_ =	sdelay $0x1  }
0x805: {  	[tilespmem:s7+$0xC7D0] =	vst v2;
	v2 =	vld [tilespmem:s7+$0xC7E0]  }
0x806: {  	v3 =	vld [tilespmem:s11+$0x11860];
	_ =	sdelay $0x4  }
0x807: {  	v2 =	vmul.f32 v3, v2;
	_ =	sdelay $0x1  }
0x808: {  	[tilespmem:s7+$0xC7E0] =	vst v2;
	v2 =	vld [tilespmem:s7+$0xC7F0]  }
0x809: {  	v3 =	vld [tilespmem:s11+$0x11870];
	_ =	sdelay $0x4  }
0x80a: {  	v2 =	vmul.f32 v3, v2;
	_ =	sdelay $0x1  }
0x80b: {  	[tilespmem:s7+$0xC7F0] =	vst v2  }
.LBB2_37:
0x80c: {  	s13 =	sadd.s32 $0x1, s13  }
0x80d: {  	p2 =	sne.s32 s13, $0x8  }
.Ltmp22:
0x80e: {  	_ = 	snop;
	(pc) =	sbr.rel @!p2 .LBB2_38-.Ltmp22, $2  }
0x80f: {  	_ =	sdelay $0x2  }
0x810: {  	s16 =	sadd.s32 $0x800, s16  }
.LBB2_32:
0x811: {  	_ =	sdelay $0x2  }
0x812: {  	s14 =	sshll.u32 s13, $0x4  }
0x813: {  	v2 =	vld.idx.msk [tilespmem:v1+s14+$0x0 ss:$0x1], $0xffff;
	_ =	sdelay $0x4  }
0x814: {  	(v2sf) =	vpush v2, $0x0  }
0x815: {  	(v2sf) =	vpush v2, $0xF;
	_ =	sdelay $0xd  }
0x816: {  	s7 =	spop (v2sf)  }
0x817: {  	s15 =	spop (v2sf)  }
0x818: {  	p2 =	seq.s32 s7, s15  }
.Ltmp23:
0x819: {  	_ = 	snop;
	(pc) =	sbr.rel @!p2 .LBB2_33-.Ltmp23, $3  }
0x81a: {  	_ =	sdelay $0x1  }
0x81b: {  	s7 =	sshll.u32 s7, $0x9  }
0x81c: {  	s7 =	sshra.s32 s7, $0x2  }
0x81d: {  	v2 =	vld [tilespmem:s7+$0x11800]  }
0x81e: {  	v7 =	vld [tilespmem:s7+$0x11810]  }
0x81f: {  	v8 =	vld [tilespmem:s7+$0x11820]  }
0x820: {  	v6 =	vld [tilespmem:s7+$0x11830]  }
0x821: {  	v5 =	vld [tilespmem:s7+$0x11840]  }
0x822: {  	v4 =	vld [tilespmem:s7+$0x11850]  }
0x823: {  	v3 =	vld [tilespmem:s7+$0x11860]  }
0x824: {  	v9 =	vld [tilespmem:s7+$0x11870]  }
0x825: {  	v10 =	vld [tilespmem:s16+$0x0]  }
0x826: {  	v11 =	vld [tilespmem:s16+$0xFFFFFF20]  }
0x827: {  	v12 =	vld [tilespmem:s16+$0xFFFFFF30]  }
0x828: {  	v13 =	vld [tilespmem:s16+$0xFFFFFF40]  }
0x829: {  	v14 =	vld [tilespmem:s16+$0xFFFFFF50]  }
0x82a: {  	v15 =	vld [tilespmem:s16+$0xFFFFFF60];
	v10 =	vmul.f32 v10, v9  }
0x82b: {  	v16 =	vld [tilespmem:s16+$0xFFFFFF70];
	v11 =	vmul.f32 v11, v7  }
0x82c: {  	v17 =	vld [tilespmem:s16+$0xFFFFFF80];
	v12 =	vmul.f32 v12, v8;
	[tilespmem:s16+$0x0] =	vst v10  }
0x82d: {  	[tilespmem:s16+$0xFFFFFF20] =	vst v11;
	v10 =	vmul.f32 v13, v6;
	v13 =	vld [tilespmem:s16+$0xFFFFFF90]  }
0x82e: {  	[tilespmem:s16+$0xFFFFFF30] =	vst v12;
	v11 =	vmul.f32 v14, v5;
	v14 =	vld [tilespmem:s16+$0xFFFFFFA0]  }
0x82f: {  	v18 =	vld [tilespmem:s16+$0xFFFFFFB0];
	v12 =	vmul.f32 v15, v4;
	[tilespmem:s16+$0xFFFFFF40] =	vst v10  }
0x830: {  	v15 =	vmul.f32 v16, v3;
	[tilespmem:s16+$0xFFFFFF50] =	vst v11;
	v10 =	vld [tilespmem:s16+$0xFFFFFFC0]  }
0x831: {  	v16 =	vmul.f32 v17, v9;
	[tilespmem:s16+$0xFFFFFF60] =	vst v12;
	v11 =	vld [tilespmem:s16+$0xFFFFFFD0]  }
0x832: {  	[tilespmem:s16+$0xFFFFFF70] =	vst v15;
	v12 =	vld [tilespmem:s16+$0xFFFFFFE0];
	v17 =	vmul.f32 v13, v2  }
0x833: {  	[tilespmem:s16+$0xFFFFFF80] =	vst v16;
	v13 =	vld [tilespmem:s16+$0xFFFFFFF0];
	v15 =	vmul.f32 v14, v7  }
0x834: {  	s15 =	simm.s32 $0x0;
	s14 =	sadd.s32 $0x100, s16;
	s7 =	smov.u32 s16;
	v16 =	vmul.f32 v18, v8;
	v14 =	vld [tilespmem:s16+$0xFFFFFF10];
	[tilespmem:s16+$0xFFFFFF90] =	vst v17  }
.LBB2_35:
0x835: {  	v17 =	vld [tilespmem:s14+$0x0];
	s15 =	sadd.s32 $0x2, s15;
	[tilespmem:s7+$0xFFFFFFA0] =	vst v15;
	v10 =	vmul.f32 v10, v6  }
0x836: {  	v15 =	vld [tilespmem:s14+$0xFFFFFF20];
	p2 =	slt.u32 s15, $0xE;
	[tilespmem:s7+$0xFFFFFFB0] =	vst v16;
	v11 =	vmul.f32 v11, v5  }
0x837: {  	v16 =	vld [tilespmem:s14+$0xFFFFFF30];
	[tilespmem:s7+$0xFFFFFFC0] =	vst v10;
	v10 =	vmul.f32 v12, v4  }
0x838: {  	v12 =	vld [tilespmem:s14+$0xFFFFFF40];
	[tilespmem:s7+$0xFFFFFFD0] =	vst v11;
	v11 =	vmul.f32 v13, v3  }
0x839: {  	v13 =	vld [tilespmem:s14+$0xFFFFFF50];
	v14 =	vmul.f32 v14, v2;
	[tilespmem:s7+$0xFFFFFFE0] =	vst v10  }
0x83a: {  	v10 =	vld [tilespmem:s14+$0xFFFFFF60];
	v17 =	vmul.f32 v17, v9;
	[tilespmem:s7+$0xFFFFFFF0] =	vst v11  }
0x83b: {  	v11 =	vmul.f32 v15, v7;
	v15 =	vld [tilespmem:s14+$0xFFFFFF70];
	[tilespmem:s7+$0xFFFFFF10] =	vst v14;
	s7 =	smov.u32 s14  }
0x83c: {  	v14 =	vmul.f32 v16, v8;
	v16 =	vld [tilespmem:s14+$0xFFFFFF80];
	[tilespmem:s14+$0x0] =	vst v17  }
0x83d: {  	[tilespmem:s14+$0xFFFFFF20] =	vst v11;
	v11 =	vmul.f32 v12, v6;
	v12 =	vld [tilespmem:s14+$0xFFFFFF90]  }
0x83e: {  	[tilespmem:s14+$0xFFFFFF30] =	vst v14;
	v13 =	vmul.f32 v13, v5;
	v14 =	vld [tilespmem:s14+$0xFFFFFFA0]  }
0x83f: {  	[tilespmem:s14+$0xFFFFFF40] =	vst v11;
	v11 =	vmul.f32 v10, v4;
	v17 =	vld [tilespmem:s14+$0xFFFFFFB0]  }
.Ltmp24:
0x840: {  	[tilespmem:s14+$0xFFFFFF50] =	vst v13;
	v13 =	vmul.f32 v15, v3;
	v10 =	vld [tilespmem:s14+$0xFFFFFFC0];
	(pc) =	sbr.rel @p2 .LBB2_35-.Ltmp24, $4  }
0x841: {  	[tilespmem:s14+$0xFFFFFF60] =	vst v11;
	v15 =	vmul.f32 v16, v9;
	v11 =	vld [tilespmem:s14+$0xFFFFFFD0]  }
0x842: {  	[tilespmem:s14+$0xFFFFFF70] =	vst v13;
	v16 =	vmul.f32 v12, v2;
	v12 =	vld [tilespmem:s14+$0xFFFFFFE0]  }
0x843: {  	[tilespmem:s14+$0xFFFFFF80] =	vst v15;
	v15 =	vmul.f32 v14, v7;
	v13 =	vld [tilespmem:s14+$0xFFFFFFF0]  }
0x844: {  	s14 =	sadd.s32 $0x100, s14;
	v14 =	vld [tilespmem:s7+$0xFFFFFF10];
	[tilespmem:s7+$0xFFFFFF90] =	vst v16;
	v16 =	vmul.f32 v17, v8  }
0x845: {  	[tilespmem:s7+$0xFFFFFFA0] =	vst v15;
	v6 =	vmul.f32 v10, v6  }
0x846: {  	[tilespmem:s7+$0xFFFFFFB0] =	vst v16;
	v5 =	vmul.f32 v11, v5  }
.Ltmp25:
0x847: {  	[tilespmem:s7+$0xFFFFFFC0] =	vst v6;
	v4 =	vmul.f32 v12, v4;
	(pc) =	sbr.rel .LBB2_37-.Ltmp25, $4  }
0x848: {  	[tilespmem:s7+$0xFFFFFFD0] =	vst v5;
	v3 =	vmul.f32 v13, v3  }
0x849: {  	v2 =	vmul.f32 v14, v2;
	[tilespmem:s7+$0xFFFFFFE0] =	vst v4  }
0x84a: {  	[tilespmem:s7+$0xFFFFFFF0] =	vst v3  }
0x84b: {  	[tilespmem:s7+$0xFFFFFF10] =	vst v2  }
.LBB2_38:
.Ltmp26:
0x84c: {  	(pc) =	sbr.rel @p1 .LBB2_40-.Ltmp26, $3  }
0x84d: {  	_ =	sdelay $0x1  }
0x84e: {  	s7 =	sadd.s32 s2, s9  }
0x84f: {  	[hbm4b:s7+s19] =	stream.strided.scatter [tilespmem:s30], [sflag:$0x8], $0x4000, s20, s19, $0x38;
	[tilespmem:$0x12080] =	vst v63  }
0x850: {  	s7 =	rddreg [dreg:$0xa]  }
0x851: {  	s7 =	sadd.s32 s10, s7  }
.Ltmp27:
0x852: {  	s7 =	sshll.u32 s7, $0x8;
	(pc) =	sbr.rel .LBB2_10-.Ltmp27, $4  }
0x853: {  	_ =	swait.ge [sflag:s24], $0x4000;
	s7 =	sor.u32 s4, s7  }
0x854: {  	[sflag:s24] =	ssyncset.done $0x0;
	s7 =	sshrl.u32 s7, $0x3  }
0x855: {  	s1 =	sadd.s32 $0x1, s1;
	[sflag:s24] =	ssyncadd.s32 $0xFFFFC000;
	s7 =	sadd.s32 s0, s7  }
0x856: {  	[tilespmem:s21], [sflag:$0x2] =	stream.strided.gather [hbm4b:s7+s19], $0x4000, s20, s19, $0x38;
	[tilespmem:$0x12080] =	vst v63  }
.LBB2_41:
0x857: {  	_ =	sfence.sel $0x180000  }
0x858: {  	[bflag:$0x0] =	sbarrier.arrive $0xFFFF  }
0x859: {  	_ =	strace $0x90000047  }
0x85a: {  	[bflag:$0x2] =	sbarrier.arrive $0xFFFF  }
0x85b: {  	s0 =	rddreg [dreg:$0x5]  }
0x85c: {  	s0 =	sadd.s32 @!p0 $0x100000, s0  }
0x85d: {  	[sflag:s0] =	ssyncadd.tile.s32 @!p0 $0x1;
	_ =	shalt  }
.Lfunc_end2:
_tile_overlayer_lowered:
.L_overlay_start_2:
0x85e: {  	(tag) =	ssettag $0x2  }
0x85f: {  	s0 =	rddreg [dreg:$0x0];
	s2 =	stileid.u32  }
0x860: {  	s1 =	rddreg [dreg:$0x1];
	p0 =	sne.s32 s2, $0x0  }
0x861: {  	s3 =	rddreg [dreg:$0x2];
	[bflag:$0x3] =	sbarrier.arrive $0xFFFF;
	s2 =	simm.s32 @!p0 $0x1C09  }
0x862: {  	[timem:s3], [sflag:s2] =	dma.local @!p0 [hbm:s0], s1  }
0x863: {  	s0 =	simm.s32 @!p0 $0x9  }
0x864: {  	_ =	swait.ge @!p0 [sflag:s0], s1  }
0x865: {  	s1 =	ssub.s32 @!p0 $0x0, s1;
	[sflag:s0] =	ssyncset.done @!p0 $0x0  }
0x866: {  	[sflag:s0] =	ssyncadd.s32 @!p0 s1  }
0x867: {  	[bflag:$0x3] =	sbarrier.arrive $0xFFFF  }
0x868: {  	_ =	shalt  }

</sc_bundles>
